<compile_context>
chip_gen: v7x
topology: tpu7x:2x2x1
jax: 0.10.2.dev20260603
libtpu: 0.0.44.dev20260713+nightly
codegen_flags: <defaults>
</compile_context>

<pallas_src>
import functools

import jax
import jax.numpy as jnp
from jax import lax
from jax.experimental import pallas as pl
from jax.experimental.pallas import tpu as pltpu
from jax.experimental.pallas import tpu_sc as plsc

_BB = 2048
_TB = 512
_KC = 128


def _argmin_body(x_ref, c_ref, ids_ref):
    K, D = c_ref.shape
    nkc = K // _KC

    nt = _BB // _TB
    best_d = [jnp.full((1, _TB), jnp.inf, jnp.float32) for _ in range(nt)]
    best_i = [jnp.zeros((1, _TB), jnp.float32) for _ in range(nt)]
    for j in range(nkc):
        cb = c_ref[pl.ds(j * _KC, _KC), :]
        cbm = cb * -2.0
        cn = jnp.sum(cb * cb, axis=1, keepdims=True)
        for t in range(nt):
            xb = x_ref[pl.ds(t * _TB, _TB), :]
            scores = jax.lax.dot_general(
                cbm, xb,
                dimension_numbers=(((1,), (1,)), ((), ())),
                preferred_element_type=jnp.float32,
            )
            dist = cn + scores
            m = jnp.min(dist, axis=0, keepdims=True)
            iota = jax.lax.broadcasted_iota(
                jnp.int32, dist.shape, 0).astype(jnp.float32)
            li = jnp.min(jnp.where(dist == m, iota, float(_KC)), axis=0,
                         keepdims=True) + float(j * _KC)
            better = m < best_d[t]
            best_d[t] = jnp.where(better, m, best_d[t])
            best_i[t] = jnp.where(better, li, best_i[t])

    for t in range(nt):
        ids_ref[pl.ds(t * _TB, _TB)] = (
            best_i[t].reshape((_TB,)).astype(jnp.int32))


def _tc_argmin(x, codebook, part, nparts):
    B, D = x.shape
    K = codebook.shape[0]
    bsub = B // nparts
    goff = part * (bsub // _BB)
    return pl.pallas_call(
        _argmin_body,
        grid=(bsub // _BB,),
        in_specs=[
            pl.BlockSpec((_BB, D), lambda i: (i + goff, 0)),
            pl.BlockSpec((K, D), lambda i: (0, 0)),
        ],
        out_specs=pl.BlockSpec((_BB,), lambda i: (i,)),
        out_shape=jax.ShapeDtypeStruct((bsub,), jnp.int32),
    )(x, codebook)


def _make_sc_gather(B, D):
    info = plsc.get_sparse_core_info()
    nw = info.num_cores * info.num_subcores
    b_per_w = B // nw
    mesh = plsc.VectorSubcoreMesh(core_axis_name="c", subcore_axis_name="s")

    @functools.partial(
        pl.kernel, mesh=mesh,
        out_type=jax.ShapeDtypeStruct((B, D), jnp.float32),
        compiler_params=pltpu.CompilerParams(use_tc_tiling_on_sc=False),
        scratch_types=[
            pltpu.VMEM((b_per_w,), jnp.int32),
            pltpu.VMEM((b_per_w, D), jnp.float32),
            pltpu.SemaphoreType.DMA,
        ],
    )
    def gather_rows(table_hbm, idx_hbm, out_hbm, idx_v, rows_v, sem):
        wid = lax.axis_index("s") * info.num_cores + lax.axis_index("c")
        base = wid * b_per_w
        pltpu.sync_copy(idx_hbm.at[pl.ds(base, b_per_w)], idx_v)
        pltpu.async_copy(table_hbm.at[idx_v], rows_v, sem).wait()
        pltpu.sync_copy(rows_v, out_hbm.at[pl.ds(base, b_per_w)])

    return gather_rows


_NPARTS = 4


@jax.jit
def kernel(x, codebook):
    B, D = x.shape
    gather = _make_sc_gather(B // _NPARTS, D)
    ids_parts, zq_parts = [], []
    for p in range(_NPARTS):
        ids_p = _tc_argmin(x, codebook, p, _NPARTS)
        ids_parts.append(ids_p)
        zq_parts.append(gather(codebook, ids_p))
    ids = jnp.concatenate(ids_parts)
    zq = jnp.concatenate(zq_parts)
    return (zq, ids)

# --- scband reference (transcript-rebuilt; emitter-appended) ---
"""Pipeline reference for scband-vector-quantizer-34505767256300 (READ-ONLY COPY).

The authoritative reference and input builder live on the scoring server;
editing this copy changes nothing except your own understanding.
"""

import jax, jax.numpy as jnp
import numpy as np

B = 65536
K = 1024
D = 32

def setup_inputs(seed: int = 0) -> dict:
    key = jax.random.key(seed)
    k1, k2 = jax.random.split(key)
    x = jax.random.normal(k1, (B, D), dtype=jnp.float32)
    codebook = jax.random.normal(k2, (K, D), dtype=jnp.float32)
    return {"x": x, "codebook": codebook}

def reference(x, codebook):
    batch_size = x.shape[0]
    codebook_size = codebook.shape[0]
    # dist[b, k] = ||x_b||^2 - 2 x_b . c_k + ||c_k||^2
    dist = (jnp.sum(x ** 2, axis=1, keepdims=True)
            - 2.0 * (x @ codebook.T)
            + jnp.sum(codebook ** 2, axis=1, keepdims=True).T)
    ids = jnp.argmin(dist, axis=-1)
    ids_mx = jnp.zeros((batch_size, codebook_size), dtype=x.dtype)
    ids_mx = ids_mx.at[jnp.arange(batch_size), ids].set(1.0)
    z_q = ids_mx @ codebook
    return (z_q, ids)

if __name__ == "__main__":
    import jax
    _d = setup_inputs()
    print(jax.jit(kernel)(*tuple(_d.values())))

</pallas_src>

<mosaic_0001>
#map = affine_map<(d0, d1) -> (0, 0)>
#map1 = affine_map<(d0, d1) -> (0)>
module attributes {stable_mosaic.version = 14 : i64} {
  func.func @gather_rows(%arg0: i32, %arg1: i32, %arg2: memref<1024x32xf32, #tpu.memory_space<hbm>>, %arg3: memref<16384xi32, #tpu.memory_space<hbm>>, %arg4: memref<16384x32xf32, #tpu.memory_space<hbm>>, %arg5: memref<512xi32, #tpu.memory_space<vmem>>, %arg6: memref<512x32xf32, #tpu.memory_space<vmem>>, %arg7: memref<!tpu.dma_semaphore, #tpu.memory_space<semaphore_mem>>) attributes {dimension_semantics = [#tpu.dimension_semantics<core_parallel>, #tpu.dimension_semantics<subcore_parallel>], iteration_bounds = array<i64: 2, 16>, scalar_prefetch = 0 : i64, scratch_operands = 3 : i64, tpu.core_type = #tpu.core_type<sc_vector_subcore>, window_params = [{transform_indices = #map}, {transform_indices = #map1}, {transform_indices = #map}]} {
    %mul3A = arith.constant 2 : i32
    %mul3A_0 = arith.muli %arg1, %mul3A : i32
    %add3A = arith.addi %mul3A_0, %arg0 : i32
    %mul3A_1 = arith.constant 512 : i32
    %mul3A_2 = arith.muli %add3A, %mul3A_1 : i32
    "tpu.region"() ({
      %run_scoped3A = tpu.sem_alloc : memref<!tpu.dma_semaphore, #tpu.memory_space<semaphore_mem>>
      %dma_start3A_7 = tpu.memref_slice %arg3[%mul3A_2] : memref<16384xi32, #tpu.memory_space<hbm>> -> memref<512xi32, #tpu.memory_space<hbm>>
      %dma_start3A_8 = tpu.memref_slice %arg3[%mul3A_2] : memref<16384xi32, #tpu.memory_space<hbm>> -> memref<512xi32, #tpu.memory_space<hbm>>
      tpu.enqueue_dma source(%dma_start3A_8 : memref<512xi32, #tpu.memory_space<hbm>>) target(%arg5 : memref<512xi32, #tpu.memory_space<vmem>>) target_semaphore(%run_scoped3A : memref<!tpu.dma_semaphore, #tpu.memory_space<semaphore_mem>>)
      %dma_wait3A_9 = tpu.memref_slice %arg3[%mul3A_2] : memref<16384xi32, #tpu.memory_space<hbm>> -> memref<512xi32, #tpu.memory_space<hbm>>
      %dma_wait3A_10 = tpu.memref_slice %arg3[%mul3A_2] : memref<16384xi32, #tpu.memory_space<hbm>> -> memref<512xi32, #tpu.memory_space<hbm>>
      tpu.wait_dma2 semaphore(%run_scoped3A : memref<!tpu.dma_semaphore, #tpu.memory_space<semaphore_mem>>) src(%dma_wait3A_10 : memref<512xi32, #tpu.memory_space<hbm>>) dst(%arg5 : memref<512xi32, #tpu.memory_space<vmem>>)
      tpu.yield
    }) : () -> ()
    %dma_start3A = arith.constant 0 : i32
    %dma_start3A_3 = arith.constant 0 : i32
    %dma_start3A_4 = tpu.memref_slice %arg2[%dma_start3A, %dma_start3A_3] : memref<1024x32xf32, #tpu.memory_space<hbm>> -> memref<1024x32xf32, #tpu.memory_space<hbm>>
    tpu.enqueue_indirect_dma source(%dma_start3A_4 : memref<1024x32xf32, #tpu.memory_space<hbm>>) target(%arg6 : memref<512x32xf32, #tpu.memory_space<vmem>>) offsets(%arg5 : memref<512xi32, #tpu.memory_space<vmem>>) semaphore(%arg7 : memref<!tpu.dma_semaphore, #tpu.memory_space<semaphore_mem>>)
    %dma_wait3A = arith.constant 0 : i32
    %dma_wait3A_5 = arith.constant 0 : i32
    %dma_wait3A_6 = tpu.memref_slice %arg2[%dma_wait3A, %dma_wait3A_5] : memref<1024x32xf32, #tpu.memory_space<hbm>> -> memref<1024x32xf32, #tpu.memory_space<hbm>>
    tpu.wait_indirect_dma semaphore(%arg7 : memref<!tpu.dma_semaphore, #tpu.memory_space<semaphore_mem>>) src(%dma_wait3A_6 : memref<1024x32xf32, #tpu.memory_space<hbm>>) dst(%arg6 : memref<512x32xf32, #tpu.memory_space<vmem>>)
    "tpu.region"() ({
      %run_scoped3A = tpu.sem_alloc : memref<!tpu.dma_semaphore, #tpu.memory_space<semaphore_mem>>
      %dma_start3A_7 = arith.constant 0 : i32
      %dma_start3A_8 = tpu.memref_slice %arg4[%mul3A_2, %dma_start3A_7] : memref<16384x32xf32, #tpu.memory_space<hbm>> -> memref<512x32xf32, #tpu.memory_space<hbm>>
      %dma_start3A_9 = arith.constant 0 : i32
      %dma_start3A_10 = tpu.memref_slice %arg4[%mul3A_2, %dma_start3A_9] : memref<16384x32xf32, #tpu.memory_space<hbm>> -> memref<512x32xf32, #tpu.memory_space<hbm>>
      tpu.enqueue_dma source(%arg6 : memref<512x32xf32, #tpu.memory_space<vmem>>) target(%dma_start3A_10 : memref<512x32xf32, #tpu.memory_space<hbm>>) target_semaphore(%run_scoped3A : memref<!tpu.dma_semaphore, #tpu.memory_space<semaphore_mem>>)
      %dma_wait3A_11 = arith.constant 0 : i32
      %dma_wait3A_12 = tpu.memref_slice %arg4[%mul3A_2, %dma_wait3A_11] : memref<16384x32xf32, #tpu.memory_space<hbm>> -> memref<512x32xf32, #tpu.memory_space<hbm>>
      %dma_wait3A_13 = arith.constant 0 : i32
      %dma_wait3A_14 = tpu.memref_slice %arg4[%mul3A_2, %dma_wait3A_13] : memref<16384x32xf32, #tpu.memory_space<hbm>> -> memref<512x32xf32, #tpu.memory_space<hbm>>
      tpu.wait_dma2 semaphore(%run_scoped3A : memref<!tpu.dma_semaphore, #tpu.memory_space<semaphore_mem>>) src(%arg6 : memref<512x32xf32, #tpu.memory_space<vmem>>) dst(%dma_wait3A_14 : memref<512x32xf32, #tpu.memory_space<hbm>>)
      tpu.yield
    }) : () -> ()
    return
  }
}

#map = affine_map<(d0, d1) -> (0, 0)>
#map1 = affine_map<(d0, d1) -> (0)>
module attributes {stable_mosaic.version = 14 : i64} {
  func.func @gather_rows(%arg0: i32, %arg1: i32, %arg2: memref<1024x32xf32, #tpu.memory_space<hbm>>, %arg3: memref<16384xi32, #tpu.memory_space<hbm>>, %arg4: memref<16384x32xf32, #tpu.memory_space<hbm>>, %arg5: memref<512xi32, #tpu.memory_space<vmem>>, %arg6: memref<512x32xf32, #tpu.memory_space<vmem>>, %arg7: memref<!tpu.dma_semaphore, #tpu.memory_space<semaphore_mem>>) attributes {dimension_semantics = [#tpu.dimension_semantics<core_parallel>, #tpu.dimension_semantics<subcore_parallel>], iteration_bounds = array<i64: 2, 16>, scalar_prefetch = 0 : i64, scratch_operands = 3 : i64, tpu.core_type = #tpu.core_type<sc_vector_subcore>, window_params = [{transform_indices = #map}, {transform_indices = #map1}, {transform_indices = #map}]} {
    %mul3A = arith.constant 2 : i32
    %mul3A_0 = arith.muli %arg1, %mul3A : i32
    %add3A = arith.addi %mul3A_0, %arg0 : i32
    %mul3A_1 = arith.constant 512 : i32
    %mul3A_2 = arith.muli %add3A, %mul3A_1 : i32
    "tpu.region"() ({
      %run_scoped3A = tpu.sem_alloc : memref<!tpu.dma_semaphore, #tpu.memory_space<semaphore_mem>>
      %dma_start3A_7 = tpu.memref_slice %arg3[%mul3A_2] : memref<16384xi32, #tpu.memory_space<hbm>> -> memref<512xi32, #tpu.memory_space<hbm>>
      %dma_start3A_8 = tpu.memref_slice %arg3[%mul3A_2] : memref<16384xi32, #tpu.memory_space<hbm>> -> memref<512xi32, #tpu.memory_space<hbm>>
      tpu.enqueue_dma source(%dma_start3A_8 : memref<512xi32, #tpu.memory_space<hbm>>) target(%arg5 : memref<512xi32, #tpu.memory_space<vmem>>) target_semaphore(%run_scoped3A : memref<!tpu.dma_semaphore, #tpu.memory_space<semaphore_mem>>)
      %dma_wait3A_9 = tpu.memref_slice %arg3[%mul3A_2] : memref<16384xi32, #tpu.memory_space<hbm>> -> memref<512xi32, #tpu.memory_space<hbm>>
      %dma_wait3A_10 = tpu.memref_slice %arg3[%mul3A_2] : memref<16384xi32, #tpu.memory_space<hbm>> -> memref<512xi32, #tpu.memory_space<hbm>>
      tpu.wait_dma2 semaphore(%run_scoped3A : memref<!tpu.dma_semaphore, #tpu.memory_space<semaphore_mem>>) src(%dma_wait3A_10 : memref<512xi32, #tpu.memory_space<hbm>>) dst(%arg5 : memref<512xi32, #tpu.memory_space<vmem>>)
      tpu.yield
    }) : () -> ()
    %dma_start3A = arith.constant 0 : i32
    %dma_start3A_3 = arith.constant 0 : i32
    %dma_start3A_4 = tpu.memref_slice %arg2[%dma_start3A, %dma_start3A_3] : memref<1024x32xf32, #tpu.memory_space<hbm>> -> memref<1024x32xf32, #tpu.memory_space<hbm>>
    tpu.enqueue_indirect_dma source(%dma_start3A_4 : memref<1024x32xf32, #tpu.memory_space<hbm>>) target(%arg6 : memref<512x32xf32, #tpu.memory_space<vmem>>) offsets(%arg5 : memref<512xi32, #tpu.memory_space<vmem>>) semaphore(%arg7 : memref<!tpu.dma_semaphore, #tpu.memory_space<semaphore_mem>>)
    %dma_wait3A = arith.constant 0 : i32
    %dma_wait3A_5 = arith.constant 0 : i32
    %dma_wait3A_6 = tpu.memref_slice %arg2[%dma_wait3A, %dma_wait3A_5] : memref<1024x32xf32, #tpu.memory_space<hbm>> -> memref<1024x32xf32, #tpu.memory_space<hbm>>
    tpu.wait_indirect_dma semaphore(%arg7 : memref<!tpu.dma_semaphore, #tpu.memory_space<semaphore_mem>>) src(%dma_wait3A_6 : memref<1024x32xf32, #tpu.memory_space<hbm>>) dst(%arg6 : memref<512x32xf32, #tpu.memory_space<vmem>>)
    "tpu.region"() ({
      %run_scoped3A = tpu.sem_alloc : memref<!tpu.dma_semaphore, #tpu.memory_space<semaphore_mem>>
      %dma_start3A_7 = arith.constant 0 : i32
      %dma_start3A_8 = tpu.memref_slice %arg4[%mul3A_2, %dma_start3A_7] : memref<16384x32xf32, #tpu.memory_space<hbm>> -> memref<512x32xf32, #tpu.memory_space<hbm>>
      %dma_start3A_9 = arith.constant 0 : i32
      %dma_start3A_10 = tpu.memref_slice %arg4[%mul3A_2, %dma_start3A_9] : memref<16384x32xf32, #tpu.memory_space<hbm>> -> memref<512x32xf32, #tpu.memory_space<hbm>>
      tpu.enqueue_dma source(%arg6 : memref<512x32xf32, #tpu.memory_space<vmem>>) target(%dma_start3A_10 : memref<512x32xf32, #tpu.memory_space<hbm>>) target_semaphore(%run_scoped3A : memref<!tpu.dma_semaphore, #tpu.memory_space<semaphore_mem>>)
      %dma_wait3A_11 = arith.constant 0 : i32
      %dma_wait3A_12 = tpu.memref_slice %arg4[%mul3A_2, %dma_wait3A_11] : memref<16384x32xf32, #tpu.memory_space<hbm>> -> memref<512x32xf32, #tpu.memory_space<hbm>>
      %dma_wait3A_13 = arith.constant 0 : i32
      %dma_wait3A_14 = tpu.memref_slice %arg4[%mul3A_2, %dma_wait3A_13] : memref<16384x32xf32, #tpu.memory_space<hbm>> -> memref<512x32xf32, #tpu.memory_space<hbm>>
      tpu.wait_dma2 semaphore(%run_scoped3A : memref<!tpu.dma_semaphore, #tpu.memory_space<semaphore_mem>>) src(%arg6 : memref<512x32xf32, #tpu.memory_space<vmem>>) dst(%dma_wait3A_14 : memref<512x32xf32, #tpu.memory_space<hbm>>)
      tpu.yield
    }) : () -> ()
    return
  }
}

#map = affine_map<(d0, d1) -> (0, 0)>
#map1 = affine_map<(d0, d1) -> (0)>
module attributes {stable_mosaic.version = 14 : i64} {
  func.func @gather_rows(%arg0: i32, %arg1: i32, %arg2: memref<1024x32xf32, #tpu.memory_space<hbm>>, %arg3: memref<16384xi32, #tpu.memory_space<hbm>>, %arg4: memref<16384x32xf32, #tpu.memory_space<hbm>>, %arg5: memref<512xi32, #tpu.memory_space<vmem>>, %arg6: memref<512x32xf32, #tpu.memory_space<vmem>>, %arg7: memref<!tpu.dma_semaphore, #tpu.memory_space<semaphore_mem>>) attributes {dimension_semantics = [#tpu.dimension_semantics<core_parallel>, #tpu.dimension_semantics<subcore_parallel>], iteration_bounds = array<i64: 2, 16>, scalar_prefetch = 0 : i64, scratch_operands = 3 : i64, tpu.core_type = #tpu.core_type<sc_vector_subcore>, window_params = [{transform_indices = #map}, {transform_indices = #map1}, {transform_indices = #map}]} {
    %mul3A = arith.constant 2 : i32
    %mul3A_0 = arith.muli %arg1, %mul3A : i32
    %add3A = arith.addi %mul3A_0, %arg0 : i32
    %mul3A_1 = arith.constant 512 : i32
    %mul3A_2 = arith.muli %add3A, %mul3A_1 : i32
    "tpu.region"() ({
      %run_scoped3A = tpu.sem_alloc : memref<!tpu.dma_semaphore, #tpu.memory_space<semaphore_mem>>
      %dma_start3A_7 = tpu.memref_slice %arg3[%mul3A_2] : memref<16384xi32, #tpu.memory_space<hbm>> -> memref<512xi32, #tpu.memory_space<hbm>>
      %dma_start3A_8 = tpu.memref_slice %arg3[%mul3A_2] : memref<16384xi32, #tpu.memory_space<hbm>> -> memref<512xi32, #tpu.memory_space<hbm>>
      tpu.enqueue_dma source(%dma_start3A_8 : memref<512xi32, #tpu.memory_space<hbm>>) target(%arg5 : memref<512xi32, #tpu.memory_space<vmem>>) target_semaphore(%run_scoped3A : memref<!tpu.dma_semaphore, #tpu.memory_space<semaphore_mem>>)
      %dma_wait3A_9 = tpu.memref_slice %arg3[%mul3A_2] : memref<16384xi32, #tpu.memory_space<hbm>> -> memref<512xi32, #tpu.memory_space<hbm>>
      %dma_wait3A_10 = tpu.memref_slice %arg3[%mul3A_2] : memref<16384xi32, #tpu.memory_space<hbm>> -> memref<512xi32, #tpu.memory_space<hbm>>
      tpu.wait_dma2 semaphore(%run_scoped3A : memref<!tpu.dma_semaphore, #tpu.memory_space<semaphore_mem>>) src(%dma_wait3A_10 : memref<512xi32, #tpu.memory_space<hbm>>) dst(%arg5 : memref<512xi32, #tpu.memory_space<vmem>>)
      tpu.yield
    }) : () -> ()
    %dma_start3A = arith.constant 0 : i32
    %dma_start3A_3 = arith.constant 0 : i32
    %dma_start3A_4 = tpu.memref_slice %arg2[%dma_start3A, %dma_start3A_3] : memref<1024x32xf32, #tpu.memory_space<hbm>> -> memref<1024x32xf32, #tpu.memory_space<hbm>>
    tpu.enqueue_indirect_dma source(%dma_start3A_4 : memref<1024x32xf32, #tpu.memory_space<hbm>>) target(%arg6 : memref<512x32xf32, #tpu.memory_space<vmem>>) offsets(%arg5 : memref<512xi32, #tpu.memory_space<vmem>>) semaphore(%arg7 : memref<!tpu.dma_semaphore, #tpu.memory_space<semaphore_mem>>)
    %dma_wait3A = arith.constant 0 : i32
    %dma_wait3A_5 = arith.constant 0 : i32
    %dma_wait3A_6 = tpu.memref_slice %arg2[%dma_wait3A, %dma_wait3A_5] : memref<1024x32xf32, #tpu.memory_space<hbm>> -> memref<1024x32xf32, #tpu.memory_space<hbm>>
    tpu.wait_indirect_dma semaphore(%arg7 : memref<!tpu.dma_semaphore, #tpu.memory_space<semaphore_mem>>) src(%dma_wait3A_6 : memref<1024x32xf32, #tpu.memory_space<hbm>>) dst(%arg6 : memref<512x32xf32, #tpu.memory_space<vmem>>)
    "tpu.region"() ({
      %run_scoped3A = tpu.sem_alloc : memref<!tpu.dma_semaphore, #tpu.memory_space<semaphore_mem>>
      %dma_start3A_7 = arith.constant 0 : i32
      %dma_start3A_8 = tpu.memref_slice %arg4[%mul3A_2, %dma_start3A_7] : memref<16384x32xf32, #tpu.memory_space<hbm>> -> memref<512x32xf32, #tpu.memory_space<hbm>>
      %dma_start3A_9 = arith.constant 0 : i32
      %dma_start3A_10 = tpu.memref_slice %arg4[%mul3A_2, %dma_start3A_9] : memref<16384x32xf32, #tpu.memory_space<hbm>> -> memref<512x32xf32, #tpu.memory_space<hbm>>
      tpu.enqueue_dma source(%arg6 : memref<512x32xf32, #tpu.memory_space<vmem>>) target(%dma_start3A_10 : memref<512x32xf32, #tpu.memory_space<hbm>>) target_semaphore(%run_scoped3A : memref<!tpu.dma_semaphore, #tpu.memory_space<semaphore_mem>>)
      %dma_wait3A_11 = arith.constant 0 : i32
      %dma_wait3A_12 = tpu.memref_slice %arg4[%mul3A_2, %dma_wait3A_11] : memref<16384x32xf32, #tpu.memory_space<hbm>> -> memref<512x32xf32, #tpu.memory_space<hbm>>
      %dma_wait3A_13 = arith.constant 0 : i32
      %dma_wait3A_14 = tpu.memref_slice %arg4[%mul3A_2, %dma_wait3A_13] : memref<16384x32xf32, #tpu.memory_space<hbm>> -> memref<512x32xf32, #tpu.memory_space<hbm>>
      tpu.wait_dma2 semaphore(%run_scoped3A : memref<!tpu.dma_semaphore, #tpu.memory_space<semaphore_mem>>) src(%arg6 : memref<512x32xf32, #tpu.memory_space<vmem>>) dst(%dma_wait3A_14 : memref<512x32xf32, #tpu.memory_space<hbm>>)
      tpu.yield
    }) : () -> ()
    return
  }
}

#map = affine_map<(d0, d1) -> (0, 0)>
#map1 = affine_map<(d0, d1) -> (0)>
module attributes {stable_mosaic.version = 14 : i64} {
  func.func @gather_rows(%arg0: i32, %arg1: i32, %arg2: memref<1024x32xf32, #tpu.memory_space<hbm>>, %arg3: memref<16384xi32, #tpu.memory_space<hbm>>, %arg4: memref<16384x32xf32, #tpu.memory_space<hbm>>, %arg5: memref<512xi32, #tpu.memory_space<vmem>>, %arg6: memref<512x32xf32, #tpu.memory_space<vmem>>, %arg7: memref<!tpu.dma_semaphore, #tpu.memory_space<semaphore_mem>>) attributes {dimension_semantics = [#tpu.dimension_semantics<core_parallel>, #tpu.dimension_semantics<subcore_parallel>], iteration_bounds = array<i64: 2, 16>, scalar_prefetch = 0 : i64, scratch_operands = 3 : i64, tpu.core_type = #tpu.core_type<sc_vector_subcore>, window_params = [{transform_indices = #map}, {transform_indices = #map1}, {transform_indices = #map}]} {
    %mul3A = arith.constant 2 : i32
    %mul3A_0 = arith.muli %arg1, %mul3A : i32
    %add3A = arith.addi %mul3A_0, %arg0 : i32
    %mul3A_1 = arith.constant 512 : i32
    %mul3A_2 = arith.muli %add3A, %mul3A_1 : i32
    "tpu.region"() ({
      %run_scoped3A = tpu.sem_alloc : memref<!tpu.dma_semaphore, #tpu.memory_space<semaphore_mem>>
      %dma_start3A_7 = tpu.memref_slice %arg3[%mul3A_2] : memref<16384xi32, #tpu.memory_space<hbm>> -> memref<512xi32, #tpu.memory_space<hbm>>
      %dma_start3A_8 = tpu.memref_slice %arg3[%mul3A_2] : memref<16384xi32, #tpu.memory_space<hbm>> -> memref<512xi32, #tpu.memory_space<hbm>>
      tpu.enqueue_dma source(%dma_start3A_8 : memref<512xi32, #tpu.memory_space<hbm>>) target(%arg5 : memref<512xi32, #tpu.memory_space<vmem>>) target_semaphore(%run_scoped3A : memref<!tpu.dma_semaphore, #tpu.memory_space<semaphore_mem>>)
      %dma_wait3A_9 = tpu.memref_slice %arg3[%mul3A_2] : memref<16384xi32, #tpu.memory_space<hbm>> -> memref<512xi32, #tpu.memory_space<hbm>>
      %dma_wait3A_10 = tpu.memref_slice %arg3[%mul3A_2] : memref<16384xi32, #tpu.memory_space<hbm>> -> memref<512xi32, #tpu.memory_space<hbm>>
      tpu.wait_dma2 semaphore(%run_scoped3A : memref<!tpu.dma_semaphore, #tpu.memory_space<semaphore_mem>>) src(%dma_wait3A_10 : memref<512xi32, #tpu.memory_space<hbm>>) dst(%arg5 : memref<512xi32, #tpu.memory_space<vmem>>)
      tpu.yield
    }) : () -> ()
    %dma_start3A = arith.constant 0 : i32
    %dma_start3A_3 = arith.constant 0 : i32
    %dma_start3A_4 = tpu.memref_slice %arg2[%dma_start3A, %dma_start3A_3] : memref<1024x32xf32, #tpu.memory_space<hbm>> -> memref<1024x32xf32, #tpu.memory_space<hbm>>
    tpu.enqueue_indirect_dma source(%dma_start3A_4 : memref<1024x32xf32, #tpu.memory_space<hbm>>) target(%arg6 : memref<512x32xf32, #tpu.memory_space<vmem>>) offsets(%arg5 : memref<512xi32, #tpu.memory_space<vmem>>) semaphore(%arg7 : memref<!tpu.dma_semaphore, #tpu.memory_space<semaphore_mem>>)
    %dma_wait3A = arith.constant 0 : i32
    %dma_wait3A_5 = arith.constant 0 : i32
    %dma_wait3A_6 = tpu.memref_slice %arg2[%dma_wait3A, %dma_wait3A_5] : memref<1024x32xf32, #tpu.memory_space<hbm>> -> memref<1024x32xf32, #tpu.memory_space<hbm>>
    tpu.wait_indirect_dma semaphore(%arg7 : memref<!tpu.dma_semaphore, #tpu.memory_space<semaphore_mem>>) src(%dma_wait3A_6 : memref<1024x32xf32, #tpu.memory_space<hbm>>) dst(%arg6 : memref<512x32xf32, #tpu.memory_space<vmem>>)
    "tpu.region"() ({
      %run_scoped3A = tpu.sem_alloc : memref<!tpu.dma_semaphore, #tpu.memory_space<semaphore_mem>>
      %dma_start3A_7 = arith.constant 0 : i32
      %dma_start3A_8 = tpu.memref_slice %arg4[%mul3A_2, %dma_start3A_7] : memref<16384x32xf32, #tpu.memory_space<hbm>> -> memref<512x32xf32, #tpu.memory_space<hbm>>
      %dma_start3A_9 = arith.constant 0 : i32
      %dma_start3A_10 = tpu.memref_slice %arg4[%mul3A_2, %dma_start3A_9] : memref<16384x32xf32, #tpu.memory_space<hbm>> -> memref<512x32xf32, #tpu.memory_space<hbm>>
      tpu.enqueue_dma source(%arg6 : memref<512x32xf32, #tpu.memory_space<vmem>>) target(%dma_start3A_10 : memref<512x32xf32, #tpu.memory_space<hbm>>) target_semaphore(%run_scoped3A : memref<!tpu.dma_semaphore, #tpu.memory_space<semaphore_mem>>)
      %dma_wait3A_11 = arith.constant 0 : i32
      %dma_wait3A_12 = tpu.memref_slice %arg4[%mul3A_2, %dma_wait3A_11] : memref<16384x32xf32, #tpu.memory_space<hbm>> -> memref<512x32xf32, #tpu.memory_space<hbm>>
      %dma_wait3A_13 = arith.constant 0 : i32
      %dma_wait3A_14 = tpu.memref_slice %arg4[%mul3A_2, %dma_wait3A_13] : memref<16384x32xf32, #tpu.memory_space<hbm>> -> memref<512x32xf32, #tpu.memory_space<hbm>>
      tpu.wait_dma2 semaphore(%run_scoped3A : memref<!tpu.dma_semaphore, #tpu.memory_space<semaphore_mem>>) src(%arg6 : memref<512x32xf32, #tpu.memory_space<vmem>>) dst(%dma_wait3A_14 : memref<512x32xf32, #tpu.memory_space<hbm>>)
      tpu.yield
    }) : () -> ()
    return
  }
}

module attributes {stable_mosaic.version = 14 : i64} {
  func.func @_argmin_body(%arg0: i32, %arg1: memref<2048x32xf32, #tpu.memory_space<vmem>>, %arg2: memref<1024x32xf32, #tpu.memory_space<vmem>>, %arg3: memref<2048xi32, #tpu.memory_space<vmem>>) attributes {dimension_semantics = [#tpu.dimension_semantics<arbitrary>], iteration_bounds = array<i64: 8>, scalar_prefetch = 0 : i64, scratch_operands = 0 : i64, tpu.core_type = #tpu.core_type<tc>, window_params = [{transform_indices = @transform_0, window_bounds = array<i64: 2048, 32>}, {pipeline_mode = #tpu.pipeline_mode<synchronous>, transform_indices = @transform_1, window_bounds = array<i64: 1024, 32>}, {transform_indices = @transform_2, window_bounds = array<i64: 2048>}]} {
    %broadcast_in_dim3A = arith.constant 0x7F800000 : f32
    %broadcast_in_dim3A_0 = vector.broadcast %broadcast_in_dim3A : f32 to vector<1x512xf32>
    %broadcast_in_dim3A_1 = arith.constant 0x7F800000 : f32
    %broadcast_in_dim3A_2 = vector.broadcast %broadcast_in_dim3A_1 : f32 to vector<1x512xf32>
    %broadcast_in_dim3A_3 = arith.constant 0x7F800000 : f32
    %broadcast_in_dim3A_4 = vector.broadcast %broadcast_in_dim3A_3 : f32 to vector<1x512xf32>
    %broadcast_in_dim3A_5 = arith.constant 0x7F800000 : f32
    %broadcast_in_dim3A_6 = vector.broadcast %broadcast_in_dim3A_5 : f32 to vector<1x512xf32>
    %broadcast_in_dim3A_7 = arith.constant 0.000000e+00 : f32
    %broadcast_in_dim3A_8 = vector.broadcast %broadcast_in_dim3A_7 : f32 to vector<1x512xf32>
    %broadcast_in_dim3A_9 = arith.constant 0.000000e+00 : f32
    %broadcast_in_dim3A_10 = vector.broadcast %broadcast_in_dim3A_9 : f32 to vector<1x512xf32>
    %broadcast_in_dim3A_11 = arith.constant 0.000000e+00 : f32
    %broadcast_in_dim3A_12 = vector.broadcast %broadcast_in_dim3A_11 : f32 to vector<1x512xf32>
    %broadcast_in_dim3A_13 = arith.constant 0.000000e+00 : f32
    %broadcast_in_dim3A_14 = vector.broadcast %broadcast_in_dim3A_13 : f32 to vector<1x512xf32>
    %get3A = arith.constant 0 : index
    %get3A_15 = arith.constant 0 : index
    %get3A_16 = vector.load %arg2[%get3A, %get3A_15] : memref<1024x32xf32, #tpu.memory_space<vmem>>, vector<128x32xf32>
    %mul3A = arith.constant -2.000000e+00 : f32
    %mul3A_17 = vector.broadcast %mul3A : f32 to vector<128x32xf32>
    %mul3A_18 = arith.mulf %get3A_16, %mul3A_17 : vector<128x32xf32>
    %mul3A_19 = arith.mulf %get3A_16, %get3A_16 : vector<128x32xf32>
    %reduce_sum3A = arith.constant dense<0.000000e+00> : vector<128xf32>
    %reduce_sum3A_20 = vector.multi_reduction <add>, %mul3A_19, %reduce_sum3A [1] : vector<128x32xf32> to vector<128xf32>
    %broadcast_in_dim3A_21 = vector.shape_cast %reduce_sum3A_20 : vector<128xf32> to vector<128x1xf32>
    %get3A_22 = arith.constant 0 : index
    %get3A_23 = arith.constant 0 : index
    %get3A_24 = vector.load %arg1[%get3A_22, %get3A_23] : memref<2048x32xf32, #tpu.memory_space<vmem>>, vector<512x32xf32>
    %dot_general3A = arith.constant dense<0.000000e+00> : vector<128x512xf32>
    %dot_general3A_25 = tpu.matmul %mul3A_18, %get3A_24, %dot_general3A {dimension_numbers = #tpu.dot_dimension_numbers<[1], [1], [0], [0], [0, 0, 1, 0], [], []>, transpose_lhs_hint = false} : vector<128x32xf32>, vector<512x32xf32>, vector<128x512xf32> -> vector<128x512xf32>
    %add3A = vector.broadcast %broadcast_in_dim3A_21 : vector<128x1xf32> to vector<128x512xf32>
    %add3A_26 = arith.addf %add3A, %dot_general3A_25 : vector<128x512xf32>
    %reduce_min3A = arith.constant dense<0x7F800000> : vector<512xf32>
    %reduce_min3A_27 = vector.multi_reduction <minimumf>, %add3A_26, %reduce_min3A [0] : vector<128x512xf32> to vector<512xf32>
    %broadcast_in_dim3A_28 = vector.shape_cast %reduce_min3A_27 : vector<512xf32> to vector<1x512xf32>
    %iota3A = tpu.iota {dimensions = array<i32: 0>} : vector<128x512xi32>
    %convert_element_type3A = arith.sitofp %iota3A : vector<128x512xi32> to vector<128x512xf32>
    %eq3A = vector.broadcast %broadcast_in_dim3A_28 : vector<1x512xf32> to vector<128x512xf32>
    %eq3A_29 = arith.cmpf oeq, %add3A_26, %eq3A : vector<128x512xf32>
    %jit3A = arith.constant 1.280000e+02 : f32
    %broadcast_in_dim3A_30 = vector.broadcast %jit3A : f32 to vector<128x512xf32>
    %select_n3A = arith.select %eq3A_29, %convert_element_type3A, %broadcast_in_dim3A_30 : vector<128x512xi1>, vector<128x512xf32>
    %reduce_min3A_31 = arith.constant dense<0x7F800000> : vector<512xf32>
    %reduce_min3A_32 = vector.multi_reduction <minimumf>, %select_n3A, %reduce_min3A_31 [0] : vector<128x512xf32> to vector<512xf32>
    %broadcast_in_dim3A_33 = vector.shape_cast %reduce_min3A_32 : vector<512xf32> to vector<1x512xf32>
    %add3A_34 = arith.constant 0.000000e+00 : f32
    %add3A_35 = vector.broadcast %add3A_34 : f32 to vector<1x512xf32>
    %add3A_36 = arith.addf %broadcast_in_dim3A_33, %add3A_35 : vector<1x512xf32>
    %lt3A = arith.cmpf olt, %broadcast_in_dim3A_28, %broadcast_in_dim3A_0 : vector<1x512xf32>
    %select_n3A_37 = arith.select %lt3A, %broadcast_in_dim3A_28, %broadcast_in_dim3A_0 : vector<1x512xi1>, vector<1x512xf32>
    %select_n3A_38 = arith.select %lt3A, %add3A_36, %broadcast_in_dim3A_8 : vector<1x512xi1>, vector<1x512xf32>
    %get3A_39 = arith.constant 512 : index
    %get3A_40 = arith.constant 0 : index
    %get3A_41 = vector.load %arg1[%get3A_39, %get3A_40] : memref<2048x32xf32, #tpu.memory_space<vmem>>, vector<512x32xf32>
    %dot_general3A_42 = arith.constant dense<0.000000e+00> : vector<128x512xf32>
    %dot_general3A_43 = tpu.matmul %mul3A_18, %get3A_41, %dot_general3A_42 {dimension_numbers = #tpu.dot_dimension_numbers<[1], [1], [0], [0], [0, 0, 1, 0], [], []>, transpose_lhs_hint = false} : vector<128x32xf32>, vector<512x32xf32>, vector<128x512xf32> -> vector<128x512xf32>
    %add3A_44 = vector.broadcast %broadcast_in_dim3A_21 : vector<128x1xf32> to vector<128x512xf32>
    %add3A_45 = arith.addf %add3A_44, %dot_general3A_43 : vector<128x512xf32>
    %reduce_min3A_46 = arith.constant dense<0x7F800000> : vector<512xf32>
    %reduce_min3A_47 = vector.multi_reduction <minimumf>, %add3A_45, %reduce_min3A_46 [0] : vector<128x512xf32> to vector<512xf32>
    %broadcast_in_dim3A_48 = vector.shape_cast %reduce_min3A_47 : vector<512xf32> to vector<1x512xf32>
    %iota3A_49 = tpu.iota {dimensions = array<i32: 0>} : vector<128x512xi32>
    %convert_element_type3A_50 = arith.sitofp %iota3A_49 : vector<128x512xi32> to vector<128x512xf32>
    %eq3A_51 = vector.broadcast %broadcast_in_dim3A_48 : vector<1x512xf32> to vector<128x512xf32>
    %eq3A_52 = arith.cmpf oeq, %add3A_45, %eq3A_51 : vector<128x512xf32>
    %jit3A_53 = arith.constant 1.280000e+02 : f32
    %broadcast_in_dim3A_54 = vector.broadcast %jit3A_53 : f32 to vector<128x512xf32>
    %select_n3A_55 = arith.select %eq3A_52, %convert_element_type3A_50, %broadcast_in_dim3A_54 : vector<128x512xi1>, vector<128x512xf32>
    %reduce_min3A_56 = arith.constant dense<0x7F800000> : vector<512xf32>
    %reduce_min3A_57 = vector.multi_reduction <minimumf>, %select_n3A_55, %reduce_min3A_56 [0] : vector<128x512xf32> to vector<512xf32>
    %broadcast_in_dim3A_58 = vector.shape_cast %reduce_min3A_57 : vector<512xf32> to vector<1x512xf32>
    %add3A_59 = arith.constant 0.000000e+00 : f32
    %add3A_60 = vector.broadcast %add3A_59 : f32 to vector<1x512xf32>
    %add3A_61 = arith.addf %broadcast_in_dim3A_58, %add3A_60 : vector<1x512xf32>
    %lt3A_62 = arith.cmpf olt, %broadcast_in_dim3A_48, %broadcast_in_dim3A_2 : vector<1x512xf32>
    %select_n3A_63 = arith.select %lt3A_62, %broadcast_in_dim3A_48, %broadcast_in_dim3A_2 : vector<1x512xi1>, vector<1x512xf32>
    %select_n3A_64 = arith.select %lt3A_62, %add3A_61, %broadcast_in_dim3A_10 : vector<1x512xi1>, vector<1x512xf32>
    %get3A_65 = arith.constant 1024 : index
    %get3A_66 = arith.constant 0 : index
    %get3A_67 = vector.load %arg1[%get3A_65, %get3A_66] : memref<2048x32xf32, #tpu.memory_space<vmem>>, vector<512x32xf32>
    %dot_general3A_68 = arith.constant dense<0.000000e+00> : vector<128x512xf32>
    %dot_general3A_69 = tpu.matmul %mul3A_18, %get3A_67, %dot_general3A_68 {dimension_numbers = #tpu.dot_dimension_numbers<[1], [1], [0], [0], [0, 0, 1, 0], [], []>, transpose_lhs_hint = false} : vector<128x32xf32>, vector<512x32xf32>, vector<128x512xf32> -> vector<128x512xf32>
    %add3A_70 = vector.broadcast %broadcast_in_dim3A_21 : vector<128x1xf32> to vector<128x512xf32>
    %add3A_71 = arith.addf %add3A_70, %dot_general3A_69 : vector<128x512xf32>
    %reduce_min3A_72 = arith.constant dense<0x7F800000> : vector<512xf32>
    %reduce_min3A_73 = vector.multi_reduction <minimumf>, %add3A_71, %reduce_min3A_72 [0] : vector<128x512xf32> to vector<512xf32>
    %broadcast_in_dim3A_74 = vector.shape_cast %reduce_min3A_73 : vector<512xf32> to vector<1x512xf32>
    %iota3A_75 = tpu.iota {dimensions = array<i32: 0>} : vector<128x512xi32>
    %convert_element_type3A_76 = arith.sitofp %iota3A_75 : vector<128x512xi32> to vector<128x512xf32>
    %eq3A_77 = vector.broadcast %broadcast_in_dim3A_74 : vector<1x512xf32> to vector<128x512xf32>
    %eq3A_78 = arith.cmpf oeq, %add3A_71, %eq3A_77 : vector<128x512xf32>
    %jit3A_79 = arith.constant 1.280000e+02 : f32
    %broadcast_in_dim3A_80 = vector.broadcast %jit3A_79 : f32 to vector<128x512xf32>
    %select_n3A_81 = arith.select %eq3A_78, %convert_element_type3A_76, %broadcast_in_dim3A_80 : vector<128x512xi1>, vector<128x512xf32>
    %reduce_min3A_82 = arith.constant dense<0x7F800000> : vector<512xf32>
    %reduce_min3A_83 = vector.multi_reduction <minimumf>, %select_n3A_81, %reduce_min3A_82 [0] : vector<128x512xf32> to vector<512xf32>
    %broadcast_in_dim3A_84 = vector.shape_cast %reduce_min3A_83 : vector<512xf32> to vector<1x512xf32>
    %add3A_85 = arith.constant 0.000000e+00 : f32
    %add3A_86 = vector.broadcast %add3A_85 : f32 to vector<1x512xf32>
    %add3A_87 = arith.addf %broadcast_in_dim3A_84, %add3A_86 : vector<1x512xf32>
    %lt3A_88 = arith.cmpf olt, %broadcast_in_dim3A_74, %broadcast_in_dim3A_4 : vector<1x512xf32>
    %select_n3A_89 = arith.select %lt3A_88, %broadcast_in_dim3A_74, %broadcast_in_dim3A_4 : vector<1x512xi1>, vector<1x512xf32>
    %select_n3A_90 = arith.select %lt3A_88, %add3A_87, %broadcast_in_dim3A_12 : vector<1x512xi1>, vector<1x512xf32>
    %get3A_91 = arith.constant 1536 : index
    %get3A_92 = arith.constant 0 : index
    %get3A_93 = vector.load %arg1[%get3A_91, %get3A_92] : memref<2048x32xf32, #tpu.memory_space<vmem>>, vector<512x32xf32>
    %dot_general3A_94 = arith.constant dense<0.000000e+00> : vector<128x512xf32>
    %dot_general3A_95 = tpu.matmul %mul3A_18, %get3A_93, %dot_general3A_94 {dimension_numbers = #tpu.dot_dimension_numbers<[1], [1], [0], [0], [0, 0, 1, 0], [], []>, transpose_lhs_hint = false} : vector<128x32xf32>, vector<512x32xf32>, vector<128x512xf32> -> vector<128x512xf32>
    %add3A_96 = vector.broadcast %broadcast_in_dim3A_21 : vector<128x1xf32> to vector<128x512xf32>
    %add3A_97 = arith.addf %add3A_96, %dot_general3A_95 : vector<128x512xf32>
    %reduce_min3A_98 = arith.constant dense<0x7F800000> : vector<512xf32>
    %reduce_min3A_99 = vector.multi_reduction <minimumf>, %add3A_97, %reduce_min3A_98 [0] : vector<128x512xf32> to vector<512xf32>
    %broadcast_in_dim3A_100 = vector.shape_cast %reduce_min3A_99 : vector<512xf32> to vector<1x512xf32>
    %iota3A_101 = tpu.iota {dimensions = array<i32: 0>} : vector<128x512xi32>
    %convert_element_type3A_102 = arith.sitofp %iota3A_101 : vector<128x512xi32> to vector<128x512xf32>
    %eq3A_103 = vector.broadcast %broadcast_in_dim3A_100 : vector<1x512xf32> to vector<128x512xf32>
    %eq3A_104 = arith.cmpf oeq, %add3A_97, %eq3A_103 : vector<128x512xf32>
    %jit3A_105 = arith.constant 1.280000e+02 : f32
    %broadcast_in_dim3A_106 = vector.broadcast %jit3A_105 : f32 to vector<128x512xf32>
    %select_n3A_107 = arith.select %eq3A_104, %convert_element_type3A_102, %broadcast_in_dim3A_106 : vector<128x512xi1>, vector<128x512xf32>
    %reduce_min3A_108 = arith.constant dense<0x7F800000> : vector<512xf32>
    %reduce_min3A_109 = vector.multi_reduction <minimumf>, %select_n3A_107, %reduce_min3A_108 [0] : vector<128x512xf32> to vector<512xf32>
    %broadcast_in_dim3A_110 = vector.shape_cast %reduce_min3A_109 : vector<512xf32> to vector<1x512xf32>
    %add3A_111 = arith.constant 0.000000e+00 : f32
    %add3A_112 = vector.broadcast %add3A_111 : f32 to vector<1x512xf32>
    %add3A_113 = arith.addf %broadcast_in_dim3A_110, %add3A_112 : vector<1x512xf32>
    %lt3A_114 = arith.cmpf olt, %broadcast_in_dim3A_100, %broadcast_in_dim3A_6 : vector<1x512xf32>
    %select_n3A_115 = arith.select %lt3A_114, %broadcast_in_dim3A_100, %broadcast_in_dim3A_6 : vector<1x512xi1>, vector<1x512xf32>
    %select_n3A_116 = arith.select %lt3A_114, %add3A_113, %broadcast_in_dim3A_14 : vector<1x512xi1>, vector<1x512xf32>
    %get3A_117 = arith.constant 128 : index
    %get3A_118 = arith.constant 0 : index
    %get3A_119 = vector.load %arg2[%get3A_117, %get3A_118] : memref<1024x32xf32, #tpu.memory_space<vmem>>, vector<128x32xf32>
    %mul3A_120 = arith.constant -2.000000e+00 : f32
    %mul3A_121 = vector.broadcast %mul3A_120 : f32 to vector<128x32xf32>
    %mul3A_122 = arith.mulf %get3A_119, %mul3A_121 : vector<128x32xf32>
    %mul3A_123 = arith.mulf %get3A_119, %get3A_119 : vector<128x32xf32>
    %reduce_sum3A_124 = arith.constant dense<0.000000e+00> : vector<128xf32>
    %reduce_sum3A_125 = vector.multi_reduction <add>, %mul3A_123, %reduce_sum3A_124 [1] : vector<128x32xf32> to vector<128xf32>
    %broadcast_in_dim3A_126 = vector.shape_cast %reduce_sum3A_125 : vector<128xf32> to vector<128x1xf32>
    %get3A_127 = arith.constant 0 : index
    %get3A_128 = arith.constant 0 : index
    %get3A_129 = vector.load %arg1[%get3A_127, %get3A_128] : memref<2048x32xf32, #tpu.memory_space<vmem>>, vector<512x32xf32>
    %dot_general3A_130 = arith.constant dense<0.000000e+00> : vector<128x512xf32>
    %dot_general3A_131 = tpu.matmul %mul3A_122, %get3A_129, %dot_general3A_130 {dimension_numbers = #tpu.dot_dimension_numbers<[1], [1], [0], [0], [0, 0, 1, 0], [], []>, transpose_lhs_hint = false} : vector<128x32xf32>, vector<512x32xf32>, vector<128x512xf32> -> vector<128x512xf32>
    %add3A_132 = vector.broadcast %broadcast_in_dim3A_126 : vector<128x1xf32> to vector<128x512xf32>
    %add3A_133 = arith.addf %add3A_132, %dot_general3A_131 : vector<128x512xf32>
    %reduce_min3A_134 = arith.constant dense<0x7F800000> : vector<512xf32>
    %reduce_min3A_135 = vector.multi_reduction <minimumf>, %add3A_133, %reduce_min3A_134 [0] : vector<128x512xf32> to vector<512xf32>
    %broadcast_in_dim3A_136 = vector.shape_cast %reduce_min3A_135 : vector<512xf32> to vector<1x512xf32>
    %iota3A_137 = tpu.iota {dimensions = array<i32: 0>} : vector<128x512xi32>
    %convert_element_type3A_138 = arith.sitofp %iota3A_137 : vector<128x512xi32> to vector<128x512xf32>
    %eq3A_139 = vector.broadcast %broadcast_in_dim3A_136 : vector<1x512xf32> to vector<128x512xf32>
    %eq3A_140 = arith.cmpf oeq, %add3A_133, %eq3A_139 : vector<128x512xf32>
    %jit3A_141 = arith.constant 1.280000e+02 : f32
    %broadcast_in_dim3A_142 = vector.broadcast %jit3A_141 : f32 to vector<128x512xf32>
    %select_n3A_143 = arith.select %eq3A_140, %convert_element_type3A_138, %broadcast_in_dim3A_142 : vector<128x512xi1>, vector<128x512xf32>
    %reduce_min3A_144 = arith.constant dense<0x7F800000> : vector<512xf32>
    %reduce_min3A_145 = vector.multi_reduction <minimumf>, %select_n3A_143, %reduce_min3A_144 [0] : vector<128x512xf32> to vector<512xf32>
    %broadcast_in_dim3A_146 = vector.shape_cast %reduce_min3A_145 : vector<512xf32> to vector<1x512xf32>
    %add3A_147 = arith.constant 1.280000e+02 : f32
    %add3A_148 = vector.broadcast %add3A_147 : f32 to vector<1x512xf32>
    %add3A_149 = arith.addf %broadcast_in_dim3A_146, %add3A_148 : vector<1x512xf32>
    %lt3A_150 = arith.cmpf olt, %broadcast_in_dim3A_136, %select_n3A_37 : vector<1x512xf32>
    %select_n3A_151 = arith.select %lt3A_150, %broadcast_in_dim3A_136, %select_n3A_37 : vector<1x512xi1>, vector<1x512xf32>
    %select_n3A_152 = arith.select %lt3A_150, %add3A_149, %select_n3A_38 : vector<1x512xi1>, vector<1x512xf32>
    %get3A_153 = arith.constant 512 : index
    %get3A_154 = arith.constant 0 : index
    %get3A_155 = vector.load %arg1[%get3A_153, %get3A_154] : memref<2048x32xf32, #tpu.memory_space<vmem>>, vector<512x32xf32>
    %dot_general3A_156 = arith.constant dense<0.000000e+00> : vector<128x512xf32>
    %dot_general3A_157 = tpu.matmul %mul3A_122, %get3A_155, %dot_general3A_156 {dimension_numbers = #tpu.dot_dimension_numbers<[1], [1], [0], [0], [0, 0, 1, 0], [], []>, transpose_lhs_hint = false} : vector<128x32xf32>, vector<512x32xf32>, vector<128x512xf32> -> vector<128x512xf32>
    %add3A_158 = vector.broadcast %broadcast_in_dim3A_126 : vector<128x1xf32> to vector<128x512xf32>
    %add3A_159 = arith.addf %add3A_158, %dot_general3A_157 : vector<128x512xf32>
    %reduce_min3A_160 = arith.constant dense<0x7F800000> : vector<512xf32>
    %reduce_min3A_161 = vector.multi_reduction <minimumf>, %add3A_159, %reduce_min3A_160 [0] : vector<128x512xf32> to vector<512xf32>
    %broadcast_in_dim3A_162 = vector.shape_cast %reduce_min3A_161 : vector<512xf32> to vector<1x512xf32>
    %iota3A_163 = tpu.iota {dimensions = array<i32: 0>} : vector<128x512xi32>
    %convert_element_type3A_164 = arith.sitofp %iota3A_163 : vector<128x512xi32> to vector<128x512xf32>
    %eq3A_165 = vector.broadcast %broadcast_in_dim3A_162 : vector<1x512xf32> to vector<128x512xf32>
    %eq3A_166 = arith.cmpf oeq, %add3A_159, %eq3A_165 : vector<128x512xf32>
    %jit3A_167 = arith.constant 1.280000e+02 : f32
    %broadcast_in_dim3A_168 = vector.broadcast %jit3A_167 : f32 to vector<128x512xf32>
    %select_n3A_169 = arith.select %eq3A_166, %convert_element_type3A_164, %broadcast_in_dim3A_168 : vector<128x512xi1>, vector<128x512xf32>
    %reduce_min3A_170 = arith.constant dense<0x7F800000> : vector<512xf32>
    %reduce_min3A_171 = vector.multi_reduction <minimumf>, %select_n3A_169, %reduce_min3A_170 [0] : vector<128x512xf32> to vector<512xf32>
    %broadcast_in_dim3A_172 = vector.shape_cast %reduce_min3A_171 : vector<512xf32> to vector<1x512xf32>
    %add3A_173 = arith.constant 1.280000e+02 : f32
    %add3A_174 = vector.broadcast %add3A_173 : f32 to vector<1x512xf32>
    %add3A_175 = arith.addf %broadcast_in_dim3A_172, %add3A_174 : vector<1x512xf32>
    %lt3A_176 = arith.cmpf olt, %broadcast_in_dim3A_162, %select_n3A_63 : vector<1x512xf32>
    %select_n3A_177 = arith.select %lt3A_176, %broadcast_in_dim3A_162, %select_n3A_63 : vector<1x512xi1>, vector<1x512xf32>
    %select_n3A_178 = arith.select %lt3A_176, %add3A_175, %select_n3A_64 : vector<1x512xi1>, vector<1x512xf32>
    %get3A_179 = arith.constant 1024 : index
    %get3A_180 = arith.constant 0 : index
    %get3A_181 = vector.load %arg1[%get3A_179, %get3A_180] : memref<2048x32xf32, #tpu.memory_space<vmem>>, vector<512x32xf32>
    %dot_general3A_182 = arith.constant dense<0.000000e+00> : vector<128x512xf32>
    %dot_general3A_183 = tpu.matmul %mul3A_122, %get3A_181, %dot_general3A_182 {dimension_numbers = #tpu.dot_dimension_numbers<[1], [1], [0], [0], [0, 0, 1, 0], [], []>, transpose_lhs_hint = false} : vector<128x32xf32>, vector<512x32xf32>, vector<128x512xf32> -> vector<128x512xf32>
    %add3A_184 = vector.broadcast %broadcast_in_dim3A_126 : vector<128x1xf32> to vector<128x512xf32>
    %add3A_185 = arith.addf %add3A_184, %dot_general3A_183 : vector<128x512xf32>
    %reduce_min3A_186 = arith.constant dense<0x7F800000> : vector<512xf32>
    %reduce_min3A_187 = vector.multi_reduction <minimumf>, %add3A_185, %reduce_min3A_186 [0] : vector<128x512xf32> to vector<512xf32>
    %broadcast_in_dim3A_188 = vector.shape_cast %reduce_min3A_187 : vector<512xf32> to vector<1x512xf32>
    %iota3A_189 = tpu.iota {dimensions = array<i32: 0>} : vector<128x512xi32>
    %convert_element_type3A_190 = arith.sitofp %iota3A_189 : vector<128x512xi32> to vector<128x512xf32>
    %eq3A_191 = vector.broadcast %broadcast_in_dim3A_188 : vector<1x512xf32> to vector<128x512xf32>
    %eq3A_192 = arith.cmpf oeq, %add3A_185, %eq3A_191 : vector<128x512xf32>
    %jit3A_193 = arith.constant 1.280000e+02 : f32
    %broadcast_in_dim3A_194 = vector.broadcast %jit3A_193 : f32 to vector<128x512xf32>
    %select_n3A_195 = arith.select %eq3A_192, %convert_element_type3A_190, %broadcast_in_dim3A_194 : vector<128x512xi1>, vector<128x512xf32>
    %reduce_min3A_196 = arith.constant dense<0x7F800000> : vector<512xf32>
    %reduce_min3A_197 = vector.multi_reduction <minimumf>, %select_n3A_195, %reduce_min3A_196 [0] : vector<128x512xf32> to vector<512xf32>
    %broadcast_in_dim3A_198 = vector.shape_cast %reduce_min3A_197 : vector<512xf32> to vector<1x512xf32>
    %add3A_199 = arith.constant 1.280000e+02 : f32
    %add3A_200 = vector.broadcast %add3A_199 : f32 to vector<1x512xf32>
    %add3A_201 = arith.addf %broadcast_in_dim3A_198, %add3A_200 : vector<1x512xf32>
    %lt3A_202 = arith.cmpf olt, %broadcast_in_dim3A_188, %select_n3A_89 : vector<1x512xf32>
    %select_n3A_203 = arith.select %lt3A_202, %broadcast_in_dim3A_188, %select_n3A_89 : vector<1x512xi1>, vector<1x512xf32>
    %select_n3A_204 = arith.select %lt3A_202, %add3A_201, %select_n3A_90 : vector<1x512xi1>, vector<1x512xf32>
    %get3A_205 = arith.constant 1536 : index
    %get3A_206 = arith.constant 0 : index
    %get3A_207 = vector.load %arg1[%get3A_205, %get3A_206] : memref<2048x32xf32, #tpu.memory_space<vmem>>, vector<512x32xf32>
    %dot_general3A_208 = arith.constant dense<0.000000e+00> : vector<128x512xf32>
    %dot_general3A_209 = tpu.matmul %mul3A_122, %get3A_207, %dot_general3A_208 {dimension_numbers = #tpu.dot_dimension_numbers<[1], [1], [0], [0], [0, 0, 1, 0], [], []>, transpose_lhs_hint = false} : vector<128x32xf32>, vector<512x32xf32>, vector<128x512xf32> -> vector<128x512xf32>
    %add3A_210 = vector.broadcast %broadcast_in_dim3A_126 : vector<128x1xf32> to vector<128x512xf32>
    %add3A_211 = arith.addf %add3A_210, %dot_general3A_209 : vector<128x512xf32>
    %reduce_min3A_212 = arith.constant dense<0x7F800000> : vector<512xf32>
    %reduce_min3A_213 = vector.multi_reduction <minimumf>, %add3A_211, %reduce_min3A_212 [0] : vector<128x512xf32> to vector<512xf32>
    %broadcast_in_dim3A_214 = vector.shape_cast %reduce_min3A_213 : vector<512xf32> to vector<1x512xf32>
    %iota3A_215 = tpu.iota {dimensions = array<i32: 0>} : vector<128x512xi32>
    %convert_element_type3A_216 = arith.sitofp %iota3A_215 : vector<128x512xi32> to vector<128x512xf32>
    %eq3A_217 = vector.broadcast %broadcast_in_dim3A_214 : vector<1x512xf32> to vector<128x512xf32>
    %eq3A_218 = arith.cmpf oeq, %add3A_211, %eq3A_217 : vector<128x512xf32>
    %jit3A_219 = arith.constant 1.280000e+02 : f32
    %broadcast_in_dim3A_220 = vector.broadcast %jit3A_219 : f32 to vector<128x512xf32>
    %select_n3A_221 = arith.select %eq3A_218, %convert_element_type3A_216, %broadcast_in_dim3A_220 : vector<128x512xi1>, vector<128x512xf32>
    %reduce_min3A_222 = arith.constant dense<0x7F800000> : vector<512xf32>
    %reduce_min3A_223 = vector.multi_reduction <minimumf>, %select_n3A_221, %reduce_min3A_222 [0] : vector<128x512xf32> to vector<512xf32>
    %broadcast_in_dim3A_224 = vector.shape_cast %reduce_min3A_223 : vector<512xf32> to vector<1x512xf32>
    %add3A_225 = arith.constant 1.280000e+02 : f32
    %add3A_226 = vector.broadcast %add3A_225 : f32 to vector<1x512xf32>
    %add3A_227 = arith.addf %broadcast_in_dim3A_224, %add3A_226 : vector<1x512xf32>
    %lt3A_228 = arith.cmpf olt, %broadcast_in_dim3A_214, %select_n3A_115 : vector<1x512xf32>
    %select_n3A_229 = arith.select %lt3A_228, %broadcast_in_dim3A_214, %select_n3A_115 : vector<1x512xi1>, vector<1x512xf32>
    %select_n3A_230 = arith.select %lt3A_228, %add3A_227, %select_n3A_116 : vector<1x512xi1>, vector<1x512xf32>
    %get3A_231 = arith.constant 256 : index
    %get3A_232 = arith.constant 0 : index
    %get3A_233 = vector.load %arg2[%get3A_231, %get3A_232] : memref<1024x32xf32, #tpu.memory_space<vmem>>, vector<128x32xf32>
    %mul3A_234 = arith.constant -2.000000e+00 : f32
    %mul3A_235 = vector.broadcast %mul3A_234 : f32 to vector<128x32xf32>
    %mul3A_236 = arith.mulf %get3A_233, %mul3A_235 : vector<128x32xf32>
    %mul3A_237 = arith.mulf %get3A_233, %get3A_233 : vector<128x32xf32>
    %reduce_sum3A_238 = arith.constant dense<0.000000e+00> : vector<128xf32>
    %reduce_sum3A_239 = vector.multi_reduction <add>, %mul3A_237, %reduce_sum3A_238 [1] : vector<128x32xf32> to vector<128xf32>
    %broadcast_in_dim3A_240 = vector.shape_cast %reduce_sum3A_239 : vector<128xf32> to vector<128x1xf32>
    %get3A_241 = arith.constant 0 : index
    %get3A_242 = arith.constant 0 : index
    %get3A_243 = vector.load %arg1[%get3A_241, %get3A_242] : memref<2048x32xf32, #tpu.memory_space<vmem>>, vector<512x32xf32>
    %dot_general3A_244 = arith.constant dense<0.000000e+00> : vector<128x512xf32>
    %dot_general3A_245 = tpu.matmul %mul3A_236, %get3A_243, %dot_general3A_244 {dimension_numbers = #tpu.dot_dimension_numbers<[1], [1], [0], [0], [0, 0, 1, 0], [], []>, transpose_lhs_hint = false} : vector<128x32xf32>, vector<512x32xf32>, vector<128x512xf32> -> vector<128x512xf32>
    %add3A_246 = vector.broadcast %broadcast_in_dim3A_240 : vector<128x1xf32> to vector<128x512xf32>
    %add3A_247 = arith.addf %add3A_246, %dot_general3A_245 : vector<128x512xf32>
    %reduce_min3A_248 = arith.constant dense<0x7F800000> : vector<512xf32>
    %reduce_min3A_249 = vector.multi_reduction <minimumf>, %add3A_247, %reduce_min3A_248 [0] : vector<128x512xf32> to vector<512xf32>
    %broadcast_in_dim3A_250 = vector.shape_cast %reduce_min3A_249 : vector<512xf32> to vector<1x512xf32>
    %iota3A_251 = tpu.iota {dimensions = array<i32: 0>} : vector<128x512xi32>
    %convert_element_type3A_252 = arith.sitofp %iota3A_251 : vector<128x512xi32> to vector<128x512xf32>
    %eq3A_253 = vector.broadcast %broadcast_in_dim3A_250 : vector<1x512xf32> to vector<128x512xf32>
    %eq3A_254 = arith.cmpf oeq, %add3A_247, %eq3A_253 : vector<128x512xf32>
    %jit3A_255 = arith.constant 1.280000e+02 : f32
    %broadcast_in_dim3A_256 = vector.broadcast %jit3A_255 : f32 to vector<128x512xf32>
    %select_n3A_257 = arith.select %eq3A_254, %convert_element_type3A_252, %broadcast_in_dim3A_256 : vector<128x512xi1>, vector<128x512xf32>
    %reduce_min3A_258 = arith.constant dense<0x7F800000> : vector<512xf32>
    %reduce_min3A_259 = vector.multi_reduction <minimumf>, %select_n3A_257, %reduce_min3A_258 [0] : vector<128x512xf32> to vector<512xf32>
    %broadcast_in_dim3A_260 = vector.shape_cast %reduce_min3A_259 : vector<512xf32> to vector<1x512xf32>
    %add3A_261 = arith.constant 2.560000e+02 : f32
    %add3A_262 = vector.broadcast %add3A_261 : f32 to vector<1x512xf32>
    %add3A_263 = arith.addf %broadcast_in_dim3A_260, %add3A_262 : vector<1x512xf32>
    %lt3A_264 = arith.cmpf olt, %broadcast_in_dim3A_250, %select_n3A_151 : vector<1x512xf32>
    %select_n3A_265 = arith.select %lt3A_264, %broadcast_in_dim3A_250, %select_n3A_151 : vector<1x512xi1>, vector<1x512xf32>
    %select_n3A_266 = arith.select %lt3A_264, %add3A_263, %select_n3A_152 : vector<1x512xi1>, vector<1x512xf32>
    %get3A_267 = arith.constant 512 : index
    %get3A_268 = arith.constant 0 : index
    %get3A_269 = vector.load %arg1[%get3A_267, %get3A_268] : memref<2048x32xf32, #tpu.memory_space<vmem>>, vector<512x32xf32>
    %dot_general3A_270 = arith.constant dense<0.000000e+00> : vector<128x512xf32>
    %dot_general3A_271 = tpu.matmul %mul3A_236, %get3A_269, %dot_general3A_270 {dimension_numbers = #tpu.dot_dimension_numbers<[1], [1], [0], [0], [0, 0, 1, 0], [], []>, transpose_lhs_hint = false} : vector<128x32xf32>, vector<512x32xf32>, vector<128x512xf32> -> vector<128x512xf32>
    %add3A_272 = vector.broadcast %broadcast_in_dim3A_240 : vector<128x1xf32> to vector<128x512xf32>
    %add3A_273 = arith.addf %add3A_272, %dot_general3A_271 : vector<128x512xf32>
    %reduce_min3A_274 = arith.constant dense<0x7F800000> : vector<512xf32>
    %reduce_min3A_275 = vector.multi_reduction <minimumf>, %add3A_273, %reduce_min3A_274 [0] : vector<128x512xf32> to vector<512xf32>
    %broadcast_in_dim3A_276 = vector.shape_cast %reduce_min3A_275 : vector<512xf32> to vector<1x512xf32>
    %iota3A_277 = tpu.iota {dimensions = array<i32: 0>} : vector<128x512xi32>
    %convert_element_type3A_278 = arith.sitofp %iota3A_277 : vector<128x512xi32> to vector<128x512xf32>
    %eq3A_279 = vector.broadcast %broadcast_in_dim3A_276 : vector<1x512xf32> to vector<128x512xf32>
    %eq3A_280 = arith.cmpf oeq, %add3A_273, %eq3A_279 : vector<128x512xf32>
    %jit3A_281 = arith.constant 1.280000e+02 : f32
    %broadcast_in_dim3A_282 = vector.broadcast %jit3A_281 : f32 to vector<128x512xf32>
    %select_n3A_283 = arith.select %eq3A_280, %convert_element_type3A_278, %broadcast_in_dim3A_282 : vector<128x512xi1>, vector<128x512xf32>
    %reduce_min3A_284 = arith.constant dense<0x7F800000> : vector<512xf32>
    %reduce_min3A_285 = vector.multi_reduction <minimumf>, %select_n3A_283, %reduce_min3A_284 [0] : vector<128x512xf32> to vector<512xf32>
    %broadcast_in_dim3A_286 = vector.shape_cast %reduce_min3A_285 : vector<512xf32> to vector<1x512xf32>
    %add3A_287 = arith.constant 2.560000e+02 : f32
    %add3A_288 = vector.broadcast %add3A_287 : f32 to vector<1x512xf32>
    %add3A_289 = arith.addf %broadcast_in_dim3A_286, %add3A_288 : vector<1x512xf32>
    %lt3A_290 = arith.cmpf olt, %broadcast_in_dim3A_276, %select_n3A_177 : vector<1x512xf32>
    %select_n3A_291 = arith.select %lt3A_290, %broadcast_in_dim3A_276, %select_n3A_177 : vector<1x512xi1>, vector<1x512xf32>
    %select_n3A_292 = arith.select %lt3A_290, %add3A_289, %select_n3A_178 : vector<1x512xi1>, vector<1x512xf32>
    %get3A_293 = arith.constant 1024 : index
    %get3A_294 = arith.constant 0 : index
    %get3A_295 = vector.load %arg1[%get3A_293, %get3A_294] : memref<2048x32xf32, #tpu.memory_space<vmem>>, vector<512x32xf32>
    %dot_general3A_296 = arith.constant dense<0.000000e+00> : vector<128x512xf32>
    %dot_general3A_297 = tpu.matmul %mul3A_236, %get3A_295, %dot_general3A_296 {dimension_numbers = #tpu.dot_dimension_numbers<[1], [1], [0], [0], [0, 0, 1, 0], [], []>, transpose_lhs_hint = false} : vector<128x32xf32>, vector<512x32xf32>, vector<128x512xf32> -> vector<128x512xf32>
    %add3A_298 = vector.broadcast %broadcast_in_dim3A_240 : vector<128x1xf32> to vector<128x512xf32>
    %add3A_299 = arith.addf %add3A_298, %dot_general3A_297 : vector<128x512xf32>
    %reduce_min3A_300 = arith.constant dense<0x7F800000> : vector<512xf32>
    %reduce_min3A_301 = vector.multi_reduction <minimumf>, %add3A_299, %reduce_min3A_300 [0] : vector<128x512xf32> to vector<512xf32>
    %broadcast_in_dim3A_302 = vector.shape_cast %reduce_min3A_301 : vector<512xf32> to vector<1x512xf32>
    %iota3A_303 = tpu.iota {dimensions = array<i32: 0>} : vector<128x512xi32>
    %convert_element_type3A_304 = arith.sitofp %iota3A_303 : vector<128x512xi32> to vector<128x512xf32>
    %eq3A_305 = vector.broadcast %broadcast_in_dim3A_302 : vector<1x512xf32> to vector<128x512xf32>
    %eq3A_306 = arith.cmpf oeq, %add3A_299, %eq3A_305 : vector<128x512xf32>
    %jit3A_307 = arith.constant 1.280000e+02 : f32
    %broadcast_in_dim3A_308 = vector.broadcast %jit3A_307 : f32 to vector<128x512xf32>
    %select_n3A_309 = arith.select %eq3A_306, %convert_element_type3A_304, %broadcast_in_dim3A_308 : vector<128x512xi1>, vector<128x512xf32>
    %reduce_min3A_310 = arith.constant dense<0x7F800000> : vector<512xf32>
    %reduce_min3A_311 = vector.multi_reduction <minimumf>, %select_n3A_309, %reduce_min3A_310 [0] : vector<128x512xf32> to vector<512xf32>
    %broadcast_in_dim3A_312 = vector.shape_cast %reduce_min3A_311 : vector<512xf32> to vector<1x512xf32>
    %add3A_313 = arith.constant 2.560000e+02 : f32
    %add3A_314 = vector.broadcast %add3A_313 : f32 to vector<1x512xf32>
    %add3A_315 = arith.addf %broadcast_in_dim3A_312, %add3A_314 : vector<1x512xf32>
    %lt3A_316 = arith.cmpf olt, %broadcast_in_dim3A_302, %select_n3A_203 : vector<1x512xf32>
    %select_n3A_317 = arith.select %lt3A_316, %broadcast_in_dim3A_302, %select_n3A_203 : vector<1x512xi1>, vector<1x512xf32>
    %select_n3A_318 = arith.select %lt3A_316, %add3A_315, %select_n3A_204 : vector<1x512xi1>, vector<1x512xf32>
    %get3A_319 = arith.constant 1536 : index
    %get3A_320 = arith.constant 0 : index
    %get3A_321 = vector.load %arg1[%get3A_319, %get3A_320] : memref<2048x32xf32, #tpu.memory_space<vmem>>, vector<512x32xf32>
    %dot_general3A_322 = arith.constant dense<0.000000e+00> : vector<128x512xf32>
    %dot_general3A_323 = tpu.matmul %mul3A_236, %get3A_321, %dot_general3A_322 {dimension_numbers = #tpu.dot_dimension_numbers<[1], [1], [0], [0], [0, 0, 1, 0], [], []>, transpose_lhs_hint = false} : vector<128x32xf32>, vector<512x32xf32>, vector<128x512xf32> -> vector<128x512xf32>
    %add3A_324 = vector.broadcast %broadcast_in_dim3A_240 : vector<128x1xf32> to vector<128x512xf32>
    %add3A_325 = arith.addf %add3A_324, %dot_general3A_323 : vector<128x512xf32>
    %reduce_min3A_326 = arith.constant dense<0x7F800000> : vector<512xf32>
    %reduce_min3A_327 = vector.multi_reduction <minimumf>, %add3A_325, %reduce_min3A_326 [0] : vector<128x512xf32> to vector<512xf32>
    %broadcast_in_dim3A_328 = vector.shape_cast %reduce_min3A_327 : vector<512xf32> to vector<1x512xf32>
    %iota3A_329 = tpu.iota {dimensions = array<i32: 0>} : vector<128x512xi32>
    %convert_element_type3A_330 = arith.sitofp %iota3A_329 : vector<128x512xi32> to vector<128x512xf32>
    %eq3A_331 = vector.broadcast %broadcast_in_dim3A_328 : vector<1x512xf32> to vector<128x512xf32>
    %eq3A_332 = arith.cmpf oeq, %add3A_325, %eq3A_331 : vector<128x512xf32>
    %jit3A_333 = arith.constant 1.280000e+02 : f32
    %broadcast_in_dim3A_334 = vector.broadcast %jit3A_333 : f32 to vector<128x512xf32>
    %select_n3A_335 = arith.select %eq3A_332, %convert_element_type3A_330, %broadcast_in_dim3A_334 : vector<128x512xi1>, vector<128x512xf32>
    %reduce_min3A_336 = arith.constant dense<0x7F800000> : vector<512xf32>
    %reduce_min3A_337 = vector.multi_reduction <minimumf>, %select_n3A_335, %reduce_min3A_336 [0] : vector<128x512xf32> to vector<512xf32>
    %broadcast_in_dim3A_338 = vector.shape_cast %reduce_min3A_337 : vector<512xf32> to vector<1x512xf32>
    %add3A_339 = arith.constant 2.560000e+02 : f32
    %add3A_340 = vector.broadcast %add3A_339 : f32 to vector<1x512xf32>
    %add3A_341 = arith.addf %broadcast_in_dim3A_338, %add3A_340 : vector<1x512xf32>
    %lt3A_342 = arith.cmpf olt, %broadcast_in_dim3A_328, %select_n3A_229 : vector<1x512xf32>
    %select_n3A_343 = arith.select %lt3A_342, %broadcast_in_dim3A_328, %select_n3A_229 : vector<1x512xi1>, vector<1x512xf32>
    %select_n3A_344 = arith.select %lt3A_342, %add3A_341, %select_n3A_230 : vector<1x512xi1>, vector<1x512xf32>
    %get3A_345 = arith.constant 384 : index
    %get3A_346 = arith.constant 0 : index
    %get3A_347 = vector.load %arg2[%get3A_345, %get3A_346] : memref<1024x32xf32, #tpu.memory_space<vmem>>, vector<128x32xf32>
    %mul3A_348 = arith.constant -2.000000e+00 : f32
    %mul3A_349 = vector.broadcast %mul3A_348 : f32 to vector<128x32xf32>
    %mul3A_350 = arith.mulf %get3A_347, %mul3A_349 : vector<128x32xf32>
    %mul3A_351 = arith.mulf %get3A_347, %get3A_347 : vector<128x32xf32>
    %reduce_sum3A_352 = arith.constant dense<0.000000e+00> : vector<128xf32>
    %reduce_sum3A_353 = vector.multi_reduction <add>, %mul3A_351, %reduce_sum3A_352 [1] : vector<128x32xf32> to vector<128xf32>
    %broadcast_in_dim3A_354 = vector.shape_cast %reduce_sum3A_353 : vector<128xf32> to vector<128x1xf32>
    %get3A_355 = arith.constant 0 : index
    %get3A_356 = arith.constant 0 : index
    %get3A_357 = vector.load %arg1[%get3A_355, %get3A_356] : memref<2048x32xf32, #tpu.memory_space<vmem>>, vector<512x32xf32>
    %dot_general3A_358 = arith.constant dense<0.000000e+00> : vector<128x512xf32>
    %dot_general3A_359 = tpu.matmul %mul3A_350, %get3A_357, %dot_general3A_358 {dimension_numbers = #tpu.dot_dimension_numbers<[1], [1], [0], [0], [0, 0, 1, 0], [], []>, transpose_lhs_hint = false} : vector<128x32xf32>, vector<512x32xf32>, vector<128x512xf32> -> vector<128x512xf32>
    %add3A_360 = vector.broadcast %broadcast_in_dim3A_354 : vector<128x1xf32> to vector<128x512xf32>
    %add3A_361 = arith.addf %add3A_360, %dot_general3A_359 : vector<128x512xf32>
    %reduce_min3A_362 = arith.constant dense<0x7F800000> : vector<512xf32>
    %reduce_min3A_363 = vector.multi_reduction <minimumf>, %add3A_361, %reduce_min3A_362 [0] : vector<128x512xf32> to vector<512xf32>
    %broadcast_in_dim3A_364 = vector.shape_cast %reduce_min3A_363 : vector<512xf32> to vector<1x512xf32>
    %iota3A_365 = tpu.iota {dimensions = array<i32: 0>} : vector<128x512xi32>
    %convert_element_type3A_366 = arith.sitofp %iota3A_365 : vector<128x512xi32> to vector<128x512xf32>
    %eq3A_367 = vector.broadcast %broadcast_in_dim3A_364 : vector<1x512xf32> to vector<128x512xf32>
    %eq3A_368 = arith.cmpf oeq, %add3A_361, %eq3A_367 : vector<128x512xf32>
    %jit3A_369 = arith.constant 1.280000e+02 : f32
    %broadcast_in_dim3A_370 = vector.broadcast %jit3A_369 : f32 to vector<128x512xf32>
    %select_n3A_371 = arith.select %eq3A_368, %convert_element_type3A_366, %broadcast_in_dim3A_370 : vector<128x512xi1>, vector<128x512xf32>
    %reduce_min3A_372 = arith.constant dense<0x7F800000> : vector<512xf32>
    %reduce_min3A_373 = vector.multi_reduction <minimumf>, %select_n3A_371, %reduce_min3A_372 [0] : vector<128x512xf32> to vector<512xf32>
    %broadcast_in_dim3A_374 = vector.shape_cast %reduce_min3A_373 : vector<512xf32> to vector<1x512xf32>
    %add3A_375 = arith.constant 3.840000e+02 : f32
    %add3A_376 = vector.broadcast %add3A_375 : f32 to vector<1x512xf32>
    %add3A_377 = arith.addf %broadcast_in_dim3A_374, %add3A_376 : vector<1x512xf32>
    %lt3A_378 = arith.cmpf olt, %broadcast_in_dim3A_364, %select_n3A_265 : vector<1x512xf32>
    %select_n3A_379 = arith.select %lt3A_378, %broadcast_in_dim3A_364, %select_n3A_265 : vector<1x512xi1>, vector<1x512xf32>
    %select_n3A_380 = arith.select %lt3A_378, %add3A_377, %select_n3A_266 : vector<1x512xi1>, vector<1x512xf32>
    %get3A_381 = arith.constant 512 : index
    %get3A_382 = arith.constant 0 : index
    %get3A_383 = vector.load %arg1[%get3A_381, %get3A_382] : memref<2048x32xf32, #tpu.memory_space<vmem>>, vector<512x32xf32>
    %dot_general3A_384 = arith.constant dense<0.000000e+00> : vector<128x512xf32>
    %dot_general3A_385 = tpu.matmul %mul3A_350, %get3A_383, %dot_general3A_384 {dimension_numbers = #tpu.dot_dimension_numbers<[1], [1], [0], [0], [0, 0, 1, 0], [], []>, transpose_lhs_hint = false} : vector<128x32xf32>, vector<512x32xf32>, vector<128x512xf32> -> vector<128x512xf32>
    %add3A_386 = vector.broadcast %broadcast_in_dim3A_354 : vector<128x1xf32> to vector<128x512xf32>
    %add3A_387 = arith.addf %add3A_386, %dot_general3A_385 : vector<128x512xf32>
    %reduce_min3A_388 = arith.constant dense<0x7F800000> : vector<512xf32>
    %reduce_min3A_389 = vector.multi_reduction <minimumf>, %add3A_387, %reduce_min3A_388 [0] : vector<128x512xf32> to vector<512xf32>
    %broadcast_in_dim3A_390 = vector.shape_cast %reduce_min3A_389 : vector<512xf32> to vector<1x512xf32>
    %iota3A_391 = tpu.iota {dimensions = array<i32: 0>} : vector<128x512xi32>
    %convert_element_type3A_392 = arith.sitofp %iota3A_391 : vector<128x512xi32> to vector<128x512xf32>
    %eq3A_393 = vector.broadcast %broadcast_in_dim3A_390 : vector<1x512xf32> to vector<128x512xf32>
    %eq3A_394 = arith.cmpf oeq, %add3A_387, %eq3A_393 : vector<128x512xf32>
    %jit3A_395 = arith.constant 1.280000e+02 : f32
    %broadcast_in_dim3A_396 = vector.broadcast %jit3A_395 : f32 to vector<128x512xf32>
    %select_n3A_397 = arith.select %eq3A_394, %convert_element_type3A_392, %broadcast_in_dim3A_396 : vector<128x512xi1>, vector<128x512xf32>
    %reduce_min3A_398 = arith.constant dense<0x7F800000> : vector<512xf32>
    %reduce_min3A_399 = vector.multi_reduction <minimumf>, %select_n3A_397, %reduce_min3A_398 [0] : vector<128x512xf32> to vector<512xf32>
    %broadcast_in_dim3A_400 = vector.shape_cast %reduce_min3A_399 : vector<512xf32> to vector<1x512xf32>
    %add3A_401 = arith.constant 3.840000e+02 : f32
    %add3A_402 = vector.broadcast %add3A_401 : f32 to vector<1x512xf32>
    %add3A_403 = arith.addf %broadcast_in_dim3A_400, %add3A_402 : vector<1x512xf32>
    %lt3A_404 = arith.cmpf olt, %broadcast_in_dim3A_390, %select_n3A_291 : vector<1x512xf32>
    %select_n3A_405 = arith.select %lt3A_404, %broadcast_in_dim3A_390, %select_n3A_291 : vector<1x512xi1>, vector<1x512xf32>
    %select_n3A_406 = arith.select %lt3A_404, %add3A_403, %select_n3A_292 : vector<1x512xi1>, vector<1x512xf32>
    %get3A_407 = arith.constant 1024 : index
    %get3A_408 = arith.constant 0 : index
    %get3A_409 = vector.load %arg1[%get3A_407, %get3A_408] : memref<2048x32xf32, #tpu.memory_space<vmem>>, vector<512x32xf32>
    %dot_general3A_410 = arith.constant dense<0.000000e+00> : vector<128x512xf32>
    %dot_general3A_411 = tpu.matmul %mul3A_350, %get3A_409, %dot_general3A_410 {dimension_numbers = #tpu.dot_dimension_numbers<[1], [1], [0], [0], [0, 0, 1, 0], [], []>, transpose_lhs_hint = false} : vector<128x32xf32>, vector<512x32xf32>, vector<128x512xf32> -> vector<128x512xf32>
    %add3A_412 = vector.broadcast %broadcast_in_dim3A_354 : vector<128x1xf32> to vector<128x512xf32>
    %add3A_413 = arith.addf %add3A_412, %dot_general3A_411 : vector<128x512xf32>
    %reduce_min3A_414 = arith.constant dense<0x7F800000> : vector<512xf32>
    %reduce_min3A_415 = vector.multi_reduction <minimumf>, %add3A_413, %reduce_min3A_414 [0] : vector<128x512xf32> to vector<512xf32>
    %broadcast_in_dim3A_416 = vector.shape_cast %reduce_min3A_415 : vector<512xf32> to vector<1x512xf32>
    %iota3A_417 = tpu.iota {dimensions = array<i32: 0>} : vector<128x512xi32>
    %convert_element_type3A_418 = arith.sitofp %iota3A_417 : vector<128x512xi32> to vector<128x512xf32>
    %eq3A_419 = vector.broadcast %broadcast_in_dim3A_416 : vector<1x512xf32> to vector<128x512xf32>
    %eq3A_420 = arith.cmpf oeq, %add3A_413, %eq3A_419 : vector<128x512xf32>
    %jit3A_421 = arith.constant 1.280000e+02 : f32
    %broadcast_in_dim3A_422 = vector.broadcast %jit3A_421 : f32 to vector<128x512xf32>
    %select_n3A_423 = arith.select %eq3A_420, %convert_element_type3A_418, %broadcast_in_dim3A_422 : vector<128x512xi1>, vector<128x512xf32>
    %reduce_min3A_424 = arith.constant dense<0x7F800000> : vector<512xf32>
    %reduce_min3A_425 = vector.multi_reduction <minimumf>, %select_n3A_423, %reduce_min3A_424 [0] : vector<128x512xf32> to vector<512xf32>
    %broadcast_in_dim3A_426 = vector.shape_cast %reduce_min3A_425 : vector<512xf32> to vector<1x512xf32>
    %add3A_427 = arith.constant 3.840000e+02 : f32
    %add3A_428 = vector.broadcast %add3A_427 : f32 to vector<1x512xf32>
    %add3A_429 = arith.addf %broadcast_in_dim3A_426, %add3A_428 : vector<1x512xf32>
    %lt3A_430 = arith.cmpf olt, %broadcast_in_dim3A_416, %select_n3A_317 : vector<1x512xf32>
    %select_n3A_431 = arith.select %lt3A_430, %broadcast_in_dim3A_416, %select_n3A_317 : vector<1x512xi1>, vector<1x512xf32>
    %select_n3A_432 = arith.select %lt3A_430, %add3A_429, %select_n3A_318 : vector<1x512xi1>, vector<1x512xf32>
    %get3A_433 = arith.constant 1536 : index
    %get3A_434 = arith.constant 0 : index
    %get3A_435 = vector.load %arg1[%get3A_433, %get3A_434] : memref<2048x32xf32, #tpu.memory_space<vmem>>, vector<512x32xf32>
    %dot_general3A_436 = arith.constant dense<0.000000e+00> : vector<128x512xf32>
    %dot_general3A_437 = tpu.matmul %mul3A_350, %get3A_435, %dot_general3A_436 {dimension_numbers = #tpu.dot_dimension_numbers<[1], [1], [0], [0], [0, 0, 1, 0], [], []>, transpose_lhs_hint = false} : vector<128x32xf32>, vector<512x32xf32>, vector<128x512xf32> -> vector<128x512xf32>
    %add3A_438 = vector.broadcast %broadcast_in_dim3A_354 : vector<128x1xf32> to vector<128x512xf32>
    %add3A_439 = arith.addf %add3A_438, %dot_general3A_437 : vector<128x512xf32>
    %reduce_min3A_440 = arith.constant dense<0x7F800000> : vector<512xf32>
    %reduce_min3A_441 = vector.multi_reduction <minimumf>, %add3A_439, %reduce_min3A_440 [0] : vector<128x512xf32> to vector<512xf32>
    %broadcast_in_dim3A_442 = vector.shape_cast %reduce_min3A_441 : vector<512xf32> to vector<1x512xf32>
    %iota3A_443 = tpu.iota {dimensions = array<i32: 0>} : vector<128x512xi32>
    %convert_element_type3A_444 = arith.sitofp %iota3A_443 : vector<128x512xi32> to vector<128x512xf32>
    %eq3A_445 = vector.broadcast %broadcast_in_dim3A_442 : vector<1x512xf32> to vector<128x512xf32>
    %eq3A_446 = arith.cmpf oeq, %add3A_439, %eq3A_445 : vector<128x512xf32>
    %jit3A_447 = arith.constant 1.280000e+02 : f32
    %broadcast_in_dim3A_448 = vector.broadcast %jit3A_447 : f32 to vector<128x512xf32>
    %select_n3A_449 = arith.select %eq3A_446, %convert_element_type3A_444, %broadcast_in_dim3A_448 : vector<128x512xi1>, vector<128x512xf32>
    %reduce_min3A_450 = arith.constant dense<0x7F800000> : vector<512xf32>
    %reduce_min3A_451 = vector.multi_reduction <minimumf>, %select_n3A_449, %reduce_min3A_450 [0] : vector<128x512xf32> to vector<512xf32>
    %broadcast_in_dim3A_452 = vector.shape_cast %reduce_min3A_451 : vector<512xf32> to vector<1x512xf32>
    %add3A_453 = arith.constant 3.840000e+02 : f32
    %add3A_454 = vector.broadcast %add3A_453 : f32 to vector<1x512xf32>
    %add3A_455 = arith.addf %broadcast_in_dim3A_452, %add3A_454 : vector<1x512xf32>
    %lt3A_456 = arith.cmpf olt, %broadcast_in_dim3A_442, %select_n3A_343 : vector<1x512xf32>
    %select_n3A_457 = arith.select %lt3A_456, %broadcast_in_dim3A_442, %select_n3A_343 : vector<1x512xi1>, vector<1x512xf32>
    %select_n3A_458 = arith.select %lt3A_456, %add3A_455, %select_n3A_344 : vector<1x512xi1>, vector<1x512xf32>
    %get3A_459 = arith.constant 512 : index
    %get3A_460 = arith.constant 0 : index
    %get3A_461 = vector.load %arg2[%get3A_459, %get3A_460] : memref<1024x32xf32, #tpu.memory_space<vmem>>, vector<128x32xf32>
    %mul3A_462 = arith.constant -2.000000e+00 : f32
    %mul3A_463 = vector.broadcast %mul3A_462 : f32 to vector<128x32xf32>
    %mul3A_464 = arith.mulf %get3A_461, %mul3A_463 : vector<128x32xf32>
    %mul3A_465 = arith.mulf %get3A_461, %get3A_461 : vector<128x32xf32>
    %reduce_sum3A_466 = arith.constant dense<0.000000e+00> : vector<128xf32>
    %reduce_sum3A_467 = vector.multi_reduction <add>, %mul3A_465, %reduce_sum3A_466 [1] : vector<128x32xf32> to vector<128xf32>
    %broadcast_in_dim3A_468 = vector.shape_cast %reduce_sum3A_467 : vector<128xf32> to vector<128x1xf32>
    %get3A_469 = arith.constant 0 : index
    %get3A_470 = arith.constant 0 : index
    %get3A_471 = vector.load %arg1[%get3A_469, %get3A_470] : memref<2048x32xf32, #tpu.memory_space<vmem>>, vector<512x32xf32>
    %dot_general3A_472 = arith.constant dense<0.000000e+00> : vector<128x512xf32>
    %dot_general3A_473 = tpu.matmul %mul3A_464, %get3A_471, %dot_general3A_472 {dimension_numbers = #tpu.dot_dimension_numbers<[1], [1], [0], [0], [0, 0, 1, 0], [], []>, transpose_lhs_hint = false} : vector<128x32xf32>, vector<512x32xf32>, vector<128x512xf32> -> vector<128x512xf32>
    %add3A_474 = vector.broadcast %broadcast_in_dim3A_468 : vector<128x1xf32> to vector<128x512xf32>
    %add3A_475 = arith.addf %add3A_474, %dot_general3A_473 : vector<128x512xf32>
    %reduce_min3A_476 = arith.constant dense<0x7F800000> : vector<512xf32>
    %reduce_min3A_477 = vector.multi_reduction <minimumf>, %add3A_475, %reduce_min3A_476 [0] : vector<128x512xf32> to vector<512xf32>
    %broadcast_in_dim3A_478 = vector.shape_cast %reduce_min3A_477 : vector<512xf32> to vector<1x512xf32>
    %iota3A_479 = tpu.iota {dimensions = array<i32: 0>} : vector<128x512xi32>
    %convert_element_type3A_480 = arith.sitofp %iota3A_479 : vector<128x512xi32> to vector<128x512xf32>
    %eq3A_481 = vector.broadcast %broadcast_in_dim3A_478 : vector<1x512xf32> to vector<128x512xf32>
    %eq3A_482 = arith.cmpf oeq, %add3A_475, %eq3A_481 : vector<128x512xf32>
    %jit3A_483 = arith.constant 1.280000e+02 : f32
    %broadcast_in_dim3A_484 = vector.broadcast %jit3A_483 : f32 to vector<128x512xf32>
    %select_n3A_485 = arith.select %eq3A_482, %convert_element_type3A_480, %broadcast_in_dim3A_484 : vector<128x512xi1>, vector<128x512xf32>
    %reduce_min3A_486 = arith.constant dense<0x7F800000> : vector<512xf32>
    %reduce_min3A_487 = vector.multi_reduction <minimumf>, %select_n3A_485, %reduce_min3A_486 [0] : vector<128x512xf32> to vector<512xf32>
    %broadcast_in_dim3A_488 = vector.shape_cast %reduce_min3A_487 : vector<512xf32> to vector<1x512xf32>
    %add3A_489 = arith.constant 5.120000e+02 : f32
    %add3A_490 = vector.broadcast %add3A_489 : f32 to vector<1x512xf32>
    %add3A_491 = arith.addf %broadcast_in_dim3A_488, %add3A_490 : vector<1x512xf32>
    %lt3A_492 = arith.cmpf olt, %broadcast_in_dim3A_478, %select_n3A_379 : vector<1x512xf32>
    %select_n3A_493 = arith.select %lt3A_492, %broadcast_in_dim3A_478, %select_n3A_379 : vector<1x512xi1>, vector<1x512xf32>
    %select_n3A_494 = arith.select %lt3A_492, %add3A_491, %select_n3A_380 : vector<1x512xi1>, vector<1x512xf32>
    %get3A_495 = arith.constant 512 : index
    %get3A_496 = arith.constant 0 : index
    %get3A_497 = vector.load %arg1[%get3A_495, %get3A_496] : memref<2048x32xf32, #tpu.memory_space<vmem>>, vector<512x32xf32>
    %dot_general3A_498 = arith.constant dense<0.000000e+00> : vector<128x512xf32>
    %dot_general3A_499 = tpu.matmul %mul3A_464, %get3A_497, %dot_general3A_498 {dimension_numbers = #tpu.dot_dimension_numbers<[1], [1], [0], [0], [0, 0, 1, 0], [], []>, transpose_lhs_hint = false} : vector<128x32xf32>, vector<512x32xf32>, vector<128x512xf32> -> vector<128x512xf32>
    %add3A_500 = vector.broadcast %broadcast_in_dim3A_468 : vector<128x1xf32> to vector<128x512xf32>
    %add3A_501 = arith.addf %add3A_500, %dot_general3A_499 : vector<128x512xf32>
    %reduce_min3A_502 = arith.constant dense<0x7F800000> : vector<512xf32>
    %reduce_min3A_503 = vector.multi_reduction <minimumf>, %add3A_501, %reduce_min3A_502 [0] : vector<128x512xf32> to vector<512xf32>
    %broadcast_in_dim3A_504 = vector.shape_cast %reduce_min3A_503 : vector<512xf32> to vector<1x512xf32>
    %iota3A_505 = tpu.iota {dimensions = array<i32: 0>} : vector<128x512xi32>
    %convert_element_type3A_506 = arith.sitofp %iota3A_505 : vector<128x512xi32> to vector<128x512xf32>
    %eq3A_507 = vector.broadcast %broadcast_in_dim3A_504 : vector<1x512xf32> to vector<128x512xf32>
    %eq3A_508 = arith.cmpf oeq, %add3A_501, %eq3A_507 : vector<128x512xf32>
    %jit3A_509 = arith.constant 1.280000e+02 : f32
    %broadcast_in_dim3A_510 = vector.broadcast %jit3A_509 : f32 to vector<128x512xf32>
    %select_n3A_511 = arith.select %eq3A_508, %convert_element_type3A_506, %broadcast_in_dim3A_510 : vector<128x512xi1>, vector<128x512xf32>
    %reduce_min3A_512 = arith.constant dense<0x7F800000> : vector<512xf32>
    %reduce_min3A_513 = vector.multi_reduction <minimumf>, %select_n3A_511, %reduce_min3A_512 [0] : vector<128x512xf32> to vector<512xf32>
    %broadcast_in_dim3A_514 = vector.shape_cast %reduce_min3A_513 : vector<512xf32> to vector<1x512xf32>
    %add3A_515 = arith.constant 5.120000e+02 : f32
    %add3A_516 = vector.broadcast %add3A_515 : f32 to vector<1x512xf32>
    %add3A_517 = arith.addf %broadcast_in_dim3A_514, %add3A_516 : vector<1x512xf32>
    %lt3A_518 = arith.cmpf olt, %broadcast_in_dim3A_504, %select_n3A_405 : vector<1x512xf32>
    %select_n3A_519 = arith.select %lt3A_518, %broadcast_in_dim3A_504, %select_n3A_405 : vector<1x512xi1>, vector<1x512xf32>
    %select_n3A_520 = arith.select %lt3A_518, %add3A_517, %select_n3A_406 : vector<1x512xi1>, vector<1x512xf32>
    %get3A_521 = arith.constant 1024 : index
    %get3A_522 = arith.constant 0 : index
    %get3A_523 = vector.load %arg1[%get3A_521, %get3A_522] : memref<2048x32xf32, #tpu.memory_space<vmem>>, vector<512x32xf32>
    %dot_general3A_524 = arith.constant dense<0.000000e+00> : vector<128x512xf32>
    %dot_general3A_525 = tpu.matmul %mul3A_464, %get3A_523, %dot_general3A_524 {dimension_numbers = #tpu.dot_dimension_numbers<[1], [1], [0], [0], [0, 0, 1, 0], [], []>, transpose_lhs_hint = false} : vector<128x32xf32>, vector<512x32xf32>, vector<128x512xf32> -> vector<128x512xf32>
    %add3A_526 = vector.broadcast %broadcast_in_dim3A_468 : vector<128x1xf32> to vector<128x512xf32>
    %add3A_527 = arith.addf %add3A_526, %dot_general3A_525 : vector<128x512xf32>
    %reduce_min3A_528 = arith.constant dense<0x7F800000> : vector<512xf32>
    %reduce_min3A_529 = vector.multi_reduction <minimumf>, %add3A_527, %reduce_min3A_528 [0] : vector<128x512xf32> to vector<512xf32>
    %broadcast_in_dim3A_530 = vector.shape_cast %reduce_min3A_529 : vector<512xf32> to vector<1x512xf32>
    %iota3A_531 = tpu.iota {dimensions = array<i32: 0>} : vector<128x512xi32>
    %convert_element_type3A_532 = arith.sitofp %iota3A_531 : vector<128x512xi32> to vector<128x512xf32>
    %eq3A_533 = vector.broadcast %broadcast_in_dim3A_530 : vector<1x512xf32> to vector<128x512xf32>
    %eq3A_534 = arith.cmpf oeq, %add3A_527, %eq3A_533 : vector<128x512xf32>
    %jit3A_535 = arith.constant 1.280000e+02 : f32
    %broadcast_in_dim3A_536 = vector.broadcast %jit3A_535 : f32 to vector<128x512xf32>
    %select_n3A_537 = arith.select %eq3A_534, %convert_element_type3A_532, %broadcast_in_dim3A_536 : vector<128x512xi1>, vector<128x512xf32>
    %reduce_min3A_538 = arith.constant dense<0x7F800000> : vector<512xf32>
    %reduce_min3A_539 = vector.multi_reduction <minimumf>, %select_n3A_537, %reduce_min3A_538 [0] : vector<128x512xf32> to vector<512xf32>
    %broadcast_in_dim3A_540 = vector.shape_cast %reduce_min3A_539 : vector<512xf32> to vector<1x512xf32>
    %add3A_541 = arith.constant 5.120000e+02 : f32
    %add3A_542 = vector.broadcast %add3A_541 : f32 to vector<1x512xf32>
    %add3A_543 = arith.addf %broadcast_in_dim3A_540, %add3A_542 : vector<1x512xf32>
    %lt3A_544 = arith.cmpf olt, %broadcast_in_dim3A_530, %select_n3A_431 : vector<1x512xf32>
    %select_n3A_545 = arith.select %lt3A_544, %broadcast_in_dim3A_530, %select_n3A_431 : vector<1x512xi1>, vector<1x512xf32>
    %select_n3A_546 = arith.select %lt3A_544, %add3A_543, %select_n3A_432 : vector<1x512xi1>, vector<1x512xf32>
    %get3A_547 = arith.constant 1536 : index
    %get3A_548 = arith.constant 0 : index
    %get3A_549 = vector.load %arg1[%get3A_547, %get3A_548] : memref<2048x32xf32, #tpu.memory_space<vmem>>, vector<512x32xf32>
    %dot_general3A_550 = arith.constant dense<0.000000e+00> : vector<128x512xf32>
    %dot_general3A_551 = tpu.matmul %mul3A_464, %get3A_549, %dot_general3A_550 {dimension_numbers = #tpu.dot_dimension_numbers<[1], [1], [0], [0], [0, 0, 1, 0], [], []>, transpose_lhs_hint = false} : vector<128x32xf32>, vector<512x32xf32>, vector<128x512xf32> -> vector<128x512xf32>
    %add3A_552 = vector.broadcast %broadcast_in_dim3A_468 : vector<128x1xf32> to vector<128x512xf32>
    %add3A_553 = arith.addf %add3A_552, %dot_general3A_551 : vector<128x512xf32>
    %reduce_min3A_554 = arith.constant dense<0x7F800000> : vector<512xf32>
    %reduce_min3A_555 = vector.multi_reduction <minimumf>, %add3A_553, %reduce_min3A_554 [0] : vector<128x512xf32> to vector<512xf32>
    %broadcast_in_dim3A_556 = vector.shape_cast %reduce_min3A_555 : vector<512xf32> to vector<1x512xf32>
    %iota3A_557 = tpu.iota {dimensions = array<i32: 0>} : vector<128x512xi32>
    %convert_element_type3A_558 = arith.sitofp %iota3A_557 : vector<128x512xi32> to vector<128x512xf32>
    %eq3A_559 = vector.broadcast %broadcast_in_dim3A_556 : vector<1x512xf32> to vector<128x512xf32>
    %eq3A_560 = arith.cmpf oeq, %add3A_553, %eq3A_559 : vector<128x512xf32>
    %jit3A_561 = arith.constant 1.280000e+02 : f32
    %broadcast_in_dim3A_562 = vector.broadcast %jit3A_561 : f32 to vector<128x512xf32>
    %select_n3A_563 = arith.select %eq3A_560, %convert_element_type3A_558, %broadcast_in_dim3A_562 : vector<128x512xi1>, vector<128x512xf32>
    %reduce_min3A_564 = arith.constant dense<0x7F800000> : vector<512xf32>
    %reduce_min3A_565 = vector.multi_reduction <minimumf>, %select_n3A_563, %reduce_min3A_564 [0] : vector<128x512xf32> to vector<512xf32>
    %broadcast_in_dim3A_566 = vector.shape_cast %reduce_min3A_565 : vector<512xf32> to vector<1x512xf32>
    %add3A_567 = arith.constant 5.120000e+02 : f32
    %add3A_568 = vector.broadcast %add3A_567 : f32 to vector<1x512xf32>
    %add3A_569 = arith.addf %broadcast_in_dim3A_566, %add3A_568 : vector<1x512xf32>
    %lt3A_570 = arith.cmpf olt, %broadcast_in_dim3A_556, %select_n3A_457 : vector<1x512xf32>
    %select_n3A_571 = arith.select %lt3A_570, %broadcast_in_dim3A_556, %select_n3A_457 : vector<1x512xi1>, vector<1x512xf32>
    %select_n3A_572 = arith.select %lt3A_570, %add3A_569, %select_n3A_458 : vector<1x512xi1>, vector<1x512xf32>
    %get3A_573 = arith.constant 640 : index
    %get3A_574 = arith.constant 0 : index
    %get3A_575 = vector.load %arg2[%get3A_573, %get3A_574] : memref<1024x32xf32, #tpu.memory_space<vmem>>, vector<128x32xf32>
    %mul3A_576 = arith.constant -2.000000e+00 : f32
    %mul3A_577 = vector.broadcast %mul3A_576 : f32 to vector<128x32xf32>
    %mul3A_578 = arith.mulf %get3A_575, %mul3A_577 : vector<128x32xf32>
    %mul3A_579 = arith.mulf %get3A_575, %get3A_575 : vector<128x32xf32>
    %reduce_sum3A_580 = arith.constant dense<0.000000e+00> : vector<128xf32>
    %reduce_sum3A_581 = vector.multi_reduction <add>, %mul3A_579, %reduce_sum3A_580 [1] : vector<128x32xf32> to vector<128xf32>
    %broadcast_in_dim3A_582 = vector.shape_cast %reduce_sum3A_581 : vector<128xf32> to vector<128x1xf32>
    %get3A_583 = arith.constant 0 : index
    %get3A_584 = arith.constant 0 : index
    %get3A_585 = vector.load %arg1[%get3A_583, %get3A_584] : memref<2048x32xf32, #tpu.memory_space<vmem>>, vector<512x32xf32>
    %dot_general3A_586 = arith.constant dense<0.000000e+00> : vector<128x512xf32>
    %dot_general3A_587 = tpu.matmul %mul3A_578, %get3A_585, %dot_general3A_586 {dimension_numbers = #tpu.dot_dimension_numbers<[1], [1], [0], [0], [0, 0, 1, 0], [], []>, transpose_lhs_hint = false} : vector<128x32xf32>, vector<512x32xf32>, vector<128x512xf32> -> vector<128x512xf32>
    %add3A_588 = vector.broadcast %broadcast_in_dim3A_582 : vector<128x1xf32> to vector<128x512xf32>
    %add3A_589 = arith.addf %add3A_588, %dot_general3A_587 : vector<128x512xf32>
    %reduce_min3A_590 = arith.constant dense<0x7F800000> : vector<512xf32>
    %reduce_min3A_591 = vector.multi_reduction <minimumf>, %add3A_589, %reduce_min3A_590 [0] : vector<128x512xf32> to vector<512xf32>
    %broadcast_in_dim3A_592 = vector.shape_cast %reduce_min3A_591 : vector<512xf32> to vector<1x512xf32>
    %iota3A_593 = tpu.iota {dimensions = array<i32: 0>} : vector<128x512xi32>
    %convert_element_type3A_594 = arith.sitofp %iota3A_593 : vector<128x512xi32> to vector<128x512xf32>
    %eq3A_595 = vector.broadcast %broadcast_in_dim3A_592 : vector<1x512xf32> to vector<128x512xf32>
    %eq3A_596 = arith.cmpf oeq, %add3A_589, %eq3A_595 : vector<128x512xf32>
    %jit3A_597 = arith.constant 1.280000e+02 : f32
    %broadcast_in_dim3A_598 = vector.broadcast %jit3A_597 : f32 to vector<128x512xf32>
    %select_n3A_599 = arith.select %eq3A_596, %convert_element_type3A_594, %broadcast_in_dim3A_598 : vector<128x512xi1>, vector<128x512xf32>
    %reduce_min3A_600 = arith.constant dense<0x7F800000> : vector<512xf32>
    %reduce_min3A_601 = vector.multi_reduction <minimumf>, %select_n3A_599, %reduce_min3A_600 [0] : vector<128x512xf32> to vector<512xf32>
    %broadcast_in_dim3A_602 = vector.shape_cast %reduce_min3A_601 : vector<512xf32> to vector<1x512xf32>
    %add3A_603 = arith.constant 6.400000e+02 : f32
    %add3A_604 = vector.broadcast %add3A_603 : f32 to vector<1x512xf32>
    %add3A_605 = arith.addf %broadcast_in_dim3A_602, %add3A_604 : vector<1x512xf32>
    %lt3A_606 = arith.cmpf olt, %broadcast_in_dim3A_592, %select_n3A_493 : vector<1x512xf32>
    %select_n3A_607 = arith.select %lt3A_606, %broadcast_in_dim3A_592, %select_n3A_493 : vector<1x512xi1>, vector<1x512xf32>
    %select_n3A_608 = arith.select %lt3A_606, %add3A_605, %select_n3A_494 : vector<1x512xi1>, vector<1x512xf32>
    %get3A_609 = arith.constant 512 : index
    %get3A_610 = arith.constant 0 : index
    %get3A_611 = vector.load %arg1[%get3A_609, %get3A_610] : memref<2048x32xf32, #tpu.memory_space<vmem>>, vector<512x32xf32>
    %dot_general3A_612 = arith.constant dense<0.000000e+00> : vector<128x512xf32>
    %dot_general3A_613 = tpu.matmul %mul3A_578, %get3A_611, %dot_general3A_612 {dimension_numbers = #tpu.dot_dimension_numbers<[1], [1], [0], [0], [0, 0, 1, 0], [], []>, transpose_lhs_hint = false} : vector<128x32xf32>, vector<512x32xf32>, vector<128x512xf32> -> vector<128x512xf32>
    %add3A_614 = vector.broadcast %broadcast_in_dim3A_582 : vector<128x1xf32> to vector<128x512xf32>
    %add3A_615 = arith.addf %add3A_614, %dot_general3A_613 : vector<128x512xf32>
    %reduce_min3A_616 = arith.constant dense<0x7F800000> : vector<512xf32>
    %reduce_min3A_617 = vector.multi_reduction <minimumf>, %add3A_615, %reduce_min3A_616 [0] : vector<128x512xf32> to vector<512xf32>
    %broadcast_in_dim3A_618 = vector.shape_cast %reduce_min3A_617 : vector<512xf32> to vector<1x512xf32>
    %iota3A_619 = tpu.iota {dimensions = array<i32: 0>} : vector<128x512xi32>
    %convert_element_type3A_620 = arith.sitofp %iota3A_619 : vector<128x512xi32> to vector<128x512xf32>
    %eq3A_621 = vector.broadcast %broadcast_in_dim3A_618 : vector<1x512xf32> to vector<128x512xf32>
    %eq3A_622 = arith.cmpf oeq, %add3A_615, %eq3A_621 : vector<128x512xf32>
    %jit3A_623 = arith.constant 1.280000e+02 : f32
    %broadcast_in_dim3A_624 = vector.broadcast %jit3A_623 : f32 to vector<128x512xf32>
    %select_n3A_625 = arith.select %eq3A_622, %convert_element_type3A_620, %broadcast_in_dim3A_624 : vector<128x512xi1>, vector<128x512xf32>
    %reduce_min3A_626 = arith.constant dense<0x7F800000> : vector<512xf32>
    %reduce_min3A_627 = vector.multi_reduction <minimumf>, %select_n3A_625, %reduce_min3A_626 [0] : vector<128x512xf32> to vector<512xf32>
    %broadcast_in_dim3A_628 = vector.shape_cast %reduce_min3A_627 : vector<512xf32> to vector<1x512xf32>
    %add3A_629 = arith.constant 6.400000e+02 : f32
    %add3A_630 = vector.broadcast %add3A_629 : f32 to vector<1x512xf32>
    %add3A_631 = arith.addf %broadcast_in_dim3A_628, %add3A_630 : vector<1x512xf32>
    %lt3A_632 = arith.cmpf olt, %broadcast_in_dim3A_618, %select_n3A_519 : vector<1x512xf32>
    %select_n3A_633 = arith.select %lt3A_632, %broadcast_in_dim3A_618, %select_n3A_519 : vector<1x512xi1>, vector<1x512xf32>
    %select_n3A_634 = arith.select %lt3A_632, %add3A_631, %select_n3A_520 : vector<1x512xi1>, vector<1x512xf32>
    %get3A_635 = arith.constant 1024 : index
    %get3A_636 = arith.constant 0 : index
    %get3A_637 = vector.load %arg1[%get3A_635, %get3A_636] : memref<2048x32xf32, #tpu.memory_space<vmem>>, vector<512x32xf32>
    %dot_general3A_638 = arith.constant dense<0.000000e+00> : vector<128x512xf32>
    %dot_general3A_639 = tpu.matmul %mul3A_578, %get3A_637, %dot_general3A_638 {dimension_numbers = #tpu.dot_dimension_numbers<[1], [1], [0], [0], [0, 0, 1, 0], [], []>, transpose_lhs_hint = false} : vector<128x32xf32>, vector<512x32xf32>, vector<128x512xf32> -> vector<128x512xf32>
    %add3A_640 = vector.broadcast %broadcast_in_dim3A_582 : vector<128x1xf32> to vector<128x512xf32>
    %add3A_641 = arith.addf %add3A_640, %dot_general3A_639 : vector<128x512xf32>
    %reduce_min3A_642 = arith.constant dense<0x7F800000> : vector<512xf32>
    %reduce_min3A_643 = vector.multi_reduction <minimumf>, %add3A_641, %reduce_min3A_642 [0] : vector<128x512xf32> to vector<512xf32>
    %broadcast_in_dim3A_644 = vector.shape_cast %reduce_min3A_643 : vector<512xf32> to vector<1x512xf32>
    %iota3A_645 = tpu.iota {dimensions = array<i32: 0>} : vector<128x512xi32>
    %convert_element_type3A_646 = arith.sitofp %iota3A_645 : vector<128x512xi32> to vector<128x512xf32>
    %eq3A_647 = vector.broadcast %broadcast_in_dim3A_644 : vector<1x512xf32> to vector<128x512xf32>
    %eq3A_648 = arith.cmpf oeq, %add3A_641, %eq3A_647 : vector<128x512xf32>
    %jit3A_649 = arith.constant 1.280000e+02 : f32
    %broadcast_in_dim3A_650 = vector.broadcast %jit3A_649 : f32 to vector<128x512xf32>
    %select_n3A_651 = arith.select %eq3A_648, %convert_element_type3A_646, %broadcast_in_dim3A_650 : vector<128x512xi1>, vector<128x512xf32>
    %reduce_min3A_652 = arith.constant dense<0x7F800000> : vector<512xf32>
    %reduce_min3A_653 = vector.multi_reduction <minimumf>, %select_n3A_651, %reduce_min3A_652 [0] : vector<128x512xf32> to vector<512xf32>
    %broadcast_in_dim3A_654 = vector.shape_cast %reduce_min3A_653 : vector<512xf32> to vector<1x512xf32>
    %add3A_655 = arith.constant 6.400000e+02 : f32
    %add3A_656 = vector.broadcast %add3A_655 : f32 to vector<1x512xf32>
    %add3A_657 = arith.addf %broadcast_in_dim3A_654, %add3A_656 : vector<1x512xf32>
    %lt3A_658 = arith.cmpf olt, %broadcast_in_dim3A_644, %select_n3A_545 : vector<1x512xf32>
    %select_n3A_659 = arith.select %lt3A_658, %broadcast_in_dim3A_644, %select_n3A_545 : vector<1x512xi1>, vector<1x512xf32>
    %select_n3A_660 = arith.select %lt3A_658, %add3A_657, %select_n3A_546 : vector<1x512xi1>, vector<1x512xf32>
    %get3A_661 = arith.constant 1536 : index
    %get3A_662 = arith.constant 0 : index
    %get3A_663 = vector.load %arg1[%get3A_661, %get3A_662] : memref<2048x32xf32, #tpu.memory_space<vmem>>, vector<512x32xf32>
    %dot_general3A_664 = arith.constant dense<0.000000e+00> : vector<128x512xf32>
    %dot_general3A_665 = tpu.matmul %mul3A_578, %get3A_663, %dot_general3A_664 {dimension_numbers = #tpu.dot_dimension_numbers<[1], [1], [0], [0], [0, 0, 1, 0], [], []>, transpose_lhs_hint = false} : vector<128x32xf32>, vector<512x32xf32>, vector<128x512xf32> -> vector<128x512xf32>
    %add3A_666 = vector.broadcast %broadcast_in_dim3A_582 : vector<128x1xf32> to vector<128x512xf32>
    %add3A_667 = arith.addf %add3A_666, %dot_general3A_665 : vector<128x512xf32>
    %reduce_min3A_668 = arith.constant dense<0x7F800000> : vector<512xf32>
    %reduce_min3A_669 = vector.multi_reduction <minimumf>, %add3A_667, %reduce_min3A_668 [0] : vector<128x512xf32> to vector<512xf32>
    %broadcast_in_dim3A_670 = vector.shape_cast %reduce_min3A_669 : vector<512xf32> to vector<1x512xf32>
    %iota3A_671 = tpu.iota {dimensions = array<i32: 0>} : vector<128x512xi32>
    %convert_element_type3A_672 = arith.sitofp %iota3A_671 : vector<128x512xi32> to vector<128x512xf32>
    %eq3A_673 = vector.broadcast %broadcast_in_dim3A_670 : vector<1x512xf32> to vector<128x512xf32>
    %eq3A_674 = arith.cmpf oeq, %add3A_667, %eq3A_673 : vector<128x512xf32>
    %jit3A_675 = arith.constant 1.280000e+02 : f32
    %broadcast_in_dim3A_676 = vector.broadcast %jit3A_675 : f32 to vector<128x512xf32>
    %select_n3A_677 = arith.select %eq3A_674, %convert_element_type3A_672, %broadcast_in_dim3A_676 : vector<128x512xi1>, vector<128x512xf32>
    %reduce_min3A_678 = arith.constant dense<0x7F800000> : vector<512xf32>
    %reduce_min3A_679 = vector.multi_reduction <minimumf>, %select_n3A_677, %reduce_min3A_678 [0] : vector<128x512xf32> to vector<512xf32>
    %broadcast_in_dim3A_680 = vector.shape_cast %reduce_min3A_679 : vector<512xf32> to vector<1x512xf32>
    %add3A_681 = arith.constant 6.400000e+02 : f32
    %add3A_682 = vector.broadcast %add3A_681 : f32 to vector<1x512xf32>
    %add3A_683 = arith.addf %broadcast_in_dim3A_680, %add3A_682 : vector<1x512xf32>
    %lt3A_684 = arith.cmpf olt, %broadcast_in_dim3A_670, %select_n3A_571 : vector<1x512xf32>
    %select_n3A_685 = arith.select %lt3A_684, %broadcast_in_dim3A_670, %select_n3A_571 : vector<1x512xi1>, vector<1x512xf32>
    %select_n3A_686 = arith.select %lt3A_684, %add3A_683, %select_n3A_572 : vector<1x512xi1>, vector<1x512xf32>
    %get3A_687 = arith.constant 768 : index
    %get3A_688 = arith.constant 0 : index
    %get3A_689 = vector.load %arg2[%get3A_687, %get3A_688] : memref<1024x32xf32, #tpu.memory_space<vmem>>, vector<128x32xf32>
    %mul3A_690 = arith.constant -2.000000e+00 : f32
    %mul3A_691 = vector.broadcast %mul3A_690 : f32 to vector<128x32xf32>
    %mul3A_692 = arith.mulf %get3A_689, %mul3A_691 : vector<128x32xf32>
    %mul3A_693 = arith.mulf %get3A_689, %get3A_689 : vector<128x32xf32>
    %reduce_sum3A_694 = arith.constant dense<0.000000e+00> : vector<128xf32>
    %reduce_sum3A_695 = vector.multi_reduction <add>, %mul3A_693, %reduce_sum3A_694 [1] : vector<128x32xf32> to vector<128xf32>
    %broadcast_in_dim3A_696 = vector.shape_cast %reduce_sum3A_695 : vector<128xf32> to vector<128x1xf32>
    %get3A_697 = arith.constant 0 : index
    %get3A_698 = arith.constant 0 : index
    %get3A_699 = vector.load %arg1[%get3A_697, %get3A_698] : memref<2048x32xf32, #tpu.memory_space<vmem>>, vector<512x32xf32>
    %dot_general3A_700 = arith.constant dense<0.000000e+00> : vector<128x512xf32>
    %dot_general3A_701 = tpu.matmul %mul3A_692, %get3A_699, %dot_general3A_700 {dimension_numbers = #tpu.dot_dimension_numbers<[1], [1], [0], [0], [0, 0, 1, 0], [], []>, transpose_lhs_hint = false} : vector<128x32xf32>, vector<512x32xf32>, vector<128x512xf32> -> vector<128x512xf32>
    %add3A_702 = vector.broadcast %broadcast_in_dim3A_696 : vector<128x1xf32> to vector<128x512xf32>
    %add3A_703 = arith.addf %add3A_702, %dot_general3A_701 : vector<128x512xf32>
    %reduce_min3A_704 = arith.constant dense<0x7F800000> : vector<512xf32>
    %reduce_min3A_705 = vector.multi_reduction <minimumf>, %add3A_703, %reduce_min3A_704 [0] : vector<128x512xf32> to vector<512xf32>
    %broadcast_in_dim3A_706 = vector.shape_cast %reduce_min3A_705 : vector<512xf32> to vector<1x512xf32>
    %iota3A_707 = tpu.iota {dimensions = array<i32: 0>} : vector<128x512xi32>
    %convert_element_type3A_708 = arith.sitofp %iota3A_707 : vector<128x512xi32> to vector<128x512xf32>
    %eq3A_709 = vector.broadcast %broadcast_in_dim3A_706 : vector<1x512xf32> to vector<128x512xf32>
    %eq3A_710 = arith.cmpf oeq, %add3A_703, %eq3A_709 : vector<128x512xf32>
    %jit3A_711 = arith.constant 1.280000e+02 : f32
    %broadcast_in_dim3A_712 = vector.broadcast %jit3A_711 : f32 to vector<128x512xf32>
    %select_n3A_713 = arith.select %eq3A_710, %convert_element_type3A_708, %broadcast_in_dim3A_712 : vector<128x512xi1>, vector<128x512xf32>
    %reduce_min3A_714 = arith.constant dense<0x7F800000> : vector<512xf32>
    %reduce_min3A_715 = vector.multi_reduction <minimumf>, %select_n3A_713, %reduce_min3A_714 [0] : vector<128x512xf32> to vector<512xf32>
    %broadcast_in_dim3A_716 = vector.shape_cast %reduce_min3A_715 : vector<512xf32> to vector<1x512xf32>
    %add3A_717 = arith.constant 7.680000e+02 : f32
    %add3A_718 = vector.broadcast %add3A_717 : f32 to vector<1x512xf32>
    %add3A_719 = arith.addf %broadcast_in_dim3A_716, %add3A_718 : vector<1x512xf32>
    %lt3A_720 = arith.cmpf olt, %broadcast_in_dim3A_706, %select_n3A_607 : vector<1x512xf32>
    %select_n3A_721 = arith.select %lt3A_720, %broadcast_in_dim3A_706, %select_n3A_607 : vector<1x512xi1>, vector<1x512xf32>
    %select_n3A_722 = arith.select %lt3A_720, %add3A_719, %select_n3A_608 : vector<1x512xi1>, vector<1x512xf32>
    %get3A_723 = arith.constant 512 : index
    %get3A_724 = arith.constant 0 : index
    %get3A_725 = vector.load %arg1[%get3A_723, %get3A_724] : memref<2048x32xf32, #tpu.memory_space<vmem>>, vector<512x32xf32>
    %dot_general3A_726 = arith.constant dense<0.000000e+00> : vector<128x512xf32>
    %dot_general3A_727 = tpu.matmul %mul3A_692, %get3A_725, %dot_general3A_726 {dimension_numbers = #tpu.dot_dimension_numbers<[1], [1], [0], [0], [0, 0, 1, 0], [], []>, transpose_lhs_hint = false} : vector<128x32xf32>, vector<512x32xf32>, vector<128x512xf32> -> vector<128x512xf32>
    %add3A_728 = vector.broadcast %broadcast_in_dim3A_696 : vector<128x1xf32> to vector<128x512xf32>
    %add3A_729 = arith.addf %add3A_728, %dot_general3A_727 : vector<128x512xf32>
    %reduce_min3A_730 = arith.constant dense<0x7F800000> : vector<512xf32>
    %reduce_min3A_731 = vector.multi_reduction <minimumf>, %add3A_729, %reduce_min3A_730 [0] : vector<128x512xf32> to vector<512xf32>
    %broadcast_in_dim3A_732 = vector.shape_cast %reduce_min3A_731 : vector<512xf32> to vector<1x512xf32>
    %iota3A_733 = tpu.iota {dimensions = array<i32: 0>} : vector<128x512xi32>
    %convert_element_type3A_734 = arith.sitofp %iota3A_733 : vector<128x512xi32> to vector<128x512xf32>
    %eq3A_735 = vector.broadcast %broadcast_in_dim3A_732 : vector<1x512xf32> to vector<128x512xf32>
    %eq3A_736 = arith.cmpf oeq, %add3A_729, %eq3A_735 : vector<128x512xf32>
    %jit3A_737 = arith.constant 1.280000e+02 : f32
    %broadcast_in_dim3A_738 = vector.broadcast %jit3A_737 : f32 to vector<128x512xf32>
    %select_n3A_739 = arith.select %eq3A_736, %convert_element_type3A_734, %broadcast_in_dim3A_738 : vector<128x512xi1>, vector<128x512xf32>
    %reduce_min3A_740 = arith.constant dense<0x7F800000> : vector<512xf32>
    %reduce_min3A_741 = vector.multi_reduction <minimumf>, %select_n3A_739, %reduce_min3A_740 [0] : vector<128x512xf32> to vector<512xf32>
    %broadcast_in_dim3A_742 = vector.shape_cast %reduce_min3A_741 : vector<512xf32> to vector<1x512xf32>
    %add3A_743 = arith.constant 7.680000e+02 : f32
    %add3A_744 = vector.broadcast %add3A_743 : f32 to vector<1x512xf32>
    %add3A_745 = arith.addf %broadcast_in_dim3A_742, %add3A_744 : vector<1x512xf32>
    %lt3A_746 = arith.cmpf olt, %broadcast_in_dim3A_732, %select_n3A_633 : vector<1x512xf32>
    %select_n3A_747 = arith.select %lt3A_746, %broadcast_in_dim3A_732, %select_n3A_633 : vector<1x512xi1>, vector<1x512xf32>
    %select_n3A_748 = arith.select %lt3A_746, %add3A_745, %select_n3A_634 : vector<1x512xi1>, vector<1x512xf32>
    %get3A_749 = arith.constant 1024 : index
    %get3A_750 = arith.constant 0 : index
    %get3A_751 = vector.load %arg1[%get3A_749, %get3A_750] : memref<2048x32xf32, #tpu.memory_space<vmem>>, vector<512x32xf32>
    %dot_general3A_752 = arith.constant dense<0.000000e+00> : vector<128x512xf32>
    %dot_general3A_753 = tpu.matmul %mul3A_692, %get3A_751, %dot_general3A_752 {dimension_numbers = #tpu.dot_dimension_numbers<[1], [1], [0], [0], [0, 0, 1, 0], [], []>, transpose_lhs_hint = false} : vector<128x32xf32>, vector<512x32xf32>, vector<128x512xf32> -> vector<128x512xf32>
    %add3A_754 = vector.broadcast %broadcast_in_dim3A_696 : vector<128x1xf32> to vector<128x512xf32>
    %add3A_755 = arith.addf %add3A_754, %dot_general3A_753 : vector<128x512xf32>
    %reduce_min3A_756 = arith.constant dense<0x7F800000> : vector<512xf32>
    %reduce_min3A_757 = vector.multi_reduction <minimumf>, %add3A_755, %reduce_min3A_756 [0] : vector<128x512xf32> to vector<512xf32>
    %broadcast_in_dim3A_758 = vector.shape_cast %reduce_min3A_757 : vector<512xf32> to vector<1x512xf32>
    %iota3A_759 = tpu.iota {dimensions = array<i32: 0>} : vector<128x512xi32>
    %convert_element_type3A_760 = arith.sitofp %iota3A_759 : vector<128x512xi32> to vector<128x512xf32>
    %eq3A_761 = vector.broadcast %broadcast_in_dim3A_758 : vector<1x512xf32> to vector<128x512xf32>
    %eq3A_762 = arith.cmpf oeq, %add3A_755, %eq3A_761 : vector<128x512xf32>
    %jit3A_763 = arith.constant 1.280000e+02 : f32
    %broadcast_in_dim3A_764 = vector.broadcast %jit3A_763 : f32 to vector<128x512xf32>
    %select_n3A_765 = arith.select %eq3A_762, %convert_element_type3A_760, %broadcast_in_dim3A_764 : vector<128x512xi1>, vector<128x512xf32>
    %reduce_min3A_766 = arith.constant dense<0x7F800000> : vector<512xf32>
    %reduce_min3A_767 = vector.multi_reduction <minimumf>, %select_n3A_765, %reduce_min3A_766 [0] : vector<128x512xf32> to vector<512xf32>
    %broadcast_in_dim3A_768 = vector.shape_cast %reduce_min3A_767 : vector<512xf32> to vector<1x512xf32>
    %add3A_769 = arith.constant 7.680000e+02 : f32
    %add3A_770 = vector.broadcast %add3A_769 : f32 to vector<1x512xf32>
    %add3A_771 = arith.addf %broadcast_in_dim3A_768, %add3A_770 : vector<1x512xf32>
    %lt3A_772 = arith.cmpf olt, %broadcast_in_dim3A_758, %select_n3A_659 : vector<1x512xf32>
    %select_n3A_773 = arith.select %lt3A_772, %broadcast_in_dim3A_758, %select_n3A_659 : vector<1x512xi1>, vector<1x512xf32>
    %select_n3A_774 = arith.select %lt3A_772, %add3A_771, %select_n3A_660 : vector<1x512xi1>, vector<1x512xf32>
    %get3A_775 = arith.constant 1536 : index
    %get3A_776 = arith.constant 0 : index
    %get3A_777 = vector.load %arg1[%get3A_775, %get3A_776] : memref<2048x32xf32, #tpu.memory_space<vmem>>, vector<512x32xf32>
    %dot_general3A_778 = arith.constant dense<0.000000e+00> : vector<128x512xf32>
    %dot_general3A_779 = tpu.matmul %mul3A_692, %get3A_777, %dot_general3A_778 {dimension_numbers = #tpu.dot_dimension_numbers<[1], [1], [0], [0], [0, 0, 1, 0], [], []>, transpose_lhs_hint = false} : vector<128x32xf32>, vector<512x32xf32>, vector<128x512xf32> -> vector<128x512xf32>
    %add3A_780 = vector.broadcast %broadcast_in_dim3A_696 : vector<128x1xf32> to vector<128x512xf32>
    %add3A_781 = arith.addf %add3A_780, %dot_general3A_779 : vector<128x512xf32>
    %reduce_min3A_782 = arith.constant dense<0x7F800000> : vector<512xf32>
    %reduce_min3A_783 = vector.multi_reduction <minimumf>, %add3A_781, %reduce_min3A_782 [0] : vector<128x512xf32> to vector<512xf32>
    %broadcast_in_dim3A_784 = vector.shape_cast %reduce_min3A_783 : vector<512xf32> to vector<1x512xf32>
    %iota3A_785 = tpu.iota {dimensions = array<i32: 0>} : vector<128x512xi32>
    %convert_element_type3A_786 = arith.sitofp %iota3A_785 : vector<128x512xi32> to vector<128x512xf32>
    %eq3A_787 = vector.broadcast %broadcast_in_dim3A_784 : vector<1x512xf32> to vector<128x512xf32>
    %eq3A_788 = arith.cmpf oeq, %add3A_781, %eq3A_787 : vector<128x512xf32>
    %jit3A_789 = arith.constant 1.280000e+02 : f32
    %broadcast_in_dim3A_790 = vector.broadcast %jit3A_789 : f32 to vector<128x512xf32>
    %select_n3A_791 = arith.select %eq3A_788, %convert_element_type3A_786, %broadcast_in_dim3A_790 : vector<128x512xi1>, vector<128x512xf32>
    %reduce_min3A_792 = arith.constant dense<0x7F800000> : vector<512xf32>
    %reduce_min3A_793 = vector.multi_reduction <minimumf>, %select_n3A_791, %reduce_min3A_792 [0] : vector<128x512xf32> to vector<512xf32>
    %broadcast_in_dim3A_794 = vector.shape_cast %reduce_min3A_793 : vector<512xf32> to vector<1x512xf32>
    %add3A_795 = arith.constant 7.680000e+02 : f32
    %add3A_796 = vector.broadcast %add3A_795 : f32 to vector<1x512xf32>
    %add3A_797 = arith.addf %broadcast_in_dim3A_794, %add3A_796 : vector<1x512xf32>
    %lt3A_798 = arith.cmpf olt, %broadcast_in_dim3A_784, %select_n3A_685 : vector<1x512xf32>
    %select_n3A_799 = arith.select %lt3A_798, %broadcast_in_dim3A_784, %select_n3A_685 : vector<1x512xi1>, vector<1x512xf32>
    %select_n3A_800 = arith.select %lt3A_798, %add3A_797, %select_n3A_686 : vector<1x512xi1>, vector<1x512xf32>
    %get3A_801 = arith.constant 896 : index
    %get3A_802 = arith.constant 0 : index
    %get3A_803 = vector.load %arg2[%get3A_801, %get3A_802] : memref<1024x32xf32, #tpu.memory_space<vmem>>, vector<128x32xf32>
    %mul3A_804 = arith.constant -2.000000e+00 : f32
    %mul3A_805 = vector.broadcast %mul3A_804 : f32 to vector<128x32xf32>
    %mul3A_806 = arith.mulf %get3A_803, %mul3A_805 : vector<128x32xf32>
    %mul3A_807 = arith.mulf %get3A_803, %get3A_803 : vector<128x32xf32>
    %reduce_sum3A_808 = arith.constant dense<0.000000e+00> : vector<128xf32>
    %reduce_sum3A_809 = vector.multi_reduction <add>, %mul3A_807, %reduce_sum3A_808 [1] : vector<128x32xf32> to vector<128xf32>
    %broadcast_in_dim3A_810 = vector.shape_cast %reduce_sum3A_809 : vector<128xf32> to vector<128x1xf32>
    %get3A_811 = arith.constant 0 : index
    %get3A_812 = arith.constant 0 : index
    %get3A_813 = vector.load %arg1[%get3A_811, %get3A_812] : memref<2048x32xf32, #tpu.memory_space<vmem>>, vector<512x32xf32>
    %dot_general3A_814 = arith.constant dense<0.000000e+00> : vector<128x512xf32>
    %dot_general3A_815 = tpu.matmul %mul3A_806, %get3A_813, %dot_general3A_814 {dimension_numbers = #tpu.dot_dimension_numbers<[1], [1], [0], [0], [0, 0, 1, 0], [], []>, transpose_lhs_hint = false} : vector<128x32xf32>, vector<512x32xf32>, vector<128x512xf32> -> vector<128x512xf32>
    %add3A_816 = vector.broadcast %broadcast_in_dim3A_810 : vector<128x1xf32> to vector<128x512xf32>
    %add3A_817 = arith.addf %add3A_816, %dot_general3A_815 : vector<128x512xf32>
    %reduce_min3A_818 = arith.constant dense<0x7F800000> : vector<512xf32>
    %reduce_min3A_819 = vector.multi_reduction <minimumf>, %add3A_817, %reduce_min3A_818 [0] : vector<128x512xf32> to vector<512xf32>
    %broadcast_in_dim3A_820 = vector.shape_cast %reduce_min3A_819 : vector<512xf32> to vector<1x512xf32>
    %iota3A_821 = tpu.iota {dimensions = array<i32: 0>} : vector<128x512xi32>
    %convert_element_type3A_822 = arith.sitofp %iota3A_821 : vector<128x512xi32> to vector<128x512xf32>
    %eq3A_823 = vector.broadcast %broadcast_in_dim3A_820 : vector<1x512xf32> to vector<128x512xf32>
    %eq3A_824 = arith.cmpf oeq, %add3A_817, %eq3A_823 : vector<128x512xf32>
    %jit3A_825 = arith.constant 1.280000e+02 : f32
    %broadcast_in_dim3A_826 = vector.broadcast %jit3A_825 : f32 to vector<128x512xf32>
    %select_n3A_827 = arith.select %eq3A_824, %convert_element_type3A_822, %broadcast_in_dim3A_826 : vector<128x512xi1>, vector<128x512xf32>
    %reduce_min3A_828 = arith.constant dense<0x7F800000> : vector<512xf32>
    %reduce_min3A_829 = vector.multi_reduction <minimumf>, %select_n3A_827, %reduce_min3A_828 [0] : vector<128x512xf32> to vector<512xf32>
    %broadcast_in_dim3A_830 = vector.shape_cast %reduce_min3A_829 : vector<512xf32> to vector<1x512xf32>
    %add3A_831 = arith.constant 8.960000e+02 : f32
    %add3A_832 = vector.broadcast %add3A_831 : f32 to vector<1x512xf32>
    %add3A_833 = arith.addf %broadcast_in_dim3A_830, %add3A_832 : vector<1x512xf32>
    %lt3A_834 = arith.cmpf olt, %broadcast_in_dim3A_820, %select_n3A_721 : vector<1x512xf32>
    %select_n3A_835 = arith.select %lt3A_834, %add3A_833, %select_n3A_722 : vector<1x512xi1>, vector<1x512xf32>
    %get3A_836 = arith.constant 512 : index
    %get3A_837 = arith.constant 0 : index
    %get3A_838 = vector.load %arg1[%get3A_836, %get3A_837] : memref<2048x32xf32, #tpu.memory_space<vmem>>, vector<512x32xf32>
    %dot_general3A_839 = arith.constant dense<0.000000e+00> : vector<128x512xf32>
    %dot_general3A_840 = tpu.matmul %mul3A_806, %get3A_838, %dot_general3A_839 {dimension_numbers = #tpu.dot_dimension_numbers<[1], [1], [0], [0], [0, 0, 1, 0], [], []>, transpose_lhs_hint = false} : vector<128x32xf32>, vector<512x32xf32>, vector<128x512xf32> -> vector<128x512xf32>
    %add3A_841 = vector.broadcast %broadcast_in_dim3A_810 : vector<128x1xf32> to vector<128x512xf32>
    %add3A_842 = arith.addf %add3A_841, %dot_general3A_840 : vector<128x512xf32>
    %reduce_min3A_843 = arith.constant dense<0x7F800000> : vector<512xf32>
    %reduce_min3A_844 = vector.multi_reduction <minimumf>, %add3A_842, %reduce_min3A_843 [0] : vector<128x512xf32> to vector<512xf32>
    %broadcast_in_dim3A_845 = vector.shape_cast %reduce_min3A_844 : vector<512xf32> to vector<1x512xf32>
    %iota3A_846 = tpu.iota {dimensions = array<i32: 0>} : vector<128x512xi32>
    %convert_element_type3A_847 = arith.sitofp %iota3A_846 : vector<128x512xi32> to vector<128x512xf32>
    %eq3A_848 = vector.broadcast %broadcast_in_dim3A_845 : vector<1x512xf32> to vector<128x512xf32>
    %eq3A_849 = arith.cmpf oeq, %add3A_842, %eq3A_848 : vector<128x512xf32>
    %jit3A_850 = arith.constant 1.280000e+02 : f32
    %broadcast_in_dim3A_851 = vector.broadcast %jit3A_850 : f32 to vector<128x512xf32>
    %select_n3A_852 = arith.select %eq3A_849, %convert_element_type3A_847, %broadcast_in_dim3A_851 : vector<128x512xi1>, vector<128x512xf32>
    %reduce_min3A_853 = arith.constant dense<0x7F800000> : vector<512xf32>
    %reduce_min3A_854 = vector.multi_reduction <minimumf>, %select_n3A_852, %reduce_min3A_853 [0] : vector<128x512xf32> to vector<512xf32>
    %broadcast_in_dim3A_855 = vector.shape_cast %reduce_min3A_854 : vector<512xf32> to vector<1x512xf32>
    %add3A_856 = arith.constant 8.960000e+02 : f32
    %add3A_857 = vector.broadcast %add3A_856 : f32 to vector<1x512xf32>
    %add3A_858 = arith.addf %broadcast_in_dim3A_855, %add3A_857 : vector<1x512xf32>
    %lt3A_859 = arith.cmpf olt, %broadcast_in_dim3A_845, %select_n3A_747 : vector<1x512xf32>
    %select_n3A_860 = arith.select %lt3A_859, %add3A_858, %select_n3A_748 : vector<1x512xi1>, vector<1x512xf32>
    %get3A_861 = arith.constant 1024 : index
    %get3A_862 = arith.constant 0 : index
    %get3A_863 = vector.load %arg1[%get3A_861, %get3A_862] : memref<2048x32xf32, #tpu.memory_space<vmem>>, vector<512x32xf32>
    %dot_general3A_864 = arith.constant dense<0.000000e+00> : vector<128x512xf32>
    %dot_general3A_865 = tpu.matmul %mul3A_806, %get3A_863, %dot_general3A_864 {dimension_numbers = #tpu.dot_dimension_numbers<[1], [1], [0], [0], [0, 0, 1, 0], [], []>, transpose_lhs_hint = false} : vector<128x32xf32>, vector<512x32xf32>, vector<128x512xf32> -> vector<128x512xf32>
    %add3A_866 = vector.broadcast %broadcast_in_dim3A_810 : vector<128x1xf32> to vector<128x512xf32>
    %add3A_867 = arith.addf %add3A_866, %dot_general3A_865 : vector<128x512xf32>
    %reduce_min3A_868 = arith.constant dense<0x7F800000> : vector<512xf32>
    %reduce_min3A_869 = vector.multi_reduction <minimumf>, %add3A_867, %reduce_min3A_868 [0] : vector<128x512xf32> to vector<512xf32>
    %broadcast_in_dim3A_870 = vector.shape_cast %reduce_min3A_869 : vector<512xf32> to vector<1x512xf32>
    %iota3A_871 = tpu.iota {dimensions = array<i32: 0>} : vector<128x512xi32>
    %convert_element_type3A_872 = arith.sitofp %iota3A_871 : vector<128x512xi32> to vector<128x512xf32>
    %eq3A_873 = vector.broadcast %broadcast_in_dim3A_870 : vector<1x512xf32> to vector<128x512xf32>
    %eq3A_874 = arith.cmpf oeq, %add3A_867, %eq3A_873 : vector<128x512xf32>
    %jit3A_875 = arith.constant 1.280000e+02 : f32
    %broadcast_in_dim3A_876 = vector.broadcast %jit3A_875 : f32 to vector<128x512xf32>
    %select_n3A_877 = arith.select %eq3A_874, %convert_element_type3A_872, %broadcast_in_dim3A_876 : vector<128x512xi1>, vector<128x512xf32>
    %reduce_min3A_878 = arith.constant dense<0x7F800000> : vector<512xf32>
    %reduce_min3A_879 = vector.multi_reduction <minimumf>, %select_n3A_877, %reduce_min3A_878 [0] : vector<128x512xf32> to vector<512xf32>
    %broadcast_in_dim3A_880 = vector.shape_cast %reduce_min3A_879 : vector<512xf32> to vector<1x512xf32>
    %add3A_881 = arith.constant 8.960000e+02 : f32
    %add3A_882 = vector.broadcast %add3A_881 : f32 to vector<1x512xf32>
    %add3A_883 = arith.addf %broadcast_in_dim3A_880, %add3A_882 : vector<1x512xf32>
    %lt3A_884 = arith.cmpf olt, %broadcast_in_dim3A_870, %select_n3A_773 : vector<1x512xf32>
    %select_n3A_885 = arith.select %lt3A_884, %add3A_883, %select_n3A_774 : vector<1x512xi1>, vector<1x512xf32>
    %get3A_886 = arith.constant 1536 : index
    %get3A_887 = arith.constant 0 : index
    %get3A_888 = vector.load %arg1[%get3A_886, %get3A_887] : memref<2048x32xf32, #tpu.memory_space<vmem>>, vector<512x32xf32>
    %dot_general3A_889 = arith.constant dense<0.000000e+00> : vector<128x512xf32>
    %dot_general3A_890 = tpu.matmul %mul3A_806, %get3A_888, %dot_general3A_889 {dimension_numbers = #tpu.dot_dimension_numbers<[1], [1], [0], [0], [0, 0, 1, 0], [], []>, transpose_lhs_hint = false} : vector<128x32xf32>, vector<512x32xf32>, vector<128x512xf32> -> vector<128x512xf32>
    %add3A_891 = vector.broadcast %broadcast_in_dim3A_810 : vector<128x1xf32> to vector<128x512xf32>
    %add3A_892 = arith.addf %add3A_891, %dot_general3A_890 : vector<128x512xf32>
    %reduce_min3A_893 = arith.constant dense<0x7F800000> : vector<512xf32>
    %reduce_min3A_894 = vector.multi_reduction <minimumf>, %add3A_892, %reduce_min3A_893 [0] : vector<128x512xf32> to vector<512xf32>
    %broadcast_in_dim3A_895 = vector.shape_cast %reduce_min3A_894 : vector<512xf32> to vector<1x512xf32>
    %iota3A_896 = tpu.iota {dimensions = array<i32: 0>} : vector<128x512xi32>
    %convert_element_type3A_897 = arith.sitofp %iota3A_896 : vector<128x512xi32> to vector<128x512xf32>
    %eq3A_898 = vector.broadcast %broadcast_in_dim3A_895 : vector<1x512xf32> to vector<128x512xf32>
    %eq3A_899 = arith.cmpf oeq, %add3A_892, %eq3A_898 : vector<128x512xf32>
    %jit3A_900 = arith.constant 1.280000e+02 : f32
    %broadcast_in_dim3A_901 = vector.broadcast %jit3A_900 : f32 to vector<128x512xf32>
    %select_n3A_902 = arith.select %eq3A_899, %convert_element_type3A_897, %broadcast_in_dim3A_901 : vector<128x512xi1>, vector<128x512xf32>
    %reduce_min3A_903 = arith.constant dense<0x7F800000> : vector<512xf32>
    %reduce_min3A_904 = vector.multi_reduction <minimumf>, %select_n3A_902, %reduce_min3A_903 [0] : vector<128x512xf32> to vector<512xf32>
    %broadcast_in_dim3A_905 = vector.shape_cast %reduce_min3A_904 : vector<512xf32> to vector<1x512xf32>
    %add3A_906 = arith.constant 8.960000e+02 : f32
    %add3A_907 = vector.broadcast %add3A_906 : f32 to vector<1x512xf32>
    %add3A_908 = arith.addf %broadcast_in_dim3A_905, %add3A_907 : vector<1x512xf32>
    %lt3A_909 = arith.cmpf olt, %broadcast_in_dim3A_895, %select_n3A_799 : vector<1x512xf32>
    %select_n3A_910 = arith.select %lt3A_909, %add3A_908, %select_n3A_800 : vector<1x512xi1>, vector<1x512xf32>
    %reshape3A = vector.shape_cast %select_n3A_835 : vector<1x512xf32> to vector<512xf32>
    %convert_element_type3A_911 = arith.fptosi %reshape3A : vector<512xf32> to vector<512xi32>
    %swap3A = arith.constant 0 : index
    %swap3A_912 = vector.load %arg3[%swap3A] : memref<2048xi32, #tpu.memory_space<vmem>>, vector<512xi32>
    tpu.vector_store %arg3[%swap3A], %convert_element_type3A_911 {strides = array<i32>} : memref<2048xi32, #tpu.memory_space<vmem>>, vector<512xi32>,
    %reshape3A_913 = vector.shape_cast %select_n3A_860 : vector<1x512xf32> to vector<512xf32>
    %convert_element_type3A_914 = arith.fptosi %reshape3A_913 : vector<512xf32> to vector<512xi32>
    %swap3A_915 = arith.constant 512 : index
    %swap3A_916 = vector.load %arg3[%swap3A_915] : memref<2048xi32, #tpu.memory_space<vmem>>, vector<512xi32>
    tpu.vector_store %arg3[%swap3A_915], %convert_element_type3A_914 {strides = array<i32>} : memref<2048xi32, #tpu.memory_space<vmem>>, vector<512xi32>,
    %reshape3A_917 = vector.shape_cast %select_n3A_885 : vector<1x512xf32> to vector<512xf32>
    %convert_element_type3A_918 = arith.fptosi %reshape3A_917 : vector<512xf32> to vector<512xi32>
    %swap3A_919 = arith.constant 1024 : index
    %swap3A_920 = vector.load %arg3[%swap3A_919] : memref<2048xi32, #tpu.memory_space<vmem>>, vector<512xi32>
    tpu.vector_store %arg3[%swap3A_919], %convert_element_type3A_918 {strides = array<i32>} : memref<2048xi32, #tpu.memory_space<vmem>>, vector<512xi32>,
    %reshape3A_921 = vector.shape_cast %select_n3A_910 : vector<1x512xf32> to vector<512xf32>
    %convert_element_type3A_922 = arith.fptosi %reshape3A_921 : vector<512xf32> to vector<512xi32>
    %swap3A_923 = arith.constant 1536 : index
    %swap3A_924 = vector.load %arg3[%swap3A_923] : memref<2048xi32, #tpu.memory_space<vmem>>, vector<512xi32>
    tpu.vector_store %arg3[%swap3A_923], %convert_element_type3A_922 {strides = array<i32>} : memref<2048xi32, #tpu.memory_space<vmem>>, vector<512xi32>,
    return
  }
  func.func @transform_0(%arg0: i32) -> (i32, i32) {
    %add3A = arith.constant 24 : i32
    %add3A_0 = arith.addi %arg0, %add3A : i32
    %c0_i32 = arith.constant 0 : i32
    %c0_i32_1 = arith.constant 0 : i32
    return %add3A_0, %c0_i32 : i32, i32
  }
  func.func @transform_1(%arg0: i32) -> (i32, i32) {
    %c0_i32 = arith.constant 0 : i32
    %c0_i32_0 = arith.constant 0 : i32
    %c0_i32_1 = arith.constant 0 : i32
    return %c0_i32, %c0_i32_0 : i32, i32
  }
  func.func @transform_2(%arg0: i32) -> i32 {
    %c0_i32 = arith.constant 0 : i32
    return %arg0 : i32
  }
}

module attributes {stable_mosaic.version = 14 : i64} {
  func.func @_argmin_body(%arg0: i32, %arg1: memref<2048x32xf32, #tpu.memory_space<vmem>>, %arg2: memref<1024x32xf32, #tpu.memory_space<vmem>>, %arg3: memref<2048xi32, #tpu.memory_space<vmem>>) attributes {dimension_semantics = [#tpu.dimension_semantics<arbitrary>], iteration_bounds = array<i64: 8>, scalar_prefetch = 0 : i64, scratch_operands = 0 : i64, tpu.core_type = #tpu.core_type<tc>, window_params = [{transform_indices = @transform_0, window_bounds = array<i64: 2048, 32>}, {pipeline_mode = #tpu.pipeline_mode<synchronous>, transform_indices = @transform_1, window_bounds = array<i64: 1024, 32>}, {transform_indices = @transform_2, window_bounds = array<i64: 2048>}]} {
    %broadcast_in_dim3A = arith.constant 0x7F800000 : f32
    %broadcast_in_dim3A_0 = vector.broadcast %broadcast_in_dim3A : f32 to vector<1x512xf32>
    %broadcast_in_dim3A_1 = arith.constant 0x7F800000 : f32
    %broadcast_in_dim3A_2 = vector.broadcast %broadcast_in_dim3A_1 : f32 to vector<1x512xf32>
    %broadcast_in_dim3A_3 = arith.constant 0x7F800000 : f32
    %broadcast_in_dim3A_4 = vector.broadcast %broadcast_in_dim3A_3 : f32 to vector<1x512xf32>
    %broadcast_in_dim3A_5 = arith.constant 0x7F800000 : f32
    %broadcast_in_dim3A_6 = vector.broadcast %broadcast_in_dim3A_5 : f32 to vector<1x512xf32>
    %broadcast_in_dim3A_7 = arith.constant 0.000000e+00 : f32
    %broadcast_in_dim3A_8 = vector.broadcast %broadcast_in_dim3A_7 : f32 to vector<1x512xf32>
    %broadcast_in_dim3A_9 = arith.constant 0.000000e+00 : f32
    %broadcast_in_dim3A_10 = vector.broadcast %broadcast_in_dim3A_9 : f32 to vector<1x512xf32>
    %broadcast_in_dim3A_11 = arith.constant 0.000000e+00 : f32
    %broadcast_in_dim3A_12 = vector.broadcast %broadcast_in_dim3A_11 : f32 to vector<1x512xf32>
    %broadcast_in_dim3A_13 = arith.constant 0.000000e+00 : f32
    %broadcast_in_dim3A_14 = vector.broadcast %broadcast_in_dim3A_13 : f32 to vector<1x512xf32>
    %get3A = arith.constant 0 : index
    %get3A_15 = arith.constant 0 : index
    %get3A_16 = vector.load %arg2[%get3A, %get3A_15] : memref<1024x32xf32, #tpu.memory_space<vmem>>, vector<128x32xf32>
    %mul3A = arith.constant -2.000000e+00 : f32
    %mul3A_17 = vector.broadcast %mul3A : f32 to vector<128x32xf32>
    %mul3A_18 = arith.mulf %get3A_16, %mul3A_17 : vector<128x32xf32>
    %mul3A_19 = arith.mulf %get3A_16, %get3A_16 : vector<128x32xf32>
    %reduce_sum3A = arith.constant dense<0.000000e+00> : vector<128xf32>
    %reduce_sum3A_20 = vector.multi_reduction <add>, %mul3A_19, %reduce_sum3A [1] : vector<128x32xf32> to vector<128xf32>
    %broadcast_in_dim3A_21 = vector.shape_cast %reduce_sum3A_20 : vector<128xf32> to vector<128x1xf32>
    %get3A_22 = arith.constant 0 : index
    %get3A_23 = arith.constant 0 : index
    %get3A_24 = vector.load %arg1[%get3A_22, %get3A_23] : memref<2048x32xf32, #tpu.memory_space<vmem>>, vector<512x32xf32>
    %dot_general3A = arith.constant dense<0.000000e+00> : vector<128x512xf32>
    %dot_general3A_25 = tpu.matmul %mul3A_18, %get3A_24, %dot_general3A {dimension_numbers = #tpu.dot_dimension_numbers<[1], [1], [0], [0], [0, 0, 1, 0], [], []>, transpose_lhs_hint = false} : vector<128x32xf32>, vector<512x32xf32>, vector<128x512xf32> -> vector<128x512xf32>
    %add3A = vector.broadcast %broadcast_in_dim3A_21 : vector<128x1xf32> to vector<128x512xf32>
    %add3A_26 = arith.addf %add3A, %dot_general3A_25 : vector<128x512xf32>
    %reduce_min3A = arith.constant dense<0x7F800000> : vector<512xf32>
    %reduce_min3A_27 = vector.multi_reduction <minimumf>, %add3A_26, %reduce_min3A [0] : vector<128x512xf32> to vector<512xf32>
    %broadcast_in_dim3A_28 = vector.shape_cast %reduce_min3A_27 : vector<512xf32> to vector<1x512xf32>
    %iota3A = tpu.iota {dimensions = array<i32: 0>} : vector<128x512xi32>
    %convert_element_type3A = arith.sitofp %iota3A : vector<128x512xi32> to vector<128x512xf32>
    %eq3A = vector.broadcast %broadcast_in_dim3A_28 : vector<1x512xf32> to vector<128x512xf32>
    %eq3A_29 = arith.cmpf oeq, %add3A_26, %eq3A : vector<128x512xf32>
    %jit3A = arith.constant 1.280000e+02 : f32
    %broadcast_in_dim3A_30 = vector.broadcast %jit3A : f32 to vector<128x512xf32>
    %select_n3A = arith.select %eq3A_29, %convert_element_type3A, %broadcast_in_dim3A_30 : vector<128x512xi1>, vector<128x512xf32>
    %reduce_min3A_31 = arith.constant dense<0x7F800000> : vector<512xf32>
    %reduce_min3A_32 = vector.multi_reduction <minimumf>, %select_n3A, %reduce_min3A_31 [0] : vector<128x512xf32> to vector<512xf32>
    %broadcast_in_dim3A_33 = vector.shape_cast %reduce_min3A_32 : vector<512xf32> to vector<1x512xf32>
    %add3A_34 = arith.constant 0.000000e+00 : f32
    %add3A_35 = vector.broadcast %add3A_34 : f32 to vector<1x512xf32>
    %add3A_36 = arith.addf %broadcast_in_dim3A_33, %add3A_35 : vector<1x512xf32>
    %lt3A = arith.cmpf olt, %broadcast_in_dim3A_28, %broadcast_in_dim3A_0 : vector<1x512xf32>
    %select_n3A_37 = arith.select %lt3A, %broadcast_in_dim3A_28, %broadcast_in_dim3A_0 : vector<1x512xi1>, vector<1x512xf32>
    %select_n3A_38 = arith.select %lt3A, %add3A_36, %broadcast_in_dim3A_8 : vector<1x512xi1>, vector<1x512xf32>
    %get3A_39 = arith.constant 512 : index
    %get3A_40 = arith.constant 0 : index
    %get3A_41 = vector.load %arg1[%get3A_39, %get3A_40] : memref<2048x32xf32, #tpu.memory_space<vmem>>, vector<512x32xf32>
    %dot_general3A_42 = arith.constant dense<0.000000e+00> : vector<128x512xf32>
    %dot_general3A_43 = tpu.matmul %mul3A_18, %get3A_41, %dot_general3A_42 {dimension_numbers = #tpu.dot_dimension_numbers<[1], [1], [0], [0], [0, 0, 1, 0], [], []>, transpose_lhs_hint = false} : vector<128x32xf32>, vector<512x32xf32>, vector<128x512xf32> -> vector<128x512xf32>
    %add3A_44 = vector.broadcast %broadcast_in_dim3A_21 : vector<128x1xf32> to vector<128x512xf32>
    %add3A_45 = arith.addf %add3A_44, %dot_general3A_43 : vector<128x512xf32>
    %reduce_min3A_46 = arith.constant dense<0x7F800000> : vector<512xf32>
    %reduce_min3A_47 = vector.multi_reduction <minimumf>, %add3A_45, %reduce_min3A_46 [0] : vector<128x512xf32> to vector<512xf32>
    %broadcast_in_dim3A_48 = vector.shape_cast %reduce_min3A_47 : vector<512xf32> to vector<1x512xf32>
    %iota3A_49 = tpu.iota {dimensions = array<i32: 0>} : vector<128x512xi32>
    %convert_element_type3A_50 = arith.sitofp %iota3A_49 : vector<128x512xi32> to vector<128x512xf32>
    %eq3A_51 = vector.broadcast %broadcast_in_dim3A_48 : vector<1x512xf32> to vector<128x512xf32>
    %eq3A_52 = arith.cmpf oeq, %add3A_45, %eq3A_51 : vector<128x512xf32>
    %jit3A_53 = arith.constant 1.280000e+02 : f32
    %broadcast_in_dim3A_54 = vector.broadcast %jit3A_53 : f32 to vector<128x512xf32>
    %select_n3A_55 = arith.select %eq3A_52, %convert_element_type3A_50, %broadcast_in_dim3A_54 : vector<128x512xi1>, vector<128x512xf32>
    %reduce_min3A_56 = arith.constant dense<0x7F800000> : vector<512xf32>
    %reduce_min3A_57 = vector.multi_reduction <minimumf>, %select_n3A_55, %reduce_min3A_56 [0] : vector<128x512xf32> to vector<512xf32>
    %broadcast_in_dim3A_58 = vector.shape_cast %reduce_min3A_57 : vector<512xf32> to vector<1x512xf32>
    %add3A_59 = arith.constant 0.000000e+00 : f32
    %add3A_60 = vector.broadcast %add3A_59 : f32 to vector<1x512xf32>
    %add3A_61 = arith.addf %broadcast_in_dim3A_58, %add3A_60 : vector<1x512xf32>
    %lt3A_62 = arith.cmpf olt, %broadcast_in_dim3A_48, %broadcast_in_dim3A_2 : vector<1x512xf32>
    %select_n3A_63 = arith.select %lt3A_62, %broadcast_in_dim3A_48, %broadcast_in_dim3A_2 : vector<1x512xi1>, vector<1x512xf32>
    %select_n3A_64 = arith.select %lt3A_62, %add3A_61, %broadcast_in_dim3A_10 : vector<1x512xi1>, vector<1x512xf32>
    %get3A_65 = arith.constant 1024 : index
    %get3A_66 = arith.constant 0 : index
    %get3A_67 = vector.load %arg1[%get3A_65, %get3A_66] : memref<2048x32xf32, #tpu.memory_space<vmem>>, vector<512x32xf32>
    %dot_general3A_68 = arith.constant dense<0.000000e+00> : vector<128x512xf32>
    %dot_general3A_69 = tpu.matmul %mul3A_18, %get3A_67, %dot_general3A_68 {dimension_numbers = #tpu.dot_dimension_numbers<[1], [1], [0], [0], [0, 0, 1, 0], [], []>, transpose_lhs_hint = false} : vector<128x32xf32>, vector<512x32xf32>, vector<128x512xf32> -> vector<128x512xf32>
    %add3A_70 = vector.broadcast %broadcast_in_dim3A_21 : vector<128x1xf32> to vector<128x512xf32>
    %add3A_71 = arith.addf %add3A_70, %dot_general3A_69 : vector<128x512xf32>
    %reduce_min3A_72 = arith.constant dense<0x7F800000> : vector<512xf32>
    %reduce_min3A_73 = vector.multi_reduction <minimumf>, %add3A_71, %reduce_min3A_72 [0] : vector<128x512xf32> to vector<512xf32>
    %broadcast_in_dim3A_74 = vector.shape_cast %reduce_min3A_73 : vector<512xf32> to vector<1x512xf32>
    %iota3A_75 = tpu.iota {dimensions = array<i32: 0>} : vector<128x512xi32>
    %convert_element_type3A_76 = arith.sitofp %iota3A_75 : vector<128x512xi32> to vector<128x512xf32>
    %eq3A_77 = vector.broadcast %broadcast_in_dim3A_74 : vector<1x512xf32> to vector<128x512xf32>
    %eq3A_78 = arith.cmpf oeq, %add3A_71, %eq3A_77 : vector<128x512xf32>
    %jit3A_79 = arith.constant 1.280000e+02 : f32
    %broadcast_in_dim3A_80 = vector.broadcast %jit3A_79 : f32 to vector<128x512xf32>
    %select_n3A_81 = arith.select %eq3A_78, %convert_element_type3A_76, %broadcast_in_dim3A_80 : vector<128x512xi1>, vector<128x512xf32>
    %reduce_min3A_82 = arith.constant dense<0x7F800000> : vector<512xf32>
    %reduce_min3A_83 = vector.multi_reduction <minimumf>, %select_n3A_81, %reduce_min3A_82 [0] : vector<128x512xf32> to vector<512xf32>
    %broadcast_in_dim3A_84 = vector.shape_cast %reduce_min3A_83 : vector<512xf32> to vector<1x512xf32>
    %add3A_85 = arith.constant 0.000000e+00 : f32
    %add3A_86 = vector.broadcast %add3A_85 : f32 to vector<1x512xf32>
    %add3A_87 = arith.addf %broadcast_in_dim3A_84, %add3A_86 : vector<1x512xf32>
    %lt3A_88 = arith.cmpf olt, %broadcast_in_dim3A_74, %broadcast_in_dim3A_4 : vector<1x512xf32>
    %select_n3A_89 = arith.select %lt3A_88, %broadcast_in_dim3A_74, %broadcast_in_dim3A_4 : vector<1x512xi1>, vector<1x512xf32>
    %select_n3A_90 = arith.select %lt3A_88, %add3A_87, %broadcast_in_dim3A_12 : vector<1x512xi1>, vector<1x512xf32>
    %get3A_91 = arith.constant 1536 : index
    %get3A_92 = arith.constant 0 : index
    %get3A_93 = vector.load %arg1[%get3A_91, %get3A_92] : memref<2048x32xf32, #tpu.memory_space<vmem>>, vector<512x32xf32>
    %dot_general3A_94 = arith.constant dense<0.000000e+00> : vector<128x512xf32>
    %dot_general3A_95 = tpu.matmul %mul3A_18, %get3A_93, %dot_general3A_94 {dimension_numbers = #tpu.dot_dimension_numbers<[1], [1], [0], [0], [0, 0, 1, 0], [], []>, transpose_lhs_hint = false} : vector<128x32xf32>, vector<512x32xf32>, vector<128x512xf32> -> vector<128x512xf32>
    %add3A_96 = vector.broadcast %broadcast_in_dim3A_21 : vector<128x1xf32> to vector<128x512xf32>
    %add3A_97 = arith.addf %add3A_96, %dot_general3A_95 : vector<128x512xf32>
    %reduce_min3A_98 = arith.constant dense<0x7F800000> : vector<512xf32>
    %reduce_min3A_99 = vector.multi_reduction <minimumf>, %add3A_97, %reduce_min3A_98 [0] : vector<128x512xf32> to vector<512xf32>
    %broadcast_in_dim3A_100 = vector.shape_cast %reduce_min3A_99 : vector<512xf32> to vector<1x512xf32>
    %iota3A_101 = tpu.iota {dimensions = array<i32: 0>} : vector<128x512xi32>
    %convert_element_type3A_102 = arith.sitofp %iota3A_101 : vector<128x512xi32> to vector<128x512xf32>
    %eq3A_103 = vector.broadcast %broadcast_in_dim3A_100 : vector<1x512xf32> to vector<128x512xf32>
    %eq3A_104 = arith.cmpf oeq, %add3A_97, %eq3A_103 : vector<128x512xf32>
    %jit3A_105 = arith.constant 1.280000e+02 : f32
    %broadcast_in_dim3A_106 = vector.broadcast %jit3A_105 : f32 to vector<128x512xf32>
    %select_n3A_107 = arith.select %eq3A_104, %convert_element_type3A_102, %broadcast_in_dim3A_106 : vector<128x512xi1>, vector<128x512xf32>
    %reduce_min3A_108 = arith.constant dense<0x7F800000> : vector<512xf32>
    %reduce_min3A_109 = vector.multi_reduction <minimumf>, %select_n3A_107, %reduce_min3A_108 [0] : vector<128x512xf32> to vector<512xf32>
    %broadcast_in_dim3A_110 = vector.shape_cast %reduce_min3A_109 : vector<512xf32> to vector<1x512xf32>
    %add3A_111 = arith.constant 0.000000e+00 : f32
    %add3A_112 = vector.broadcast %add3A_111 : f32 to vector<1x512xf32>
    %add3A_113 = arith.addf %broadcast_in_dim3A_110, %add3A_112 : vector<1x512xf32>
    %lt3A_114 = arith.cmpf olt, %broadcast_in_dim3A_100, %broadcast_in_dim3A_6 : vector<1x512xf32>
    %select_n3A_115 = arith.select %lt3A_114, %broadcast_in_dim3A_100, %broadcast_in_dim3A_6 : vector<1x512xi1>, vector<1x512xf32>
    %select_n3A_116 = arith.select %lt3A_114, %add3A_113, %broadcast_in_dim3A_14 : vector<1x512xi1>, vector<1x512xf32>
    %get3A_117 = arith.constant 128 : index
    %get3A_118 = arith.constant 0 : index
    %get3A_119 = vector.load %arg2[%get3A_117, %get3A_118] : memref<1024x32xf32, #tpu.memory_space<vmem>>, vector<128x32xf32>
    %mul3A_120 = arith.constant -2.000000e+00 : f32
    %mul3A_121 = vector.broadcast %mul3A_120 : f32 to vector<128x32xf32>
    %mul3A_122 = arith.mulf %get3A_119, %mul3A_121 : vector<128x32xf32>
    %mul3A_123 = arith.mulf %get3A_119, %get3A_119 : vector<128x32xf32>
    %reduce_sum3A_124 = arith.constant dense<0.000000e+00> : vector<128xf32>
    %reduce_sum3A_125 = vector.multi_reduction <add>, %mul3A_123, %reduce_sum3A_124 [1] : vector<128x32xf32> to vector<128xf32>
    %broadcast_in_dim3A_126 = vector.shape_cast %reduce_sum3A_125 : vector<128xf32> to vector<128x1xf32>
    %get3A_127 = arith.constant 0 : index
    %get3A_128 = arith.constant 0 : index
    %get3A_129 = vector.load %arg1[%get3A_127, %get3A_128] : memref<2048x32xf32, #tpu.memory_space<vmem>>, vector<512x32xf32>
    %dot_general3A_130 = arith.constant dense<0.000000e+00> : vector<128x512xf32>
    %dot_general3A_131 = tpu.matmul %mul3A_122, %get3A_129, %dot_general3A_130 {dimension_numbers = #tpu.dot_dimension_numbers<[1], [1], [0], [0], [0, 0, 1, 0], [], []>, transpose_lhs_hint = false} : vector<128x32xf32>, vector<512x32xf32>, vector<128x512xf32> -> vector<128x512xf32>
    %add3A_132 = vector.broadcast %broadcast_in_dim3A_126 : vector<128x1xf32> to vector<128x512xf32>
    %add3A_133 = arith.addf %add3A_132, %dot_general3A_131 : vector<128x512xf32>
    %reduce_min3A_134 = arith.constant dense<0x7F800000> : vector<512xf32>
    %reduce_min3A_135 = vector.multi_reduction <minimumf>, %add3A_133, %reduce_min3A_134 [0] : vector<128x512xf32> to vector<512xf32>
    %broadcast_in_dim3A_136 = vector.shape_cast %reduce_min3A_135 : vector<512xf32> to vector<1x512xf32>
    %iota3A_137 = tpu.iota {dimensions = array<i32: 0>} : vector<128x512xi32>
    %convert_element_type3A_138 = arith.sitofp %iota3A_137 : vector<128x512xi32> to vector<128x512xf32>
    %eq3A_139 = vector.broadcast %broadcast_in_dim3A_136 : vector<1x512xf32> to vector<128x512xf32>
    %eq3A_140 = arith.cmpf oeq, %add3A_133, %eq3A_139 : vector<128x512xf32>
    %jit3A_141 = arith.constant 1.280000e+02 : f32
    %broadcast_in_dim3A_142 = vector.broadcast %jit3A_141 : f32 to vector<128x512xf32>
    %select_n3A_143 = arith.select %eq3A_140, %convert_element_type3A_138, %broadcast_in_dim3A_142 : vector<128x512xi1>, vector<128x512xf32>
    %reduce_min3A_144 = arith.constant dense<0x7F800000> : vector<512xf32>
    %reduce_min3A_145 = vector.multi_reduction <minimumf>, %select_n3A_143, %reduce_min3A_144 [0] : vector<128x512xf32> to vector<512xf32>
    %broadcast_in_dim3A_146 = vector.shape_cast %reduce_min3A_145 : vector<512xf32> to vector<1x512xf32>
    %add3A_147 = arith.constant 1.280000e+02 : f32
    %add3A_148 = vector.broadcast %add3A_147 : f32 to vector<1x512xf32>
    %add3A_149 = arith.addf %broadcast_in_dim3A_146, %add3A_148 : vector<1x512xf32>
    %lt3A_150 = arith.cmpf olt, %broadcast_in_dim3A_136, %select_n3A_37 : vector<1x512xf32>
    %select_n3A_151 = arith.select %lt3A_150, %broadcast_in_dim3A_136, %select_n3A_37 : vector<1x512xi1>, vector<1x512xf32>
    %select_n3A_152 = arith.select %lt3A_150, %add3A_149, %select_n3A_38 : vector<1x512xi1>, vector<1x512xf32>
    %get3A_153 = arith.constant 512 : index
    %get3A_154 = arith.constant 0 : index
    %get3A_155 = vector.load %arg1[%get3A_153, %get3A_154] : memref<2048x32xf32, #tpu.memory_space<vmem>>, vector<512x32xf32>
    %dot_general3A_156 = arith.constant dense<0.000000e+00> : vector<128x512xf32>
    %dot_general3A_157 = tpu.matmul %mul3A_122, %get3A_155, %dot_general3A_156 {dimension_numbers = #tpu.dot_dimension_numbers<[1], [1], [0], [0], [0, 0, 1, 0], [], []>, transpose_lhs_hint = false} : vector<128x32xf32>, vector<512x32xf32>, vector<128x512xf32> -> vector<128x512xf32>
    %add3A_158 = vector.broadcast %broadcast_in_dim3A_126 : vector<128x1xf32> to vector<128x512xf32>
    %add3A_159 = arith.addf %add3A_158, %dot_general3A_157 : vector<128x512xf32>
    %reduce_min3A_160 = arith.constant dense<0x7F800000> : vector<512xf32>
    %reduce_min3A_161 = vector.multi_reduction <minimumf>, %add3A_159, %reduce_min3A_160 [0] : vector<128x512xf32> to vector<512xf32>
    %broadcast_in_dim3A_162 = vector.shape_cast %reduce_min3A_161 : vector<512xf32> to vector<1x512xf32>
    %iota3A_163 = tpu.iota {dimensions = array<i32: 0>} : vector<128x512xi32>
    %convert_element_type3A_164 = arith.sitofp %iota3A_163 : vector<128x512xi32> to vector<128x512xf32>
    %eq3A_165 = vector.broadcast %broadcast_in_dim3A_162 : vector<1x512xf32> to vector<128x512xf32>
    %eq3A_166 = arith.cmpf oeq, %add3A_159, %eq3A_165 : vector<128x512xf32>
    %jit3A_167 = arith.constant 1.280000e+02 : f32
    %broadcast_in_dim3A_168 = vector.broadcast %jit3A_167 : f32 to vector<128x512xf32>
    %select_n3A_169 = arith.select %eq3A_166, %convert_element_type3A_164, %broadcast_in_dim3A_168 : vector<128x512xi1>, vector<128x512xf32>
    %reduce_min3A_170 = arith.constant dense<0x7F800000> : vector<512xf32>
    %reduce_min3A_171 = vector.multi_reduction <minimumf>, %select_n3A_169, %reduce_min3A_170 [0] : vector<128x512xf32> to vector<512xf32>
    %broadcast_in_dim3A_172 = vector.shape_cast %reduce_min3A_171 : vector<512xf32> to vector<1x512xf32>
    %add3A_173 = arith.constant 1.280000e+02 : f32
    %add3A_174 = vector.broadcast %add3A_173 : f32 to vector<1x512xf32>
    %add3A_175 = arith.addf %broadcast_in_dim3A_172, %add3A_174 : vector<1x512xf32>
    %lt3A_176 = arith.cmpf olt, %broadcast_in_dim3A_162, %select_n3A_63 : vector<1x512xf32>
    %select_n3A_177 = arith.select %lt3A_176, %broadcast_in_dim3A_162, %select_n3A_63 : vector<1x512xi1>, vector<1x512xf32>
    %select_n3A_178 = arith.select %lt3A_176, %add3A_175, %select_n3A_64 : vector<1x512xi1>, vector<1x512xf32>
    %get3A_179 = arith.constant 1024 : index
    %get3A_180 = arith.constant 0 : index
    %get3A_181 = vector.load %arg1[%get3A_179, %get3A_180] : memref<2048x32xf32, #tpu.memory_space<vmem>>, vector<512x32xf32>
    %dot_general3A_182 = arith.constant dense<0.000000e+00> : vector<128x512xf32>
    %dot_general3A_183 = tpu.matmul %mul3A_122, %get3A_181, %dot_general3A_182 {dimension_numbers = #tpu.dot_dimension_numbers<[1], [1], [0], [0], [0, 0, 1, 0], [], []>, transpose_lhs_hint = false} : vector<128x32xf32>, vector<512x32xf32>, vector<128x512xf32> -> vector<128x512xf32>
    %add3A_184 = vector.broadcast %broadcast_in_dim3A_126 : vector<128x1xf32> to vector<128x512xf32>
    %add3A_185 = arith.addf %add3A_184, %dot_general3A_183 : vector<128x512xf32>
    %reduce_min3A_186 = arith.constant dense<0x7F800000> : vector<512xf32>
    %reduce_min3A_187 = vector.multi_reduction <minimumf>, %add3A_185, %reduce_min3A_186 [0] : vector<128x512xf32> to vector<512xf32>
    %broadcast_in_dim3A_188 = vector.shape_cast %reduce_min3A_187 : vector<512xf32> to vector<1x512xf32>
    %iota3A_189 = tpu.iota {dimensions = array<i32: 0>} : vector<128x512xi32>
    %convert_element_type3A_190 = arith.sitofp %iota3A_189 : vector<128x512xi32> to vector<128x512xf32>
    %eq3A_191 = vector.broadcast %broadcast_in_dim3A_188 : vector<1x512xf32> to vector<128x512xf32>
    %eq3A_192 = arith.cmpf oeq, %add3A_185, %eq3A_191 : vector<128x512xf32>
    %jit3A_193 = arith.constant 1.280000e+02 : f32
    %broadcast_in_dim3A_194 = vector.broadcast %jit3A_193 : f32 to vector<128x512xf32>
    %select_n3A_195 = arith.select %eq3A_192, %convert_element_type3A_190, %broadcast_in_dim3A_194 : vector<128x512xi1>, vector<128x512xf32>
    %reduce_min3A_196 = arith.constant dense<0x7F800000> : vector<512xf32>
    %reduce_min3A_197 = vector.multi_reduction <minimumf>, %select_n3A_195, %reduce_min3A_196 [0] : vector<128x512xf32> to vector<512xf32>
    %broadcast_in_dim3A_198 = vector.shape_cast %reduce_min3A_197 : vector<512xf32> to vector<1x512xf32>
    %add3A_199 = arith.constant 1.280000e+02 : f32
    %add3A_200 = vector.broadcast %add3A_199 : f32 to vector<1x512xf32>
    %add3A_201 = arith.addf %broadcast_in_dim3A_198, %add3A_200 : vector<1x512xf32>
    %lt3A_202 = arith.cmpf olt, %broadcast_in_dim3A_188, %select_n3A_89 : vector<1x512xf32>
    %select_n3A_203 = arith.select %lt3A_202, %broadcast_in_dim3A_188, %select_n3A_89 : vector<1x512xi1>, vector<1x512xf32>
    %select_n3A_204 = arith.select %lt3A_202, %add3A_201, %select_n3A_90 : vector<1x512xi1>, vector<1x512xf32>
    %get3A_205 = arith.constant 1536 : index
    %get3A_206 = arith.constant 0 : index
    %get3A_207 = vector.load %arg1[%get3A_205, %get3A_206] : memref<2048x32xf32, #tpu.memory_space<vmem>>, vector<512x32xf32>
    %dot_general3A_208 = arith.constant dense<0.000000e+00> : vector<128x512xf32>
    %dot_general3A_209 = tpu.matmul %mul3A_122, %get3A_207, %dot_general3A_208 {dimension_numbers = #tpu.dot_dimension_numbers<[1], [1], [0], [0], [0, 0, 1, 0], [], []>, transpose_lhs_hint = false} : vector<128x32xf32>, vector<512x32xf32>, vector<128x512xf32> -> vector<128x512xf32>
    %add3A_210 = vector.broadcast %broadcast_in_dim3A_126 : vector<128x1xf32> to vector<128x512xf32>
    %add3A_211 = arith.addf %add3A_210, %dot_general3A_209 : vector<128x512xf32>
    %reduce_min3A_212 = arith.constant dense<0x7F800000> : vector<512xf32>
    %reduce_min3A_213 = vector.multi_reduction <minimumf>, %add3A_211, %reduce_min3A_212 [0] : vector<128x512xf32> to vector<512xf32>
    %broadcast_in_dim3A_214 = vector.shape_cast %reduce_min3A_213 : vector<512xf32> to vector<1x512xf32>
    %iota3A_215 = tpu.iota {dimensions = array<i32: 0>} : vector<128x512xi32>
    %convert_element_type3A_216 = arith.sitofp %iota3A_215 : vector<128x512xi32> to vector<128x512xf32>
    %eq3A_217 = vector.broadcast %broadcast_in_dim3A_214 : vector<1x512xf32> to vector<128x512xf32>
    %eq3A_218 = arith.cmpf oeq, %add3A_211, %eq3A_217 : vector<128x512xf32>
    %jit3A_219 = arith.constant 1.280000e+02 : f32
    %broadcast_in_dim3A_220 = vector.broadcast %jit3A_219 : f32 to vector<128x512xf32>
    %select_n3A_221 = arith.select %eq3A_218, %convert_element_type3A_216, %broadcast_in_dim3A_220 : vector<128x512xi1>, vector<128x512xf32>
    %reduce_min3A_222 = arith.constant dense<0x7F800000> : vector<512xf32>
    %reduce_min3A_223 = vector.multi_reduction <minimumf>, %select_n3A_221, %reduce_min3A_222 [0] : vector<128x512xf32> to vector<512xf32>
    %broadcast_in_dim3A_224 = vector.shape_cast %reduce_min3A_223 : vector<512xf32> to vector<1x512xf32>
    %add3A_225 = arith.constant 1.280000e+02 : f32
    %add3A_226 = vector.broadcast %add3A_225 : f32 to vector<1x512xf32>
    %add3A_227 = arith.addf %broadcast_in_dim3A_224, %add3A_226 : vector<1x512xf32>
    %lt3A_228 = arith.cmpf olt, %broadcast_in_dim3A_214, %select_n3A_115 : vector<1x512xf32>
    %select_n3A_229 = arith.select %lt3A_228, %broadcast_in_dim3A_214, %select_n3A_115 : vector<1x512xi1>, vector<1x512xf32>
    %select_n3A_230 = arith.select %lt3A_228, %add3A_227, %select_n3A_116 : vector<1x512xi1>, vector<1x512xf32>
    %get3A_231 = arith.constant 256 : index
    %get3A_232 = arith.constant 0 : index
    %get3A_233 = vector.load %arg2[%get3A_231, %get3A_232] : memref<1024x32xf32, #tpu.memory_space<vmem>>, vector<128x32xf32>
    %mul3A_234 = arith.constant -2.000000e+00 : f32
    %mul3A_235 = vector.broadcast %mul3A_234 : f32 to vector<128x32xf32>
    %mul3A_236 = arith.mulf %get3A_233, %mul3A_235 : vector<128x32xf32>
    %mul3A_237 = arith.mulf %get3A_233, %get3A_233 : vector<128x32xf32>
    %reduce_sum3A_238 = arith.constant dense<0.000000e+00> : vector<128xf32>
    %reduce_sum3A_239 = vector.multi_reduction <add>, %mul3A_237, %reduce_sum3A_238 [1] : vector<128x32xf32> to vector<128xf32>
    %broadcast_in_dim3A_240 = vector.shape_cast %reduce_sum3A_239 : vector<128xf32> to vector<128x1xf32>
    %get3A_241 = arith.constant 0 : index
    %get3A_242 = arith.constant 0 : index
    %get3A_243 = vector.load %arg1[%get3A_241, %get3A_242] : memref<2048x32xf32, #tpu.memory_space<vmem>>, vector<512x32xf32>
    %dot_general3A_244 = arith.constant dense<0.000000e+00> : vector<128x512xf32>
    %dot_general3A_245 = tpu.matmul %mul3A_236, %get3A_243, %dot_general3A_244 {dimension_numbers = #tpu.dot_dimension_numbers<[1], [1], [0], [0], [0, 0, 1, 0], [], []>, transpose_lhs_hint = false} : vector<128x32xf32>, vector<512x32xf32>, vector<128x512xf32> -> vector<128x512xf32>
    %add3A_246 = vector.broadcast %broadcast_in_dim3A_240 : vector<128x1xf32> to vector<128x512xf32>
    %add3A_247 = arith.addf %add3A_246, %dot_general3A_245 : vector<128x512xf32>
    %reduce_min3A_248 = arith.constant dense<0x7F800000> : vector<512xf32>
    %reduce_min3A_249 = vector.multi_reduction <minimumf>, %add3A_247, %reduce_min3A_248 [0] : vector<128x512xf32> to vector<512xf32>
    %broadcast_in_dim3A_250 = vector.shape_cast %reduce_min3A_249 : vector<512xf32> to vector<1x512xf32>
    %iota3A_251 = tpu.iota {dimensions = array<i32: 0>} : vector<128x512xi32>
    %convert_element_type3A_252 = arith.sitofp %iota3A_251 : vector<128x512xi32> to vector<128x512xf32>
    %eq3A_253 = vector.broadcast %broadcast_in_dim3A_250 : vector<1x512xf32> to vector<128x512xf32>
    %eq3A_254 = arith.cmpf oeq, %add3A_247, %eq3A_253 : vector<128x512xf32>
    %jit3A_255 = arith.constant 1.280000e+02 : f32
    %broadcast_in_dim3A_256 = vector.broadcast %jit3A_255 : f32 to vector<128x512xf32>
    %select_n3A_257 = arith.select %eq3A_254, %convert_element_type3A_252, %broadcast_in_dim3A_256 : vector<128x512xi1>, vector<128x512xf32>
    %reduce_min3A_258 = arith.constant dense<0x7F800000> : vector<512xf32>
    %reduce_min3A_259 = vector.multi_reduction <minimumf>, %select_n3A_257, %reduce_min3A_258 [0] : vector<128x512xf32> to vector<512xf32>
    %broadcast_in_dim3A_260 = vector.shape_cast %reduce_min3A_259 : vector<512xf32> to vector<1x512xf32>
    %add3A_261 = arith.constant 2.560000e+02 : f32
    %add3A_262 = vector.broadcast %add3A_261 : f32 to vector<1x512xf32>
    %add3A_263 = arith.addf %broadcast_in_dim3A_260, %add3A_262 : vector<1x512xf32>
    %lt3A_264 = arith.cmpf olt, %broadcast_in_dim3A_250, %select_n3A_151 : vector<1x512xf32>
    %select_n3A_265 = arith.select %lt3A_264, %broadcast_in_dim3A_250, %select_n3A_151 : vector<1x512xi1>, vector<1x512xf32>
    %select_n3A_266 = arith.select %lt3A_264, %add3A_263, %select_n3A_152 : vector<1x512xi1>, vector<1x512xf32>
    %get3A_267 = arith.constant 512 : index
    %get3A_268 = arith.constant 0 : index
    %get3A_269 = vector.load %arg1[%get3A_267, %get3A_268] : memref<2048x32xf32, #tpu.memory_space<vmem>>, vector<512x32xf32>
    %dot_general3A_270 = arith.constant dense<0.000000e+00> : vector<128x512xf32>
    %dot_general3A_271 = tpu.matmul %mul3A_236, %get3A_269, %dot_general3A_270 {dimension_numbers = #tpu.dot_dimension_numbers<[1], [1], [0], [0], [0, 0, 1, 0], [], []>, transpose_lhs_hint = false} : vector<128x32xf32>, vector<512x32xf32>, vector<128x512xf32> -> vector<128x512xf32>
    %add3A_272 = vector.broadcast %broadcast_in_dim3A_240 : vector<128x1xf32> to vector<128x512xf32>
    %add3A_273 = arith.addf %add3A_272, %dot_general3A_271 : vector<128x512xf32>
    %reduce_min3A_274 = arith.constant dense<0x7F800000> : vector<512xf32>
    %reduce_min3A_275 = vector.multi_reduction <minimumf>, %add3A_273, %reduce_min3A_274 [0] : vector<128x512xf32> to vector<512xf32>
    %broadcast_in_dim3A_276 = vector.shape_cast %reduce_min3A_275 : vector<512xf32> to vector<1x512xf32>
    %iota3A_277 = tpu.iota {dimensions = array<i32: 0>} : vector<128x512xi32>
    %convert_element_type3A_278 = arith.sitofp %iota3A_277 : vector<128x512xi32> to vector<128x512xf32>
    %eq3A_279 = vector.broadcast %broadcast_in_dim3A_276 : vector<1x512xf32> to vector<128x512xf32>
    %eq3A_280 = arith.cmpf oeq, %add3A_273, %eq3A_279 : vector<128x512xf32>
    %jit3A_281 = arith.constant 1.280000e+02 : f32
    %broadcast_in_dim3A_282 = vector.broadcast %jit3A_281 : f32 to vector<128x512xf32>
    %select_n3A_283 = arith.select %eq3A_280, %convert_element_type3A_278, %broadcast_in_dim3A_282 : vector<128x512xi1>, vector<128x512xf32>
    %reduce_min3A_284 = arith.constant dense<0x7F800000> : vector<512xf32>
    %reduce_min3A_285 = vector.multi_reduction <minimumf>, %select_n3A_283, %reduce_min3A_284 [0] : vector<128x512xf32> to vector<512xf32>
    %broadcast_in_dim3A_286 = vector.shape_cast %reduce_min3A_285 : vector<512xf32> to vector<1x512xf32>
    %add3A_287 = arith.constant 2.560000e+02 : f32
    %add3A_288 = vector.broadcast %add3A_287 : f32 to vector<1x512xf32>
    %add3A_289 = arith.addf %broadcast_in_dim3A_286, %add3A_288 : vector<1x512xf32>
    %lt3A_290 = arith.cmpf olt, %broadcast_in_dim3A_276, %select_n3A_177 : vector<1x512xf32>
    %select_n3A_291 = arith.select %lt3A_290, %broadcast_in_dim3A_276, %select_n3A_177 : vector<1x512xi1>, vector<1x512xf32>
    %select_n3A_292 = arith.select %lt3A_290, %add3A_289, %select_n3A_178 : vector<1x512xi1>, vector<1x512xf32>
    %get3A_293 = arith.constant 1024 : index
    %get3A_294 = arith.constant 0 : index
    %get3A_295 = vector.load %arg1[%get3A_293, %get3A_294] : memref<2048x32xf32, #tpu.memory_space<vmem>>, vector<512x32xf32>
    %dot_general3A_296 = arith.constant dense<0.000000e+00> : vector<128x512xf32>
    %dot_general3A_297 = tpu.matmul %mul3A_236, %get3A_295, %dot_general3A_296 {dimension_numbers = #tpu.dot_dimension_numbers<[1], [1], [0], [0], [0, 0, 1, 0], [], []>, transpose_lhs_hint = false} : vector<128x32xf32>, vector<512x32xf32>, vector<128x512xf32> -> vector<128x512xf32>
    %add3A_298 = vector.broadcast %broadcast_in_dim3A_240 : vector<128x1xf32> to vector<128x512xf32>
    %add3A_299 = arith.addf %add3A_298, %dot_general3A_297 : vector<128x512xf32>
    %reduce_min3A_300 = arith.constant dense<0x7F800000> : vector<512xf32>
    %reduce_min3A_301 = vector.multi_reduction <minimumf>, %add3A_299, %reduce_min3A_300 [0] : vector<128x512xf32> to vector<512xf32>
    %broadcast_in_dim3A_302 = vector.shape_cast %reduce_min3A_301 : vector<512xf32> to vector<1x512xf32>
    %iota3A_303 = tpu.iota {dimensions = array<i32: 0>} : vector<128x512xi32>
    %convert_element_type3A_304 = arith.sitofp %iota3A_303 : vector<128x512xi32> to vector<128x512xf32>
    %eq3A_305 = vector.broadcast %broadcast_in_dim3A_302 : vector<1x512xf32> to vector<128x512xf32>
    %eq3A_306 = arith.cmpf oeq, %add3A_299, %eq3A_305 : vector<128x512xf32>
    %jit3A_307 = arith.constant 1.280000e+02 : f32
    %broadcast_in_dim3A_308 = vector.broadcast %jit3A_307 : f32 to vector<128x512xf32>
    %select_n3A_309 = arith.select %eq3A_306, %convert_element_type3A_304, %broadcast_in_dim3A_308 : vector<128x512xi1>, vector<128x512xf32>
    %reduce_min3A_310 = arith.constant dense<0x7F800000> : vector<512xf32>
    %reduce_min3A_311 = vector.multi_reduction <minimumf>, %select_n3A_309, %reduce_min3A_310 [0] : vector<128x512xf32> to vector<512xf32>
    %broadcast_in_dim3A_312 = vector.shape_cast %reduce_min3A_311 : vector<512xf32> to vector<1x512xf32>
    %add3A_313 = arith.constant 2.560000e+02 : f32
    %add3A_314 = vector.broadcast %add3A_313 : f32 to vector<1x512xf32>
    %add3A_315 = arith.addf %broadcast_in_dim3A_312, %add3A_314 : vector<1x512xf32>
    %lt3A_316 = arith.cmpf olt, %broadcast_in_dim3A_302, %select_n3A_203 : vector<1x512xf32>
    %select_n3A_317 = arith.select %lt3A_316, %broadcast_in_dim3A_302, %select_n3A_203 : vector<1x512xi1>, vector<1x512xf32>
    %select_n3A_318 = arith.select %lt3A_316, %add3A_315, %select_n3A_204 : vector<1x512xi1>, vector<1x512xf32>
    %get3A_319 = arith.constant 1536 : index
    %get3A_320 = arith.constant 0 : index
    %get3A_321 = vector.load %arg1[%get3A_319, %get3A_320] : memref<2048x32xf32, #tpu.memory_space<vmem>>, vector<512x32xf32>
    %dot_general3A_322 = arith.constant dense<0.000000e+00> : vector<128x512xf32>
    %dot_general3A_323 = tpu.matmul %mul3A_236, %get3A_321, %dot_general3A_322 {dimension_numbers = #tpu.dot_dimension_numbers<[1], [1], [0], [0], [0, 0, 1, 0], [], []>, transpose_lhs_hint = false} : vector<128x32xf32>, vector<512x32xf32>, vector<128x512xf32> -> vector<128x512xf32>
    %add3A_324 = vector.broadcast %broadcast_in_dim3A_240 : vector<128x1xf32> to vector<128x512xf32>
    %add3A_325 = arith.addf %add3A_324, %dot_general3A_323 : vector<128x512xf32>
    %reduce_min3A_326 = arith.constant dense<0x7F800000> : vector<512xf32>
    %reduce_min3A_327 = vector.multi_reduction <minimumf>, %add3A_325, %reduce_min3A_326 [0] : vector<128x512xf32> to vector<512xf32>
    %broadcast_in_dim3A_328 = vector.shape_cast %reduce_min3A_327 : vector<512xf32> to vector<1x512xf32>
    %iota3A_329 = tpu.iota {dimensions = array<i32: 0>} : vector<128x512xi32>
    %convert_element_type3A_330 = arith.sitofp %iota3A_329 : vector<128x512xi32> to vector<128x512xf32>
    %eq3A_331 = vector.broadcast %broadcast_in_dim3A_328 : vector<1x512xf32> to vector<128x512xf32>
    %eq3A_332 = arith.cmpf oeq, %add3A_325, %eq3A_331 : vector<128x512xf32>
    %jit3A_333 = arith.constant 1.280000e+02 : f32
    %broadcast_in_dim3A_334 = vector.broadcast %jit3A_333 : f32 to vector<128x512xf32>
    %select_n3A_335 = arith.select %eq3A_332, %convert_element_type3A_330, %broadcast_in_dim3A_334 : vector<128x512xi1>, vector<128x512xf32>
    %reduce_min3A_336 = arith.constant dense<0x7F800000> : vector<512xf32>
    %reduce_min3A_337 = vector.multi_reduction <minimumf>, %select_n3A_335, %reduce_min3A_336 [0] : vector<128x512xf32> to vector<512xf32>
    %broadcast_in_dim3A_338 = vector.shape_cast %reduce_min3A_337 : vector<512xf32> to vector<1x512xf32>
    %add3A_339 = arith.constant 2.560000e+02 : f32
    %add3A_340 = vector.broadcast %add3A_339 : f32 to vector<1x512xf32>
    %add3A_341 = arith.addf %broadcast_in_dim3A_338, %add3A_340 : vector<1x512xf32>
    %lt3A_342 = arith.cmpf olt, %broadcast_in_dim3A_328, %select_n3A_229 : vector<1x512xf32>
    %select_n3A_343 = arith.select %lt3A_342, %broadcast_in_dim3A_328, %select_n3A_229 : vector<1x512xi1>, vector<1x512xf32>
    %select_n3A_344 = arith.select %lt3A_342, %add3A_341, %select_n3A_230 : vector<1x512xi1>, vector<1x512xf32>
    %get3A_345 = arith.constant 384 : index
    %get3A_346 = arith.constant 0 : index
    %get3A_347 = vector.load %arg2[%get3A_345, %get3A_346] : memref<1024x32xf32, #tpu.memory_space<vmem>>, vector<128x32xf32>
    %mul3A_348 = arith.constant -2.000000e+00 : f32
    %mul3A_349 = vector.broadcast %mul3A_348 : f32 to vector<128x32xf32>
    %mul3A_350 = arith.mulf %get3A_347, %mul3A_349 : vector<128x32xf32>
    %mul3A_351 = arith.mulf %get3A_347, %get3A_347 : vector<128x32xf32>
    %reduce_sum3A_352 = arith.constant dense<0.000000e+00> : vector<128xf32>
    %reduce_sum3A_353 = vector.multi_reduction <add>, %mul3A_351, %reduce_sum3A_352 [1] : vector<128x32xf32> to vector<128xf32>
    %broadcast_in_dim3A_354 = vector.shape_cast %reduce_sum3A_353 : vector<128xf32> to vector<128x1xf32>
    %get3A_355 = arith.constant 0 : index
    %get3A_356 = arith.constant 0 : index
    %get3A_357 = vector.load %arg1[%get3A_355, %get3A_356] : memref<2048x32xf32, #tpu.memory_space<vmem>>, vector<512x32xf32>
    %dot_general3A_358 = arith.constant dense<0.000000e+00> : vector<128x512xf32>
    %dot_general3A_359 = tpu.matmul %mul3A_350, %get3A_357, %dot_general3A_358 {dimension_numbers = #tpu.dot_dimension_numbers<[1], [1], [0], [0], [0, 0, 1, 0], [], []>, transpose_lhs_hint = false} : vector<128x32xf32>, vector<512x32xf32>, vector<128x512xf32> -> vector<128x512xf32>
    %add3A_360 = vector.broadcast %broadcast_in_dim3A_354 : vector<128x1xf32> to vector<128x512xf32>
    %add3A_361 = arith.addf %add3A_360, %dot_general3A_359 : vector<128x512xf32>
    %reduce_min3A_362 = arith.constant dense<0x7F800000> : vector<512xf32>
    %reduce_min3A_363 = vector.multi_reduction <minimumf>, %add3A_361, %reduce_min3A_362 [0] : vector<128x512xf32> to vector<512xf32>
    %broadcast_in_dim3A_364 = vector.shape_cast %reduce_min3A_363 : vector<512xf32> to vector<1x512xf32>
    %iota3A_365 = tpu.iota {dimensions = array<i32: 0>} : vector<128x512xi32>
    %convert_element_type3A_366 = arith.sitofp %iota3A_365 : vector<128x512xi32> to vector<128x512xf32>
    %eq3A_367 = vector.broadcast %broadcast_in_dim3A_364 : vector<1x512xf32> to vector<128x512xf32>
    %eq3A_368 = arith.cmpf oeq, %add3A_361, %eq3A_367 : vector<128x512xf32>
    %jit3A_369 = arith.constant 1.280000e+02 : f32
    %broadcast_in_dim3A_370 = vector.broadcast %jit3A_369 : f32 to vector<128x512xf32>
    %select_n3A_371 = arith.select %eq3A_368, %convert_element_type3A_366, %broadcast_in_dim3A_370 : vector<128x512xi1>, vector<128x512xf32>
    %reduce_min3A_372 = arith.constant dense<0x7F800000> : vector<512xf32>
    %reduce_min3A_373 = vector.multi_reduction <minimumf>, %select_n3A_371, %reduce_min3A_372 [0] : vector<128x512xf32> to vector<512xf32>
    %broadcast_in_dim3A_374 = vector.shape_cast %reduce_min3A_373 : vector<512xf32> to vector<1x512xf32>
    %add3A_375 = arith.constant 3.840000e+02 : f32
    %add3A_376 = vector.broadcast %add3A_375 : f32 to vector<1x512xf32>
    %add3A_377 = arith.addf %broadcast_in_dim3A_374, %add3A_376 : vector<1x512xf32>
    %lt3A_378 = arith.cmpf olt, %broadcast_in_dim3A_364, %select_n3A_265 : vector<1x512xf32>
    %select_n3A_379 = arith.select %lt3A_378, %broadcast_in_dim3A_364, %select_n3A_265 : vector<1x512xi1>, vector<1x512xf32>
    %select_n3A_380 = arith.select %lt3A_378, %add3A_377, %select_n3A_266 : vector<1x512xi1>, vector<1x512xf32>
    %get3A_381 = arith.constant 512 : index
    %get3A_382 = arith.constant 0 : index
    %get3A_383 = vector.load %arg1[%get3A_381, %get3A_382] : memref<2048x32xf32, #tpu.memory_space<vmem>>, vector<512x32xf32>
    %dot_general3A_384 = arith.constant dense<0.000000e+00> : vector<128x512xf32>
    %dot_general3A_385 = tpu.matmul %mul3A_350, %get3A_383, %dot_general3A_384 {dimension_numbers = #tpu.dot_dimension_numbers<[1], [1], [0], [0], [0, 0, 1, 0], [], []>, transpose_lhs_hint = false} : vector<128x32xf32>, vector<512x32xf32>, vector<128x512xf32> -> vector<128x512xf32>
    %add3A_386 = vector.broadcast %broadcast_in_dim3A_354 : vector<128x1xf32> to vector<128x512xf32>
    %add3A_387 = arith.addf %add3A_386, %dot_general3A_385 : vector<128x512xf32>
    %reduce_min3A_388 = arith.constant dense<0x7F800000> : vector<512xf32>
    %reduce_min3A_389 = vector.multi_reduction <minimumf>, %add3A_387, %reduce_min3A_388 [0] : vector<128x512xf32> to vector<512xf32>
    %broadcast_in_dim3A_390 = vector.shape_cast %reduce_min3A_389 : vector<512xf32> to vector<1x512xf32>
    %iota3A_391 = tpu.iota {dimensions = array<i32: 0>} : vector<128x512xi32>
    %convert_element_type3A_392 = arith.sitofp %iota3A_391 : vector<128x512xi32> to vector<128x512xf32>
    %eq3A_393 = vector.broadcast %broadcast_in_dim3A_390 : vector<1x512xf32> to vector<128x512xf32>
    %eq3A_394 = arith.cmpf oeq, %add3A_387, %eq3A_393 : vector<128x512xf32>
    %jit3A_395 = arith.constant 1.280000e+02 : f32
    %broadcast_in_dim3A_396 = vector.broadcast %jit3A_395 : f32 to vector<128x512xf32>
    %select_n3A_397 = arith.select %eq3A_394, %convert_element_type3A_392, %broadcast_in_dim3A_396 : vector<128x512xi1>, vector<128x512xf32>
    %reduce_min3A_398 = arith.constant dense<0x7F800000> : vector<512xf32>
    %reduce_min3A_399 = vector.multi_reduction <minimumf>, %select_n3A_397, %reduce_min3A_398 [0] : vector<128x512xf32> to vector<512xf32>
    %broadcast_in_dim3A_400 = vector.shape_cast %reduce_min3A_399 : vector<512xf32> to vector<1x512xf32>
    %add3A_401 = arith.constant 3.840000e+02 : f32
    %add3A_402 = vector.broadcast %add3A_401 : f32 to vector<1x512xf32>
    %add3A_403 = arith.addf %broadcast_in_dim3A_400, %add3A_402 : vector<1x512xf32>
    %lt3A_404 = arith.cmpf olt, %broadcast_in_dim3A_390, %select_n3A_291 : vector<1x512xf32>
    %select_n3A_405 = arith.select %lt3A_404, %broadcast_in_dim3A_390, %select_n3A_291 : vector<1x512xi1>, vector<1x512xf32>
    %select_n3A_406 = arith.select %lt3A_404, %add3A_403, %select_n3A_292 : vector<1x512xi1>, vector<1x512xf32>
    %get3A_407 = arith.constant 1024 : index
    %get3A_408 = arith.constant 0 : index
    %get3A_409 = vector.load %arg1[%get3A_407, %get3A_408] : memref<2048x32xf32, #tpu.memory_space<vmem>>, vector<512x32xf32>
    %dot_general3A_410 = arith.constant dense<0.000000e+00> : vector<128x512xf32>
    %dot_general3A_411 = tpu.matmul %mul3A_350, %get3A_409, %dot_general3A_410 {dimension_numbers = #tpu.dot_dimension_numbers<[1], [1], [0], [0], [0, 0, 1, 0], [], []>, transpose_lhs_hint = false} : vector<128x32xf32>, vector<512x32xf32>, vector<128x512xf32> -> vector<128x512xf32>
    %add3A_412 = vector.broadcast %broadcast_in_dim3A_354 : vector<128x1xf32> to vector<128x512xf32>
    %add3A_413 = arith.addf %add3A_412, %dot_general3A_411 : vector<128x512xf32>
    %reduce_min3A_414 = arith.constant dense<0x7F800000> : vector<512xf32>
    %reduce_min3A_415 = vector.multi_reduction <minimumf>, %add3A_413, %reduce_min3A_414 [0] : vector<128x512xf32> to vector<512xf32>
    %broadcast_in_dim3A_416 = vector.shape_cast %reduce_min3A_415 : vector<512xf32> to vector<1x512xf32>
    %iota3A_417 = tpu.iota {dimensions = array<i32: 0>} : vector<128x512xi32>
    %convert_element_type3A_418 = arith.sitofp %iota3A_417 : vector<128x512xi32> to vector<128x512xf32>
    %eq3A_419 = vector.broadcast %broadcast_in_dim3A_416 : vector<1x512xf32> to vector<128x512xf32>
    %eq3A_420 = arith.cmpf oeq, %add3A_413, %eq3A_419 : vector<128x512xf32>
    %jit3A_421 = arith.constant 1.280000e+02 : f32
    %broadcast_in_dim3A_422 = vector.broadcast %jit3A_421 : f32 to vector<128x512xf32>
    %select_n3A_423 = arith.select %eq3A_420, %convert_element_type3A_418, %broadcast_in_dim3A_422 : vector<128x512xi1>, vector<128x512xf32>
    %reduce_min3A_424 = arith.constant dense<0x7F800000> : vector<512xf32>
    %reduce_min3A_425 = vector.multi_reduction <minimumf>, %select_n3A_423, %reduce_min3A_424 [0] : vector<128x512xf32> to vector<512xf32>
    %broadcast_in_dim3A_426 = vector.shape_cast %reduce_min3A_425 : vector<512xf32> to vector<1x512xf32>
    %add3A_427 = arith.constant 3.840000e+02 : f32
    %add3A_428 = vector.broadcast %add3A_427 : f32 to vector<1x512xf32>
    %add3A_429 = arith.addf %broadcast_in_dim3A_426, %add3A_428 : vector<1x512xf32>
    %lt3A_430 = arith.cmpf olt, %broadcast_in_dim3A_416, %select_n3A_317 : vector<1x512xf32>
    %select_n3A_431 = arith.select %lt3A_430, %broadcast_in_dim3A_416, %select_n3A_317 : vector<1x512xi1>, vector<1x512xf32>
    %select_n3A_432 = arith.select %lt3A_430, %add3A_429, %select_n3A_318 : vector<1x512xi1>, vector<1x512xf32>
    %get3A_433 = arith.constant 1536 : index
    %get3A_434 = arith.constant 0 : index
    %get3A_435 = vector.load %arg1[%get3A_433, %get3A_434] : memref<2048x32xf32, #tpu.memory_space<vmem>>, vector<512x32xf32>
    %dot_general3A_436 = arith.constant dense<0.000000e+00> : vector<128x512xf32>
    %dot_general3A_437 = tpu.matmul %mul3A_350, %get3A_435, %dot_general3A_436 {dimension_numbers = #tpu.dot_dimension_numbers<[1], [1], [0], [0], [0, 0, 1, 0], [], []>, transpose_lhs_hint = false} : vector<128x32xf32>, vector<512x32xf32>, vector<128x512xf32> -> vector<128x512xf32>
    %add3A_438 = vector.broadcast %broadcast_in_dim3A_354 : vector<128x1xf32> to vector<128x512xf32>
    %add3A_439 = arith.addf %add3A_438, %dot_general3A_437 : vector<128x512xf32>
    %reduce_min3A_440 = arith.constant dense<0x7F800000> : vector<512xf32>
    %reduce_min3A_441 = vector.multi_reduction <minimumf>, %add3A_439, %reduce_min3A_440 [0] : vector<128x512xf32> to vector<512xf32>
    %broadcast_in_dim3A_442 = vector.shape_cast %reduce_min3A_441 : vector<512xf32> to vector<1x512xf32>
    %iota3A_443 = tpu.iota {dimensions = array<i32: 0>} : vector<128x512xi32>
    %convert_element_type3A_444 = arith.sitofp %iota3A_443 : vector<128x512xi32> to vector<128x512xf32>
    %eq3A_445 = vector.broadcast %broadcast_in_dim3A_442 : vector<1x512xf32> to vector<128x512xf32>
    %eq3A_446 = arith.cmpf oeq, %add3A_439, %eq3A_445 : vector<128x512xf32>
    %jit3A_447 = arith.constant 1.280000e+02 : f32
    %broadcast_in_dim3A_448 = vector.broadcast %jit3A_447 : f32 to vector<128x512xf32>
    %select_n3A_449 = arith.select %eq3A_446, %convert_element_type3A_444, %broadcast_in_dim3A_448 : vector<128x512xi1>, vector<128x512xf32>
    %reduce_min3A_450 = arith.constant dense<0x7F800000> : vector<512xf32>
    %reduce_min3A_451 = vector.multi_reduction <minimumf>, %select_n3A_449, %reduce_min3A_450 [0] : vector<128x512xf32> to vector<512xf32>
    %broadcast_in_dim3A_452 = vector.shape_cast %reduce_min3A_451 : vector<512xf32> to vector<1x512xf32>
    %add3A_453 = arith.constant 3.840000e+02 : f32
    %add3A_454 = vector.broadcast %add3A_453 : f32 to vector<1x512xf32>
    %add3A_455 = arith.addf %broadcast_in_dim3A_452, %add3A_454 : vector<1x512xf32>
    %lt3A_456 = arith.cmpf olt, %broadcast_in_dim3A_442, %select_n3A_343 : vector<1x512xf32>
    %select_n3A_457 = arith.select %lt3A_456, %broadcast_in_dim3A_442, %select_n3A_343 : vector<1x512xi1>, vector<1x512xf32>
    %select_n3A_458 = arith.select %lt3A_456, %add3A_455, %select_n3A_344 : vector<1x512xi1>, vector<1x512xf32>
    %get3A_459 = arith.constant 512 : index
    %get3A_460 = arith.constant 0 : index
    %get3A_461 = vector.load %arg2[%get3A_459, %get3A_460] : memref<1024x32xf32, #tpu.memory_space<vmem>>, vector<128x32xf32>
    %mul3A_462 = arith.constant -2.000000e+00 : f32
    %mul3A_463 = vector.broadcast %mul3A_462 : f32 to vector<128x32xf32>
    %mul3A_464 = arith.mulf %get3A_461, %mul3A_463 : vector<128x32xf32>
    %mul3A_465 = arith.mulf %get3A_461, %get3A_461 : vector<128x32xf32>
    %reduce_sum3A_466 = arith.constant dense<0.000000e+00> : vector<128xf32>
    %reduce_sum3A_467 = vector.multi_reduction <add>, %mul3A_465, %reduce_sum3A_466 [1] : vector<128x32xf32> to vector<128xf32>
    %broadcast_in_dim3A_468 = vector.shape_cast %reduce_sum3A_467 : vector<128xf32> to vector<128x1xf32>
    %get3A_469 = arith.constant 0 : index
    %get3A_470 = arith.constant 0 : index
    %get3A_471 = vector.load %arg1[%get3A_469, %get3A_470] : memref<2048x32xf32, #tpu.memory_space<vmem>>, vector<512x32xf32>
    %dot_general3A_472 = arith.constant dense<0.000000e+00> : vector<128x512xf32>
    %dot_general3A_473 = tpu.matmul %mul3A_464, %get3A_471, %dot_general3A_472 {dimension_numbers = #tpu.dot_dimension_numbers<[1], [1], [0], [0], [0, 0, 1, 0], [], []>, transpose_lhs_hint = false} : vector<128x32xf32>, vector<512x32xf32>, vector<128x512xf32> -> vector<128x512xf32>
    %add3A_474 = vector.broadcast %broadcast_in_dim3A_468 : vector<128x1xf32> to vector<128x512xf32>
    %add3A_475 = arith.addf %add3A_474, %dot_general3A_473 : vector<128x512xf32>
    %reduce_min3A_476 = arith.constant dense<0x7F800000> : vector<512xf32>
    %reduce_min3A_477 = vector.multi_reduction <minimumf>, %add3A_475, %reduce_min3A_476 [0] : vector<128x512xf32> to vector<512xf32>
    %broadcast_in_dim3A_478 = vector.shape_cast %reduce_min3A_477 : vector<512xf32> to vector<1x512xf32>
    %iota3A_479 = tpu.iota {dimensions = array<i32: 0>} : vector<128x512xi32>
    %convert_element_type3A_480 = arith.sitofp %iota3A_479 : vector<128x512xi32> to vector<128x512xf32>
    %eq3A_481 = vector.broadcast %broadcast_in_dim3A_478 : vector<1x512xf32> to vector<128x512xf32>
    %eq3A_482 = arith.cmpf oeq, %add3A_475, %eq3A_481 : vector<128x512xf32>
    %jit3A_483 = arith.constant 1.280000e+02 : f32
    %broadcast_in_dim3A_484 = vector.broadcast %jit3A_483 : f32 to vector<128x512xf32>
    %select_n3A_485 = arith.select %eq3A_482, %convert_element_type3A_480, %broadcast_in_dim3A_484 : vector<128x512xi1>, vector<128x512xf32>
    %reduce_min3A_486 = arith.constant dense<0x7F800000> : vector<512xf32>
    %reduce_min3A_487 = vector.multi_reduction <minimumf>, %select_n3A_485, %reduce_min3A_486 [0] : vector<128x512xf32> to vector<512xf32>
    %broadcast_in_dim3A_488 = vector.shape_cast %reduce_min3A_487 : vector<512xf32> to vector<1x512xf32>
    %add3A_489 = arith.constant 5.120000e+02 : f32
    %add3A_490 = vector.broadcast %add3A_489 : f32 to vector<1x512xf32>
    %add3A_491 = arith.addf %broadcast_in_dim3A_488, %add3A_490 : vector<1x512xf32>
    %lt3A_492 = arith.cmpf olt, %broadcast_in_dim3A_478, %select_n3A_379 : vector<1x512xf32>
    %select_n3A_493 = arith.select %lt3A_492, %broadcast_in_dim3A_478, %select_n3A_379 : vector<1x512xi1>, vector<1x512xf32>
    %select_n3A_494 = arith.select %lt3A_492, %add3A_491, %select_n3A_380 : vector<1x512xi1>, vector<1x512xf32>
    %get3A_495 = arith.constant 512 : index
    %get3A_496 = arith.constant 0 : index
    %get3A_497 = vector.load %arg1[%get3A_495, %get3A_496] : memref<2048x32xf32, #tpu.memory_space<vmem>>, vector<512x32xf32>
    %dot_general3A_498 = arith.constant dense<0.000000e+00> : vector<128x512xf32>
    %dot_general3A_499 = tpu.matmul %mul3A_464, %get3A_497, %dot_general3A_498 {dimension_numbers = #tpu.dot_dimension_numbers<[1], [1], [0], [0], [0, 0, 1, 0], [], []>, transpose_lhs_hint = false} : vector<128x32xf32>, vector<512x32xf32>, vector<128x512xf32> -> vector<128x512xf32>
    %add3A_500 = vector.broadcast %broadcast_in_dim3A_468 : vector<128x1xf32> to vector<128x512xf32>
    %add3A_501 = arith.addf %add3A_500, %dot_general3A_499 : vector<128x512xf32>
    %reduce_min3A_502 = arith.constant dense<0x7F800000> : vector<512xf32>
    %reduce_min3A_503 = vector.multi_reduction <minimumf>, %add3A_501, %reduce_min3A_502 [0] : vector<128x512xf32> to vector<512xf32>
    %broadcast_in_dim3A_504 = vector.shape_cast %reduce_min3A_503 : vector<512xf32> to vector<1x512xf32>
    %iota3A_505 = tpu.iota {dimensions = array<i32: 0>} : vector<128x512xi32>
    %convert_element_type3A_506 = arith.sitofp %iota3A_505 : vector<128x512xi32> to vector<128x512xf32>
    %eq3A_507 = vector.broadcast %broadcast_in_dim3A_504 : vector<1x512xf32> to vector<128x512xf32>
    %eq3A_508 = arith.cmpf oeq, %add3A_501, %eq3A_507 : vector<128x512xf32>
    %jit3A_509 = arith.constant 1.280000e+02 : f32
    %broadcast_in_dim3A_510 = vector.broadcast %jit3A_509 : f32 to vector<128x512xf32>
    %select_n3A_511 = arith.select %eq3A_508, %convert_element_type3A_506, %broadcast_in_dim3A_510 : vector<128x512xi1>, vector<128x512xf32>
    %reduce_min3A_512 = arith.constant dense<0x7F800000> : vector<512xf32>
    %reduce_min3A_513 = vector.multi_reduction <minimumf>, %select_n3A_511, %reduce_min3A_512 [0] : vector<128x512xf32> to vector<512xf32>
    %broadcast_in_dim3A_514 = vector.shape_cast %reduce_min3A_513 : vector<512xf32> to vector<1x512xf32>
    %add3A_515 = arith.constant 5.120000e+02 : f32
    %add3A_516 = vector.broadcast %add3A_515 : f32 to vector<1x512xf32>
    %add3A_517 = arith.addf %broadcast_in_dim3A_514, %add3A_516 : vector<1x512xf32>
    %lt3A_518 = arith.cmpf olt, %broadcast_in_dim3A_504, %select_n3A_405 : vector<1x512xf32>
    %select_n3A_519 = arith.select %lt3A_518, %broadcast_in_dim3A_504, %select_n3A_405 : vector<1x512xi1>, vector<1x512xf32>
    %select_n3A_520 = arith.select %lt3A_518, %add3A_517, %select_n3A_406 : vector<1x512xi1>, vector<1x512xf32>
    %get3A_521 = arith.constant 1024 : index
    %get3A_522 = arith.constant 0 : index
    %get3A_523 = vector.load %arg1[%get3A_521, %get3A_522] : memref<2048x32xf32, #tpu.memory_space<vmem>>, vector<512x32xf32>
    %dot_general3A_524 = arith.constant dense<0.000000e+00> : vector<128x512xf32>
    %dot_general3A_525 = tpu.matmul %mul3A_464, %get3A_523, %dot_general3A_524 {dimension_numbers = #tpu.dot_dimension_numbers<[1], [1], [0], [0], [0, 0, 1, 0], [], []>, transpose_lhs_hint = false} : vector<128x32xf32>, vector<512x32xf32>, vector<128x512xf32> -> vector<128x512xf32>
    %add3A_526 = vector.broadcast %broadcast_in_dim3A_468 : vector<128x1xf32> to vector<128x512xf32>
    %add3A_527 = arith.addf %add3A_526, %dot_general3A_525 : vector<128x512xf32>
    %reduce_min3A_528 = arith.constant dense<0x7F800000> : vector<512xf32>
    %reduce_min3A_529 = vector.multi_reduction <minimumf>, %add3A_527, %reduce_min3A_528 [0] : vector<128x512xf32> to vector<512xf32>
    %broadcast_in_dim3A_530 = vector.shape_cast %reduce_min3A_529 : vector<512xf32> to vector<1x512xf32>
    %iota3A_531 = tpu.iota {dimensions = array<i32: 0>} : vector<128x512xi32>
    %convert_element_type3A_532 = arith.sitofp %iota3A_531 : vector<128x512xi32> to vector<128x512xf32>
    %eq3A_533 = vector.broadcast %broadcast_in_dim3A_530 : vector<1x512xf32> to vector<128x512xf32>
    %eq3A_534 = arith.cmpf oeq, %add3A_527, %eq3A_533 : vector<128x512xf32>
    %jit3A_535 = arith.constant 1.280000e+02 : f32
    %broadcast_in_dim3A_536 = vector.broadcast %jit3A_535 : f32 to vector<128x512xf32>
    %select_n3A_537 = arith.select %eq3A_534, %convert_element_type3A_532, %broadcast_in_dim3A_536 : vector<128x512xi1>, vector<128x512xf32>
    %reduce_min3A_538 = arith.constant dense<0x7F800000> : vector<512xf32>
    %reduce_min3A_539 = vector.multi_reduction <minimumf>, %select_n3A_537, %reduce_min3A_538 [0] : vector<128x512xf32> to vector<512xf32>
    %broadcast_in_dim3A_540 = vector.shape_cast %reduce_min3A_539 : vector<512xf32> to vector<1x512xf32>
    %add3A_541 = arith.constant 5.120000e+02 : f32
    %add3A_542 = vector.broadcast %add3A_541 : f32 to vector<1x512xf32>
    %add3A_543 = arith.addf %broadcast_in_dim3A_540, %add3A_542 : vector<1x512xf32>
    %lt3A_544 = arith.cmpf olt, %broadcast_in_dim3A_530, %select_n3A_431 : vector<1x512xf32>
    %select_n3A_545 = arith.select %lt3A_544, %broadcast_in_dim3A_530, %select_n3A_431 : vector<1x512xi1>, vector<1x512xf32>
    %select_n3A_546 = arith.select %lt3A_544, %add3A_543, %select_n3A_432 : vector<1x512xi1>, vector<1x512xf32>
    %get3A_547 = arith.constant 1536 : index
    %get3A_548 = arith.constant 0 : index
    %get3A_549 = vector.load %arg1[%get3A_547, %get3A_548] : memref<2048x32xf32, #tpu.memory_space<vmem>>, vector<512x32xf32>
    %dot_general3A_550 = arith.constant dense<0.000000e+00> : vector<128x512xf32>
    %dot_general3A_551 = tpu.matmul %mul3A_464, %get3A_549, %dot_general3A_550 {dimension_numbers = #tpu.dot_dimension_numbers<[1], [1], [0], [0], [0, 0, 1, 0], [], []>, transpose_lhs_hint = false} : vector<128x32xf32>, vector<512x32xf32>, vector<128x512xf32> -> vector<128x512xf32>
    %add3A_552 = vector.broadcast %broadcast_in_dim3A_468 : vector<128x1xf32> to vector<128x512xf32>
    %add3A_553 = arith.addf %add3A_552, %dot_general3A_551 : vector<128x512xf32>
    %reduce_min3A_554 = arith.constant dense<0x7F800000> : vector<512xf32>
    %reduce_min3A_555 = vector.multi_reduction <minimumf>, %add3A_553, %reduce_min3A_554 [0] : vector<128x512xf32> to vector<512xf32>
    %broadcast_in_dim3A_556 = vector.shape_cast %reduce_min3A_555 : vector<512xf32> to vector<1x512xf32>
    %iota3A_557 = tpu.iota {dimensions = array<i32: 0>} : vector<128x512xi32>
    %convert_element_type3A_558 = arith.sitofp %iota3A_557 : vector<128x512xi32> to vector<128x512xf32>
    %eq3A_559 = vector.broadcast %broadcast_in_dim3A_556 : vector<1x512xf32> to vector<128x512xf32>
    %eq3A_560 = arith.cmpf oeq, %add3A_553, %eq3A_559 : vector<128x512xf32>
    %jit3A_561 = arith.constant 1.280000e+02 : f32
    %broadcast_in_dim3A_562 = vector.broadcast %jit3A_561 : f32 to vector<128x512xf32>
    %select_n3A_563 = arith.select %eq3A_560, %convert_element_type3A_558, %broadcast_in_dim3A_562 : vector<128x512xi1>, vector<128x512xf32>
    %reduce_min3A_564 = arith.constant dense<0x7F800000> : vector<512xf32>
    %reduce_min3A_565 = vector.multi_reduction <minimumf>, %select_n3A_563, %reduce_min3A_564 [0] : vector<128x512xf32> to vector<512xf32>
    %broadcast_in_dim3A_566 = vector.shape_cast %reduce_min3A_565 : vector<512xf32> to vector<1x512xf32>
    %add3A_567 = arith.constant 5.120000e+02 : f32
    %add3A_568 = vector.broadcast %add3A_567 : f32 to vector<1x512xf32>
    %add3A_569 = arith.addf %broadcast_in_dim3A_566, %add3A_568 : vector<1x512xf32>
    %lt3A_570 = arith.cmpf olt, %broadcast_in_dim3A_556, %select_n3A_457 : vector<1x512xf32>
    %select_n3A_571 = arith.select %lt3A_570, %broadcast_in_dim3A_556, %select_n3A_457 : vector<1x512xi1>, vector<1x512xf32>
    %select_n3A_572 = arith.select %lt3A_570, %add3A_569, %select_n3A_458 : vector<1x512xi1>, vector<1x512xf32>
    %get3A_573 = arith.constant 640 : index
    %get3A_574 = arith.constant 0 : index
    %get3A_575 = vector.load %arg2[%get3A_573, %get3A_574] : memref<1024x32xf32, #tpu.memory_space<vmem>>, vector<128x32xf32>
    %mul3A_576 = arith.constant -2.000000e+00 : f32
    %mul3A_577 = vector.broadcast %mul3A_576 : f32 to vector<128x32xf32>
    %mul3A_578 = arith.mulf %get3A_575, %mul3A_577 : vector<128x32xf32>
    %mul3A_579 = arith.mulf %get3A_575, %get3A_575 : vector<128x32xf32>
    %reduce_sum3A_580 = arith.constant dense<0.000000e+00> : vector<128xf32>
    %reduce_sum3A_581 = vector.multi_reduction <add>, %mul3A_579, %reduce_sum3A_580 [1] : vector<128x32xf32> to vector<128xf32>
    %broadcast_in_dim3A_582 = vector.shape_cast %reduce_sum3A_581 : vector<128xf32> to vector<128x1xf32>
    %get3A_583 = arith.constant 0 : index
    %get3A_584 = arith.constant 0 : index
    %get3A_585 = vector.load %arg1[%get3A_583, %get3A_584] : memref<2048x32xf32, #tpu.memory_space<vmem>>, vector<512x32xf32>
    %dot_general3A_586 = arith.constant dense<0.000000e+00> : vector<128x512xf32>
    %dot_general3A_587 = tpu.matmul %mul3A_578, %get3A_585, %dot_general3A_586 {dimension_numbers = #tpu.dot_dimension_numbers<[1], [1], [0], [0], [0, 0, 1, 0], [], []>, transpose_lhs_hint = false} : vector<128x32xf32>, vector<512x32xf32>, vector<128x512xf32> -> vector<128x512xf32>
    %add3A_588 = vector.broadcast %broadcast_in_dim3A_582 : vector<128x1xf32> to vector<128x512xf32>
    %add3A_589 = arith.addf %add3A_588, %dot_general3A_587 : vector<128x512xf32>
    %reduce_min3A_590 = arith.constant dense<0x7F800000> : vector<512xf32>
    %reduce_min3A_591 = vector.multi_reduction <minimumf>, %add3A_589, %reduce_min3A_590 [0] : vector<128x512xf32> to vector<512xf32>
    %broadcast_in_dim3A_592 = vector.shape_cast %reduce_min3A_591 : vector<512xf32> to vector<1x512xf32>
    %iota3A_593 = tpu.iota {dimensions = array<i32: 0>} : vector<128x512xi32>
    %convert_element_type3A_594 = arith.sitofp %iota3A_593 : vector<128x512xi32> to vector<128x512xf32>
    %eq3A_595 = vector.broadcast %broadcast_in_dim3A_592 : vector<1x512xf32> to vector<128x512xf32>
    %eq3A_596 = arith.cmpf oeq, %add3A_589, %eq3A_595 : vector<128x512xf32>
    %jit3A_597 = arith.constant 1.280000e+02 : f32
    %broadcast_in_dim3A_598 = vector.broadcast %jit3A_597 : f32 to vector<128x512xf32>
    %select_n3A_599 = arith.select %eq3A_596, %convert_element_type3A_594, %broadcast_in_dim3A_598 : vector<128x512xi1>, vector<128x512xf32>
    %reduce_min3A_600 = arith.constant dense<0x7F800000> : vector<512xf32>
    %reduce_min3A_601 = vector.multi_reduction <minimumf>, %select_n3A_599, %reduce_min3A_600 [0] : vector<128x512xf32> to vector<512xf32>
    %broadcast_in_dim3A_602 = vector.shape_cast %reduce_min3A_601 : vector<512xf32> to vector<1x512xf32>
    %add3A_603 = arith.constant 6.400000e+02 : f32
    %add3A_604 = vector.broadcast %add3A_603 : f32 to vector<1x512xf32>
    %add3A_605 = arith.addf %broadcast_in_dim3A_602, %add3A_604 : vector<1x512xf32>
    %lt3A_606 = arith.cmpf olt, %broadcast_in_dim3A_592, %select_n3A_493 : vector<1x512xf32>
    %select_n3A_607 = arith.select %lt3A_606, %broadcast_in_dim3A_592, %select_n3A_493 : vector<1x512xi1>, vector<1x512xf32>
    %select_n3A_608 = arith.select %lt3A_606, %add3A_605, %select_n3A_494 : vector<1x512xi1>, vector<1x512xf32>
    %get3A_609 = arith.constant 512 : index
    %get3A_610 = arith.constant 0 : index
    %get3A_611 = vector.load %arg1[%get3A_609, %get3A_610] : memref<2048x32xf32, #tpu.memory_space<vmem>>, vector<512x32xf32>
    %dot_general3A_612 = arith.constant dense<0.000000e+00> : vector<128x512xf32>
    %dot_general3A_613 = tpu.matmul %mul3A_578, %get3A_611, %dot_general3A_612 {dimension_numbers = #tpu.dot_dimension_numbers<[1], [1], [0], [0], [0, 0, 1, 0], [], []>, transpose_lhs_hint = false} : vector<128x32xf32>, vector<512x32xf32>, vector<128x512xf32> -> vector<128x512xf32>
    %add3A_614 = vector.broadcast %broadcast_in_dim3A_582 : vector<128x1xf32> to vector<128x512xf32>
    %add3A_615 = arith.addf %add3A_614, %dot_general3A_613 : vector<128x512xf32>
    %reduce_min3A_616 = arith.constant dense<0x7F800000> : vector<512xf32>
    %reduce_min3A_617 = vector.multi_reduction <minimumf>, %add3A_615, %reduce_min3A_616 [0] : vector<128x512xf32> to vector<512xf32>
    %broadcast_in_dim3A_618 = vector.shape_cast %reduce_min3A_617 : vector<512xf32> to vector<1x512xf32>
    %iota3A_619 = tpu.iota {dimensions = array<i32: 0>} : vector<128x512xi32>
    %convert_element_type3A_620 = arith.sitofp %iota3A_619 : vector<128x512xi32> to vector<128x512xf32>
    %eq3A_621 = vector.broadcast %broadcast_in_dim3A_618 : vector<1x512xf32> to vector<128x512xf32>
    %eq3A_622 = arith.cmpf oeq, %add3A_615, %eq3A_621 : vector<128x512xf32>
    %jit3A_623 = arith.constant 1.280000e+02 : f32
    %broadcast_in_dim3A_624 = vector.broadcast %jit3A_623 : f32 to vector<128x512xf32>
    %select_n3A_625 = arith.select %eq3A_622, %convert_element_type3A_620, %broadcast_in_dim3A_624 : vector<128x512xi1>, vector<128x512xf32>
    %reduce_min3A_626 = arith.constant dense<0x7F800000> : vector<512xf32>
    %reduce_min3A_627 = vector.multi_reduction <minimumf>, %select_n3A_625, %reduce_min3A_626 [0] : vector<128x512xf32> to vector<512xf32>
    %broadcast_in_dim3A_628 = vector.shape_cast %reduce_min3A_627 : vector<512xf32> to vector<1x512xf32>
    %add3A_629 = arith.constant 6.400000e+02 : f32
    %add3A_630 = vector.broadcast %add3A_629 : f32 to vector<1x512xf32>
    %add3A_631 = arith.addf %broadcast_in_dim3A_628, %add3A_630 : vector<1x512xf32>
    %lt3A_632 = arith.cmpf olt, %broadcast_in_dim3A_618, %select_n3A_519 : vector<1x512xf32>
    %select_n3A_633 = arith.select %lt3A_632, %broadcast_in_dim3A_618, %select_n3A_519 : vector<1x512xi1>, vector<1x512xf32>
    %select_n3A_634 = arith.select %lt3A_632, %add3A_631, %select_n3A_520 : vector<1x512xi1>, vector<1x512xf32>
    %get3A_635 = arith.constant 1024 : index
    %get3A_636 = arith.constant 0 : index
    %get3A_637 = vector.load %arg1[%get3A_635, %get3A_636] : memref<2048x32xf32, #tpu.memory_space<vmem>>, vector<512x32xf32>
    %dot_general3A_638 = arith.constant dense<0.000000e+00> : vector<128x512xf32>
    %dot_general3A_639 = tpu.matmul %mul3A_578, %get3A_637, %dot_general3A_638 {dimension_numbers = #tpu.dot_dimension_numbers<[1], [1], [0], [0], [0, 0, 1, 0], [], []>, transpose_lhs_hint = false} : vector<128x32xf32>, vector<512x32xf32>, vector<128x512xf32> -> vector<128x512xf32>
    %add3A_640 = vector.broadcast %broadcast_in_dim3A_582 : vector<128x1xf32> to vector<128x512xf32>
    %add3A_641 = arith.addf %add3A_640, %dot_general3A_639 : vector<128x512xf32>
    %reduce_min3A_642 = arith.constant dense<0x7F800000> : vector<512xf32>
    %reduce_min3A_643 = vector.multi_reduction <minimumf>, %add3A_641, %reduce_min3A_642 [0] : vector<128x512xf32> to vector<512xf32>
    %broadcast_in_dim3A_644 = vector.shape_cast %reduce_min3A_643 : vector<512xf32> to vector<1x512xf32>
    %iota3A_645 = tpu.iota {dimensions = array<i32: 0>} : vector<128x512xi32>
    %convert_element_type3A_646 = arith.sitofp %iota3A_645 : vector<128x512xi32> to vector<128x512xf32>
    %eq3A_647 = vector.broadcast %broadcast_in_dim3A_644 : vector<1x512xf32> to vector<128x512xf32>
    %eq3A_648 = arith.cmpf oeq, %add3A_641, %eq3A_647 : vector<128x512xf32>
    %jit3A_649 = arith.constant 1.280000e+02 : f32
    %broadcast_in_dim3A_650 = vector.broadcast %jit3A_649 : f32 to vector<128x512xf32>
    %select_n3A_651 = arith.select %eq3A_648, %convert_element_type3A_646, %broadcast_in_dim3A_650 : vector<128x512xi1>, vector<128x512xf32>
    %reduce_min3A_652 = arith.constant dense<0x7F800000> : vector<512xf32>
    %reduce_min3A_653 = vector.multi_reduction <minimumf>, %select_n3A_651, %reduce_min3A_652 [0] : vector<128x512xf32> to vector<512xf32>
    %broadcast_in_dim3A_654 = vector.shape_cast %reduce_min3A_653 : vector<512xf32> to vector<1x512xf32>
    %add3A_655 = arith.constant 6.400000e+02 : f32
    %add3A_656 = vector.broadcast %add3A_655 : f32 to vector<1x512xf32>
    %add3A_657 = arith.addf %broadcast_in_dim3A_654, %add3A_656 : vector<1x512xf32>
    %lt3A_658 = arith.cmpf olt, %broadcast_in_dim3A_644, %select_n3A_545 : vector<1x512xf32>
    %select_n3A_659 = arith.select %lt3A_658, %broadcast_in_dim3A_644, %select_n3A_545 : vector<1x512xi1>, vector<1x512xf32>
    %select_n3A_660 = arith.select %lt3A_658, %add3A_657, %select_n3A_546 : vector<1x512xi1>, vector<1x512xf32>
    %get3A_661 = arith.constant 1536 : index
    %get3A_662 = arith.constant 0 : index
    %get3A_663 = vector.load %arg1[%get3A_661, %get3A_662] : memref<2048x32xf32, #tpu.memory_space<vmem>>, vector<512x32xf32>
    %dot_general3A_664 = arith.constant dense<0.000000e+00> : vector<128x512xf32>
    %dot_general3A_665 = tpu.matmul %mul3A_578, %get3A_663, %dot_general3A_664 {dimension_numbers = #tpu.dot_dimension_numbers<[1], [1], [0], [0], [0, 0, 1, 0], [], []>, transpose_lhs_hint = false} : vector<128x32xf32>, vector<512x32xf32>, vector<128x512xf32> -> vector<128x512xf32>
    %add3A_666 = vector.broadcast %broadcast_in_dim3A_582 : vector<128x1xf32> to vector<128x512xf32>
    %add3A_667 = arith.addf %add3A_666, %dot_general3A_665 : vector<128x512xf32>
    %reduce_min3A_668 = arith.constant dense<0x7F800000> : vector<512xf32>
    %reduce_min3A_669 = vector.multi_reduction <minimumf>, %add3A_667, %reduce_min3A_668 [0] : vector<128x512xf32> to vector<512xf32>
    %broadcast_in_dim3A_670 = vector.shape_cast %reduce_min3A_669 : vector<512xf32> to vector<1x512xf32>
    %iota3A_671 = tpu.iota {dimensions = array<i32: 0>} : vector<128x512xi32>
    %convert_element_type3A_672 = arith.sitofp %iota3A_671 : vector<128x512xi32> to vector<128x512xf32>
    %eq3A_673 = vector.broadcast %broadcast_in_dim3A_670 : vector<1x512xf32> to vector<128x512xf32>
    %eq3A_674 = arith.cmpf oeq, %add3A_667, %eq3A_673 : vector<128x512xf32>
    %jit3A_675 = arith.constant 1.280000e+02 : f32
    %broadcast_in_dim3A_676 = vector.broadcast %jit3A_675 : f32 to vector<128x512xf32>
    %select_n3A_677 = arith.select %eq3A_674, %convert_element_type3A_672, %broadcast_in_dim3A_676 : vector<128x512xi1>, vector<128x512xf32>
    %reduce_min3A_678 = arith.constant dense<0x7F800000> : vector<512xf32>
    %reduce_min3A_679 = vector.multi_reduction <minimumf>, %select_n3A_677, %reduce_min3A_678 [0] : vector<128x512xf32> to vector<512xf32>
    %broadcast_in_dim3A_680 = vector.shape_cast %reduce_min3A_679 : vector<512xf32> to vector<1x512xf32>
    %add3A_681 = arith.constant 6.400000e+02 : f32
    %add3A_682 = vector.broadcast %add3A_681 : f32 to vector<1x512xf32>
    %add3A_683 = arith.addf %broadcast_in_dim3A_680, %add3A_682 : vector<1x512xf32>
    %lt3A_684 = arith.cmpf olt, %broadcast_in_dim3A_670, %select_n3A_571 : vector<1x512xf32>
    %select_n3A_685 = arith.select %lt3A_684, %broadcast_in_dim3A_670, %select_n3A_571 : vector<1x512xi1>, vector<1x512xf32>
    %select_n3A_686 = arith.select %lt3A_684, %add3A_683, %select_n3A_572 : vector<1x512xi1>, vector<1x512xf32>
    %get3A_687 = arith.constant 768 : index
    %get3A_688 = arith.constant 0 : index
    %get3A_689 = vector.load %arg2[%get3A_687, %get3A_688] : memref<1024x32xf32, #tpu.memory_space<vmem>>, vector<128x32xf32>
    %mul3A_690 = arith.constant -2.000000e+00 : f32
    %mul3A_691 = vector.broadcast %mul3A_690 : f32 to vector<128x32xf32>
    %mul3A_692 = arith.mulf %get3A_689, %mul3A_691 : vector<128x32xf32>
    %mul3A_693 = arith.mulf %get3A_689, %get3A_689 : vector<128x32xf32>
    %reduce_sum3A_694 = arith.constant dense<0.000000e+00> : vector<128xf32>
    %reduce_sum3A_695 = vector.multi_reduction <add>, %mul3A_693, %reduce_sum3A_694 [1] : vector<128x32xf32> to vector<128xf32>
    %broadcast_in_dim3A_696 = vector.shape_cast %reduce_sum3A_695 : vector<128xf32> to vector<128x1xf32>
    %get3A_697 = arith.constant 0 : index
    %get3A_698 = arith.constant 0 : index
    %get3A_699 = vector.load %arg1[%get3A_697, %get3A_698] : memref<2048x32xf32, #tpu.memory_space<vmem>>, vector<512x32xf32>
    %dot_general3A_700 = arith.constant dense<0.000000e+00> : vector<128x512xf32>
    %dot_general3A_701 = tpu.matmul %mul3A_692, %get3A_699, %dot_general3A_700 {dimension_numbers = #tpu.dot_dimension_numbers<[1], [1], [0], [0], [0, 0, 1, 0], [], []>, transpose_lhs_hint = false} : vector<128x32xf32>, vector<512x32xf32>, vector<128x512xf32> -> vector<128x512xf32>
    %add3A_702 = vector.broadcast %broadcast_in_dim3A_696 : vector<128x1xf32> to vector<128x512xf32>
    %add3A_703 = arith.addf %add3A_702, %dot_general3A_701 : vector<128x512xf32>
    %reduce_min3A_704 = arith.constant dense<0x7F800000> : vector<512xf32>
    %reduce_min3A_705 = vector.multi_reduction <minimumf>, %add3A_703, %reduce_min3A_704 [0] : vector<128x512xf32> to vector<512xf32>
    %broadcast_in_dim3A_706 = vector.shape_cast %reduce_min3A_705 : vector<512xf32> to vector<1x512xf32>
    %iota3A_707 = tpu.iota {dimensions = array<i32: 0>} : vector<128x512xi32>
    %convert_element_type3A_708 = arith.sitofp %iota3A_707 : vector<128x512xi32> to vector<128x512xf32>
    %eq3A_709 = vector.broadcast %broadcast_in_dim3A_706 : vector<1x512xf32> to vector<128x512xf32>
    %eq3A_710 = arith.cmpf oeq, %add3A_703, %eq3A_709 : vector<128x512xf32>
    %jit3A_711 = arith.constant 1.280000e+02 : f32
    %broadcast_in_dim3A_712 = vector.broadcast %jit3A_711 : f32 to vector<128x512xf32>
    %select_n3A_713 = arith.select %eq3A_710, %convert_element_type3A_708, %broadcast_in_dim3A_712 : vector<128x512xi1>, vector<128x512xf32>
    %reduce_min3A_714 = arith.constant dense<0x7F800000> : vector<512xf32>
    %reduce_min3A_715 = vector.multi_reduction <minimumf>, %select_n3A_713, %reduce_min3A_714 [0] : vector<128x512xf32> to vector<512xf32>
    %broadcast_in_dim3A_716 = vector.shape_cast %reduce_min3A_715 : vector<512xf32> to vector<1x512xf32>
    %add3A_717 = arith.constant 7.680000e+02 : f32
    %add3A_718 = vector.broadcast %add3A_717 : f32 to vector<1x512xf32>
    %add3A_719 = arith.addf %broadcast_in_dim3A_716, %add3A_718 : vector<1x512xf32>
    %lt3A_720 = arith.cmpf olt, %broadcast_in_dim3A_706, %select_n3A_607 : vector<1x512xf32>
    %select_n3A_721 = arith.select %lt3A_720, %broadcast_in_dim3A_706, %select_n3A_607 : vector<1x512xi1>, vector<1x512xf32>
    %select_n3A_722 = arith.select %lt3A_720, %add3A_719, %select_n3A_608 : vector<1x512xi1>, vector<1x512xf32>
    %get3A_723 = arith.constant 512 : index
    %get3A_724 = arith.constant 0 : index
    %get3A_725 = vector.load %arg1[%get3A_723, %get3A_724] : memref<2048x32xf32, #tpu.memory_space<vmem>>, vector<512x32xf32>
    %dot_general3A_726 = arith.constant dense<0.000000e+00> : vector<128x512xf32>
    %dot_general3A_727 = tpu.matmul %mul3A_692, %get3A_725, %dot_general3A_726 {dimension_numbers = #tpu.dot_dimension_numbers<[1], [1], [0], [0], [0, 0, 1, 0], [], []>, transpose_lhs_hint = false} : vector<128x32xf32>, vector<512x32xf32>, vector<128x512xf32> -> vector<128x512xf32>
    %add3A_728 = vector.broadcast %broadcast_in_dim3A_696 : vector<128x1xf32> to vector<128x512xf32>
    %add3A_729 = arith.addf %add3A_728, %dot_general3A_727 : vector<128x512xf32>
    %reduce_min3A_730 = arith.constant dense<0x7F800000> : vector<512xf32>
    %reduce_min3A_731 = vector.multi_reduction <minimumf>, %add3A_729, %reduce_min3A_730 [0] : vector<128x512xf32> to vector<512xf32>
    %broadcast_in_dim3A_732 = vector.shape_cast %reduce_min3A_731 : vector<512xf32> to vector<1x512xf32>
    %iota3A_733 = tpu.iota {dimensions = array<i32: 0>} : vector<128x512xi32>
    %convert_element_type3A_734 = arith.sitofp %iota3A_733 : vector<128x512xi32> to vector<128x512xf32>
    %eq3A_735 = vector.broadcast %broadcast_in_dim3A_732 : vector<1x512xf32> to vector<128x512xf32>
    %eq3A_736 = arith.cmpf oeq, %add3A_729, %eq3A_735 : vector<128x512xf32>
    %jit3A_737 = arith.constant 1.280000e+02 : f32
    %broadcast_in_dim3A_738 = vector.broadcast %jit3A_737 : f32 to vector<128x512xf32>
    %select_n3A_739 = arith.select %eq3A_736, %convert_element_type3A_734, %broadcast_in_dim3A_738 : vector<128x512xi1>, vector<128x512xf32>
    %reduce_min3A_740 = arith.constant dense<0x7F800000> : vector<512xf32>
    %reduce_min3A_741 = vector.multi_reduction <minimumf>, %select_n3A_739, %reduce_min3A_740 [0] : vector<128x512xf32> to vector<512xf32>
    %broadcast_in_dim3A_742 = vector.shape_cast %reduce_min3A_741 : vector<512xf32> to vector<1x512xf32>
    %add3A_743 = arith.constant 7.680000e+02 : f32
    %add3A_744 = vector.broadcast %add3A_743 : f32 to vector<1x512xf32>
    %add3A_745 = arith.addf %broadcast_in_dim3A_742, %add3A_744 : vector<1x512xf32>
    %lt3A_746 = arith.cmpf olt, %broadcast_in_dim3A_732, %select_n3A_633 : vector<1x512xf32>
    %select_n3A_747 = arith.select %lt3A_746, %broadcast_in_dim3A_732, %select_n3A_633 : vector<1x512xi1>, vector<1x512xf32>
    %select_n3A_748 = arith.select %lt3A_746, %add3A_745, %select_n3A_634 : vector<1x512xi1>, vector<1x512xf32>
    %get3A_749 = arith.constant 1024 : index
    %get3A_750 = arith.constant 0 : index
    %get3A_751 = vector.load %arg1[%get3A_749, %get3A_750] : memref<2048x32xf32, #tpu.memory_space<vmem>>, vector<512x32xf32>
    %dot_general3A_752 = arith.constant dense<0.000000e+00> : vector<128x512xf32>
    %dot_general3A_753 = tpu.matmul %mul3A_692, %get3A_751, %dot_general3A_752 {dimension_numbers = #tpu.dot_dimension_numbers<[1], [1], [0], [0], [0, 0, 1, 0], [], []>, transpose_lhs_hint = false} : vector<128x32xf32>, vector<512x32xf32>, vector<128x512xf32> -> vector<128x512xf32>
    %add3A_754 = vector.broadcast %broadcast_in_dim3A_696 : vector<128x1xf32> to vector<128x512xf32>
    %add3A_755 = arith.addf %add3A_754, %dot_general3A_753 : vector<128x512xf32>
    %reduce_min3A_756 = arith.constant dense<0x7F800000> : vector<512xf32>
    %reduce_min3A_757 = vector.multi_reduction <minimumf>, %add3A_755, %reduce_min3A_756 [0] : vector<128x512xf32> to vector<512xf32>
    %broadcast_in_dim3A_758 = vector.shape_cast %reduce_min3A_757 : vector<512xf32> to vector<1x512xf32>
    %iota3A_759 = tpu.iota {dimensions = array<i32: 0>} : vector<128x512xi32>
    %convert_element_type3A_760 = arith.sitofp %iota3A_759 : vector<128x512xi32> to vector<128x512xf32>
    %eq3A_761 = vector.broadcast %broadcast_in_dim3A_758 : vector<1x512xf32> to vector<128x512xf32>
    %eq3A_762 = arith.cmpf oeq, %add3A_755, %eq3A_761 : vector<128x512xf32>
    %jit3A_763 = arith.constant 1.280000e+02 : f32
    %broadcast_in_dim3A_764 = vector.broadcast %jit3A_763 : f32 to vector<128x512xf32>
    %select_n3A_765 = arith.select %eq3A_762, %convert_element_type3A_760, %broadcast_in_dim3A_764 : vector<128x512xi1>, vector<128x512xf32>
    %reduce_min3A_766 = arith.constant dense<0x7F800000> : vector<512xf32>
    %reduce_min3A_767 = vector.multi_reduction <minimumf>, %select_n3A_765, %reduce_min3A_766 [0] : vector<128x512xf32> to vector<512xf32>
    %broadcast_in_dim3A_768 = vector.shape_cast %reduce_min3A_767 : vector<512xf32> to vector<1x512xf32>
    %add3A_769 = arith.constant 7.680000e+02 : f32
    %add3A_770 = vector.broadcast %add3A_769 : f32 to vector<1x512xf32>
    %add3A_771 = arith.addf %broadcast_in_dim3A_768, %add3A_770 : vector<1x512xf32>
    %lt3A_772 = arith.cmpf olt, %broadcast_in_dim3A_758, %select_n3A_659 : vector<1x512xf32>
    %select_n3A_773 = arith.select %lt3A_772, %broadcast_in_dim3A_758, %select_n3A_659 : vector<1x512xi1>, vector<1x512xf32>
    %select_n3A_774 = arith.select %lt3A_772, %add3A_771, %select_n3A_660 : vector<1x512xi1>, vector<1x512xf32>
    %get3A_775 = arith.constant 1536 : index
    %get3A_776 = arith.constant 0 : index
    %get3A_777 = vector.load %arg1[%get3A_775, %get3A_776] : memref<2048x32xf32, #tpu.memory_space<vmem>>, vector<512x32xf32>
    %dot_general3A_778 = arith.constant dense<0.000000e+00> : vector<128x512xf32>
    %dot_general3A_779 = tpu.matmul %mul3A_692, %get3A_777, %dot_general3A_778 {dimension_numbers = #tpu.dot_dimension_numbers<[1], [1], [0], [0], [0, 0, 1, 0], [], []>, transpose_lhs_hint = false} : vector<128x32xf32>, vector<512x32xf32>, vector<128x512xf32> -> vector<128x512xf32>
    %add3A_780 = vector.broadcast %broadcast_in_dim3A_696 : vector<128x1xf32> to vector<128x512xf32>
    %add3A_781 = arith.addf %add3A_780, %dot_general3A_779 : vector<128x512xf32>
    %reduce_min3A_782 = arith.constant dense<0x7F800000> : vector<512xf32>
    %reduce_min3A_783 = vector.multi_reduction <minimumf>, %add3A_781, %reduce_min3A_782 [0] : vector<128x512xf32> to vector<512xf32>
    %broadcast_in_dim3A_784 = vector.shape_cast %reduce_min3A_783 : vector<512xf32> to vector<1x512xf32>
    %iota3A_785 = tpu.iota {dimensions = array<i32: 0>} : vector<128x512xi32>
    %convert_element_type3A_786 = arith.sitofp %iota3A_785 : vector<128x512xi32> to vector<128x512xf32>
    %eq3A_787 = vector.broadcast %broadcast_in_dim3A_784 : vector<1x512xf32> to vector<128x512xf32>
    %eq3A_788 = arith.cmpf oeq, %add3A_781, %eq3A_787 : vector<128x512xf32>
    %jit3A_789 = arith.constant 1.280000e+02 : f32
    %broadcast_in_dim3A_790 = vector.broadcast %jit3A_789 : f32 to vector<128x512xf32>
    %select_n3A_791 = arith.select %eq3A_788, %convert_element_type3A_786, %broadcast_in_dim3A_790 : vector<128x512xi1>, vector<128x512xf32>
    %reduce_min3A_792 = arith.constant dense<0x7F800000> : vector<512xf32>
    %reduce_min3A_793 = vector.multi_reduction <minimumf>, %select_n3A_791, %reduce_min3A_792 [0] : vector<128x512xf32> to vector<512xf32>
    %broadcast_in_dim3A_794 = vector.shape_cast %reduce_min3A_793 : vector<512xf32> to vector<1x512xf32>
    %add3A_795 = arith.constant 7.680000e+02 : f32
    %add3A_796 = vector.broadcast %add3A_795 : f32 to vector<1x512xf32>
    %add3A_797 = arith.addf %broadcast_in_dim3A_794, %add3A_796 : vector<1x512xf32>
    %lt3A_798 = arith.cmpf olt, %broadcast_in_dim3A_784, %select_n3A_685 : vector<1x512xf32>
    %select_n3A_799 = arith.select %lt3A_798, %broadcast_in_dim3A_784, %select_n3A_685 : vector<1x512xi1>, vector<1x512xf32>
    %select_n3A_800 = arith.select %lt3A_798, %add3A_797, %select_n3A_686 : vector<1x512xi1>, vector<1x512xf32>
    %get3A_801 = arith.constant 896 : index
    %get3A_802 = arith.constant 0 : index
    %get3A_803 = vector.load %arg2[%get3A_801, %get3A_802] : memref<1024x32xf32, #tpu.memory_space<vmem>>, vector<128x32xf32>
    %mul3A_804 = arith.constant -2.000000e+00 : f32
    %mul3A_805 = vector.broadcast %mul3A_804 : f32 to vector<128x32xf32>
    %mul3A_806 = arith.mulf %get3A_803, %mul3A_805 : vector<128x32xf32>
    %mul3A_807 = arith.mulf %get3A_803, %get3A_803 : vector<128x32xf32>
    %reduce_sum3A_808 = arith.constant dense<0.000000e+00> : vector<128xf32>
    %reduce_sum3A_809 = vector.multi_reduction <add>, %mul3A_807, %reduce_sum3A_808 [1] : vector<128x32xf32> to vector<128xf32>
    %broadcast_in_dim3A_810 = vector.shape_cast %reduce_sum3A_809 : vector<128xf32> to vector<128x1xf32>
    %get3A_811 = arith.constant 0 : index
    %get3A_812 = arith.constant 0 : index
    %get3A_813 = vector.load %arg1[%get3A_811, %get3A_812] : memref<2048x32xf32, #tpu.memory_space<vmem>>, vector<512x32xf32>
    %dot_general3A_814 = arith.constant dense<0.000000e+00> : vector<128x512xf32>
    %dot_general3A_815 = tpu.matmul %mul3A_806, %get3A_813, %dot_general3A_814 {dimension_numbers = #tpu.dot_dimension_numbers<[1], [1], [0], [0], [0, 0, 1, 0], [], []>, transpose_lhs_hint = false} : vector<128x32xf32>, vector<512x32xf32>, vector<128x512xf32> -> vector<128x512xf32>
    %add3A_816 = vector.broadcast %broadcast_in_dim3A_810 : vector<128x1xf32> to vector<128x512xf32>
    %add3A_817 = arith.addf %add3A_816, %dot_general3A_815 : vector<128x512xf32>
    %reduce_min3A_818 = arith.constant dense<0x7F800000> : vector<512xf32>
    %reduce_min3A_819 = vector.multi_reduction <minimumf>, %add3A_817, %reduce_min3A_818 [0] : vector<128x512xf32> to vector<512xf32>
    %broadcast_in_dim3A_820 = vector.shape_cast %reduce_min3A_819 : vector<512xf32> to vector<1x512xf32>
    %iota3A_821 = tpu.iota {dimensions = array<i32: 0>} : vector<128x512xi32>
    %convert_element_type3A_822 = arith.sitofp %iota3A_821 : vector<128x512xi32> to vector<128x512xf32>
    %eq3A_823 = vector.broadcast %broadcast_in_dim3A_820 : vector<1x512xf32> to vector<128x512xf32>
    %eq3A_824 = arith.cmpf oeq, %add3A_817, %eq3A_823 : vector<128x512xf32>
    %jit3A_825 = arith.constant 1.280000e+02 : f32
    %broadcast_in_dim3A_826 = vector.broadcast %jit3A_825 : f32 to vector<128x512xf32>
    %select_n3A_827 = arith.select %eq3A_824, %convert_element_type3A_822, %broadcast_in_dim3A_826 : vector<128x512xi1>, vector<128x512xf32>
    %reduce_min3A_828 = arith.constant dense<0x7F800000> : vector<512xf32>
    %reduce_min3A_829 = vector.multi_reduction <minimumf>, %select_n3A_827, %reduce_min3A_828 [0] : vector<128x512xf32> to vector<512xf32>
    %broadcast_in_dim3A_830 = vector.shape_cast %reduce_min3A_829 : vector<512xf32> to vector<1x512xf32>
    %add3A_831 = arith.constant 8.960000e+02 : f32
    %add3A_832 = vector.broadcast %add3A_831 : f32 to vector<1x512xf32>
    %add3A_833 = arith.addf %broadcast_in_dim3A_830, %add3A_832 : vector<1x512xf32>
    %lt3A_834 = arith.cmpf olt, %broadcast_in_dim3A_820, %select_n3A_721 : vector<1x512xf32>
    %select_n3A_835 = arith.select %lt3A_834, %add3A_833, %select_n3A_722 : vector<1x512xi1>, vector<1x512xf32>
    %get3A_836 = arith.constant 512 : index
    %get3A_837 = arith.constant 0 : index
    %get3A_838 = vector.load %arg1[%get3A_836, %get3A_837] : memref<2048x32xf32, #tpu.memory_space<vmem>>, vector<512x32xf32>
    %dot_general3A_839 = arith.constant dense<0.000000e+00> : vector<128x512xf32>
    %dot_general3A_840 = tpu.matmul %mul3A_806, %get3A_838, %dot_general3A_839 {dimension_numbers = #tpu.dot_dimension_numbers<[1], [1], [0], [0], [0, 0, 1, 0], [], []>, transpose_lhs_hint = false} : vector<128x32xf32>, vector<512x32xf32>, vector<128x512xf32> -> vector<128x512xf32>
    %add3A_841 = vector.broadcast %broadcast_in_dim3A_810 : vector<128x1xf32> to vector<128x512xf32>
    %add3A_842 = arith.addf %add3A_841, %dot_general3A_840 : vector<128x512xf32>
    %reduce_min3A_843 = arith.constant dense<0x7F800000> : vector<512xf32>
    %reduce_min3A_844 = vector.multi_reduction <minimumf>, %add3A_842, %reduce_min3A_843 [0] : vector<128x512xf32> to vector<512xf32>
    %broadcast_in_dim3A_845 = vector.shape_cast %reduce_min3A_844 : vector<512xf32> to vector<1x512xf32>
    %iota3A_846 = tpu.iota {dimensions = array<i32: 0>} : vector<128x512xi32>
    %convert_element_type3A_847 = arith.sitofp %iota3A_846 : vector<128x512xi32> to vector<128x512xf32>
    %eq3A_848 = vector.broadcast %broadcast_in_dim3A_845 : vector<1x512xf32> to vector<128x512xf32>
    %eq3A_849 = arith.cmpf oeq, %add3A_842, %eq3A_848 : vector<128x512xf32>
    %jit3A_850 = arith.constant 1.280000e+02 : f32
    %broadcast_in_dim3A_851 = vector.broadcast %jit3A_850 : f32 to vector<128x512xf32>
    %select_n3A_852 = arith.select %eq3A_849, %convert_element_type3A_847, %broadcast_in_dim3A_851 : vector<128x512xi1>, vector<128x512xf32>
    %reduce_min3A_853 = arith.constant dense<0x7F800000> : vector<512xf32>
    %reduce_min3A_854 = vector.multi_reduction <minimumf>, %select_n3A_852, %reduce_min3A_853 [0] : vector<128x512xf32> to vector<512xf32>
    %broadcast_in_dim3A_855 = vector.shape_cast %reduce_min3A_854 : vector<512xf32> to vector<1x512xf32>
    %add3A_856 = arith.constant 8.960000e+02 : f32
    %add3A_857 = vector.broadcast %add3A_856 : f32 to vector<1x512xf32>
    %add3A_858 = arith.addf %broadcast_in_dim3A_855, %add3A_857 : vector<1x512xf32>
    %lt3A_859 = arith.cmpf olt, %broadcast_in_dim3A_845, %select_n3A_747 : vector<1x512xf32>
    %select_n3A_860 = arith.select %lt3A_859, %add3A_858, %select_n3A_748 : vector<1x512xi1>, vector<1x512xf32>
    %get3A_861 = arith.constant 1024 : index
    %get3A_862 = arith.constant 0 : index
    %get3A_863 = vector.load %arg1[%get3A_861, %get3A_862] : memref<2048x32xf32, #tpu.memory_space<vmem>>, vector<512x32xf32>
    %dot_general3A_864 = arith.constant dense<0.000000e+00> : vector<128x512xf32>
    %dot_general3A_865 = tpu.matmul %mul3A_806, %get3A_863, %dot_general3A_864 {dimension_numbers = #tpu.dot_dimension_numbers<[1], [1], [0], [0], [0, 0, 1, 0], [], []>, transpose_lhs_hint = false} : vector<128x32xf32>, vector<512x32xf32>, vector<128x512xf32> -> vector<128x512xf32>
    %add3A_866 = vector.broadcast %broadcast_in_dim3A_810 : vector<128x1xf32> to vector<128x512xf32>
    %add3A_867 = arith.addf %add3A_866, %dot_general3A_865 : vector<128x512xf32>
    %reduce_min3A_868 = arith.constant dense<0x7F800000> : vector<512xf32>
    %reduce_min3A_869 = vector.multi_reduction <minimumf>, %add3A_867, %reduce_min3A_868 [0] : vector<128x512xf32> to vector<512xf32>
    %broadcast_in_dim3A_870 = vector.shape_cast %reduce_min3A_869 : vector<512xf32> to vector<1x512xf32>
    %iota3A_871 = tpu.iota {dimensions = array<i32: 0>} : vector<128x512xi32>
    %convert_element_type3A_872 = arith.sitofp %iota3A_871 : vector<128x512xi32> to vector<128x512xf32>
    %eq3A_873 = vector.broadcast %broadcast_in_dim3A_870 : vector<1x512xf32> to vector<128x512xf32>
    %eq3A_874 = arith.cmpf oeq, %add3A_867, %eq3A_873 : vector<128x512xf32>
    %jit3A_875 = arith.constant 1.280000e+02 : f32
    %broadcast_in_dim3A_876 = vector.broadcast %jit3A_875 : f32 to vector<128x512xf32>
    %select_n3A_877 = arith.select %eq3A_874, %convert_element_type3A_872, %broadcast_in_dim3A_876 : vector<128x512xi1>, vector<128x512xf32>
    %reduce_min3A_878 = arith.constant dense<0x7F800000> : vector<512xf32>
    %reduce_min3A_879 = vector.multi_reduction <minimumf>, %select_n3A_877, %reduce_min3A_878 [0] : vector<128x512xf32> to vector<512xf32>
    %broadcast_in_dim3A_880 = vector.shape_cast %reduce_min3A_879 : vector<512xf32> to vector<1x512xf32>
    %add3A_881 = arith.constant 8.960000e+02 : f32
    %add3A_882 = vector.broadcast %add3A_881 : f32 to vector<1x512xf32>
    %add3A_883 = arith.addf %broadcast_in_dim3A_880, %add3A_882 : vector<1x512xf32>
    %lt3A_884 = arith.cmpf olt, %broadcast_in_dim3A_870, %select_n3A_773 : vector<1x512xf32>
    %select_n3A_885 = arith.select %lt3A_884, %add3A_883, %select_n3A_774 : vector<1x512xi1>, vector<1x512xf32>
    %get3A_886 = arith.constant 1536 : index
    %get3A_887 = arith.constant 0 : index
    %get3A_888 = vector.load %arg1[%get3A_886, %get3A_887] : memref<2048x32xf32, #tpu.memory_space<vmem>>, vector<512x32xf32>
    %dot_general3A_889 = arith.constant dense<0.000000e+00> : vector<128x512xf32>
    %dot_general3A_890 = tpu.matmul %mul3A_806, %get3A_888, %dot_general3A_889 {dimension_numbers = #tpu.dot_dimension_numbers<[1], [1], [0], [0], [0, 0, 1, 0], [], []>, transpose_lhs_hint = false} : vector<128x32xf32>, vector<512x32xf32>, vector<128x512xf32> -> vector<128x512xf32>
    %add3A_891 = vector.broadcast %broadcast_in_dim3A_810 : vector<128x1xf32> to vector<128x512xf32>
    %add3A_892 = arith.addf %add3A_891, %dot_general3A_890 : vector<128x512xf32>
    %reduce_min3A_893 = arith.constant dense<0x7F800000> : vector<512xf32>
    %reduce_min3A_894 = vector.multi_reduction <minimumf>, %add3A_892, %reduce_min3A_893 [0] : vector<128x512xf32> to vector<512xf32>
    %broadcast_in_dim3A_895 = vector.shape_cast %reduce_min3A_894 : vector<512xf32> to vector<1x512xf32>
    %iota3A_896 = tpu.iota {dimensions = array<i32: 0>} : vector<128x512xi32>
    %convert_element_type3A_897 = arith.sitofp %iota3A_896 : vector<128x512xi32> to vector<128x512xf32>
    %eq3A_898 = vector.broadcast %broadcast_in_dim3A_895 : vector<1x512xf32> to vector<128x512xf32>
    %eq3A_899 = arith.cmpf oeq, %add3A_892, %eq3A_898 : vector<128x512xf32>
    %jit3A_900 = arith.constant 1.280000e+02 : f32
    %broadcast_in_dim3A_901 = vector.broadcast %jit3A_900 : f32 to vector<128x512xf32>
    %select_n3A_902 = arith.select %eq3A_899, %convert_element_type3A_897, %broadcast_in_dim3A_901 : vector<128x512xi1>, vector<128x512xf32>
    %reduce_min3A_903 = arith.constant dense<0x7F800000> : vector<512xf32>
    %reduce_min3A_904 = vector.multi_reduction <minimumf>, %select_n3A_902, %reduce_min3A_903 [0] : vector<128x512xf32> to vector<512xf32>
    %broadcast_in_dim3A_905 = vector.shape_cast %reduce_min3A_904 : vector<512xf32> to vector<1x512xf32>
    %add3A_906 = arith.constant 8.960000e+02 : f32
    %add3A_907 = vector.broadcast %add3A_906 : f32 to vector<1x512xf32>
    %add3A_908 = arith.addf %broadcast_in_dim3A_905, %add3A_907 : vector<1x512xf32>
    %lt3A_909 = arith.cmpf olt, %broadcast_in_dim3A_895, %select_n3A_799 : vector<1x512xf32>
    %select_n3A_910 = arith.select %lt3A_909, %add3A_908, %select_n3A_800 : vector<1x512xi1>, vector<1x512xf32>
    %reshape3A = vector.shape_cast %select_n3A_835 : vector<1x512xf32> to vector<512xf32>
    %convert_element_type3A_911 = arith.fptosi %reshape3A : vector<512xf32> to vector<512xi32>
    %swap3A = arith.constant 0 : index
    %swap3A_912 = vector.load %arg3[%swap3A] : memref<2048xi32, #tpu.memory_space<vmem>>, vector<512xi32>
    tpu.vector_store %arg3[%swap3A], %convert_element_type3A_911 {strides = array<i32>} : memref<2048xi32, #tpu.memory_space<vmem>>, vector<512xi32>,
    %reshape3A_913 = vector.shape_cast %select_n3A_860 : vector<1x512xf32> to vector<512xf32>
    %convert_element_type3A_914 = arith.fptosi %reshape3A_913 : vector<512xf32> to vector<512xi32>
    %swap3A_915 = arith.constant 512 : index
    %swap3A_916 = vector.load %arg3[%swap3A_915] : memref<2048xi32, #tpu.memory_space<vmem>>, vector<512xi32>
    tpu.vector_store %arg3[%swap3A_915], %convert_element_type3A_914 {strides = array<i32>} : memref<2048xi32, #tpu.memory_space<vmem>>, vector<512xi32>,
    %reshape3A_917 = vector.shape_cast %select_n3A_885 : vector<1x512xf32> to vector<512xf32>
    %convert_element_type3A_918 = arith.fptosi %reshape3A_917 : vector<512xf32> to vector<512xi32>
    %swap3A_919 = arith.constant 1024 : index
    %swap3A_920 = vector.load %arg3[%swap3A_919] : memref<2048xi32, #tpu.memory_space<vmem>>, vector<512xi32>
    tpu.vector_store %arg3[%swap3A_919], %convert_element_type3A_918 {strides = array<i32>} : memref<2048xi32, #tpu.memory_space<vmem>>, vector<512xi32>,
    %reshape3A_921 = vector.shape_cast %select_n3A_910 : vector<1x512xf32> to vector<512xf32>
    %convert_element_type3A_922 = arith.fptosi %reshape3A_921 : vector<512xf32> to vector<512xi32>
    %swap3A_923 = arith.constant 1536 : index
    %swap3A_924 = vector.load %arg3[%swap3A_923] : memref<2048xi32, #tpu.memory_space<vmem>>, vector<512xi32>
    tpu.vector_store %arg3[%swap3A_923], %convert_element_type3A_922 {strides = array<i32>} : memref<2048xi32, #tpu.memory_space<vmem>>, vector<512xi32>,
    return
  }
  func.func @transform_0(%arg0: i32) -> (i32, i32) {
    %add3A = arith.constant 0 : i32
    %add3A_0 = arith.addi %arg0, %add3A : i32
    %c0_i32 = arith.constant 0 : i32
    %c0_i32_1 = arith.constant 0 : i32
    return %add3A_0, %c0_i32 : i32, i32
  }
  func.func @transform_1(%arg0: i32) -> (i32, i32) {
    %c0_i32 = arith.constant 0 : i32
    %c0_i32_0 = arith.constant 0 : i32
    %c0_i32_1 = arith.constant 0 : i32
    return %c0_i32, %c0_i32_0 : i32, i32
  }
  func.func @transform_2(%arg0: i32) -> i32 {
    %c0_i32 = arith.constant 0 : i32
    return %arg0 : i32
  }
}

module attributes {stable_mosaic.version = 14 : i64} {
  func.func @_argmin_body(%arg0: i32, %arg1: memref<2048x32xf32, #tpu.memory_space<vmem>>, %arg2: memref<1024x32xf32, #tpu.memory_space<vmem>>, %arg3: memref<2048xi32, #tpu.memory_space<vmem>>) attributes {dimension_semantics = [#tpu.dimension_semantics<arbitrary>], iteration_bounds = array<i64: 8>, scalar_prefetch = 0 : i64, scratch_operands = 0 : i64, tpu.core_type = #tpu.core_type<tc>, window_params = [{transform_indices = @transform_0, window_bounds = array<i64: 2048, 32>}, {pipeline_mode = #tpu.pipeline_mode<synchronous>, transform_indices = @transform_1, window_bounds = array<i64: 1024, 32>}, {transform_indices = @transform_2, window_bounds = array<i64: 2048>}]} {
    %broadcast_in_dim3A = arith.constant 0x7F800000 : f32
    %broadcast_in_dim3A_0 = vector.broadcast %broadcast_in_dim3A : f32 to vector<1x512xf32>
    %broadcast_in_dim3A_1 = arith.constant 0x7F800000 : f32
    %broadcast_in_dim3A_2 = vector.broadcast %broadcast_in_dim3A_1 : f32 to vector<1x512xf32>
    %broadcast_in_dim3A_3 = arith.constant 0x7F800000 : f32
    %broadcast_in_dim3A_4 = vector.broadcast %broadcast_in_dim3A_3 : f32 to vector<1x512xf32>
    %broadcast_in_dim3A_5 = arith.constant 0x7F800000 : f32
    %broadcast_in_dim3A_6 = vector.broadcast %broadcast_in_dim3A_5 : f32 to vector<1x512xf32>
    %broadcast_in_dim3A_7 = arith.constant 0.000000e+00 : f32
    %broadcast_in_dim3A_8 = vector.broadcast %broadcast_in_dim3A_7 : f32 to vector<1x512xf32>
    %broadcast_in_dim3A_9 = arith.constant 0.000000e+00 : f32
    %broadcast_in_dim3A_10 = vector.broadcast %broadcast_in_dim3A_9 : f32 to vector<1x512xf32>
    %broadcast_in_dim3A_11 = arith.constant 0.000000e+00 : f32
    %broadcast_in_dim3A_12 = vector.broadcast %broadcast_in_dim3A_11 : f32 to vector<1x512xf32>
    %broadcast_in_dim3A_13 = arith.constant 0.000000e+00 : f32
    %broadcast_in_dim3A_14 = vector.broadcast %broadcast_in_dim3A_13 : f32 to vector<1x512xf32>
    %get3A = arith.constant 0 : index
    %get3A_15 = arith.constant 0 : index
    %get3A_16 = vector.load %arg2[%get3A, %get3A_15] : memref<1024x32xf32, #tpu.memory_space<vmem>>, vector<128x32xf32>
    %mul3A = arith.constant -2.000000e+00 : f32
    %mul3A_17 = vector.broadcast %mul3A : f32 to vector<128x32xf32>
    %mul3A_18 = arith.mulf %get3A_16, %mul3A_17 : vector<128x32xf32>
    %mul3A_19 = arith.mulf %get3A_16, %get3A_16 : vector<128x32xf32>
    %reduce_sum3A = arith.constant dense<0.000000e+00> : vector<128xf32>
    %reduce_sum3A_20 = vector.multi_reduction <add>, %mul3A_19, %reduce_sum3A [1] : vector<128x32xf32> to vector<128xf32>
    %broadcast_in_dim3A_21 = vector.shape_cast %reduce_sum3A_20 : vector<128xf32> to vector<128x1xf32>
    %get3A_22 = arith.constant 0 : index
    %get3A_23 = arith.constant 0 : index
    %get3A_24 = vector.load %arg1[%get3A_22, %get3A_23] : memref<2048x32xf32, #tpu.memory_space<vmem>>, vector<512x32xf32>
    %dot_general3A = arith.constant dense<0.000000e+00> : vector<128x512xf32>
    %dot_general3A_25 = tpu.matmul %mul3A_18, %get3A_24, %dot_general3A {dimension_numbers = #tpu.dot_dimension_numbers<[1], [1], [0], [0], [0, 0, 1, 0], [], []>, transpose_lhs_hint = false} : vector<128x32xf32>, vector<512x32xf32>, vector<128x512xf32> -> vector<128x512xf32>
    %add3A = vector.broadcast %broadcast_in_dim3A_21 : vector<128x1xf32> to vector<128x512xf32>
    %add3A_26 = arith.addf %add3A, %dot_general3A_25 : vector<128x512xf32>
    %reduce_min3A = arith.constant dense<0x7F800000> : vector<512xf32>
    %reduce_min3A_27 = vector.multi_reduction <minimumf>, %add3A_26, %reduce_min3A [0] : vector<128x512xf32> to vector<512xf32>
    %broadcast_in_dim3A_28 = vector.shape_cast %reduce_min3A_27 : vector<512xf32> to vector<1x512xf32>
    %iota3A = tpu.iota {dimensions = array<i32: 0>} : vector<128x512xi32>
    %convert_element_type3A = arith.sitofp %iota3A : vector<128x512xi32> to vector<128x512xf32>
    %eq3A = vector.broadcast %broadcast_in_dim3A_28 : vector<1x512xf32> to vector<128x512xf32>
    %eq3A_29 = arith.cmpf oeq, %add3A_26, %eq3A : vector<128x512xf32>
    %jit3A = arith.constant 1.280000e+02 : f32
    %broadcast_in_dim3A_30 = vector.broadcast %jit3A : f32 to vector<128x512xf32>
    %select_n3A = arith.select %eq3A_29, %convert_element_type3A, %broadcast_in_dim3A_30 : vector<128x512xi1>, vector<128x512xf32>
    %reduce_min3A_31 = arith.constant dense<0x7F800000> : vector<512xf32>
    %reduce_min3A_32 = vector.multi_reduction <minimumf>, %select_n3A, %reduce_min3A_31 [0] : vector<128x512xf32> to vector<512xf32>
    %broadcast_in_dim3A_33 = vector.shape_cast %reduce_min3A_32 : vector<512xf32> to vector<1x512xf32>
    %add3A_34 = arith.constant 0.000000e+00 : f32
    %add3A_35 = vector.broadcast %add3A_34 : f32 to vector<1x512xf32>
    %add3A_36 = arith.addf %broadcast_in_dim3A_33, %add3A_35 : vector<1x512xf32>
    %lt3A = arith.cmpf olt, %broadcast_in_dim3A_28, %broadcast_in_dim3A_0 : vector<1x512xf32>
    %select_n3A_37 = arith.select %lt3A, %broadcast_in_dim3A_28, %broadcast_in_dim3A_0 : vector<1x512xi1>, vector<1x512xf32>
    %select_n3A_38 = arith.select %lt3A, %add3A_36, %broadcast_in_dim3A_8 : vector<1x512xi1>, vector<1x512xf32>
    %get3A_39 = arith.constant 512 : index
    %get3A_40 = arith.constant 0 : index
    %get3A_41 = vector.load %arg1[%get3A_39, %get3A_40] : memref<2048x32xf32, #tpu.memory_space<vmem>>, vector<512x32xf32>
    %dot_general3A_42 = arith.constant dense<0.000000e+00> : vector<128x512xf32>
    %dot_general3A_43 = tpu.matmul %mul3A_18, %get3A_41, %dot_general3A_42 {dimension_numbers = #tpu.dot_dimension_numbers<[1], [1], [0], [0], [0, 0, 1, 0], [], []>, transpose_lhs_hint = false} : vector<128x32xf32>, vector<512x32xf32>, vector<128x512xf32> -> vector<128x512xf32>
    %add3A_44 = vector.broadcast %broadcast_in_dim3A_21 : vector<128x1xf32> to vector<128x512xf32>
    %add3A_45 = arith.addf %add3A_44, %dot_general3A_43 : vector<128x512xf32>
    %reduce_min3A_46 = arith.constant dense<0x7F800000> : vector<512xf32>
    %reduce_min3A_47 = vector.multi_reduction <minimumf>, %add3A_45, %reduce_min3A_46 [0] : vector<128x512xf32> to vector<512xf32>
    %broadcast_in_dim3A_48 = vector.shape_cast %reduce_min3A_47 : vector<512xf32> to vector<1x512xf32>
    %iota3A_49 = tpu.iota {dimensions = array<i32: 0>} : vector<128x512xi32>
    %convert_element_type3A_50 = arith.sitofp %iota3A_49 : vector<128x512xi32> to vector<128x512xf32>
    %eq3A_51 = vector.broadcast %broadcast_in_dim3A_48 : vector<1x512xf32> to vector<128x512xf32>
    %eq3A_52 = arith.cmpf oeq, %add3A_45, %eq3A_51 : vector<128x512xf32>
    %jit3A_53 = arith.constant 1.280000e+02 : f32
    %broadcast_in_dim3A_54 = vector.broadcast %jit3A_53 : f32 to vector<128x512xf32>
    %select_n3A_55 = arith.select %eq3A_52, %convert_element_type3A_50, %broadcast_in_dim3A_54 : vector<128x512xi1>, vector<128x512xf32>
    %reduce_min3A_56 = arith.constant dense<0x7F800000> : vector<512xf32>
    %reduce_min3A_57 = vector.multi_reduction <minimumf>, %select_n3A_55, %reduce_min3A_56 [0] : vector<128x512xf32> to vector<512xf32>
    %broadcast_in_dim3A_58 = vector.shape_cast %reduce_min3A_57 : vector<512xf32> to vector<1x512xf32>
    %add3A_59 = arith.constant 0.000000e+00 : f32
    %add3A_60 = vector.broadcast %add3A_59 : f32 to vector<1x512xf32>
    %add3A_61 = arith.addf %broadcast_in_dim3A_58, %add3A_60 : vector<1x512xf32>
    %lt3A_62 = arith.cmpf olt, %broadcast_in_dim3A_48, %broadcast_in_dim3A_2 : vector<1x512xf32>
    %select_n3A_63 = arith.select %lt3A_62, %broadcast_in_dim3A_48, %broadcast_in_dim3A_2 : vector<1x512xi1>, vector<1x512xf32>
    %select_n3A_64 = arith.select %lt3A_62, %add3A_61, %broadcast_in_dim3A_10 : vector<1x512xi1>, vector<1x512xf32>
    %get3A_65 = arith.constant 1024 : index
    %get3A_66 = arith.constant 0 : index
    %get3A_67 = vector.load %arg1[%get3A_65, %get3A_66] : memref<2048x32xf32, #tpu.memory_space<vmem>>, vector<512x32xf32>
    %dot_general3A_68 = arith.constant dense<0.000000e+00> : vector<128x512xf32>
    %dot_general3A_69 = tpu.matmul %mul3A_18, %get3A_67, %dot_general3A_68 {dimension_numbers = #tpu.dot_dimension_numbers<[1], [1], [0], [0], [0, 0, 1, 0], [], []>, transpose_lhs_hint = false} : vector<128x32xf32>, vector<512x32xf32>, vector<128x512xf32> -> vector<128x512xf32>
    %add3A_70 = vector.broadcast %broadcast_in_dim3A_21 : vector<128x1xf32> to vector<128x512xf32>
    %add3A_71 = arith.addf %add3A_70, %dot_general3A_69 : vector<128x512xf32>
    %reduce_min3A_72 = arith.constant dense<0x7F800000> : vector<512xf32>
    %reduce_min3A_73 = vector.multi_reduction <minimumf>, %add3A_71, %reduce_min3A_72 [0] : vector<128x512xf32> to vector<512xf32>
    %broadcast_in_dim3A_74 = vector.shape_cast %reduce_min3A_73 : vector<512xf32> to vector<1x512xf32>
    %iota3A_75 = tpu.iota {dimensions = array<i32: 0>} : vector<128x512xi32>
    %convert_element_type3A_76 = arith.sitofp %iota3A_75 : vector<128x512xi32> to vector<128x512xf32>
    %eq3A_77 = vector.broadcast %broadcast_in_dim3A_74 : vector<1x512xf32> to vector<128x512xf32>
    %eq3A_78 = arith.cmpf oeq, %add3A_71, %eq3A_77 : vector<128x512xf32>
    %jit3A_79 = arith.constant 1.280000e+02 : f32
    %broadcast_in_dim3A_80 = vector.broadcast %jit3A_79 : f32 to vector<128x512xf32>
    %select_n3A_81 = arith.select %eq3A_78, %convert_element_type3A_76, %broadcast_in_dim3A_80 : vector<128x512xi1>, vector<128x512xf32>
    %reduce_min3A_82 = arith.constant dense<0x7F800000> : vector<512xf32>
    %reduce_min3A_83 = vector.multi_reduction <minimumf>, %select_n3A_81, %reduce_min3A_82 [0] : vector<128x512xf32> to vector<512xf32>
    %broadcast_in_dim3A_84 = vector.shape_cast %reduce_min3A_83 : vector<512xf32> to vector<1x512xf32>
    %add3A_85 = arith.constant 0.000000e+00 : f32
    %add3A_86 = vector.broadcast %add3A_85 : f32 to vector<1x512xf32>
    %add3A_87 = arith.addf %broadcast_in_dim3A_84, %add3A_86 : vector<1x512xf32>
    %lt3A_88 = arith.cmpf olt, %broadcast_in_dim3A_74, %broadcast_in_dim3A_4 : vector<1x512xf32>
    %select_n3A_89 = arith.select %lt3A_88, %broadcast_in_dim3A_74, %broadcast_in_dim3A_4 : vector<1x512xi1>, vector<1x512xf32>
    %select_n3A_90 = arith.select %lt3A_88, %add3A_87, %broadcast_in_dim3A_12 : vector<1x512xi1>, vector<1x512xf32>
    %get3A_91 = arith.constant 1536 : index
    %get3A_92 = arith.constant 0 : index
    %get3A_93 = vector.load %arg1[%get3A_91, %get3A_92] : memref<2048x32xf32, #tpu.memory_space<vmem>>, vector<512x32xf32>
    %dot_general3A_94 = arith.constant dense<0.000000e+00> : vector<128x512xf32>
    %dot_general3A_95 = tpu.matmul %mul3A_18, %get3A_93, %dot_general3A_94 {dimension_numbers = #tpu.dot_dimension_numbers<[1], [1], [0], [0], [0, 0, 1, 0], [], []>, transpose_lhs_hint = false} : vector<128x32xf32>, vector<512x32xf32>, vector<128x512xf32> -> vector<128x512xf32>
    %add3A_96 = vector.broadcast %broadcast_in_dim3A_21 : vector<128x1xf32> to vector<128x512xf32>
    %add3A_97 = arith.addf %add3A_96, %dot_general3A_95 : vector<128x512xf32>
    %reduce_min3A_98 = arith.constant dense<0x7F800000> : vector<512xf32>
    %reduce_min3A_99 = vector.multi_reduction <minimumf>, %add3A_97, %reduce_min3A_98 [0] : vector<128x512xf32> to vector<512xf32>
    %broadcast_in_dim3A_100 = vector.shape_cast %reduce_min3A_99 : vector<512xf32> to vector<1x512xf32>
    %iota3A_101 = tpu.iota {dimensions = array<i32: 0>} : vector<128x512xi32>
    %convert_element_type3A_102 = arith.sitofp %iota3A_101 : vector<128x512xi32> to vector<128x512xf32>
    %eq3A_103 = vector.broadcast %broadcast_in_dim3A_100 : vector<1x512xf32> to vector<128x512xf32>
    %eq3A_104 = arith.cmpf oeq, %add3A_97, %eq3A_103 : vector<128x512xf32>
    %jit3A_105 = arith.constant 1.280000e+02 : f32
    %broadcast_in_dim3A_106 = vector.broadcast %jit3A_105 : f32 to vector<128x512xf32>
    %select_n3A_107 = arith.select %eq3A_104, %convert_element_type3A_102, %broadcast_in_dim3A_106 : vector<128x512xi1>, vector<128x512xf32>
    %reduce_min3A_108 = arith.constant dense<0x7F800000> : vector<512xf32>
    %reduce_min3A_109 = vector.multi_reduction <minimumf>, %select_n3A_107, %reduce_min3A_108 [0] : vector<128x512xf32> to vector<512xf32>
    %broadcast_in_dim3A_110 = vector.shape_cast %reduce_min3A_109 : vector<512xf32> to vector<1x512xf32>
    %add3A_111 = arith.constant 0.000000e+00 : f32
    %add3A_112 = vector.broadcast %add3A_111 : f32 to vector<1x512xf32>
    %add3A_113 = arith.addf %broadcast_in_dim3A_110, %add3A_112 : vector<1x512xf32>
    %lt3A_114 = arith.cmpf olt, %broadcast_in_dim3A_100, %broadcast_in_dim3A_6 : vector<1x512xf32>
    %select_n3A_115 = arith.select %lt3A_114, %broadcast_in_dim3A_100, %broadcast_in_dim3A_6 : vector<1x512xi1>, vector<1x512xf32>
    %select_n3A_116 = arith.select %lt3A_114, %add3A_113, %broadcast_in_dim3A_14 : vector<1x512xi1>, vector<1x512xf32>
    %get3A_117 = arith.constant 128 : index
    %get3A_118 = arith.constant 0 : index
    %get3A_119 = vector.load %arg2[%get3A_117, %get3A_118] : memref<1024x32xf32, #tpu.memory_space<vmem>>, vector<128x32xf32>
    %mul3A_120 = arith.constant -2.000000e+00 : f32
    %mul3A_121 = vector.broadcast %mul3A_120 : f32 to vector<128x32xf32>
    %mul3A_122 = arith.mulf %get3A_119, %mul3A_121 : vector<128x32xf32>
    %mul3A_123 = arith.mulf %get3A_119, %get3A_119 : vector<128x32xf32>
    %reduce_sum3A_124 = arith.constant dense<0.000000e+00> : vector<128xf32>
    %reduce_sum3A_125 = vector.multi_reduction <add>, %mul3A_123, %reduce_sum3A_124 [1] : vector<128x32xf32> to vector<128xf32>
    %broadcast_in_dim3A_126 = vector.shape_cast %reduce_sum3A_125 : vector<128xf32> to vector<128x1xf32>
    %get3A_127 = arith.constant 0 : index
    %get3A_128 = arith.constant 0 : index
    %get3A_129 = vector.load %arg1[%get3A_127, %get3A_128] : memref<2048x32xf32, #tpu.memory_space<vmem>>, vector<512x32xf32>
    %dot_general3A_130 = arith.constant dense<0.000000e+00> : vector<128x512xf32>
    %dot_general3A_131 = tpu.matmul %mul3A_122, %get3A_129, %dot_general3A_130 {dimension_numbers = #tpu.dot_dimension_numbers<[1], [1], [0], [0], [0, 0, 1, 0], [], []>, transpose_lhs_hint = false} : vector<128x32xf32>, vector<512x32xf32>, vector<128x512xf32> -> vector<128x512xf32>
    %add3A_132 = vector.broadcast %broadcast_in_dim3A_126 : vector<128x1xf32> to vector<128x512xf32>
    %add3A_133 = arith.addf %add3A_132, %dot_general3A_131 : vector<128x512xf32>
    %reduce_min3A_134 = arith.constant dense<0x7F800000> : vector<512xf32>
    %reduce_min3A_135 = vector.multi_reduction <minimumf>, %add3A_133, %reduce_min3A_134 [0] : vector<128x512xf32> to vector<512xf32>
    %broadcast_in_dim3A_136 = vector.shape_cast %reduce_min3A_135 : vector<512xf32> to vector<1x512xf32>
    %iota3A_137 = tpu.iota {dimensions = array<i32: 0>} : vector<128x512xi32>
    %convert_element_type3A_138 = arith.sitofp %iota3A_137 : vector<128x512xi32> to vector<128x512xf32>
    %eq3A_139 = vector.broadcast %broadcast_in_dim3A_136 : vector<1x512xf32> to vector<128x512xf32>
    %eq3A_140 = arith.cmpf oeq, %add3A_133, %eq3A_139 : vector<128x512xf32>
    %jit3A_141 = arith.constant 1.280000e+02 : f32
    %broadcast_in_dim3A_142 = vector.broadcast %jit3A_141 : f32 to vector<128x512xf32>
    %select_n3A_143 = arith.select %eq3A_140, %convert_element_type3A_138, %broadcast_in_dim3A_142 : vector<128x512xi1>, vector<128x512xf32>
    %reduce_min3A_144 = arith.constant dense<0x7F800000> : vector<512xf32>
    %reduce_min3A_145 = vector.multi_reduction <minimumf>, %select_n3A_143, %reduce_min3A_144 [0] : vector<128x512xf32> to vector<512xf32>
    %broadcast_in_dim3A_146 = vector.shape_cast %reduce_min3A_145 : vector<512xf32> to vector<1x512xf32>
    %add3A_147 = arith.constant 1.280000e+02 : f32
    %add3A_148 = vector.broadcast %add3A_147 : f32 to vector<1x512xf32>
    %add3A_149 = arith.addf %broadcast_in_dim3A_146, %add3A_148 : vector<1x512xf32>
    %lt3A_150 = arith.cmpf olt, %broadcast_in_dim3A_136, %select_n3A_37 : vector<1x512xf32>
    %select_n3A_151 = arith.select %lt3A_150, %broadcast_in_dim3A_136, %select_n3A_37 : vector<1x512xi1>, vector<1x512xf32>
    %select_n3A_152 = arith.select %lt3A_150, %add3A_149, %select_n3A_38 : vector<1x512xi1>, vector<1x512xf32>
    %get3A_153 = arith.constant 512 : index
    %get3A_154 = arith.constant 0 : index
    %get3A_155 = vector.load %arg1[%get3A_153, %get3A_154] : memref<2048x32xf32, #tpu.memory_space<vmem>>, vector<512x32xf32>
    %dot_general3A_156 = arith.constant dense<0.000000e+00> : vector<128x512xf32>
    %dot_general3A_157 = tpu.matmul %mul3A_122, %get3A_155, %dot_general3A_156 {dimension_numbers = #tpu.dot_dimension_numbers<[1], [1], [0], [0], [0, 0, 1, 0], [], []>, transpose_lhs_hint = false} : vector<128x32xf32>, vector<512x32xf32>, vector<128x512xf32> -> vector<128x512xf32>
    %add3A_158 = vector.broadcast %broadcast_in_dim3A_126 : vector<128x1xf32> to vector<128x512xf32>
    %add3A_159 = arith.addf %add3A_158, %dot_general3A_157 : vector<128x512xf32>
    %reduce_min3A_160 = arith.constant dense<0x7F800000> : vector<512xf32>
    %reduce_min3A_161 = vector.multi_reduction <minimumf>, %add3A_159, %reduce_min3A_160 [0] : vector<128x512xf32> to vector<512xf32>
    %broadcast_in_dim3A_162 = vector.shape_cast %reduce_min3A_161 : vector<512xf32> to vector<1x512xf32>
    %iota3A_163 = tpu.iota {dimensions = array<i32: 0>} : vector<128x512xi32>
    %convert_element_type3A_164 = arith.sitofp %iota3A_163 : vector<128x512xi32> to vector<128x512xf32>
    %eq3A_165 = vector.broadcast %broadcast_in_dim3A_162 : vector<1x512xf32> to vector<128x512xf32>
    %eq3A_166 = arith.cmpf oeq, %add3A_159, %eq3A_165 : vector<128x512xf32>
    %jit3A_167 = arith.constant 1.280000e+02 : f32
    %broadcast_in_dim3A_168 = vector.broadcast %jit3A_167 : f32 to vector<128x512xf32>
    %select_n3A_169 = arith.select %eq3A_166, %convert_element_type3A_164, %broadcast_in_dim3A_168 : vector<128x512xi1>, vector<128x512xf32>
    %reduce_min3A_170 = arith.constant dense<0x7F800000> : vector<512xf32>
    %reduce_min3A_171 = vector.multi_reduction <minimumf>, %select_n3A_169, %reduce_min3A_170 [0] : vector<128x512xf32> to vector<512xf32>
    %broadcast_in_dim3A_172 = vector.shape_cast %reduce_min3A_171 : vector<512xf32> to vector<1x512xf32>
    %add3A_173 = arith.constant 1.280000e+02 : f32
    %add3A_174 = vector.broadcast %add3A_173 : f32 to vector<1x512xf32>
    %add3A_175 = arith.addf %broadcast_in_dim3A_172, %add3A_174 : vector<1x512xf32>
    %lt3A_176 = arith.cmpf olt, %broadcast_in_dim3A_162, %select_n3A_63 : vector<1x512xf32>
    %select_n3A_177 = arith.select %lt3A_176, %broadcast_in_dim3A_162, %select_n3A_63 : vector<1x512xi1>, vector<1x512xf32>
    %select_n3A_178 = arith.select %lt3A_176, %add3A_175, %select_n3A_64 : vector<1x512xi1>, vector<1x512xf32>
    %get3A_179 = arith.constant 1024 : index
    %get3A_180 = arith.constant 0 : index
    %get3A_181 = vector.load %arg1[%get3A_179, %get3A_180] : memref<2048x32xf32, #tpu.memory_space<vmem>>, vector<512x32xf32>
    %dot_general3A_182 = arith.constant dense<0.000000e+00> : vector<128x512xf32>
    %dot_general3A_183 = tpu.matmul %mul3A_122, %get3A_181, %dot_general3A_182 {dimension_numbers = #tpu.dot_dimension_numbers<[1], [1], [0], [0], [0, 0, 1, 0], [], []>, transpose_lhs_hint = false} : vector<128x32xf32>, vector<512x32xf32>, vector<128x512xf32> -> vector<128x512xf32>
    %add3A_184 = vector.broadcast %broadcast_in_dim3A_126 : vector<128x1xf32> to vector<128x512xf32>
    %add3A_185 = arith.addf %add3A_184, %dot_general3A_183 : vector<128x512xf32>
    %reduce_min3A_186 = arith.constant dense<0x7F800000> : vector<512xf32>
    %reduce_min3A_187 = vector.multi_reduction <minimumf>, %add3A_185, %reduce_min3A_186 [0] : vector<128x512xf32> to vector<512xf32>
    %broadcast_in_dim3A_188 = vector.shape_cast %reduce_min3A_187 : vector<512xf32> to vector<1x512xf32>
    %iota3A_189 = tpu.iota {dimensions = array<i32: 0>} : vector<128x512xi32>
    %convert_element_type3A_190 = arith.sitofp %iota3A_189 : vector<128x512xi32> to vector<128x512xf32>
    %eq3A_191 = vector.broadcast %broadcast_in_dim3A_188 : vector<1x512xf32> to vector<128x512xf32>
    %eq3A_192 = arith.cmpf oeq, %add3A_185, %eq3A_191 : vector<128x512xf32>
    %jit3A_193 = arith.constant 1.280000e+02 : f32
    %broadcast_in_dim3A_194 = vector.broadcast %jit3A_193 : f32 to vector<128x512xf32>
    %select_n3A_195 = arith.select %eq3A_192, %convert_element_type3A_190, %broadcast_in_dim3A_194 : vector<128x512xi1>, vector<128x512xf32>
    %reduce_min3A_196 = arith.constant dense<0x7F800000> : vector<512xf32>
    %reduce_min3A_197 = vector.multi_reduction <minimumf>, %select_n3A_195, %reduce_min3A_196 [0] : vector<128x512xf32> to vector<512xf32>
    %broadcast_in_dim3A_198 = vector.shape_cast %reduce_min3A_197 : vector<512xf32> to vector<1x512xf32>
    %add3A_199 = arith.constant 1.280000e+02 : f32
    %add3A_200 = vector.broadcast %add3A_199 : f32 to vector<1x512xf32>
    %add3A_201 = arith.addf %broadcast_in_dim3A_198, %add3A_200 : vector<1x512xf32>
    %lt3A_202 = arith.cmpf olt, %broadcast_in_dim3A_188, %select_n3A_89 : vector<1x512xf32>
    %select_n3A_203 = arith.select %lt3A_202, %broadcast_in_dim3A_188, %select_n3A_89 : vector<1x512xi1>, vector<1x512xf32>
    %select_n3A_204 = arith.select %lt3A_202, %add3A_201, %select_n3A_90 : vector<1x512xi1>, vector<1x512xf32>
    %get3A_205 = arith.constant 1536 : index
    %get3A_206 = arith.constant 0 : index
    %get3A_207 = vector.load %arg1[%get3A_205, %get3A_206] : memref<2048x32xf32, #tpu.memory_space<vmem>>, vector<512x32xf32>
    %dot_general3A_208 = arith.constant dense<0.000000e+00> : vector<128x512xf32>
    %dot_general3A_209 = tpu.matmul %mul3A_122, %get3A_207, %dot_general3A_208 {dimension_numbers = #tpu.dot_dimension_numbers<[1], [1], [0], [0], [0, 0, 1, 0], [], []>, transpose_lhs_hint = false} : vector<128x32xf32>, vector<512x32xf32>, vector<128x512xf32> -> vector<128x512xf32>
    %add3A_210 = vector.broadcast %broadcast_in_dim3A_126 : vector<128x1xf32> to vector<128x512xf32>
    %add3A_211 = arith.addf %add3A_210, %dot_general3A_209 : vector<128x512xf32>
    %reduce_min3A_212 = arith.constant dense<0x7F800000> : vector<512xf32>
    %reduce_min3A_213 = vector.multi_reduction <minimumf>, %add3A_211, %reduce_min3A_212 [0] : vector<128x512xf32> to vector<512xf32>
    %broadcast_in_dim3A_214 = vector.shape_cast %reduce_min3A_213 : vector<512xf32> to vector<1x512xf32>
    %iota3A_215 = tpu.iota {dimensions = array<i32: 0>} : vector<128x512xi32>
    %convert_element_type3A_216 = arith.sitofp %iota3A_215 : vector<128x512xi32> to vector<128x512xf32>
    %eq3A_217 = vector.broadcast %broadcast_in_dim3A_214 : vector<1x512xf32> to vector<128x512xf32>
    %eq3A_218 = arith.cmpf oeq, %add3A_211, %eq3A_217 : vector<128x512xf32>
    %jit3A_219 = arith.constant 1.280000e+02 : f32
    %broadcast_in_dim3A_220 = vector.broadcast %jit3A_219 : f32 to vector<128x512xf32>
    %select_n3A_221 = arith.select %eq3A_218, %convert_element_type3A_216, %broadcast_in_dim3A_220 : vector<128x512xi1>, vector<128x512xf32>
    %reduce_min3A_222 = arith.constant dense<0x7F800000> : vector<512xf32>
    %reduce_min3A_223 = vector.multi_reduction <minimumf>, %select_n3A_221, %reduce_min3A_222 [0] : vector<128x512xf32> to vector<512xf32>
    %broadcast_in_dim3A_224 = vector.shape_cast %reduce_min3A_223 : vector<512xf32> to vector<1x512xf32>
    %add3A_225 = arith.constant 1.280000e+02 : f32
    %add3A_226 = vector.broadcast %add3A_225 : f32 to vector<1x512xf32>
    %add3A_227 = arith.addf %broadcast_in_dim3A_224, %add3A_226 : vector<1x512xf32>
    %lt3A_228 = arith.cmpf olt, %broadcast_in_dim3A_214, %select_n3A_115 : vector<1x512xf32>
    %select_n3A_229 = arith.select %lt3A_228, %broadcast_in_dim3A_214, %select_n3A_115 : vector<1x512xi1>, vector<1x512xf32>
    %select_n3A_230 = arith.select %lt3A_228, %add3A_227, %select_n3A_116 : vector<1x512xi1>, vector<1x512xf32>
    %get3A_231 = arith.constant 256 : index
    %get3A_232 = arith.constant 0 : index
    %get3A_233 = vector.load %arg2[%get3A_231, %get3A_232] : memref<1024x32xf32, #tpu.memory_space<vmem>>, vector<128x32xf32>
    %mul3A_234 = arith.constant -2.000000e+00 : f32
    %mul3A_235 = vector.broadcast %mul3A_234 : f32 to vector<128x32xf32>
    %mul3A_236 = arith.mulf %get3A_233, %mul3A_235 : vector<128x32xf32>
    %mul3A_237 = arith.mulf %get3A_233, %get3A_233 : vector<128x32xf32>
    %reduce_sum3A_238 = arith.constant dense<0.000000e+00> : vector<128xf32>
    %reduce_sum3A_239 = vector.multi_reduction <add>, %mul3A_237, %reduce_sum3A_238 [1] : vector<128x32xf32> to vector<128xf32>
    %broadcast_in_dim3A_240 = vector.shape_cast %reduce_sum3A_239 : vector<128xf32> to vector<128x1xf32>
    %get3A_241 = arith.constant 0 : index
    %get3A_242 = arith.constant 0 : index
    %get3A_243 = vector.load %arg1[%get3A_241, %get3A_242] : memref<2048x32xf32, #tpu.memory_space<vmem>>, vector<512x32xf32>
    %dot_general3A_244 = arith.constant dense<0.000000e+00> : vector<128x512xf32>
    %dot_general3A_245 = tpu.matmul %mul3A_236, %get3A_243, %dot_general3A_244 {dimension_numbers = #tpu.dot_dimension_numbers<[1], [1], [0], [0], [0, 0, 1, 0], [], []>, transpose_lhs_hint = false} : vector<128x32xf32>, vector<512x32xf32>, vector<128x512xf32> -> vector<128x512xf32>
    %add3A_246 = vector.broadcast %broadcast_in_dim3A_240 : vector<128x1xf32> to vector<128x512xf32>
    %add3A_247 = arith.addf %add3A_246, %dot_general3A_245 : vector<128x512xf32>
    %reduce_min3A_248 = arith.constant dense<0x7F800000> : vector<512xf32>
    %reduce_min3A_249 = vector.multi_reduction <minimumf>, %add3A_247, %reduce_min3A_248 [0] : vector<128x512xf32> to vector<512xf32>
    %broadcast_in_dim3A_250 = vector.shape_cast %reduce_min3A_249 : vector<512xf32> to vector<1x512xf32>
    %iota3A_251 = tpu.iota {dimensions = array<i32: 0>} : vector<128x512xi32>
    %convert_element_type3A_252 = arith.sitofp %iota3A_251 : vector<128x512xi32> to vector<128x512xf32>
    %eq3A_253 = vector.broadcast %broadcast_in_dim3A_250 : vector<1x512xf32> to vector<128x512xf32>
    %eq3A_254 = arith.cmpf oeq, %add3A_247, %eq3A_253 : vector<128x512xf32>
    %jit3A_255 = arith.constant 1.280000e+02 : f32
    %broadcast_in_dim3A_256 = vector.broadcast %jit3A_255 : f32 to vector<128x512xf32>
    %select_n3A_257 = arith.select %eq3A_254, %convert_element_type3A_252, %broadcast_in_dim3A_256 : vector<128x512xi1>, vector<128x512xf32>
    %reduce_min3A_258 = arith.constant dense<0x7F800000> : vector<512xf32>
    %reduce_min3A_259 = vector.multi_reduction <minimumf>, %select_n3A_257, %reduce_min3A_258 [0] : vector<128x512xf32> to vector<512xf32>
    %broadcast_in_dim3A_260 = vector.shape_cast %reduce_min3A_259 : vector<512xf32> to vector<1x512xf32>
    %add3A_261 = arith.constant 2.560000e+02 : f32
    %add3A_262 = vector.broadcast %add3A_261 : f32 to vector<1x512xf32>
    %add3A_263 = arith.addf %broadcast_in_dim3A_260, %add3A_262 : vector<1x512xf32>
    %lt3A_264 = arith.cmpf olt, %broadcast_in_dim3A_250, %select_n3A_151 : vector<1x512xf32>
    %select_n3A_265 = arith.select %lt3A_264, %broadcast_in_dim3A_250, %select_n3A_151 : vector<1x512xi1>, vector<1x512xf32>
    %select_n3A_266 = arith.select %lt3A_264, %add3A_263, %select_n3A_152 : vector<1x512xi1>, vector<1x512xf32>
    %get3A_267 = arith.constant 512 : index
    %get3A_268 = arith.constant 0 : index
    %get3A_269 = vector.load %arg1[%get3A_267, %get3A_268] : memref<2048x32xf32, #tpu.memory_space<vmem>>, vector<512x32xf32>
    %dot_general3A_270 = arith.constant dense<0.000000e+00> : vector<128x512xf32>
    %dot_general3A_271 = tpu.matmul %mul3A_236, %get3A_269, %dot_general3A_270 {dimension_numbers = #tpu.dot_dimension_numbers<[1], [1], [0], [0], [0, 0, 1, 0], [], []>, transpose_lhs_hint = false} : vector<128x32xf32>, vector<512x32xf32>, vector<128x512xf32> -> vector<128x512xf32>
    %add3A_272 = vector.broadcast %broadcast_in_dim3A_240 : vector<128x1xf32> to vector<128x512xf32>
    %add3A_273 = arith.addf %add3A_272, %dot_general3A_271 : vector<128x512xf32>
    %reduce_min3A_274 = arith.constant dense<0x7F800000> : vector<512xf32>
    %reduce_min3A_275 = vector.multi_reduction <minimumf>, %add3A_273, %reduce_min3A_274 [0] : vector<128x512xf32> to vector<512xf32>
    %broadcast_in_dim3A_276 = vector.shape_cast %reduce_min3A_275 : vector<512xf32> to vector<1x512xf32>
    %iota3A_277 = tpu.iota {dimensions = array<i32: 0>} : vector<128x512xi32>
    %convert_element_type3A_278 = arith.sitofp %iota3A_277 : vector<128x512xi32> to vector<128x512xf32>
    %eq3A_279 = vector.broadcast %broadcast_in_dim3A_276 : vector<1x512xf32> to vector<128x512xf32>
    %eq3A_280 = arith.cmpf oeq, %add3A_273, %eq3A_279 : vector<128x512xf32>
    %jit3A_281 = arith.constant 1.280000e+02 : f32
    %broadcast_in_dim3A_282 = vector.broadcast %jit3A_281 : f32 to vector<128x512xf32>
    %select_n3A_283 = arith.select %eq3A_280, %convert_element_type3A_278, %broadcast_in_dim3A_282 : vector<128x512xi1>, vector<128x512xf32>
    %reduce_min3A_284 = arith.constant dense<0x7F800000> : vector<512xf32>
    %reduce_min3A_285 = vector.multi_reduction <minimumf>, %select_n3A_283, %reduce_min3A_284 [0] : vector<128x512xf32> to vector<512xf32>
    %broadcast_in_dim3A_286 = vector.shape_cast %reduce_min3A_285 : vector<512xf32> to vector<1x512xf32>
    %add3A_287 = arith.constant 2.560000e+02 : f32
    %add3A_288 = vector.broadcast %add3A_287 : f32 to vector<1x512xf32>
    %add3A_289 = arith.addf %broadcast_in_dim3A_286, %add3A_288 : vector<1x512xf32>
    %lt3A_290 = arith.cmpf olt, %broadcast_in_dim3A_276, %select_n3A_177 : vector<1x512xf32>
    %select_n3A_291 = arith.select %lt3A_290, %broadcast_in_dim3A_276, %select_n3A_177 : vector<1x512xi1>, vector<1x512xf32>
    %select_n3A_292 = arith.select %lt3A_290, %add3A_289, %select_n3A_178 : vector<1x512xi1>, vector<1x512xf32>
    %get3A_293 = arith.constant 1024 : index
    %get3A_294 = arith.constant 0 : index
    %get3A_295 = vector.load %arg1[%get3A_293, %get3A_294] : memref<2048x32xf32, #tpu.memory_space<vmem>>, vector<512x32xf32>
    %dot_general3A_296 = arith.constant dense<0.000000e+00> : vector<128x512xf32>
    %dot_general3A_297 = tpu.matmul %mul3A_236, %get3A_295, %dot_general3A_296 {dimension_numbers = #tpu.dot_dimension_numbers<[1], [1], [0], [0], [0, 0, 1, 0], [], []>, transpose_lhs_hint = false} : vector<128x32xf32>, vector<512x32xf32>, vector<128x512xf32> -> vector<128x512xf32>
    %add3A_298 = vector.broadcast %broadcast_in_dim3A_240 : vector<128x1xf32> to vector<128x512xf32>
    %add3A_299 = arith.addf %add3A_298, %dot_general3A_297 : vector<128x512xf32>
    %reduce_min3A_300 = arith.constant dense<0x7F800000> : vector<512xf32>
    %reduce_min3A_301 = vector.multi_reduction <minimumf>, %add3A_299, %reduce_min3A_300 [0] : vector<128x512xf32> to vector<512xf32>
    %broadcast_in_dim3A_302 = vector.shape_cast %reduce_min3A_301 : vector<512xf32> to vector<1x512xf32>
    %iota3A_303 = tpu.iota {dimensions = array<i32: 0>} : vector<128x512xi32>
    %convert_element_type3A_304 = arith.sitofp %iota3A_303 : vector<128x512xi32> to vector<128x512xf32>
    %eq3A_305 = vector.broadcast %broadcast_in_dim3A_302 : vector<1x512xf32> to vector<128x512xf32>
    %eq3A_306 = arith.cmpf oeq, %add3A_299, %eq3A_305 : vector<128x512xf32>
    %jit3A_307 = arith.constant 1.280000e+02 : f32
    %broadcast_in_dim3A_308 = vector.broadcast %jit3A_307 : f32 to vector<128x512xf32>
    %select_n3A_309 = arith.select %eq3A_306, %convert_element_type3A_304, %broadcast_in_dim3A_308 : vector<128x512xi1>, vector<128x512xf32>
    %reduce_min3A_310 = arith.constant dense<0x7F800000> : vector<512xf32>
    %reduce_min3A_311 = vector.multi_reduction <minimumf>, %select_n3A_309, %reduce_min3A_310 [0] : vector<128x512xf32> to vector<512xf32>
    %broadcast_in_dim3A_312 = vector.shape_cast %reduce_min3A_311 : vector<512xf32> to vector<1x512xf32>
    %add3A_313 = arith.constant 2.560000e+02 : f32
    %add3A_314 = vector.broadcast %add3A_313 : f32 to vector<1x512xf32>
    %add3A_315 = arith.addf %broadcast_in_dim3A_312, %add3A_314 : vector<1x512xf32>
    %lt3A_316 = arith.cmpf olt, %broadcast_in_dim3A_302, %select_n3A_203 : vector<1x512xf32>
    %select_n3A_317 = arith.select %lt3A_316, %broadcast_in_dim3A_302, %select_n3A_203 : vector<1x512xi1>, vector<1x512xf32>
    %select_n3A_318 = arith.select %lt3A_316, %add3A_315, %select_n3A_204 : vector<1x512xi1>, vector<1x512xf32>
    %get3A_319 = arith.constant 1536 : index
    %get3A_320 = arith.constant 0 : index
    %get3A_321 = vector.load %arg1[%get3A_319, %get3A_320] : memref<2048x32xf32, #tpu.memory_space<vmem>>, vector<512x32xf32>
    %dot_general3A_322 = arith.constant dense<0.000000e+00> : vector<128x512xf32>
    %dot_general3A_323 = tpu.matmul %mul3A_236, %get3A_321, %dot_general3A_322 {dimension_numbers = #tpu.dot_dimension_numbers<[1], [1], [0], [0], [0, 0, 1, 0], [], []>, transpose_lhs_hint = false} : vector<128x32xf32>, vector<512x32xf32>, vector<128x512xf32> -> vector<128x512xf32>
    %add3A_324 = vector.broadcast %broadcast_in_dim3A_240 : vector<128x1xf32> to vector<128x512xf32>
    %add3A_325 = arith.addf %add3A_324, %dot_general3A_323 : vector<128x512xf32>
    %reduce_min3A_326 = arith.constant dense<0x7F800000> : vector<512xf32>
    %reduce_min3A_327 = vector.multi_reduction <minimumf>, %add3A_325, %reduce_min3A_326 [0] : vector<128x512xf32> to vector<512xf32>
    %broadcast_in_dim3A_328 = vector.shape_cast %reduce_min3A_327 : vector<512xf32> to vector<1x512xf32>
    %iota3A_329 = tpu.iota {dimensions = array<i32: 0>} : vector<128x512xi32>
    %convert_element_type3A_330 = arith.sitofp %iota3A_329 : vector<128x512xi32> to vector<128x512xf32>
    %eq3A_331 = vector.broadcast %broadcast_in_dim3A_328 : vector<1x512xf32> to vector<128x512xf32>
    %eq3A_332 = arith.cmpf oeq, %add3A_325, %eq3A_331 : vector<128x512xf32>
    %jit3A_333 = arith.constant 1.280000e+02 : f32
    %broadcast_in_dim3A_334 = vector.broadcast %jit3A_333 : f32 to vector<128x512xf32>
    %select_n3A_335 = arith.select %eq3A_332, %convert_element_type3A_330, %broadcast_in_dim3A_334 : vector<128x512xi1>, vector<128x512xf32>
    %reduce_min3A_336 = arith.constant dense<0x7F800000> : vector<512xf32>
    %reduce_min3A_337 = vector.multi_reduction <minimumf>, %select_n3A_335, %reduce_min3A_336 [0] : vector<128x512xf32> to vector<512xf32>
    %broadcast_in_dim3A_338 = vector.shape_cast %reduce_min3A_337 : vector<512xf32> to vector<1x512xf32>
    %add3A_339 = arith.constant 2.560000e+02 : f32
    %add3A_340 = vector.broadcast %add3A_339 : f32 to vector<1x512xf32>
    %add3A_341 = arith.addf %broadcast_in_dim3A_338, %add3A_340 : vector<1x512xf32>
    %lt3A_342 = arith.cmpf olt, %broadcast_in_dim3A_328, %select_n3A_229 : vector<1x512xf32>
    %select_n3A_343 = arith.select %lt3A_342, %broadcast_in_dim3A_328, %select_n3A_229 : vector<1x512xi1>, vector<1x512xf32>
    %select_n3A_344 = arith.select %lt3A_342, %add3A_341, %select_n3A_230 : vector<1x512xi1>, vector<1x512xf32>
    %get3A_345 = arith.constant 384 : index
    %get3A_346 = arith.constant 0 : index
    %get3A_347 = vector.load %arg2[%get3A_345, %get3A_346] : memref<1024x32xf32, #tpu.memory_space<vmem>>, vector<128x32xf32>
    %mul3A_348 = arith.constant -2.000000e+00 : f32
    %mul3A_349 = vector.broadcast %mul3A_348 : f32 to vector<128x32xf32>
    %mul3A_350 = arith.mulf %get3A_347, %mul3A_349 : vector<128x32xf32>
    %mul3A_351 = arith.mulf %get3A_347, %get3A_347 : vector<128x32xf32>
    %reduce_sum3A_352 = arith.constant dense<0.000000e+00> : vector<128xf32>
    %reduce_sum3A_353 = vector.multi_reduction <add>, %mul3A_351, %reduce_sum3A_352 [1] : vector<128x32xf32> to vector<128xf32>
    %broadcast_in_dim3A_354 = vector.shape_cast %reduce_sum3A_353 : vector<128xf32> to vector<128x1xf32>
    %get3A_355 = arith.constant 0 : index
    %get3A_356 = arith.constant 0 : index
    %get3A_357 = vector.load %arg1[%get3A_355, %get3A_356] : memref<2048x32xf32, #tpu.memory_space<vmem>>, vector<512x32xf32>
    %dot_general3A_358 = arith.constant dense<0.000000e+00> : vector<128x512xf32>
    %dot_general3A_359 = tpu.matmul %mul3A_350, %get3A_357, %dot_general3A_358 {dimension_numbers = #tpu.dot_dimension_numbers<[1], [1], [0], [0], [0, 0, 1, 0], [], []>, transpose_lhs_hint = false} : vector<128x32xf32>, vector<512x32xf32>, vector<128x512xf32> -> vector<128x512xf32>
    %add3A_360 = vector.broadcast %broadcast_in_dim3A_354 : vector<128x1xf32> to vector<128x512xf32>
    %add3A_361 = arith.addf %add3A_360, %dot_general3A_359 : vector<128x512xf32>
    %reduce_min3A_362 = arith.constant dense<0x7F800000> : vector<512xf32>
    %reduce_min3A_363 = vector.multi_reduction <minimumf>, %add3A_361, %reduce_min3A_362 [0] : vector<128x512xf32> to vector<512xf32>
    %broadcast_in_dim3A_364 = vector.shape_cast %reduce_min3A_363 : vector<512xf32> to vector<1x512xf32>
    %iota3A_365 = tpu.iota {dimensions = array<i32: 0>} : vector<128x512xi32>
    %convert_element_type3A_366 = arith.sitofp %iota3A_365 : vector<128x512xi32> to vector<128x512xf32>
    %eq3A_367 = vector.broadcast %broadcast_in_dim3A_364 : vector<1x512xf32> to vector<128x512xf32>
    %eq3A_368 = arith.cmpf oeq, %add3A_361, %eq3A_367 : vector<128x512xf32>
    %jit3A_369 = arith.constant 1.280000e+02 : f32
    %broadcast_in_dim3A_370 = vector.broadcast %jit3A_369 : f32 to vector<128x512xf32>
    %select_n3A_371 = arith.select %eq3A_368, %convert_element_type3A_366, %broadcast_in_dim3A_370 : vector<128x512xi1>, vector<128x512xf32>
    %reduce_min3A_372 = arith.constant dense<0x7F800000> : vector<512xf32>
    %reduce_min3A_373 = vector.multi_reduction <minimumf>, %select_n3A_371, %reduce_min3A_372 [0] : vector<128x512xf32> to vector<512xf32>
    %broadcast_in_dim3A_374 = vector.shape_cast %reduce_min3A_373 : vector<512xf32> to vector<1x512xf32>
    %add3A_375 = arith.constant 3.840000e+02 : f32
    %add3A_376 = vector.broadcast %add3A_375 : f32 to vector<1x512xf32>
    %add3A_377 = arith.addf %broadcast_in_dim3A_374, %add3A_376 : vector<1x512xf32>
    %lt3A_378 = arith.cmpf olt, %broadcast_in_dim3A_364, %select_n3A_265 : vector<1x512xf32>
    %select_n3A_379 = arith.select %lt3A_378, %broadcast_in_dim3A_364, %select_n3A_265 : vector<1x512xi1>, vector<1x512xf32>
    %select_n3A_380 = arith.select %lt3A_378, %add3A_377, %select_n3A_266 : vector<1x512xi1>, vector<1x512xf32>
    %get3A_381 = arith.constant 512 : index
    %get3A_382 = arith.constant 0 : index
    %get3A_383 = vector.load %arg1[%get3A_381, %get3A_382] : memref<2048x32xf32, #tpu.memory_space<vmem>>, vector<512x32xf32>
    %dot_general3A_384 = arith.constant dense<0.000000e+00> : vector<128x512xf32>
    %dot_general3A_385 = tpu.matmul %mul3A_350, %get3A_383, %dot_general3A_384 {dimension_numbers = #tpu.dot_dimension_numbers<[1], [1], [0], [0], [0, 0, 1, 0], [], []>, transpose_lhs_hint = false} : vector<128x32xf32>, vector<512x32xf32>, vector<128x512xf32> -> vector<128x512xf32>
    %add3A_386 = vector.broadcast %broadcast_in_dim3A_354 : vector<128x1xf32> to vector<128x512xf32>
    %add3A_387 = arith.addf %add3A_386, %dot_general3A_385 : vector<128x512xf32>
    %reduce_min3A_388 = arith.constant dense<0x7F800000> : vector<512xf32>
    %reduce_min3A_389 = vector.multi_reduction <minimumf>, %add3A_387, %reduce_min3A_388 [0] : vector<128x512xf32> to vector<512xf32>
    %broadcast_in_dim3A_390 = vector.shape_cast %reduce_min3A_389 : vector<512xf32> to vector<1x512xf32>
    %iota3A_391 = tpu.iota {dimensions = array<i32: 0>} : vector<128x512xi32>
    %convert_element_type3A_392 = arith.sitofp %iota3A_391 : vector<128x512xi32> to vector<128x512xf32>
    %eq3A_393 = vector.broadcast %broadcast_in_dim3A_390 : vector<1x512xf32> to vector<128x512xf32>
    %eq3A_394 = arith.cmpf oeq, %add3A_387, %eq3A_393 : vector<128x512xf32>
    %jit3A_395 = arith.constant 1.280000e+02 : f32
    %broadcast_in_dim3A_396 = vector.broadcast %jit3A_395 : f32 to vector<128x512xf32>
    %select_n3A_397 = arith.select %eq3A_394, %convert_element_type3A_392, %broadcast_in_dim3A_396 : vector<128x512xi1>, vector<128x512xf32>
    %reduce_min3A_398 = arith.constant dense<0x7F800000> : vector<512xf32>
    %reduce_min3A_399 = vector.multi_reduction <minimumf>, %select_n3A_397, %reduce_min3A_398 [0] : vector<128x512xf32> to vector<512xf32>
    %broadcast_in_dim3A_400 = vector.shape_cast %reduce_min3A_399 : vector<512xf32> to vector<1x512xf32>
    %add3A_401 = arith.constant 3.840000e+02 : f32
    %add3A_402 = vector.broadcast %add3A_401 : f32 to vector<1x512xf32>
    %add3A_403 = arith.addf %broadcast_in_dim3A_400, %add3A_402 : vector<1x512xf32>
    %lt3A_404 = arith.cmpf olt, %broadcast_in_dim3A_390, %select_n3A_291 : vector<1x512xf32>
    %select_n3A_405 = arith.select %lt3A_404, %broadcast_in_dim3A_390, %select_n3A_291 : vector<1x512xi1>, vector<1x512xf32>
    %select_n3A_406 = arith.select %lt3A_404, %add3A_403, %select_n3A_292 : vector<1x512xi1>, vector<1x512xf32>
    %get3A_407 = arith.constant 1024 : index
    %get3A_408 = arith.constant 0 : index
    %get3A_409 = vector.load %arg1[%get3A_407, %get3A_408] : memref<2048x32xf32, #tpu.memory_space<vmem>>, vector<512x32xf32>
    %dot_general3A_410 = arith.constant dense<0.000000e+00> : vector<128x512xf32>
    %dot_general3A_411 = tpu.matmul %mul3A_350, %get3A_409, %dot_general3A_410 {dimension_numbers = #tpu.dot_dimension_numbers<[1], [1], [0], [0], [0, 0, 1, 0], [], []>, transpose_lhs_hint = false} : vector<128x32xf32>, vector<512x32xf32>, vector<128x512xf32> -> vector<128x512xf32>
    %add3A_412 = vector.broadcast %broadcast_in_dim3A_354 : vector<128x1xf32> to vector<128x512xf32>
    %add3A_413 = arith.addf %add3A_412, %dot_general3A_411 : vector<128x512xf32>
    %reduce_min3A_414 = arith.constant dense<0x7F800000> : vector<512xf32>
    %reduce_min3A_415 = vector.multi_reduction <minimumf>, %add3A_413, %reduce_min3A_414 [0] : vector<128x512xf32> to vector<512xf32>
    %broadcast_in_dim3A_416 = vector.shape_cast %reduce_min3A_415 : vector<512xf32> to vector<1x512xf32>
    %iota3A_417 = tpu.iota {dimensions = array<i32: 0>} : vector<128x512xi32>
    %convert_element_type3A_418 = arith.sitofp %iota3A_417 : vector<128x512xi32> to vector<128x512xf32>
    %eq3A_419 = vector.broadcast %broadcast_in_dim3A_416 : vector<1x512xf32> to vector<128x512xf32>
    %eq3A_420 = arith.cmpf oeq, %add3A_413, %eq3A_419 : vector<128x512xf32>
    %jit3A_421 = arith.constant 1.280000e+02 : f32
    %broadcast_in_dim3A_422 = vector.broadcast %jit3A_421 : f32 to vector<128x512xf32>
    %select_n3A_423 = arith.select %eq3A_420, %convert_element_type3A_418, %broadcast_in_dim3A_422 : vector<128x512xi1>, vector<128x512xf32>
    %reduce_min3A_424 = arith.constant dense<0x7F800000> : vector<512xf32>
    %reduce_min3A_425 = vector.multi_reduction <minimumf>, %select_n3A_423, %reduce_min3A_424 [0] : vector<128x512xf32> to vector<512xf32>
    %broadcast_in_dim3A_426 = vector.shape_cast %reduce_min3A_425 : vector<512xf32> to vector<1x512xf32>
    %add3A_427 = arith.constant 3.840000e+02 : f32
    %add3A_428 = vector.broadcast %add3A_427 : f32 to vector<1x512xf32>
    %add3A_429 = arith.addf %broadcast_in_dim3A_426, %add3A_428 : vector<1x512xf32>
    %lt3A_430 = arith.cmpf olt, %broadcast_in_dim3A_416, %select_n3A_317 : vector<1x512xf32>
    %select_n3A_431 = arith.select %lt3A_430, %broadcast_in_dim3A_416, %select_n3A_317 : vector<1x512xi1>, vector<1x512xf32>
    %select_n3A_432 = arith.select %lt3A_430, %add3A_429, %select_n3A_318 : vector<1x512xi1>, vector<1x512xf32>
    %get3A_433 = arith.constant 1536 : index
    %get3A_434 = arith.constant 0 : index
    %get3A_435 = vector.load %arg1[%get3A_433, %get3A_434] : memref<2048x32xf32, #tpu.memory_space<vmem>>, vector<512x32xf32>
    %dot_general3A_436 = arith.constant dense<0.000000e+00> : vector<128x512xf32>
    %dot_general3A_437 = tpu.matmul %mul3A_350, %get3A_435, %dot_general3A_436 {dimension_numbers = #tpu.dot_dimension_numbers<[1], [1], [0], [0], [0, 0, 1, 0], [], []>, transpose_lhs_hint = false} : vector<128x32xf32>, vector<512x32xf32>, vector<128x512xf32> -> vector<128x512xf32>
    %add3A_438 = vector.broadcast %broadcast_in_dim3A_354 : vector<128x1xf32> to vector<128x512xf32>
    %add3A_439 = arith.addf %add3A_438, %dot_general3A_437 : vector<128x512xf32>
    %reduce_min3A_440 = arith.constant dense<0x7F800000> : vector<512xf32>
    %reduce_min3A_441 = vector.multi_reduction <minimumf>, %add3A_439, %reduce_min3A_440 [0] : vector<128x512xf32> to vector<512xf32>
    %broadcast_in_dim3A_442 = vector.shape_cast %reduce_min3A_441 : vector<512xf32> to vector<1x512xf32>
    %iota3A_443 = tpu.iota {dimensions = array<i32: 0>} : vector<128x512xi32>
    %convert_element_type3A_444 = arith.sitofp %iota3A_443 : vector<128x512xi32> to vector<128x512xf32>
    %eq3A_445 = vector.broadcast %broadcast_in_dim3A_442 : vector<1x512xf32> to vector<128x512xf32>
    %eq3A_446 = arith.cmpf oeq, %add3A_439, %eq3A_445 : vector<128x512xf32>
    %jit3A_447 = arith.constant 1.280000e+02 : f32
    %broadcast_in_dim3A_448 = vector.broadcast %jit3A_447 : f32 to vector<128x512xf32>
    %select_n3A_449 = arith.select %eq3A_446, %convert_element_type3A_444, %broadcast_in_dim3A_448 : vector<128x512xi1>, vector<128x512xf32>
    %reduce_min3A_450 = arith.constant dense<0x7F800000> : vector<512xf32>
    %reduce_min3A_451 = vector.multi_reduction <minimumf>, %select_n3A_449, %reduce_min3A_450 [0] : vector<128x512xf32> to vector<512xf32>
    %broadcast_in_dim3A_452 = vector.shape_cast %reduce_min3A_451 : vector<512xf32> to vector<1x512xf32>
    %add3A_453 = arith.constant 3.840000e+02 : f32
    %add3A_454 = vector.broadcast %add3A_453 : f32 to vector<1x512xf32>
    %add3A_455 = arith.addf %broadcast_in_dim3A_452, %add3A_454 : vector<1x512xf32>
    %lt3A_456 = arith.cmpf olt, %broadcast_in_dim3A_442, %select_n3A_343 : vector<1x512xf32>
    %select_n3A_457 = arith.select %lt3A_456, %broadcast_in_dim3A_442, %select_n3A_343 : vector<1x512xi1>, vector<1x512xf32>
    %select_n3A_458 = arith.select %lt3A_456, %add3A_455, %select_n3A_344 : vector<1x512xi1>, vector<1x512xf32>
    %get3A_459 = arith.constant 512 : index
    %get3A_460 = arith.constant 0 : index
    %get3A_461 = vector.load %arg2[%get3A_459, %get3A_460] : memref<1024x32xf32, #tpu.memory_space<vmem>>, vector<128x32xf32>
    %mul3A_462 = arith.constant -2.000000e+00 : f32
    %mul3A_463 = vector.broadcast %mul3A_462 : f32 to vector<128x32xf32>
    %mul3A_464 = arith.mulf %get3A_461, %mul3A_463 : vector<128x32xf32>
    %mul3A_465 = arith.mulf %get3A_461, %get3A_461 : vector<128x32xf32>
    %reduce_sum3A_466 = arith.constant dense<0.000000e+00> : vector<128xf32>
    %reduce_sum3A_467 = vector.multi_reduction <add>, %mul3A_465, %reduce_sum3A_466 [1] : vector<128x32xf32> to vector<128xf32>
    %broadcast_in_dim3A_468 = vector.shape_cast %reduce_sum3A_467 : vector<128xf32> to vector<128x1xf32>
    %get3A_469 = arith.constant 0 : index
    %get3A_470 = arith.constant 0 : index
    %get3A_471 = vector.load %arg1[%get3A_469, %get3A_470] : memref<2048x32xf32, #tpu.memory_space<vmem>>, vector<512x32xf32>
    %dot_general3A_472 = arith.constant dense<0.000000e+00> : vector<128x512xf32>
    %dot_general3A_473 = tpu.matmul %mul3A_464, %get3A_471, %dot_general3A_472 {dimension_numbers = #tpu.dot_dimension_numbers<[1], [1], [0], [0], [0, 0, 1, 0], [], []>, transpose_lhs_hint = false} : vector<128x32xf32>, vector<512x32xf32>, vector<128x512xf32> -> vector<128x512xf32>
    %add3A_474 = vector.broadcast %broadcast_in_dim3A_468 : vector<128x1xf32> to vector<128x512xf32>
    %add3A_475 = arith.addf %add3A_474, %dot_general3A_473 : vector<128x512xf32>
    %reduce_min3A_476 = arith.constant dense<0x7F800000> : vector<512xf32>
    %reduce_min3A_477 = vector.multi_reduction <minimumf>, %add3A_475, %reduce_min3A_476 [0] : vector<128x512xf32> to vector<512xf32>
    %broadcast_in_dim3A_478 = vector.shape_cast %reduce_min3A_477 : vector<512xf32> to vector<1x512xf32>
    %iota3A_479 = tpu.iota {dimensions = array<i32: 0>} : vector<128x512xi32>
    %convert_element_type3A_480 = arith.sitofp %iota3A_479 : vector<128x512xi32> to vector<128x512xf32>
    %eq3A_481 = vector.broadcast %broadcast_in_dim3A_478 : vector<1x512xf32> to vector<128x512xf32>
    %eq3A_482 = arith.cmpf oeq, %add3A_475, %eq3A_481 : vector<128x512xf32>
    %jit3A_483 = arith.constant 1.280000e+02 : f32
    %broadcast_in_dim3A_484 = vector.broadcast %jit3A_483 : f32 to vector<128x512xf32>
    %select_n3A_485 = arith.select %eq3A_482, %convert_element_type3A_480, %broadcast_in_dim3A_484 : vector<128x512xi1>, vector<128x512xf32>
    %reduce_min3A_486 = arith.constant dense<0x7F800000> : vector<512xf32>
    %reduce_min3A_487 = vector.multi_reduction <minimumf>, %select_n3A_485, %reduce_min3A_486 [0] : vector<128x512xf32> to vector<512xf32>
    %broadcast_in_dim3A_488 = vector.shape_cast %reduce_min3A_487 : vector<512xf32> to vector<1x512xf32>
    %add3A_489 = arith.constant 5.120000e+02 : f32
    %add3A_490 = vector.broadcast %add3A_489 : f32 to vector<1x512xf32>
    %add3A_491 = arith.addf %broadcast_in_dim3A_488, %add3A_490 : vector<1x512xf32>
    %lt3A_492 = arith.cmpf olt, %broadcast_in_dim3A_478, %select_n3A_379 : vector<1x512xf32>
    %select_n3A_493 = arith.select %lt3A_492, %broadcast_in_dim3A_478, %select_n3A_379 : vector<1x512xi1>, vector<1x512xf32>
    %select_n3A_494 = arith.select %lt3A_492, %add3A_491, %select_n3A_380 : vector<1x512xi1>, vector<1x512xf32>
    %get3A_495 = arith.constant 512 : index
    %get3A_496 = arith.constant 0 : index
    %get3A_497 = vector.load %arg1[%get3A_495, %get3A_496] : memref<2048x32xf32, #tpu.memory_space<vmem>>, vector<512x32xf32>
    %dot_general3A_498 = arith.constant dense<0.000000e+00> : vector<128x512xf32>
    %dot_general3A_499 = tpu.matmul %mul3A_464, %get3A_497, %dot_general3A_498 {dimension_numbers = #tpu.dot_dimension_numbers<[1], [1], [0], [0], [0, 0, 1, 0], [], []>, transpose_lhs_hint = false} : vector<128x32xf32>, vector<512x32xf32>, vector<128x512xf32> -> vector<128x512xf32>
    %add3A_500 = vector.broadcast %broadcast_in_dim3A_468 : vector<128x1xf32> to vector<128x512xf32>
    %add3A_501 = arith.addf %add3A_500, %dot_general3A_499 : vector<128x512xf32>
    %reduce_min3A_502 = arith.constant dense<0x7F800000> : vector<512xf32>
    %reduce_min3A_503 = vector.multi_reduction <minimumf>, %add3A_501, %reduce_min3A_502 [0] : vector<128x512xf32> to vector<512xf32>
    %broadcast_in_dim3A_504 = vector.shape_cast %reduce_min3A_503 : vector<512xf32> to vector<1x512xf32>
    %iota3A_505 = tpu.iota {dimensions = array<i32: 0>} : vector<128x512xi32>
    %convert_element_type3A_506 = arith.sitofp %iota3A_505 : vector<128x512xi32> to vector<128x512xf32>
    %eq3A_507 = vector.broadcast %broadcast_in_dim3A_504 : vector<1x512xf32> to vector<128x512xf32>
    %eq3A_508 = arith.cmpf oeq, %add3A_501, %eq3A_507 : vector<128x512xf32>
    %jit3A_509 = arith.constant 1.280000e+02 : f32
    %broadcast_in_dim3A_510 = vector.broadcast %jit3A_509 : f32 to vector<128x512xf32>
    %select_n3A_511 = arith.select %eq3A_508, %convert_element_type3A_506, %broadcast_in_dim3A_510 : vector<128x512xi1>, vector<128x512xf32>
    %reduce_min3A_512 = arith.constant dense<0x7F800000> : vector<512xf32>
    %reduce_min3A_513 = vector.multi_reduction <minimumf>, %select_n3A_511, %reduce_min3A_512 [0] : vector<128x512xf32> to vector<512xf32>
    %broadcast_in_dim3A_514 = vector.shape_cast %reduce_min3A_513 : vector<512xf32> to vector<1x512xf32>
    %add3A_515 = arith.constant 5.120000e+02 : f32
    %add3A_516 = vector.broadcast %add3A_515 : f32 to vector<1x512xf32>
    %add3A_517 = arith.addf %broadcast_in_dim3A_514, %add3A_516 : vector<1x512xf32>
    %lt3A_518 = arith.cmpf olt, %broadcast_in_dim3A_504, %select_n3A_405 : vector<1x512xf32>
    %select_n3A_519 = arith.select %lt3A_518, %broadcast_in_dim3A_504, %select_n3A_405 : vector<1x512xi1>, vector<1x512xf32>
    %select_n3A_520 = arith.select %lt3A_518, %add3A_517, %select_n3A_406 : vector<1x512xi1>, vector<1x512xf32>
    %get3A_521 = arith.constant 1024 : index
    %get3A_522 = arith.constant 0 : index
    %get3A_523 = vector.load %arg1[%get3A_521, %get3A_522] : memref<2048x32xf32, #tpu.memory_space<vmem>>, vector<512x32xf32>
    %dot_general3A_524 = arith.constant dense<0.000000e+00> : vector<128x512xf32>
    %dot_general3A_525 = tpu.matmul %mul3A_464, %get3A_523, %dot_general3A_524 {dimension_numbers = #tpu.dot_dimension_numbers<[1], [1], [0], [0], [0, 0, 1, 0], [], []>, transpose_lhs_hint = false} : vector<128x32xf32>, vector<512x32xf32>, vector<128x512xf32> -> vector<128x512xf32>
    %add3A_526 = vector.broadcast %broadcast_in_dim3A_468 : vector<128x1xf32> to vector<128x512xf32>
    %add3A_527 = arith.addf %add3A_526, %dot_general3A_525 : vector<128x512xf32>
    %reduce_min3A_528 = arith.constant dense<0x7F800000> : vector<512xf32>
    %reduce_min3A_529 = vector.multi_reduction <minimumf>, %add3A_527, %reduce_min3A_528 [0] : vector<128x512xf32> to vector<512xf32>
    %broadcast_in_dim3A_530 = vector.shape_cast %reduce_min3A_529 : vector<512xf32> to vector<1x512xf32>
    %iota3A_531 = tpu.iota {dimensions = array<i32: 0>} : vector<128x512xi32>
    %convert_element_type3A_532 = arith.sitofp %iota3A_531 : vector<128x512xi32> to vector<128x512xf32>
    %eq3A_533 = vector.broadcast %broadcast_in_dim3A_530 : vector<1x512xf32> to vector<128x512xf32>
    %eq3A_534 = arith.cmpf oeq, %add3A_527, %eq3A_533 : vector<128x512xf32>
    %jit3A_535 = arith.constant 1.280000e+02 : f32
    %broadcast_in_dim3A_536 = vector.broadcast %jit3A_535 : f32 to vector<128x512xf32>
    %select_n3A_537 = arith.select %eq3A_534, %convert_element_type3A_532, %broadcast_in_dim3A_536 : vector<128x512xi1>, vector<128x512xf32>
    %reduce_min3A_538 = arith.constant dense<0x7F800000> : vector<512xf32>
    %reduce_min3A_539 = vector.multi_reduction <minimumf>, %select_n3A_537, %reduce_min3A_538 [0] : vector<128x512xf32> to vector<512xf32>
    %broadcast_in_dim3A_540 = vector.shape_cast %reduce_min3A_539 : vector<512xf32> to vector<1x512xf32>
    %add3A_541 = arith.constant 5.120000e+02 : f32
    %add3A_542 = vector.broadcast %add3A_541 : f32 to vector<1x512xf32>
    %add3A_543 = arith.addf %broadcast_in_dim3A_540, %add3A_542 : vector<1x512xf32>
    %lt3A_544 = arith.cmpf olt, %broadcast_in_dim3A_530, %select_n3A_431 : vector<1x512xf32>
    %select_n3A_545 = arith.select %lt3A_544, %broadcast_in_dim3A_530, %select_n3A_431 : vector<1x512xi1>, vector<1x512xf32>
    %select_n3A_546 = arith.select %lt3A_544, %add3A_543, %select_n3A_432 : vector<1x512xi1>, vector<1x512xf32>
    %get3A_547 = arith.constant 1536 : index
    %get3A_548 = arith.constant 0 : index
    %get3A_549 = vector.load %arg1[%get3A_547, %get3A_548] : memref<2048x32xf32, #tpu.memory_space<vmem>>, vector<512x32xf32>
    %dot_general3A_550 = arith.constant dense<0.000000e+00> : vector<128x512xf32>
    %dot_general3A_551 = tpu.matmul %mul3A_464, %get3A_549, %dot_general3A_550 {dimension_numbers = #tpu.dot_dimension_numbers<[1], [1], [0], [0], [0, 0, 1, 0], [], []>, transpose_lhs_hint = false} : vector<128x32xf32>, vector<512x32xf32>, vector<128x512xf32> -> vector<128x512xf32>
    %add3A_552 = vector.broadcast %broadcast_in_dim3A_468 : vector<128x1xf32> to vector<128x512xf32>
    %add3A_553 = arith.addf %add3A_552, %dot_general3A_551 : vector<128x512xf32>
    %reduce_min3A_554 = arith.constant dense<0x7F800000> : vector<512xf32>
    %reduce_min3A_555 = vector.multi_reduction <minimumf>, %add3A_553, %reduce_min3A_554 [0] : vector<128x512xf32> to vector<512xf32>
    %broadcast_in_dim3A_556 = vector.shape_cast %reduce_min3A_555 : vector<512xf32> to vector<1x512xf32>
    %iota3A_557 = tpu.iota {dimensions = array<i32: 0>} : vector<128x512xi32>
    %convert_element_type3A_558 = arith.sitofp %iota3A_557 : vector<128x512xi32> to vector<128x512xf32>
    %eq3A_559 = vector.broadcast %broadcast_in_dim3A_556 : vector<1x512xf32> to vector<128x512xf32>
    %eq3A_560 = arith.cmpf oeq, %add3A_553, %eq3A_559 : vector<128x512xf32>
    %jit3A_561 = arith.constant 1.280000e+02 : f32
    %broadcast_in_dim3A_562 = vector.broadcast %jit3A_561 : f32 to vector<128x512xf32>
    %select_n3A_563 = arith.select %eq3A_560, %convert_element_type3A_558, %broadcast_in_dim3A_562 : vector<128x512xi1>, vector<128x512xf32>
    %reduce_min3A_564 = arith.constant dense<0x7F800000> : vector<512xf32>
    %reduce_min3A_565 = vector.multi_reduction <minimumf>, %select_n3A_563, %reduce_min3A_564 [0] : vector<128x512xf32> to vector<512xf32>
    %broadcast_in_dim3A_566 = vector.shape_cast %reduce_min3A_565 : vector<512xf32> to vector<1x512xf32>
    %add3A_567 = arith.constant 5.120000e+02 : f32
    %add3A_568 = vector.broadcast %add3A_567 : f32 to vector<1x512xf32>
    %add3A_569 = arith.addf %broadcast_in_dim3A_566, %add3A_568 : vector<1x512xf32>
    %lt3A_570 = arith.cmpf olt, %broadcast_in_dim3A_556, %select_n3A_457 : vector<1x512xf32>
    %select_n3A_571 = arith.select %lt3A_570, %broadcast_in_dim3A_556, %select_n3A_457 : vector<1x512xi1>, vector<1x512xf32>
    %select_n3A_572 = arith.select %lt3A_570, %add3A_569, %select_n3A_458 : vector<1x512xi1>, vector<1x512xf32>
    %get3A_573 = arith.constant 640 : index
    %get3A_574 = arith.constant 0 : index
    %get3A_575 = vector.load %arg2[%get3A_573, %get3A_574] : memref<1024x32xf32, #tpu.memory_space<vmem>>, vector<128x32xf32>
    %mul3A_576 = arith.constant -2.000000e+00 : f32
    %mul3A_577 = vector.broadcast %mul3A_576 : f32 to vector<128x32xf32>
    %mul3A_578 = arith.mulf %get3A_575, %mul3A_577 : vector<128x32xf32>
    %mul3A_579 = arith.mulf %get3A_575, %get3A_575 : vector<128x32xf32>
    %reduce_sum3A_580 = arith.constant dense<0.000000e+00> : vector<128xf32>
    %reduce_sum3A_581 = vector.multi_reduction <add>, %mul3A_579, %reduce_sum3A_580 [1] : vector<128x32xf32> to vector<128xf32>
    %broadcast_in_dim3A_582 = vector.shape_cast %reduce_sum3A_581 : vector<128xf32> to vector<128x1xf32>
    %get3A_583 = arith.constant 0 : index
    %get3A_584 = arith.constant 0 : index
    %get3A_585 = vector.load %arg1[%get3A_583, %get3A_584] : memref<2048x32xf32, #tpu.memory_space<vmem>>, vector<512x32xf32>
    %dot_general3A_586 = arith.constant dense<0.000000e+00> : vector<128x512xf32>
    %dot_general3A_587 = tpu.matmul %mul3A_578, %get3A_585, %dot_general3A_586 {dimension_numbers = #tpu.dot_dimension_numbers<[1], [1], [0], [0], [0, 0, 1, 0], [], []>, transpose_lhs_hint = false} : vector<128x32xf32>, vector<512x32xf32>, vector<128x512xf32> -> vector<128x512xf32>
    %add3A_588 = vector.broadcast %broadcast_in_dim3A_582 : vector<128x1xf32> to vector<128x512xf32>
    %add3A_589 = arith.addf %add3A_588, %dot_general3A_587 : vector<128x512xf32>
    %reduce_min3A_590 = arith.constant dense<0x7F800000> : vector<512xf32>
    %reduce_min3A_591 = vector.multi_reduction <minimumf>, %add3A_589, %reduce_min3A_590 [0] : vector<128x512xf32> to vector<512xf32>
    %broadcast_in_dim3A_592 = vector.shape_cast %reduce_min3A_591 : vector<512xf32> to vector<1x512xf32>
    %iota3A_593 = tpu.iota {dimensions = array<i32: 0>} : vector<128x512xi32>
    %convert_element_type3A_594 = arith.sitofp %iota3A_593 : vector<128x512xi32> to vector<128x512xf32>
    %eq3A_595 = vector.broadcast %broadcast_in_dim3A_592 : vector<1x512xf32> to vector<128x512xf32>
    %eq3A_596 = arith.cmpf oeq, %add3A_589, %eq3A_595 : vector<128x512xf32>
    %jit3A_597 = arith.constant 1.280000e+02 : f32
    %broadcast_in_dim3A_598 = vector.broadcast %jit3A_597 : f32 to vector<128x512xf32>
    %select_n3A_599 = arith.select %eq3A_596, %convert_element_type3A_594, %broadcast_in_dim3A_598 : vector<128x512xi1>, vector<128x512xf32>
    %reduce_min3A_600 = arith.constant dense<0x7F800000> : vector<512xf32>
    %reduce_min3A_601 = vector.multi_reduction <minimumf>, %select_n3A_599, %reduce_min3A_600 [0] : vector<128x512xf32> to vector<512xf32>
    %broadcast_in_dim3A_602 = vector.shape_cast %reduce_min3A_601 : vector<512xf32> to vector<1x512xf32>
    %add3A_603 = arith.constant 6.400000e+02 : f32
    %add3A_604 = vector.broadcast %add3A_603 : f32 to vector<1x512xf32>
    %add3A_605 = arith.addf %broadcast_in_dim3A_602, %add3A_604 : vector<1x512xf32>
    %lt3A_606 = arith.cmpf olt, %broadcast_in_dim3A_592, %select_n3A_493 : vector<1x512xf32>
    %select_n3A_607 = arith.select %lt3A_606, %broadcast_in_dim3A_592, %select_n3A_493 : vector<1x512xi1>, vector<1x512xf32>
    %select_n3A_608 = arith.select %lt3A_606, %add3A_605, %select_n3A_494 : vector<1x512xi1>, vector<1x512xf32>
    %get3A_609 = arith.constant 512 : index
    %get3A_610 = arith.constant 0 : index
    %get3A_611 = vector.load %arg1[%get3A_609, %get3A_610] : memref<2048x32xf32, #tpu.memory_space<vmem>>, vector<512x32xf32>
    %dot_general3A_612 = arith.constant dense<0.000000e+00> : vector<128x512xf32>
    %dot_general3A_613 = tpu.matmul %mul3A_578, %get3A_611, %dot_general3A_612 {dimension_numbers = #tpu.dot_dimension_numbers<[1], [1], [0], [0], [0, 0, 1, 0], [], []>, transpose_lhs_hint = false} : vector<128x32xf32>, vector<512x32xf32>, vector<128x512xf32> -> vector<128x512xf32>
    %add3A_614 = vector.broadcast %broadcast_in_dim3A_582 : vector<128x1xf32> to vector<128x512xf32>
    %add3A_615 = arith.addf %add3A_614, %dot_general3A_613 : vector<128x512xf32>
    %reduce_min3A_616 = arith.constant dense<0x7F800000> : vector<512xf32>
    %reduce_min3A_617 = vector.multi_reduction <minimumf>, %add3A_615, %reduce_min3A_616 [0] : vector<128x512xf32> to vector<512xf32>
    %broadcast_in_dim3A_618 = vector.shape_cast %reduce_min3A_617 : vector<512xf32> to vector<1x512xf32>
    %iota3A_619 = tpu.iota {dimensions = array<i32: 0>} : vector<128x512xi32>
    %convert_element_type3A_620 = arith.sitofp %iota3A_619 : vector<128x512xi32> to vector<128x512xf32>
    %eq3A_621 = vector.broadcast %broadcast_in_dim3A_618 : vector<1x512xf32> to vector<128x512xf32>
    %eq3A_622 = arith.cmpf oeq, %add3A_615, %eq3A_621 : vector<128x512xf32>
    %jit3A_623 = arith.constant 1.280000e+02 : f32
    %broadcast_in_dim3A_624 = vector.broadcast %jit3A_623 : f32 to vector<128x512xf32>
    %select_n3A_625 = arith.select %eq3A_622, %convert_element_type3A_620, %broadcast_in_dim3A_624 : vector<128x512xi1>, vector<128x512xf32>
    %reduce_min3A_626 = arith.constant dense<0x7F800000> : vector<512xf32>
    %reduce_min3A_627 = vector.multi_reduction <minimumf>, %select_n3A_625, %reduce_min3A_626 [0] : vector<128x512xf32> to vector<512xf32>
    %broadcast_in_dim3A_628 = vector.shape_cast %reduce_min3A_627 : vector<512xf32> to vector<1x512xf32>
    %add3A_629 = arith.constant 6.400000e+02 : f32
    %add3A_630 = vector.broadcast %add3A_629 : f32 to vector<1x512xf32>
    %add3A_631 = arith.addf %broadcast_in_dim3A_628, %add3A_630 : vector<1x512xf32>
    %lt3A_632 = arith.cmpf olt, %broadcast_in_dim3A_618, %select_n3A_519 : vector<1x512xf32>
    %select_n3A_633 = arith.select %lt3A_632, %broadcast_in_dim3A_618, %select_n3A_519 : vector<1x512xi1>, vector<1x512xf32>
    %select_n3A_634 = arith.select %lt3A_632, %add3A_631, %select_n3A_520 : vector<1x512xi1>, vector<1x512xf32>
    %get3A_635 = arith.constant 1024 : index
    %get3A_636 = arith.constant 0 : index
    %get3A_637 = vector.load %arg1[%get3A_635, %get3A_636] : memref<2048x32xf32, #tpu.memory_space<vmem>>, vector<512x32xf32>
    %dot_general3A_638 = arith.constant dense<0.000000e+00> : vector<128x512xf32>
    %dot_general3A_639 = tpu.matmul %mul3A_578, %get3A_637, %dot_general3A_638 {dimension_numbers = #tpu.dot_dimension_numbers<[1], [1], [0], [0], [0, 0, 1, 0], [], []>, transpose_lhs_hint = false} : vector<128x32xf32>, vector<512x32xf32>, vector<128x512xf32> -> vector<128x512xf32>
    %add3A_640 = vector.broadcast %broadcast_in_dim3A_582 : vector<128x1xf32> to vector<128x512xf32>
    %add3A_641 = arith.addf %add3A_640, %dot_general3A_639 : vector<128x512xf32>
    %reduce_min3A_642 = arith.constant dense<0x7F800000> : vector<512xf32>
    %reduce_min3A_643 = vector.multi_reduction <minimumf>, %add3A_641, %reduce_min3A_642 [0] : vector<128x512xf32> to vector<512xf32>
    %broadcast_in_dim3A_644 = vector.shape_cast %reduce_min3A_643 : vector<512xf32> to vector<1x512xf32>
    %iota3A_645 = tpu.iota {dimensions = array<i32: 0>} : vector<128x512xi32>
    %convert_element_type3A_646 = arith.sitofp %iota3A_645 : vector<128x512xi32> to vector<128x512xf32>
    %eq3A_647 = vector.broadcast %broadcast_in_dim3A_644 : vector<1x512xf32> to vector<128x512xf32>
    %eq3A_648 = arith.cmpf oeq, %add3A_641, %eq3A_647 : vector<128x512xf32>
    %jit3A_649 = arith.constant 1.280000e+02 : f32
    %broadcast_in_dim3A_650 = vector.broadcast %jit3A_649 : f32 to vector<128x512xf32>
    %select_n3A_651 = arith.select %eq3A_648, %convert_element_type3A_646, %broadcast_in_dim3A_650 : vector<128x512xi1>, vector<128x512xf32>
    %reduce_min3A_652 = arith.constant dense<0x7F800000> : vector<512xf32>
    %reduce_min3A_653 = vector.multi_reduction <minimumf>, %select_n3A_651, %reduce_min3A_652 [0] : vector<128x512xf32> to vector<512xf32>
    %broadcast_in_dim3A_654 = vector.shape_cast %reduce_min3A_653 : vector<512xf32> to vector<1x512xf32>
    %add3A_655 = arith.constant 6.400000e+02 : f32
    %add3A_656 = vector.broadcast %add3A_655 : f32 to vector<1x512xf32>
    %add3A_657 = arith.addf %broadcast_in_dim3A_654, %add3A_656 : vector<1x512xf32>
    %lt3A_658 = arith.cmpf olt, %broadcast_in_dim3A_644, %select_n3A_545 : vector<1x512xf32>
    %select_n3A_659 = arith.select %lt3A_658, %broadcast_in_dim3A_644, %select_n3A_545 : vector<1x512xi1>, vector<1x512xf32>
    %select_n3A_660 = arith.select %lt3A_658, %add3A_657, %select_n3A_546 : vector<1x512xi1>, vector<1x512xf32>
    %get3A_661 = arith.constant 1536 : index
    %get3A_662 = arith.constant 0 : index
    %get3A_663 = vector.load %arg1[%get3A_661, %get3A_662] : memref<2048x32xf32, #tpu.memory_space<vmem>>, vector<512x32xf32>
    %dot_general3A_664 = arith.constant dense<0.000000e+00> : vector<128x512xf32>
    %dot_general3A_665 = tpu.matmul %mul3A_578, %get3A_663, %dot_general3A_664 {dimension_numbers = #tpu.dot_dimension_numbers<[1], [1], [0], [0], [0, 0, 1, 0], [], []>, transpose_lhs_hint = false} : vector<128x32xf32>, vector<512x32xf32>, vector<128x512xf32> -> vector<128x512xf32>
    %add3A_666 = vector.broadcast %broadcast_in_dim3A_582 : vector<128x1xf32> to vector<128x512xf32>
    %add3A_667 = arith.addf %add3A_666, %dot_general3A_665 : vector<128x512xf32>
    %reduce_min3A_668 = arith.constant dense<0x7F800000> : vector<512xf32>
    %reduce_min3A_669 = vector.multi_reduction <minimumf>, %add3A_667, %reduce_min3A_668 [0] : vector<128x512xf32> to vector<512xf32>
    %broadcast_in_dim3A_670 = vector.shape_cast %reduce_min3A_669 : vector<512xf32> to vector<1x512xf32>
    %iota3A_671 = tpu.iota {dimensions = array<i32: 0>} : vector<128x512xi32>
    %convert_element_type3A_672 = arith.sitofp %iota3A_671 : vector<128x512xi32> to vector<128x512xf32>
    %eq3A_673 = vector.broadcast %broadcast_in_dim3A_670 : vector<1x512xf32> to vector<128x512xf32>
    %eq3A_674 = arith.cmpf oeq, %add3A_667, %eq3A_673 : vector<128x512xf32>
    %jit3A_675 = arith.constant 1.280000e+02 : f32
    %broadcast_in_dim3A_676 = vector.broadcast %jit3A_675 : f32 to vector<128x512xf32>
    %select_n3A_677 = arith.select %eq3A_674, %convert_element_type3A_672, %broadcast_in_dim3A_676 : vector<128x512xi1>, vector<128x512xf32>
    %reduce_min3A_678 = arith.constant dense<0x7F800000> : vector<512xf32>
    %reduce_min3A_679 = vector.multi_reduction <minimumf>, %select_n3A_677, %reduce_min3A_678 [0] : vector<128x512xf32> to vector<512xf32>
    %broadcast_in_dim3A_680 = vector.shape_cast %reduce_min3A_679 : vector<512xf32> to vector<1x512xf32>
    %add3A_681 = arith.constant 6.400000e+02 : f32
    %add3A_682 = vector.broadcast %add3A_681 : f32 to vector<1x512xf32>
    %add3A_683 = arith.addf %broadcast_in_dim3A_680, %add3A_682 : vector<1x512xf32>
    %lt3A_684 = arith.cmpf olt, %broadcast_in_dim3A_670, %select_n3A_571 : vector<1x512xf32>
    %select_n3A_685 = arith.select %lt3A_684, %broadcast_in_dim3A_670, %select_n3A_571 : vector<1x512xi1>, vector<1x512xf32>
    %select_n3A_686 = arith.select %lt3A_684, %add3A_683, %select_n3A_572 : vector<1x512xi1>, vector<1x512xf32>
    %get3A_687 = arith.constant 768 : index
    %get3A_688 = arith.constant 0 : index
    %get3A_689 = vector.load %arg2[%get3A_687, %get3A_688] : memref<1024x32xf32, #tpu.memory_space<vmem>>, vector<128x32xf32>
    %mul3A_690 = arith.constant -2.000000e+00 : f32
    %mul3A_691 = vector.broadcast %mul3A_690 : f32 to vector<128x32xf32>
    %mul3A_692 = arith.mulf %get3A_689, %mul3A_691 : vector<128x32xf32>
    %mul3A_693 = arith.mulf %get3A_689, %get3A_689 : vector<128x32xf32>
    %reduce_sum3A_694 = arith.constant dense<0.000000e+00> : vector<128xf32>
    %reduce_sum3A_695 = vector.multi_reduction <add>, %mul3A_693, %reduce_sum3A_694 [1] : vector<128x32xf32> to vector<128xf32>
    %broadcast_in_dim3A_696 = vector.shape_cast %reduce_sum3A_695 : vector<128xf32> to vector<128x1xf32>
    %get3A_697 = arith.constant 0 : index
    %get3A_698 = arith.constant 0 : index
    %get3A_699 = vector.load %arg1[%get3A_697, %get3A_698] : memref<2048x32xf32, #tpu.memory_space<vmem>>, vector<512x32xf32>
    %dot_general3A_700 = arith.constant dense<0.000000e+00> : vector<128x512xf32>
    %dot_general3A_701 = tpu.matmul %mul3A_692, %get3A_699, %dot_general3A_700 {dimension_numbers = #tpu.dot_dimension_numbers<[1], [1], [0], [0], [0, 0, 1, 0], [], []>, transpose_lhs_hint = false} : vector<128x32xf32>, vector<512x32xf32>, vector<128x512xf32> -> vector<128x512xf32>
    %add3A_702 = vector.broadcast %broadcast_in_dim3A_696 : vector<128x1xf32> to vector<128x512xf32>
    %add3A_703 = arith.addf %add3A_702, %dot_general3A_701 : vector<128x512xf32>
    %reduce_min3A_704 = arith.constant dense<0x7F800000> : vector<512xf32>
    %reduce_min3A_705 = vector.multi_reduction <minimumf>, %add3A_703, %reduce_min3A_704 [0] : vector<128x512xf32> to vector<512xf32>
    %broadcast_in_dim3A_706 = vector.shape_cast %reduce_min3A_705 : vector<512xf32> to vector<1x512xf32>
    %iota3A_707 = tpu.iota {dimensions = array<i32: 0>} : vector<128x512xi32>
    %convert_element_type3A_708 = arith.sitofp %iota3A_707 : vector<128x512xi32> to vector<128x512xf32>
    %eq3A_709 = vector.broadcast %broadcast_in_dim3A_706 : vector<1x512xf32> to vector<128x512xf32>
    %eq3A_710 = arith.cmpf oeq, %add3A_703, %eq3A_709 : vector<128x512xf32>
    %jit3A_711 = arith.constant 1.280000e+02 : f32
    %broadcast_in_dim3A_712 = vector.broadcast %jit3A_711 : f32 to vector<128x512xf32>
    %select_n3A_713 = arith.select %eq3A_710, %convert_element_type3A_708, %broadcast_in_dim3A_712 : vector<128x512xi1>, vector<128x512xf32>
    %reduce_min3A_714 = arith.constant dense<0x7F800000> : vector<512xf32>
    %reduce_min3A_715 = vector.multi_reduction <minimumf>, %select_n3A_713, %reduce_min3A_714 [0] : vector<128x512xf32> to vector<512xf32>
    %broadcast_in_dim3A_716 = vector.shape_cast %reduce_min3A_715 : vector<512xf32> to vector<1x512xf32>
    %add3A_717 = arith.constant 7.680000e+02 : f32
    %add3A_718 = vector.broadcast %add3A_717 : f32 to vector<1x512xf32>
    %add3A_719 = arith.addf %broadcast_in_dim3A_716, %add3A_718 : vector<1x512xf32>
    %lt3A_720 = arith.cmpf olt, %broadcast_in_dim3A_706, %select_n3A_607 : vector<1x512xf32>
    %select_n3A_721 = arith.select %lt3A_720, %broadcast_in_dim3A_706, %select_n3A_607 : vector<1x512xi1>, vector<1x512xf32>
    %select_n3A_722 = arith.select %lt3A_720, %add3A_719, %select_n3A_608 : vector<1x512xi1>, vector<1x512xf32>
    %get3A_723 = arith.constant 512 : index
    %get3A_724 = arith.constant 0 : index
    %get3A_725 = vector.load %arg1[%get3A_723, %get3A_724] : memref<2048x32xf32, #tpu.memory_space<vmem>>, vector<512x32xf32>
    %dot_general3A_726 = arith.constant dense<0.000000e+00> : vector<128x512xf32>
    %dot_general3A_727 = tpu.matmul %mul3A_692, %get3A_725, %dot_general3A_726 {dimension_numbers = #tpu.dot_dimension_numbers<[1], [1], [0], [0], [0, 0, 1, 0], [], []>, transpose_lhs_hint = false} : vector<128x32xf32>, vector<512x32xf32>, vector<128x512xf32> -> vector<128x512xf32>
    %add3A_728 = vector.broadcast %broadcast_in_dim3A_696 : vector<128x1xf32> to vector<128x512xf32>
    %add3A_729 = arith.addf %add3A_728, %dot_general3A_727 : vector<128x512xf32>
    %reduce_min3A_730 = arith.constant dense<0x7F800000> : vector<512xf32>
    %reduce_min3A_731 = vector.multi_reduction <minimumf>, %add3A_729, %reduce_min3A_730 [0] : vector<128x512xf32> to vector<512xf32>
    %broadcast_in_dim3A_732 = vector.shape_cast %reduce_min3A_731 : vector<512xf32> to vector<1x512xf32>
    %iota3A_733 = tpu.iota {dimensions = array<i32: 0>} : vector<128x512xi32>
    %convert_element_type3A_734 = arith.sitofp %iota3A_733 : vector<128x512xi32> to vector<128x512xf32>
    %eq3A_735 = vector.broadcast %broadcast_in_dim3A_732 : vector<1x512xf32> to vector<128x512xf32>
    %eq3A_736 = arith.cmpf oeq, %add3A_729, %eq3A_735 : vector<128x512xf32>
    %jit3A_737 = arith.constant 1.280000e+02 : f32
    %broadcast_in_dim3A_738 = vector.broadcast %jit3A_737 : f32 to vector<128x512xf32>
    %select_n3A_739 = arith.select %eq3A_736, %convert_element_type3A_734, %broadcast_in_dim3A_738 : vector<128x512xi1>, vector<128x512xf32>
    %reduce_min3A_740 = arith.constant dense<0x7F800000> : vector<512xf32>
    %reduce_min3A_741 = vector.multi_reduction <minimumf>, %select_n3A_739, %reduce_min3A_740 [0] : vector<128x512xf32> to vector<512xf32>
    %broadcast_in_dim3A_742 = vector.shape_cast %reduce_min3A_741 : vector<512xf32> to vector<1x512xf32>
    %add3A_743 = arith.constant 7.680000e+02 : f32
    %add3A_744 = vector.broadcast %add3A_743 : f32 to vector<1x512xf32>
    %add3A_745 = arith.addf %broadcast_in_dim3A_742, %add3A_744 : vector<1x512xf32>
    %lt3A_746 = arith.cmpf olt, %broadcast_in_dim3A_732, %select_n3A_633 : vector<1x512xf32>
    %select_n3A_747 = arith.select %lt3A_746, %broadcast_in_dim3A_732, %select_n3A_633 : vector<1x512xi1>, vector<1x512xf32>
    %select_n3A_748 = arith.select %lt3A_746, %add3A_745, %select_n3A_634 : vector<1x512xi1>, vector<1x512xf32>
    %get3A_749 = arith.constant 1024 : index
    %get3A_750 = arith.constant 0 : index
    %get3A_751 = vector.load %arg1[%get3A_749, %get3A_750] : memref<2048x32xf32, #tpu.memory_space<vmem>>, vector<512x32xf32>
    %dot_general3A_752 = arith.constant dense<0.000000e+00> : vector<128x512xf32>
    %dot_general3A_753 = tpu.matmul %mul3A_692, %get3A_751, %dot_general3A_752 {dimension_numbers = #tpu.dot_dimension_numbers<[1], [1], [0], [0], [0, 0, 1, 0], [], []>, transpose_lhs_hint = false} : vector<128x32xf32>, vector<512x32xf32>, vector<128x512xf32> -> vector<128x512xf32>
    %add3A_754 = vector.broadcast %broadcast_in_dim3A_696 : vector<128x1xf32> to vector<128x512xf32>
    %add3A_755 = arith.addf %add3A_754, %dot_general3A_753 : vector<128x512xf32>
    %reduce_min3A_756 = arith.constant dense<0x7F800000> : vector<512xf32>
    %reduce_min3A_757 = vector.multi_reduction <minimumf>, %add3A_755, %reduce_min3A_756 [0] : vector<128x512xf32> to vector<512xf32>
    %broadcast_in_dim3A_758 = vector.shape_cast %reduce_min3A_757 : vector<512xf32> to vector<1x512xf32>
    %iota3A_759 = tpu.iota {dimensions = array<i32: 0>} : vector<128x512xi32>
    %convert_element_type3A_760 = arith.sitofp %iota3A_759 : vector<128x512xi32> to vector<128x512xf32>
    %eq3A_761 = vector.broadcast %broadcast_in_dim3A_758 : vector<1x512xf32> to vector<128x512xf32>
    %eq3A_762 = arith.cmpf oeq, %add3A_755, %eq3A_761 : vector<128x512xf32>
    %jit3A_763 = arith.constant 1.280000e+02 : f32
    %broadcast_in_dim3A_764 = vector.broadcast %jit3A_763 : f32 to vector<128x512xf32>
    %select_n3A_765 = arith.select %eq3A_762, %convert_element_type3A_760, %broadcast_in_dim3A_764 : vector<128x512xi1>, vector<128x512xf32>
    %reduce_min3A_766 = arith.constant dense<0x7F800000> : vector<512xf32>
    %reduce_min3A_767 = vector.multi_reduction <minimumf>, %select_n3A_765, %reduce_min3A_766 [0] : vector<128x512xf32> to vector<512xf32>
    %broadcast_in_dim3A_768 = vector.shape_cast %reduce_min3A_767 : vector<512xf32> to vector<1x512xf32>
    %add3A_769 = arith.constant 7.680000e+02 : f32
    %add3A_770 = vector.broadcast %add3A_769 : f32 to vector<1x512xf32>
    %add3A_771 = arith.addf %broadcast_in_dim3A_768, %add3A_770 : vector<1x512xf32>
    %lt3A_772 = arith.cmpf olt, %broadcast_in_dim3A_758, %select_n3A_659 : vector<1x512xf32>
    %select_n3A_773 = arith.select %lt3A_772, %broadcast_in_dim3A_758, %select_n3A_659 : vector<1x512xi1>, vector<1x512xf32>
    %select_n3A_774 = arith.select %lt3A_772, %add3A_771, %select_n3A_660 : vector<1x512xi1>, vector<1x512xf32>
    %get3A_775 = arith.constant 1536 : index
    %get3A_776 = arith.constant 0 : index
    %get3A_777 = vector.load %arg1[%get3A_775, %get3A_776] : memref<2048x32xf32, #tpu.memory_space<vmem>>, vector<512x32xf32>
    %dot_general3A_778 = arith.constant dense<0.000000e+00> : vector<128x512xf32>
    %dot_general3A_779 = tpu.matmul %mul3A_692, %get3A_777, %dot_general3A_778 {dimension_numbers = #tpu.dot_dimension_numbers<[1], [1], [0], [0], [0, 0, 1, 0], [], []>, transpose_lhs_hint = false} : vector<128x32xf32>, vector<512x32xf32>, vector<128x512xf32> -> vector<128x512xf32>
    %add3A_780 = vector.broadcast %broadcast_in_dim3A_696 : vector<128x1xf32> to vector<128x512xf32>
    %add3A_781 = arith.addf %add3A_780, %dot_general3A_779 : vector<128x512xf32>
    %reduce_min3A_782 = arith.constant dense<0x7F800000> : vector<512xf32>
    %reduce_min3A_783 = vector.multi_reduction <minimumf>, %add3A_781, %reduce_min3A_782 [0] : vector<128x512xf32> to vector<512xf32>
    %broadcast_in_dim3A_784 = vector.shape_cast %reduce_min3A_783 : vector<512xf32> to vector<1x512xf32>
    %iota3A_785 = tpu.iota {dimensions = array<i32: 0>} : vector<128x512xi32>
    %convert_element_type3A_786 = arith.sitofp %iota3A_785 : vector<128x512xi32> to vector<128x512xf32>
    %eq3A_787 = vector.broadcast %broadcast_in_dim3A_784 : vector<1x512xf32> to vector<128x512xf32>
    %eq3A_788 = arith.cmpf oeq, %add3A_781, %eq3A_787 : vector<128x512xf32>
    %jit3A_789 = arith.constant 1.280000e+02 : f32
    %broadcast_in_dim3A_790 = vector.broadcast %jit3A_789 : f32 to vector<128x512xf32>
    %select_n3A_791 = arith.select %eq3A_788, %convert_element_type3A_786, %broadcast_in_dim3A_790 : vector<128x512xi1>, vector<128x512xf32>
    %reduce_min3A_792 = arith.constant dense<0x7F800000> : vector<512xf32>
    %reduce_min3A_793 = vector.multi_reduction <minimumf>, %select_n3A_791, %reduce_min3A_792 [0] : vector<128x512xf32> to vector<512xf32>
    %broadcast_in_dim3A_794 = vector.shape_cast %reduce_min3A_793 : vector<512xf32> to vector<1x512xf32>
    %add3A_795 = arith.constant 7.680000e+02 : f32
    %add3A_796 = vector.broadcast %add3A_795 : f32 to vector<1x512xf32>
    %add3A_797 = arith.addf %broadcast_in_dim3A_794, %add3A_796 : vector<1x512xf32>
    %lt3A_798 = arith.cmpf olt, %broadcast_in_dim3A_784, %select_n3A_685 : vector<1x512xf32>
    %select_n3A_799 = arith.select %lt3A_798, %broadcast_in_dim3A_784, %select_n3A_685 : vector<1x512xi1>, vector<1x512xf32>
    %select_n3A_800 = arith.select %lt3A_798, %add3A_797, %select_n3A_686 : vector<1x512xi1>, vector<1x512xf32>
    %get3A_801 = arith.constant 896 : index
    %get3A_802 = arith.constant 0 : index
    %get3A_803 = vector.load %arg2[%get3A_801, %get3A_802] : memref<1024x32xf32, #tpu.memory_space<vmem>>, vector<128x32xf32>
    %mul3A_804 = arith.constant -2.000000e+00 : f32
    %mul3A_805 = vector.broadcast %mul3A_804 : f32 to vector<128x32xf32>
    %mul3A_806 = arith.mulf %get3A_803, %mul3A_805 : vector<128x32xf32>
    %mul3A_807 = arith.mulf %get3A_803, %get3A_803 : vector<128x32xf32>
    %reduce_sum3A_808 = arith.constant dense<0.000000e+00> : vector<128xf32>
    %reduce_sum3A_809 = vector.multi_reduction <add>, %mul3A_807, %reduce_sum3A_808 [1] : vector<128x32xf32> to vector<128xf32>
    %broadcast_in_dim3A_810 = vector.shape_cast %reduce_sum3A_809 : vector<128xf32> to vector<128x1xf32>
    %get3A_811 = arith.constant 0 : index
    %get3A_812 = arith.constant 0 : index
    %get3A_813 = vector.load %arg1[%get3A_811, %get3A_812] : memref<2048x32xf32, #tpu.memory_space<vmem>>, vector<512x32xf32>
    %dot_general3A_814 = arith.constant dense<0.000000e+00> : vector<128x512xf32>
    %dot_general3A_815 = tpu.matmul %mul3A_806, %get3A_813, %dot_general3A_814 {dimension_numbers = #tpu.dot_dimension_numbers<[1], [1], [0], [0], [0, 0, 1, 0], [], []>, transpose_lhs_hint = false} : vector<128x32xf32>, vector<512x32xf32>, vector<128x512xf32> -> vector<128x512xf32>
    %add3A_816 = vector.broadcast %broadcast_in_dim3A_810 : vector<128x1xf32> to vector<128x512xf32>
    %add3A_817 = arith.addf %add3A_816, %dot_general3A_815 : vector<128x512xf32>
    %reduce_min3A_818 = arith.constant dense<0x7F800000> : vector<512xf32>
    %reduce_min3A_819 = vector.multi_reduction <minimumf>, %add3A_817, %reduce_min3A_818 [0] : vector<128x512xf32> to vector<512xf32>
    %broadcast_in_dim3A_820 = vector.shape_cast %reduce_min3A_819 : vector<512xf32> to vector<1x512xf32>
    %iota3A_821 = tpu.iota {dimensions = array<i32: 0>} : vector<128x512xi32>
    %convert_element_type3A_822 = arith.sitofp %iota3A_821 : vector<128x512xi32> to vector<128x512xf32>
    %eq3A_823 = vector.broadcast %broadcast_in_dim3A_820 : vector<1x512xf32> to vector<128x512xf32>
    %eq3A_824 = arith.cmpf oeq, %add3A_817, %eq3A_823 : vector<128x512xf32>
    %jit3A_825 = arith.constant 1.280000e+02 : f32
    %broadcast_in_dim3A_826 = vector.broadcast %jit3A_825 : f32 to vector<128x512xf32>
    %select_n3A_827 = arith.select %eq3A_824, %convert_element_type3A_822, %broadcast_in_dim3A_826 : vector<128x512xi1>, vector<128x512xf32>
    %reduce_min3A_828 = arith.constant dense<0x7F800000> : vector<512xf32>
    %reduce_min3A_829 = vector.multi_reduction <minimumf>, %select_n3A_827, %reduce_min3A_828 [0] : vector<128x512xf32> to vector<512xf32>
    %broadcast_in_dim3A_830 = vector.shape_cast %reduce_min3A_829 : vector<512xf32> to vector<1x512xf32>
    %add3A_831 = arith.constant 8.960000e+02 : f32
    %add3A_832 = vector.broadcast %add3A_831 : f32 to vector<1x512xf32>
    %add3A_833 = arith.addf %broadcast_in_dim3A_830, %add3A_832 : vector<1x512xf32>
    %lt3A_834 = arith.cmpf olt, %broadcast_in_dim3A_820, %select_n3A_721 : vector<1x512xf32>
    %select_n3A_835 = arith.select %lt3A_834, %add3A_833, %select_n3A_722 : vector<1x512xi1>, vector<1x512xf32>
    %get3A_836 = arith.constant 512 : index
    %get3A_837 = arith.constant 0 : index
    %get3A_838 = vector.load %arg1[%get3A_836, %get3A_837] : memref<2048x32xf32, #tpu.memory_space<vmem>>, vector<512x32xf32>
    %dot_general3A_839 = arith.constant dense<0.000000e+00> : vector<128x512xf32>
    %dot_general3A_840 = tpu.matmul %mul3A_806, %get3A_838, %dot_general3A_839 {dimension_numbers = #tpu.dot_dimension_numbers<[1], [1], [0], [0], [0, 0, 1, 0], [], []>, transpose_lhs_hint = false} : vector<128x32xf32>, vector<512x32xf32>, vector<128x512xf32> -> vector<128x512xf32>
    %add3A_841 = vector.broadcast %broadcast_in_dim3A_810 : vector<128x1xf32> to vector<128x512xf32>
    %add3A_842 = arith.addf %add3A_841, %dot_general3A_840 : vector<128x512xf32>
    %reduce_min3A_843 = arith.constant dense<0x7F800000> : vector<512xf32>
    %reduce_min3A_844 = vector.multi_reduction <minimumf>, %add3A_842, %reduce_min3A_843 [0] : vector<128x512xf32> to vector<512xf32>
    %broadcast_in_dim3A_845 = vector.shape_cast %reduce_min3A_844 : vector<512xf32> to vector<1x512xf32>
    %iota3A_846 = tpu.iota {dimensions = array<i32: 0>} : vector<128x512xi32>
    %convert_element_type3A_847 = arith.sitofp %iota3A_846 : vector<128x512xi32> to vector<128x512xf32>
    %eq3A_848 = vector.broadcast %broadcast_in_dim3A_845 : vector<1x512xf32> to vector<128x512xf32>
    %eq3A_849 = arith.cmpf oeq, %add3A_842, %eq3A_848 : vector<128x512xf32>
    %jit3A_850 = arith.constant 1.280000e+02 : f32
    %broadcast_in_dim3A_851 = vector.broadcast %jit3A_850 : f32 to vector<128x512xf32>
    %select_n3A_852 = arith.select %eq3A_849, %convert_element_type3A_847, %broadcast_in_dim3A_851 : vector<128x512xi1>, vector<128x512xf32>
    %reduce_min3A_853 = arith.constant dense<0x7F800000> : vector<512xf32>
    %reduce_min3A_854 = vector.multi_reduction <minimumf>, %select_n3A_852, %reduce_min3A_853 [0] : vector<128x512xf32> to vector<512xf32>
    %broadcast_in_dim3A_855 = vector.shape_cast %reduce_min3A_854 : vector<512xf32> to vector<1x512xf32>
    %add3A_856 = arith.constant 8.960000e+02 : f32
    %add3A_857 = vector.broadcast %add3A_856 : f32 to vector<1x512xf32>
    %add3A_858 = arith.addf %broadcast_in_dim3A_855, %add3A_857 : vector<1x512xf32>
    %lt3A_859 = arith.cmpf olt, %broadcast_in_dim3A_845, %select_n3A_747 : vector<1x512xf32>
    %select_n3A_860 = arith.select %lt3A_859, %add3A_858, %select_n3A_748 : vector<1x512xi1>, vector<1x512xf32>
    %get3A_861 = arith.constant 1024 : index
    %get3A_862 = arith.constant 0 : index
    %get3A_863 = vector.load %arg1[%get3A_861, %get3A_862] : memref<2048x32xf32, #tpu.memory_space<vmem>>, vector<512x32xf32>
    %dot_general3A_864 = arith.constant dense<0.000000e+00> : vector<128x512xf32>
    %dot_general3A_865 = tpu.matmul %mul3A_806, %get3A_863, %dot_general3A_864 {dimension_numbers = #tpu.dot_dimension_numbers<[1], [1], [0], [0], [0, 0, 1, 0], [], []>, transpose_lhs_hint = false} : vector<128x32xf32>, vector<512x32xf32>, vector<128x512xf32> -> vector<128x512xf32>
    %add3A_866 = vector.broadcast %broadcast_in_dim3A_810 : vector<128x1xf32> to vector<128x512xf32>
    %add3A_867 = arith.addf %add3A_866, %dot_general3A_865 : vector<128x512xf32>
    %reduce_min3A_868 = arith.constant dense<0x7F800000> : vector<512xf32>
    %reduce_min3A_869 = vector.multi_reduction <minimumf>, %add3A_867, %reduce_min3A_868 [0] : vector<128x512xf32> to vector<512xf32>
    %broadcast_in_dim3A_870 = vector.shape_cast %reduce_min3A_869 : vector<512xf32> to vector<1x512xf32>
    %iota3A_871 = tpu.iota {dimensions = array<i32: 0>} : vector<128x512xi32>
    %convert_element_type3A_872 = arith.sitofp %iota3A_871 : vector<128x512xi32> to vector<128x512xf32>
    %eq3A_873 = vector.broadcast %broadcast_in_dim3A_870 : vector<1x512xf32> to vector<128x512xf32>
    %eq3A_874 = arith.cmpf oeq, %add3A_867, %eq3A_873 : vector<128x512xf32>
    %jit3A_875 = arith.constant 1.280000e+02 : f32
    %broadcast_in_dim3A_876 = vector.broadcast %jit3A_875 : f32 to vector<128x512xf32>
    %select_n3A_877 = arith.select %eq3A_874, %convert_element_type3A_872, %broadcast_in_dim3A_876 : vector<128x512xi1>, vector<128x512xf32>
    %reduce_min3A_878 = arith.constant dense<0x7F800000> : vector<512xf32>
    %reduce_min3A_879 = vector.multi_reduction <minimumf>, %select_n3A_877, %reduce_min3A_878 [0] : vector<128x512xf32> to vector<512xf32>
    %broadcast_in_dim3A_880 = vector.shape_cast %reduce_min3A_879 : vector<512xf32> to vector<1x512xf32>
    %add3A_881 = arith.constant 8.960000e+02 : f32
    %add3A_882 = vector.broadcast %add3A_881 : f32 to vector<1x512xf32>
    %add3A_883 = arith.addf %broadcast_in_dim3A_880, %add3A_882 : vector<1x512xf32>
    %lt3A_884 = arith.cmpf olt, %broadcast_in_dim3A_870, %select_n3A_773 : vector<1x512xf32>
    %select_n3A_885 = arith.select %lt3A_884, %add3A_883, %select_n3A_774 : vector<1x512xi1>, vector<1x512xf32>
    %get3A_886 = arith.constant 1536 : index
    %get3A_887 = arith.constant 0 : index
    %get3A_888 = vector.load %arg1[%get3A_886, %get3A_887] : memref<2048x32xf32, #tpu.memory_space<vmem>>, vector<512x32xf32>
    %dot_general3A_889 = arith.constant dense<0.000000e+00> : vector<128x512xf32>
    %dot_general3A_890 = tpu.matmul %mul3A_806, %get3A_888, %dot_general3A_889 {dimension_numbers = #tpu.dot_dimension_numbers<[1], [1], [0], [0], [0, 0, 1, 0], [], []>, transpose_lhs_hint = false} : vector<128x32xf32>, vector<512x32xf32>, vector<128x512xf32> -> vector<128x512xf32>
    %add3A_891 = vector.broadcast %broadcast_in_dim3A_810 : vector<128x1xf32> to vector<128x512xf32>
    %add3A_892 = arith.addf %add3A_891, %dot_general3A_890 : vector<128x512xf32>
    %reduce_min3A_893 = arith.constant dense<0x7F800000> : vector<512xf32>
    %reduce_min3A_894 = vector.multi_reduction <minimumf>, %add3A_892, %reduce_min3A_893 [0] : vector<128x512xf32> to vector<512xf32>
    %broadcast_in_dim3A_895 = vector.shape_cast %reduce_min3A_894 : vector<512xf32> to vector<1x512xf32>
    %iota3A_896 = tpu.iota {dimensions = array<i32: 0>} : vector<128x512xi32>
    %convert_element_type3A_897 = arith.sitofp %iota3A_896 : vector<128x512xi32> to vector<128x512xf32>
    %eq3A_898 = vector.broadcast %broadcast_in_dim3A_895 : vector<1x512xf32> to vector<128x512xf32>
    %eq3A_899 = arith.cmpf oeq, %add3A_892, %eq3A_898 : vector<128x512xf32>
    %jit3A_900 = arith.constant 1.280000e+02 : f32
    %broadcast_in_dim3A_901 = vector.broadcast %jit3A_900 : f32 to vector<128x512xf32>
    %select_n3A_902 = arith.select %eq3A_899, %convert_element_type3A_897, %broadcast_in_dim3A_901 : vector<128x512xi1>, vector<128x512xf32>
    %reduce_min3A_903 = arith.constant dense<0x7F800000> : vector<512xf32>
    %reduce_min3A_904 = vector.multi_reduction <minimumf>, %select_n3A_902, %reduce_min3A_903 [0] : vector<128x512xf32> to vector<512xf32>
    %broadcast_in_dim3A_905 = vector.shape_cast %reduce_min3A_904 : vector<512xf32> to vector<1x512xf32>
    %add3A_906 = arith.constant 8.960000e+02 : f32
    %add3A_907 = vector.broadcast %add3A_906 : f32 to vector<1x512xf32>
    %add3A_908 = arith.addf %broadcast_in_dim3A_905, %add3A_907 : vector<1x512xf32>
    %lt3A_909 = arith.cmpf olt, %broadcast_in_dim3A_895, %select_n3A_799 : vector<1x512xf32>
    %select_n3A_910 = arith.select %lt3A_909, %add3A_908, %select_n3A_800 : vector<1x512xi1>, vector<1x512xf32>
    %reshape3A = vector.shape_cast %select_n3A_835 : vector<1x512xf32> to vector<512xf32>
    %convert_element_type3A_911 = arith.fptosi %reshape3A : vector<512xf32> to vector<512xi32>
    %swap3A = arith.constant 0 : index
    %swap3A_912 = vector.load %arg3[%swap3A] : memref<2048xi32, #tpu.memory_space<vmem>>, vector<512xi32>
    tpu.vector_store %arg3[%swap3A], %convert_element_type3A_911 {strides = array<i32>} : memref<2048xi32, #tpu.memory_space<vmem>>, vector<512xi32>,
    %reshape3A_913 = vector.shape_cast %select_n3A_860 : vector<1x512xf32> to vector<512xf32>
    %convert_element_type3A_914 = arith.fptosi %reshape3A_913 : vector<512xf32> to vector<512xi32>
    %swap3A_915 = arith.constant 512 : index
    %swap3A_916 = vector.load %arg3[%swap3A_915] : memref<2048xi32, #tpu.memory_space<vmem>>, vector<512xi32>
    tpu.vector_store %arg3[%swap3A_915], %convert_element_type3A_914 {strides = array<i32>} : memref<2048xi32, #tpu.memory_space<vmem>>, vector<512xi32>,
    %reshape3A_917 = vector.shape_cast %select_n3A_885 : vector<1x512xf32> to vector<512xf32>
    %convert_element_type3A_918 = arith.fptosi %reshape3A_917 : vector<512xf32> to vector<512xi32>
    %swap3A_919 = arith.constant 1024 : index
    %swap3A_920 = vector.load %arg3[%swap3A_919] : memref<2048xi32, #tpu.memory_space<vmem>>, vector<512xi32>
    tpu.vector_store %arg3[%swap3A_919], %convert_element_type3A_918 {strides = array<i32>} : memref<2048xi32, #tpu.memory_space<vmem>>, vector<512xi32>,
    %reshape3A_921 = vector.shape_cast %select_n3A_910 : vector<1x512xf32> to vector<512xf32>
    %convert_element_type3A_922 = arith.fptosi %reshape3A_921 : vector<512xf32> to vector<512xi32>
    %swap3A_923 = arith.constant 1536 : index
    %swap3A_924 = vector.load %arg3[%swap3A_923] : memref<2048xi32, #tpu.memory_space<vmem>>, vector<512xi32>
    tpu.vector_store %arg3[%swap3A_923], %convert_element_type3A_922 {strides = array<i32>} : memref<2048xi32, #tpu.memory_space<vmem>>, vector<512xi32>,
    return
  }
  func.func @transform_0(%arg0: i32) -> (i32, i32) {
    %add3A = arith.constant 16 : i32
    %add3A_0 = arith.addi %arg0, %add3A : i32
    %c0_i32 = arith.constant 0 : i32
    %c0_i32_1 = arith.constant 0 : i32
    return %add3A_0, %c0_i32 : i32, i32
  }
  func.func @transform_1(%arg0: i32) -> (i32, i32) {
    %c0_i32 = arith.constant 0 : i32
    %c0_i32_0 = arith.constant 0 : i32
    %c0_i32_1 = arith.constant 0 : i32
    return %c0_i32, %c0_i32_0 : i32, i32
  }
  func.func @transform_2(%arg0: i32) -> i32 {
    %c0_i32 = arith.constant 0 : i32
    return %arg0 : i32
  }
}

module attributes {stable_mosaic.version = 14 : i64} {
  func.func @_argmin_body(%arg0: i32, %arg1: memref<2048x32xf32, #tpu.memory_space<vmem>>, %arg2: memref<1024x32xf32, #tpu.memory_space<vmem>>, %arg3: memref<2048xi32, #tpu.memory_space<vmem>>) attributes {dimension_semantics = [#tpu.dimension_semantics<arbitrary>], iteration_bounds = array<i64: 8>, scalar_prefetch = 0 : i64, scratch_operands = 0 : i64, tpu.core_type = #tpu.core_type<tc>, window_params = [{transform_indices = @transform_0, window_bounds = array<i64: 2048, 32>}, {pipeline_mode = #tpu.pipeline_mode<synchronous>, transform_indices = @transform_1, window_bounds = array<i64: 1024, 32>}, {transform_indices = @transform_2, window_bounds = array<i64: 2048>}]} {
    %broadcast_in_dim3A = arith.constant 0x7F800000 : f32
    %broadcast_in_dim3A_0 = vector.broadcast %broadcast_in_dim3A : f32 to vector<1x512xf32>
    %broadcast_in_dim3A_1 = arith.constant 0x7F800000 : f32
    %broadcast_in_dim3A_2 = vector.broadcast %broadcast_in_dim3A_1 : f32 to vector<1x512xf32>
    %broadcast_in_dim3A_3 = arith.constant 0x7F800000 : f32
    %broadcast_in_dim3A_4 = vector.broadcast %broadcast_in_dim3A_3 : f32 to vector<1x512xf32>
    %broadcast_in_dim3A_5 = arith.constant 0x7F800000 : f32
    %broadcast_in_dim3A_6 = vector.broadcast %broadcast_in_dim3A_5 : f32 to vector<1x512xf32>
    %broadcast_in_dim3A_7 = arith.constant 0.000000e+00 : f32
    %broadcast_in_dim3A_8 = vector.broadcast %broadcast_in_dim3A_7 : f32 to vector<1x512xf32>
    %broadcast_in_dim3A_9 = arith.constant 0.000000e+00 : f32
    %broadcast_in_dim3A_10 = vector.broadcast %broadcast_in_dim3A_9 : f32 to vector<1x512xf32>
    %broadcast_in_dim3A_11 = arith.constant 0.000000e+00 : f32
    %broadcast_in_dim3A_12 = vector.broadcast %broadcast_in_dim3A_11 : f32 to vector<1x512xf32>
    %broadcast_in_dim3A_13 = arith.constant 0.000000e+00 : f32
    %broadcast_in_dim3A_14 = vector.broadcast %broadcast_in_dim3A_13 : f32 to vector<1x512xf32>
    %get3A = arith.constant 0 : index
    %get3A_15 = arith.constant 0 : index
    %get3A_16 = vector.load %arg2[%get3A, %get3A_15] : memref<1024x32xf32, #tpu.memory_space<vmem>>, vector<128x32xf32>
    %mul3A = arith.constant -2.000000e+00 : f32
    %mul3A_17 = vector.broadcast %mul3A : f32 to vector<128x32xf32>
    %mul3A_18 = arith.mulf %get3A_16, %mul3A_17 : vector<128x32xf32>
    %mul3A_19 = arith.mulf %get3A_16, %get3A_16 : vector<128x32xf32>
    %reduce_sum3A = arith.constant dense<0.000000e+00> : vector<128xf32>
    %reduce_sum3A_20 = vector.multi_reduction <add>, %mul3A_19, %reduce_sum3A [1] : vector<128x32xf32> to vector<128xf32>
    %broadcast_in_dim3A_21 = vector.shape_cast %reduce_sum3A_20 : vector<128xf32> to vector<128x1xf32>
    %get3A_22 = arith.constant 0 : index
    %get3A_23 = arith.constant 0 : index
    %get3A_24 = vector.load %arg1[%get3A_22, %get3A_23] : memref<2048x32xf32, #tpu.memory_space<vmem>>, vector<512x32xf32>
    %dot_general3A = arith.constant dense<0.000000e+00> : vector<128x512xf32>
    %dot_general3A_25 = tpu.matmul %mul3A_18, %get3A_24, %dot_general3A {dimension_numbers = #tpu.dot_dimension_numbers<[1], [1], [0], [0], [0, 0, 1, 0], [], []>, transpose_lhs_hint = false} : vector<128x32xf32>, vector<512x32xf32>, vector<128x512xf32> -> vector<128x512xf32>
    %add3A = vector.broadcast %broadcast_in_dim3A_21 : vector<128x1xf32> to vector<128x512xf32>
    %add3A_26 = arith.addf %add3A, %dot_general3A_25 : vector<128x512xf32>
    %reduce_min3A = arith.constant dense<0x7F800000> : vector<512xf32>
    %reduce_min3A_27 = vector.multi_reduction <minimumf>, %add3A_26, %reduce_min3A [0] : vector<128x512xf32> to vector<512xf32>
    %broadcast_in_dim3A_28 = vector.shape_cast %reduce_min3A_27 : vector<512xf32> to vector<1x512xf32>
    %iota3A = tpu.iota {dimensions = array<i32: 0>} : vector<128x512xi32>
    %convert_element_type3A = arith.sitofp %iota3A : vector<128x512xi32> to vector<128x512xf32>
    %eq3A = vector.broadcast %broadcast_in_dim3A_28 : vector<1x512xf32> to vector<128x512xf32>
    %eq3A_29 = arith.cmpf oeq, %add3A_26, %eq3A : vector<128x512xf32>
    %jit3A = arith.constant 1.280000e+02 : f32
    %broadcast_in_dim3A_30 = vector.broadcast %jit3A : f32 to vector<128x512xf32>
    %select_n3A = arith.select %eq3A_29, %convert_element_type3A, %broadcast_in_dim3A_30 : vector<128x512xi1>, vector<128x512xf32>
    %reduce_min3A_31 = arith.constant dense<0x7F800000> : vector<512xf32>
    %reduce_min3A_32 = vector.multi_reduction <minimumf>, %select_n3A, %reduce_min3A_31 [0] : vector<128x512xf32> to vector<512xf32>
    %broadcast_in_dim3A_33 = vector.shape_cast %reduce_min3A_32 : vector<512xf32> to vector<1x512xf32>
    %add3A_34 = arith.constant 0.000000e+00 : f32
    %add3A_35 = vector.broadcast %add3A_34 : f32 to vector<1x512xf32>
    %add3A_36 = arith.addf %broadcast_in_dim3A_33, %add3A_35 : vector<1x512xf32>
    %lt3A = arith.cmpf olt, %broadcast_in_dim3A_28, %broadcast_in_dim3A_0 : vector<1x512xf32>
    %select_n3A_37 = arith.select %lt3A, %broadcast_in_dim3A_28, %broadcast_in_dim3A_0 : vector<1x512xi1>, vector<1x512xf32>
    %select_n3A_38 = arith.select %lt3A, %add3A_36, %broadcast_in_dim3A_8 : vector<1x512xi1>, vector<1x512xf32>
    %get3A_39 = arith.constant 512 : index
    %get3A_40 = arith.constant 0 : index
    %get3A_41 = vector.load %arg1[%get3A_39, %get3A_40] : memref<2048x32xf32, #tpu.memory_space<vmem>>, vector<512x32xf32>
    %dot_general3A_42 = arith.constant dense<0.000000e+00> : vector<128x512xf32>
    %dot_general3A_43 = tpu.matmul %mul3A_18, %get3A_41, %dot_general3A_42 {dimension_numbers = #tpu.dot_dimension_numbers<[1], [1], [0], [0], [0, 0, 1, 0], [], []>, transpose_lhs_hint = false} : vector<128x32xf32>, vector<512x32xf32>, vector<128x512xf32> -> vector<128x512xf32>
    %add3A_44 = vector.broadcast %broadcast_in_dim3A_21 : vector<128x1xf32> to vector<128x512xf32>
    %add3A_45 = arith.addf %add3A_44, %dot_general3A_43 : vector<128x512xf32>
    %reduce_min3A_46 = arith.constant dense<0x7F800000> : vector<512xf32>
    %reduce_min3A_47 = vector.multi_reduction <minimumf>, %add3A_45, %reduce_min3A_46 [0] : vector<128x512xf32> to vector<512xf32>
    %broadcast_in_dim3A_48 = vector.shape_cast %reduce_min3A_47 : vector<512xf32> to vector<1x512xf32>
    %iota3A_49 = tpu.iota {dimensions = array<i32: 0>} : vector<128x512xi32>
    %convert_element_type3A_50 = arith.sitofp %iota3A_49 : vector<128x512xi32> to vector<128x512xf32>
    %eq3A_51 = vector.broadcast %broadcast_in_dim3A_48 : vector<1x512xf32> to vector<128x512xf32>
    %eq3A_52 = arith.cmpf oeq, %add3A_45, %eq3A_51 : vector<128x512xf32>
    %jit3A_53 = arith.constant 1.280000e+02 : f32
    %broadcast_in_dim3A_54 = vector.broadcast %jit3A_53 : f32 to vector<128x512xf32>
    %select_n3A_55 = arith.select %eq3A_52, %convert_element_type3A_50, %broadcast_in_dim3A_54 : vector<128x512xi1>, vector<128x512xf32>
    %reduce_min3A_56 = arith.constant dense<0x7F800000> : vector<512xf32>
    %reduce_min3A_57 = vector.multi_reduction <minimumf>, %select_n3A_55, %reduce_min3A_56 [0] : vector<128x512xf32> to vector<512xf32>
    %broadcast_in_dim3A_58 = vector.shape_cast %reduce_min3A_57 : vector<512xf32> to vector<1x512xf32>
    %add3A_59 = arith.constant 0.000000e+00 : f32
    %add3A_60 = vector.broadcast %add3A_59 : f32 to vector<1x512xf32>
    %add3A_61 = arith.addf %broadcast_in_dim3A_58, %add3A_60 : vector<1x512xf32>
    %lt3A_62 = arith.cmpf olt, %broadcast_in_dim3A_48, %broadcast_in_dim3A_2 : vector<1x512xf32>
    %select_n3A_63 = arith.select %lt3A_62, %broadcast_in_dim3A_48, %broadcast_in_dim3A_2 : vector<1x512xi1>, vector<1x512xf32>
    %select_n3A_64 = arith.select %lt3A_62, %add3A_61, %broadcast_in_dim3A_10 : vector<1x512xi1>, vector<1x512xf32>
    %get3A_65 = arith.constant 1024 : index
    %get3A_66 = arith.constant 0 : index
    %get3A_67 = vector.load %arg1[%get3A_65, %get3A_66] : memref<2048x32xf32, #tpu.memory_space<vmem>>, vector<512x32xf32>
    %dot_general3A_68 = arith.constant dense<0.000000e+00> : vector<128x512xf32>
    %dot_general3A_69 = tpu.matmul %mul3A_18, %get3A_67, %dot_general3A_68 {dimension_numbers = #tpu.dot_dimension_numbers<[1], [1], [0], [0], [0, 0, 1, 0], [], []>, transpose_lhs_hint = false} : vector<128x32xf32>, vector<512x32xf32>, vector<128x512xf32> -> vector<128x512xf32>
    %add3A_70 = vector.broadcast %broadcast_in_dim3A_21 : vector<128x1xf32> to vector<128x512xf32>
    %add3A_71 = arith.addf %add3A_70, %dot_general3A_69 : vector<128x512xf32>
    %reduce_min3A_72 = arith.constant dense<0x7F800000> : vector<512xf32>
    %reduce_min3A_73 = vector.multi_reduction <minimumf>, %add3A_71, %reduce_min3A_72 [0] : vector<128x512xf32> to vector<512xf32>
    %broadcast_in_dim3A_74 = vector.shape_cast %reduce_min3A_73 : vector<512xf32> to vector<1x512xf32>
    %iota3A_75 = tpu.iota {dimensions = array<i32: 0>} : vector<128x512xi32>
    %convert_element_type3A_76 = arith.sitofp %iota3A_75 : vector<128x512xi32> to vector<128x512xf32>
    %eq3A_77 = vector.broadcast %broadcast_in_dim3A_74 : vector<1x512xf32> to vector<128x512xf32>
    %eq3A_78 = arith.cmpf oeq, %add3A_71, %eq3A_77 : vector<128x512xf32>
    %jit3A_79 = arith.constant 1.280000e+02 : f32
    %broadcast_in_dim3A_80 = vector.broadcast %jit3A_79 : f32 to vector<128x512xf32>
    %select_n3A_81 = arith.select %eq3A_78, %convert_element_type3A_76, %broadcast_in_dim3A_80 : vector<128x512xi1>, vector<128x512xf32>
    %reduce_min3A_82 = arith.constant dense<0x7F800000> : vector<512xf32>
    %reduce_min3A_83 = vector.multi_reduction <minimumf>, %select_n3A_81, %reduce_min3A_82 [0] : vector<128x512xf32> to vector<512xf32>
    %broadcast_in_dim3A_84 = vector.shape_cast %reduce_min3A_83 : vector<512xf32> to vector<1x512xf32>
    %add3A_85 = arith.constant 0.000000e+00 : f32
    %add3A_86 = vector.broadcast %add3A_85 : f32 to vector<1x512xf32>
    %add3A_87 = arith.addf %broadcast_in_dim3A_84, %add3A_86 : vector<1x512xf32>
    %lt3A_88 = arith.cmpf olt, %broadcast_in_dim3A_74, %broadcast_in_dim3A_4 : vector<1x512xf32>
    %select_n3A_89 = arith.select %lt3A_88, %broadcast_in_dim3A_74, %broadcast_in_dim3A_4 : vector<1x512xi1>, vector<1x512xf32>
    %select_n3A_90 = arith.select %lt3A_88, %add3A_87, %broadcast_in_dim3A_12 : vector<1x512xi1>, vector<1x512xf32>
    %get3A_91 = arith.constant 1536 : index
    %get3A_92 = arith.constant 0 : index
    %get3A_93 = vector.load %arg1[%get3A_91, %get3A_92] : memref<2048x32xf32, #tpu.memory_space<vmem>>, vector<512x32xf32>
    %dot_general3A_94 = arith.constant dense<0.000000e+00> : vector<128x512xf32>
    %dot_general3A_95 = tpu.matmul %mul3A_18, %get3A_93, %dot_general3A_94 {dimension_numbers = #tpu.dot_dimension_numbers<[1], [1], [0], [0], [0, 0, 1, 0], [], []>, transpose_lhs_hint = false} : vector<128x32xf32>, vector<512x32xf32>, vector<128x512xf32> -> vector<128x512xf32>
    %add3A_96 = vector.broadcast %broadcast_in_dim3A_21 : vector<128x1xf32> to vector<128x512xf32>
    %add3A_97 = arith.addf %add3A_96, %dot_general3A_95 : vector<128x512xf32>
    %reduce_min3A_98 = arith.constant dense<0x7F800000> : vector<512xf32>
    %reduce_min3A_99 = vector.multi_reduction <minimumf>, %add3A_97, %reduce_min3A_98 [0] : vector<128x512xf32> to vector<512xf32>
    %broadcast_in_dim3A_100 = vector.shape_cast %reduce_min3A_99 : vector<512xf32> to vector<1x512xf32>
    %iota3A_101 = tpu.iota {dimensions = array<i32: 0>} : vector<128x512xi32>
    %convert_element_type3A_102 = arith.sitofp %iota3A_101 : vector<128x512xi32> to vector<128x512xf32>
    %eq3A_103 = vector.broadcast %broadcast_in_dim3A_100 : vector<1x512xf32> to vector<128x512xf32>
    %eq3A_104 = arith.cmpf oeq, %add3A_97, %eq3A_103 : vector<128x512xf32>
    %jit3A_105 = arith.constant 1.280000e+02 : f32
    %broadcast_in_dim3A_106 = vector.broadcast %jit3A_105 : f32 to vector<128x512xf32>
    %select_n3A_107 = arith.select %eq3A_104, %convert_element_type3A_102, %broadcast_in_dim3A_106 : vector<128x512xi1>, vector<128x512xf32>
    %reduce_min3A_108 = arith.constant dense<0x7F800000> : vector<512xf32>
    %reduce_min3A_109 = vector.multi_reduction <minimumf>, %select_n3A_107, %reduce_min3A_108 [0] : vector<128x512xf32> to vector<512xf32>
    %broadcast_in_dim3A_110 = vector.shape_cast %reduce_min3A_109 : vector<512xf32> to vector<1x512xf32>
    %add3A_111 = arith.constant 0.000000e+00 : f32
    %add3A_112 = vector.broadcast %add3A_111 : f32 to vector<1x512xf32>
    %add3A_113 = arith.addf %broadcast_in_dim3A_110, %add3A_112 : vector<1x512xf32>
    %lt3A_114 = arith.cmpf olt, %broadcast_in_dim3A_100, %broadcast_in_dim3A_6 : vector<1x512xf32>
    %select_n3A_115 = arith.select %lt3A_114, %broadcast_in_dim3A_100, %broadcast_in_dim3A_6 : vector<1x512xi1>, vector<1x512xf32>
    %select_n3A_116 = arith.select %lt3A_114, %add3A_113, %broadcast_in_dim3A_14 : vector<1x512xi1>, vector<1x512xf32>
    %get3A_117 = arith.constant 128 : index
    %get3A_118 = arith.constant 0 : index
    %get3A_119 = vector.load %arg2[%get3A_117, %get3A_118] : memref<1024x32xf32, #tpu.memory_space<vmem>>, vector<128x32xf32>
    %mul3A_120 = arith.constant -2.000000e+00 : f32
    %mul3A_121 = vector.broadcast %mul3A_120 : f32 to vector<128x32xf32>
    %mul3A_122 = arith.mulf %get3A_119, %mul3A_121 : vector<128x32xf32>
    %mul3A_123 = arith.mulf %get3A_119, %get3A_119 : vector<128x32xf32>
    %reduce_sum3A_124 = arith.constant dense<0.000000e+00> : vector<128xf32>
    %reduce_sum3A_125 = vector.multi_reduction <add>, %mul3A_123, %reduce_sum3A_124 [1] : vector<128x32xf32> to vector<128xf32>
    %broadcast_in_dim3A_126 = vector.shape_cast %reduce_sum3A_125 : vector<128xf32> to vector<128x1xf32>
    %get3A_127 = arith.constant 0 : index
    %get3A_128 = arith.constant 0 : index
    %get3A_129 = vector.load %arg1[%get3A_127, %get3A_128] : memref<2048x32xf32, #tpu.memory_space<vmem>>, vector<512x32xf32>
    %dot_general3A_130 = arith.constant dense<0.000000e+00> : vector<128x512xf32>
    %dot_general3A_131 = tpu.matmul %mul3A_122, %get3A_129, %dot_general3A_130 {dimension_numbers = #tpu.dot_dimension_numbers<[1], [1], [0], [0], [0, 0, 1, 0], [], []>, transpose_lhs_hint = false} : vector<128x32xf32>, vector<512x32xf32>, vector<128x512xf32> -> vector<128x512xf32>
    %add3A_132 = vector.broadcast %broadcast_in_dim3A_126 : vector<128x1xf32> to vector<128x512xf32>
    %add3A_133 = arith.addf %add3A_132, %dot_general3A_131 : vector<128x512xf32>
    %reduce_min3A_134 = arith.constant dense<0x7F800000> : vector<512xf32>
    %reduce_min3A_135 = vector.multi_reduction <minimumf>, %add3A_133, %reduce_min3A_134 [0] : vector<128x512xf32> to vector<512xf32>
    %broadcast_in_dim3A_136 = vector.shape_cast %reduce_min3A_135 : vector<512xf32> to vector<1x512xf32>
    %iota3A_137 = tpu.iota {dimensions = array<i32: 0>} : vector<128x512xi32>
    %convert_element_type3A_138 = arith.sitofp %iota3A_137 : vector<128x512xi32> to vector<128x512xf32>
    %eq3A_139 = vector.broadcast %broadcast_in_dim3A_136 : vector<1x512xf32> to vector<128x512xf32>
    %eq3A_140 = arith.cmpf oeq, %add3A_133, %eq3A_139 : vector<128x512xf32>
    %jit3A_141 = arith.constant 1.280000e+02 : f32
    %broadcast_in_dim3A_142 = vector.broadcast %jit3A_141 : f32 to vector<128x512xf32>
    %select_n3A_143 = arith.select %eq3A_140, %convert_element_type3A_138, %broadcast_in_dim3A_142 : vector<128x512xi1>, vector<128x512xf32>
    %reduce_min3A_144 = arith.constant dense<0x7F800000> : vector<512xf32>
    %reduce_min3A_145 = vector.multi_reduction <minimumf>, %select_n3A_143, %reduce_min3A_144 [0] : vector<128x512xf32> to vector<512xf32>
    %broadcast_in_dim3A_146 = vector.shape_cast %reduce_min3A_145 : vector<512xf32> to vector<1x512xf32>
    %add3A_147 = arith.constant 1.280000e+02 : f32
    %add3A_148 = vector.broadcast %add3A_147 : f32 to vector<1x512xf32>
    %add3A_149 = arith.addf %broadcast_in_dim3A_146, %add3A_148 : vector<1x512xf32>
    %lt3A_150 = arith.cmpf olt, %broadcast_in_dim3A_136, %select_n3A_37 : vector<1x512xf32>
    %select_n3A_151 = arith.select %lt3A_150, %broadcast_in_dim3A_136, %select_n3A_37 : vector<1x512xi1>, vector<1x512xf32>
    %select_n3A_152 = arith.select %lt3A_150, %add3A_149, %select_n3A_38 : vector<1x512xi1>, vector<1x512xf32>
    %get3A_153 = arith.constant 512 : index
    %get3A_154 = arith.constant 0 : index
    %get3A_155 = vector.load %arg1[%get3A_153, %get3A_154] : memref<2048x32xf32, #tpu.memory_space<vmem>>, vector<512x32xf32>
    %dot_general3A_156 = arith.constant dense<0.000000e+00> : vector<128x512xf32>
    %dot_general3A_157 = tpu.matmul %mul3A_122, %get3A_155, %dot_general3A_156 {dimension_numbers = #tpu.dot_dimension_numbers<[1], [1], [0], [0], [0, 0, 1, 0], [], []>, transpose_lhs_hint = false} : vector<128x32xf32>, vector<512x32xf32>, vector<128x512xf32> -> vector<128x512xf32>
    %add3A_158 = vector.broadcast %broadcast_in_dim3A_126 : vector<128x1xf32> to vector<128x512xf32>
    %add3A_159 = arith.addf %add3A_158, %dot_general3A_157 : vector<128x512xf32>
    %reduce_min3A_160 = arith.constant dense<0x7F800000> : vector<512xf32>
    %reduce_min3A_161 = vector.multi_reduction <minimumf>, %add3A_159, %reduce_min3A_160 [0] : vector<128x512xf32> to vector<512xf32>
    %broadcast_in_dim3A_162 = vector.shape_cast %reduce_min3A_161 : vector<512xf32> to vector<1x512xf32>
    %iota3A_163 = tpu.iota {dimensions = array<i32: 0>} : vector<128x512xi32>
    %convert_element_type3A_164 = arith.sitofp %iota3A_163 : vector<128x512xi32> to vector<128x512xf32>
    %eq3A_165 = vector.broadcast %broadcast_in_dim3A_162 : vector<1x512xf32> to vector<128x512xf32>
    %eq3A_166 = arith.cmpf oeq, %add3A_159, %eq3A_165 : vector<128x512xf32>
    %jit3A_167 = arith.constant 1.280000e+02 : f32
    %broadcast_in_dim3A_168 = vector.broadcast %jit3A_167 : f32 to vector<128x512xf32>
    %select_n3A_169 = arith.select %eq3A_166, %convert_element_type3A_164, %broadcast_in_dim3A_168 : vector<128x512xi1>, vector<128x512xf32>
    %reduce_min3A_170 = arith.constant dense<0x7F800000> : vector<512xf32>
    %reduce_min3A_171 = vector.multi_reduction <minimumf>, %select_n3A_169, %reduce_min3A_170 [0] : vector<128x512xf32> to vector<512xf32>
    %broadcast_in_dim3A_172 = vector.shape_cast %reduce_min3A_171 : vector<512xf32> to vector<1x512xf32>
    %add3A_173 = arith.constant 1.280000e+02 : f32
    %add3A_174 = vector.broadcast %add3A_173 : f32 to vector<1x512xf32>
    %add3A_175 = arith.addf %broadcast_in_dim3A_172, %add3A_174 : vector<1x512xf32>
    %lt3A_176 = arith.cmpf olt, %broadcast_in_dim3A_162, %select_n3A_63 : vector<1x512xf32>
    %select_n3A_177 = arith.select %lt3A_176, %broadcast_in_dim3A_162, %select_n3A_63 : vector<1x512xi1>, vector<1x512xf32>
    %select_n3A_178 = arith.select %lt3A_176, %add3A_175, %select_n3A_64 : vector<1x512xi1>, vector<1x512xf32>
    %get3A_179 = arith.constant 1024 : index
    %get3A_180 = arith.constant 0 : index
    %get3A_181 = vector.load %arg1[%get3A_179, %get3A_180] : memref<2048x32xf32, #tpu.memory_space<vmem>>, vector<512x32xf32>
    %dot_general3A_182 = arith.constant dense<0.000000e+00> : vector<128x512xf32>
    %dot_general3A_183 = tpu.matmul %mul3A_122, %get3A_181, %dot_general3A_182 {dimension_numbers = #tpu.dot_dimension_numbers<[1], [1], [0], [0], [0, 0, 1, 0], [], []>, transpose_lhs_hint = false} : vector<128x32xf32>, vector<512x32xf32>, vector<128x512xf32> -> vector<128x512xf32>
    %add3A_184 = vector.broadcast %broadcast_in_dim3A_126 : vector<128x1xf32> to vector<128x512xf32>
    %add3A_185 = arith.addf %add3A_184, %dot_general3A_183 : vector<128x512xf32>
    %reduce_min3A_186 = arith.constant dense<0x7F800000> : vector<512xf32>
    %reduce_min3A_187 = vector.multi_reduction <minimumf>, %add3A_185, %reduce_min3A_186 [0] : vector<128x512xf32> to vector<512xf32>
    %broadcast_in_dim3A_188 = vector.shape_cast %reduce_min3A_187 : vector<512xf32> to vector<1x512xf32>
    %iota3A_189 = tpu.iota {dimensions = array<i32: 0>} : vector<128x512xi32>
    %convert_element_type3A_190 = arith.sitofp %iota3A_189 : vector<128x512xi32> to vector<128x512xf32>
    %eq3A_191 = vector.broadcast %broadcast_in_dim3A_188 : vector<1x512xf32> to vector<128x512xf32>
    %eq3A_192 = arith.cmpf oeq, %add3A_185, %eq3A_191 : vector<128x512xf32>
    %jit3A_193 = arith.constant 1.280000e+02 : f32
    %broadcast_in_dim3A_194 = vector.broadcast %jit3A_193 : f32 to vector<128x512xf32>
    %select_n3A_195 = arith.select %eq3A_192, %convert_element_type3A_190, %broadcast_in_dim3A_194 : vector<128x512xi1>, vector<128x512xf32>
    %reduce_min3A_196 = arith.constant dense<0x7F800000> : vector<512xf32>
    %reduce_min3A_197 = vector.multi_reduction <minimumf>, %select_n3A_195, %reduce_min3A_196 [0] : vector<128x512xf32> to vector<512xf32>
    %broadcast_in_dim3A_198 = vector.shape_cast %reduce_min3A_197 : vector<512xf32> to vector<1x512xf32>
    %add3A_199 = arith.constant 1.280000e+02 : f32
    %add3A_200 = vector.broadcast %add3A_199 : f32 to vector<1x512xf32>
    %add3A_201 = arith.addf %broadcast_in_dim3A_198, %add3A_200 : vector<1x512xf32>
    %lt3A_202 = arith.cmpf olt, %broadcast_in_dim3A_188, %select_n3A_89 : vector<1x512xf32>
    %select_n3A_203 = arith.select %lt3A_202, %broadcast_in_dim3A_188, %select_n3A_89 : vector<1x512xi1>, vector<1x512xf32>
    %select_n3A_204 = arith.select %lt3A_202, %add3A_201, %select_n3A_90 : vector<1x512xi1>, vector<1x512xf32>
    %get3A_205 = arith.constant 1536 : index
    %get3A_206 = arith.constant 0 : index
    %get3A_207 = vector.load %arg1[%get3A_205, %get3A_206] : memref<2048x32xf32, #tpu.memory_space<vmem>>, vector<512x32xf32>
    %dot_general3A_208 = arith.constant dense<0.000000e+00> : vector<128x512xf32>
    %dot_general3A_209 = tpu.matmul %mul3A_122, %get3A_207, %dot_general3A_208 {dimension_numbers = #tpu.dot_dimension_numbers<[1], [1], [0], [0], [0, 0, 1, 0], [], []>, transpose_lhs_hint = false} : vector<128x32xf32>, vector<512x32xf32>, vector<128x512xf32> -> vector<128x512xf32>
    %add3A_210 = vector.broadcast %broadcast_in_dim3A_126 : vector<128x1xf32> to vector<128x512xf32>
    %add3A_211 = arith.addf %add3A_210, %dot_general3A_209 : vector<128x512xf32>
    %reduce_min3A_212 = arith.constant dense<0x7F800000> : vector<512xf32>
    %reduce_min3A_213 = vector.multi_reduction <minimumf>, %add3A_211, %reduce_min3A_212 [0] : vector<128x512xf32> to vector<512xf32>
    %broadcast_in_dim3A_214 = vector.shape_cast %reduce_min3A_213 : vector<512xf32> to vector<1x512xf32>
    %iota3A_215 = tpu.iota {dimensions = array<i32: 0>} : vector<128x512xi32>
    %convert_element_type3A_216 = arith.sitofp %iota3A_215 : vector<128x512xi32> to vector<128x512xf32>
    %eq3A_217 = vector.broadcast %broadcast_in_dim3A_214 : vector<1x512xf32> to vector<128x512xf32>
    %eq3A_218 = arith.cmpf oeq, %add3A_211, %eq3A_217 : vector<128x512xf32>
    %jit3A_219 = arith.constant 1.280000e+02 : f32
    %broadcast_in_dim3A_220 = vector.broadcast %jit3A_219 : f32 to vector<128x512xf32>
    %select_n3A_221 = arith.select %eq3A_218, %convert_element_type3A_216, %broadcast_in_dim3A_220 : vector<128x512xi1>, vector<128x512xf32>
    %reduce_min3A_222 = arith.constant dense<0x7F800000> : vector<512xf32>
    %reduce_min3A_223 = vector.multi_reduction <minimumf>, %select_n3A_221, %reduce_min3A_222 [0] : vector<128x512xf32> to vector<512xf32>
    %broadcast_in_dim3A_224 = vector.shape_cast %reduce_min3A_223 : vector<512xf32> to vector<1x512xf32>
    %add3A_225 = arith.constant 1.280000e+02 : f32
    %add3A_226 = vector.broadcast %add3A_225 : f32 to vector<1x512xf32>
    %add3A_227 = arith.addf %broadcast_in_dim3A_224, %add3A_226 : vector<1x512xf32>
    %lt3A_228 = arith.cmpf olt, %broadcast_in_dim3A_214, %select_n3A_115 : vector<1x512xf32>
    %select_n3A_229 = arith.select %lt3A_228, %broadcast_in_dim3A_214, %select_n3A_115 : vector<1x512xi1>, vector<1x512xf32>
    %select_n3A_230 = arith.select %lt3A_228, %add3A_227, %select_n3A_116 : vector<1x512xi1>, vector<1x512xf32>
    %get3A_231 = arith.constant 256 : index
    %get3A_232 = arith.constant 0 : index
    %get3A_233 = vector.load %arg2[%get3A_231, %get3A_232] : memref<1024x32xf32, #tpu.memory_space<vmem>>, vector<128x32xf32>
    %mul3A_234 = arith.constant -2.000000e+00 : f32
    %mul3A_235 = vector.broadcast %mul3A_234 : f32 to vector<128x32xf32>
    %mul3A_236 = arith.mulf %get3A_233, %mul3A_235 : vector<128x32xf32>
    %mul3A_237 = arith.mulf %get3A_233, %get3A_233 : vector<128x32xf32>
    %reduce_sum3A_238 = arith.constant dense<0.000000e+00> : vector<128xf32>
    %reduce_sum3A_239 = vector.multi_reduction <add>, %mul3A_237, %reduce_sum3A_238 [1] : vector<128x32xf32> to vector<128xf32>
    %broadcast_in_dim3A_240 = vector.shape_cast %reduce_sum3A_239 : vector<128xf32> to vector<128x1xf32>
    %get3A_241 = arith.constant 0 : index
    %get3A_242 = arith.constant 0 : index
    %get3A_243 = vector.load %arg1[%get3A_241, %get3A_242] : memref<2048x32xf32, #tpu.memory_space<vmem>>, vector<512x32xf32>
    %dot_general3A_244 = arith.constant dense<0.000000e+00> : vector<128x512xf32>
    %dot_general3A_245 = tpu.matmul %mul3A_236, %get3A_243, %dot_general3A_244 {dimension_numbers = #tpu.dot_dimension_numbers<[1], [1], [0], [0], [0, 0, 1, 0], [], []>, transpose_lhs_hint = false} : vector<128x32xf32>, vector<512x32xf32>, vector<128x512xf32> -> vector<128x512xf32>
    %add3A_246 = vector.broadcast %broadcast_in_dim3A_240 : vector<128x1xf32> to vector<128x512xf32>
    %add3A_247 = arith.addf %add3A_246, %dot_general3A_245 : vector<128x512xf32>
    %reduce_min3A_248 = arith.constant dense<0x7F800000> : vector<512xf32>
    %reduce_min3A_249 = vector.multi_reduction <minimumf>, %add3A_247, %reduce_min3A_248 [0] : vector<128x512xf32> to vector<512xf32>
    %broadcast_in_dim3A_250 = vector.shape_cast %reduce_min3A_249 : vector<512xf32> to vector<1x512xf32>
    %iota3A_251 = tpu.iota {dimensions = array<i32: 0>} : vector<128x512xi32>
    %convert_element_type3A_252 = arith.sitofp %iota3A_251 : vector<128x512xi32> to vector<128x512xf32>
    %eq3A_253 = vector.broadcast %broadcast_in_dim3A_250 : vector<1x512xf32> to vector<128x512xf32>
    %eq3A_254 = arith.cmpf oeq, %add3A_247, %eq3A_253 : vector<128x512xf32>
    %jit3A_255 = arith.constant 1.280000e+02 : f32
    %broadcast_in_dim3A_256 = vector.broadcast %jit3A_255 : f32 to vector<128x512xf32>
    %select_n3A_257 = arith.select %eq3A_254, %convert_element_type3A_252, %broadcast_in_dim3A_256 : vector<128x512xi1>, vector<128x512xf32>
    %reduce_min3A_258 = arith.constant dense<0x7F800000> : vector<512xf32>
    %reduce_min3A_259 = vector.multi_reduction <minimumf>, %select_n3A_257, %reduce_min3A_258 [0] : vector<128x512xf32> to vector<512xf32>
    %broadcast_in_dim3A_260 = vector.shape_cast %reduce_min3A_259 : vector<512xf32> to vector<1x512xf32>
    %add3A_261 = arith.constant 2.560000e+02 : f32
    %add3A_262 = vector.broadcast %add3A_261 : f32 to vector<1x512xf32>
    %add3A_263 = arith.addf %broadcast_in_dim3A_260, %add3A_262 : vector<1x512xf32>
    %lt3A_264 = arith.cmpf olt, %broadcast_in_dim3A_250, %select_n3A_151 : vector<1x512xf32>
    %select_n3A_265 = arith.select %lt3A_264, %broadcast_in_dim3A_250, %select_n3A_151 : vector<1x512xi1>, vector<1x512xf32>
    %select_n3A_266 = arith.select %lt3A_264, %add3A_263, %select_n3A_152 : vector<1x512xi1>, vector<1x512xf32>
    %get3A_267 = arith.constant 512 : index
    %get3A_268 = arith.constant 0 : index
    %get3A_269 = vector.load %arg1[%get3A_267, %get3A_268] : memref<2048x32xf32, #tpu.memory_space<vmem>>, vector<512x32xf32>
    %dot_general3A_270 = arith.constant dense<0.000000e+00> : vector<128x512xf32>
    %dot_general3A_271 = tpu.matmul %mul3A_236, %get3A_269, %dot_general3A_270 {dimension_numbers = #tpu.dot_dimension_numbers<[1], [1], [0], [0], [0, 0, 1, 0], [], []>, transpose_lhs_hint = false} : vector<128x32xf32>, vector<512x32xf32>, vector<128x512xf32> -> vector<128x512xf32>
    %add3A_272 = vector.broadcast %broadcast_in_dim3A_240 : vector<128x1xf32> to vector<128x512xf32>
    %add3A_273 = arith.addf %add3A_272, %dot_general3A_271 : vector<128x512xf32>
    %reduce_min3A_274 = arith.constant dense<0x7F800000> : vector<512xf32>
    %reduce_min3A_275 = vector.multi_reduction <minimumf>, %add3A_273, %reduce_min3A_274 [0] : vector<128x512xf32> to vector<512xf32>
    %broadcast_in_dim3A_276 = vector.shape_cast %reduce_min3A_275 : vector<512xf32> to vector<1x512xf32>
    %iota3A_277 = tpu.iota {dimensions = array<i32: 0>} : vector<128x512xi32>
    %convert_element_type3A_278 = arith.sitofp %iota3A_277 : vector<128x512xi32> to vector<128x512xf32>
    %eq3A_279 = vector.broadcast %broadcast_in_dim3A_276 : vector<1x512xf32> to vector<128x512xf32>
    %eq3A_280 = arith.cmpf oeq, %add3A_273, %eq3A_279 : vector<128x512xf32>
    %jit3A_281 = arith.constant 1.280000e+02 : f32
    %broadcast_in_dim3A_282 = vector.broadcast %jit3A_281 : f32 to vector<128x512xf32>
    %select_n3A_283 = arith.select %eq3A_280, %convert_element_type3A_278, %broadcast_in_dim3A_282 : vector<128x512xi1>, vector<128x512xf32>
    %reduce_min3A_284 = arith.constant dense<0x7F800000> : vector<512xf32>
    %reduce_min3A_285 = vector.multi_reduction <minimumf>, %select_n3A_283, %reduce_min3A_284 [0] : vector<128x512xf32> to vector<512xf32>
    %broadcast_in_dim3A_286 = vector.shape_cast %reduce_min3A_285 : vector<512xf32> to vector<1x512xf32>
    %add3A_287 = arith.constant 2.560000e+02 : f32
    %add3A_288 = vector.broadcast %add3A_287 : f32 to vector<1x512xf32>
    %add3A_289 = arith.addf %broadcast_in_dim3A_286, %add3A_288 : vector<1x512xf32>
    %lt3A_290 = arith.cmpf olt, %broadcast_in_dim3A_276, %select_n3A_177 : vector<1x512xf32>
    %select_n3A_291 = arith.select %lt3A_290, %broadcast_in_dim3A_276, %select_n3A_177 : vector<1x512xi1>, vector<1x512xf32>
    %select_n3A_292 = arith.select %lt3A_290, %add3A_289, %select_n3A_178 : vector<1x512xi1>, vector<1x512xf32>
    %get3A_293 = arith.constant 1024 : index
    %get3A_294 = arith.constant 0 : index
    %get3A_295 = vector.load %arg1[%get3A_293, %get3A_294] : memref<2048x32xf32, #tpu.memory_space<vmem>>, vector<512x32xf32>
    %dot_general3A_296 = arith.constant dense<0.000000e+00> : vector<128x512xf32>
    %dot_general3A_297 = tpu.matmul %mul3A_236, %get3A_295, %dot_general3A_296 {dimension_numbers = #tpu.dot_dimension_numbers<[1], [1], [0], [0], [0, 0, 1, 0], [], []>, transpose_lhs_hint = false} : vector<128x32xf32>, vector<512x32xf32>, vector<128x512xf32> -> vector<128x512xf32>
    %add3A_298 = vector.broadcast %broadcast_in_dim3A_240 : vector<128x1xf32> to vector<128x512xf32>
    %add3A_299 = arith.addf %add3A_298, %dot_general3A_297 : vector<128x512xf32>
    %reduce_min3A_300 = arith.constant dense<0x7F800000> : vector<512xf32>
    %reduce_min3A_301 = vector.multi_reduction <minimumf>, %add3A_299, %reduce_min3A_300 [0] : vector<128x512xf32> to vector<512xf32>
    %broadcast_in_dim3A_302 = vector.shape_cast %reduce_min3A_301 : vector<512xf32> to vector<1x512xf32>
    %iota3A_303 = tpu.iota {dimensions = array<i32: 0>} : vector<128x512xi32>
    %convert_element_type3A_304 = arith.sitofp %iota3A_303 : vector<128x512xi32> to vector<128x512xf32>
    %eq3A_305 = vector.broadcast %broadcast_in_dim3A_302 : vector<1x512xf32> to vector<128x512xf32>
    %eq3A_306 = arith.cmpf oeq, %add3A_299, %eq3A_305 : vector<128x512xf32>
    %jit3A_307 = arith.constant 1.280000e+02 : f32
    %broadcast_in_dim3A_308 = vector.broadcast %jit3A_307 : f32 to vector<128x512xf32>
    %select_n3A_309 = arith.select %eq3A_306, %convert_element_type3A_304, %broadcast_in_dim3A_308 : vector<128x512xi1>, vector<128x512xf32>
    %reduce_min3A_310 = arith.constant dense<0x7F800000> : vector<512xf32>
    %reduce_min3A_311 = vector.multi_reduction <minimumf>, %select_n3A_309, %reduce_min3A_310 [0] : vector<128x512xf32> to vector<512xf32>
    %broadcast_in_dim3A_312 = vector.shape_cast %reduce_min3A_311 : vector<512xf32> to vector<1x512xf32>
    %add3A_313 = arith.constant 2.560000e+02 : f32
    %add3A_314 = vector.broadcast %add3A_313 : f32 to vector<1x512xf32>
    %add3A_315 = arith.addf %broadcast_in_dim3A_312, %add3A_314 : vector<1x512xf32>
    %lt3A_316 = arith.cmpf olt, %broadcast_in_dim3A_302, %select_n3A_203 : vector<1x512xf32>
    %select_n3A_317 = arith.select %lt3A_316, %broadcast_in_dim3A_302, %select_n3A_203 : vector<1x512xi1>, vector<1x512xf32>
    %select_n3A_318 = arith.select %lt3A_316, %add3A_315, %select_n3A_204 : vector<1x512xi1>, vector<1x512xf32>
    %get3A_319 = arith.constant 1536 : index
    %get3A_320 = arith.constant 0 : index
    %get3A_321 = vector.load %arg1[%get3A_319, %get3A_320] : memref<2048x32xf32, #tpu.memory_space<vmem>>, vector<512x32xf32>
    %dot_general3A_322 = arith.constant dense<0.000000e+00> : vector<128x512xf32>
    %dot_general3A_323 = tpu.matmul %mul3A_236, %get3A_321, %dot_general3A_322 {dimension_numbers = #tpu.dot_dimension_numbers<[1], [1], [0], [0], [0, 0, 1, 0], [], []>, transpose_lhs_hint = false} : vector<128x32xf32>, vector<512x32xf32>, vector<128x512xf32> -> vector<128x512xf32>
    %add3A_324 = vector.broadcast %broadcast_in_dim3A_240 : vector<128x1xf32> to vector<128x512xf32>
    %add3A_325 = arith.addf %add3A_324, %dot_general3A_323 : vector<128x512xf32>
    %reduce_min3A_326 = arith.constant dense<0x7F800000> : vector<512xf32>
    %reduce_min3A_327 = vector.multi_reduction <minimumf>, %add3A_325, %reduce_min3A_326 [0] : vector<128x512xf32> to vector<512xf32>
    %broadcast_in_dim3A_328 = vector.shape_cast %reduce_min3A_327 : vector<512xf32> to vector<1x512xf32>
    %iota3A_329 = tpu.iota {dimensions = array<i32: 0>} : vector<128x512xi32>
    %convert_element_type3A_330 = arith.sitofp %iota3A_329 : vector<128x512xi32> to vector<128x512xf32>
    %eq3A_331 = vector.broadcast %broadcast_in_dim3A_328 : vector<1x512xf32> to vector<128x512xf32>
    %eq3A_332 = arith.cmpf oeq, %add3A_325, %eq3A_331 : vector<128x512xf32>
    %jit3A_333 = arith.constant 1.280000e+02 : f32
    %broadcast_in_dim3A_334 = vector.broadcast %jit3A_333 : f32 to vector<128x512xf32>
    %select_n3A_335 = arith.select %eq3A_332, %convert_element_type3A_330, %broadcast_in_dim3A_334 : vector<128x512xi1>, vector<128x512xf32>
    %reduce_min3A_336 = arith.constant dense<0x7F800000> : vector<512xf32>
    %reduce_min3A_337 = vector.multi_reduction <minimumf>, %select_n3A_335, %reduce_min3A_336 [0] : vector<128x512xf32> to vector<512xf32>
    %broadcast_in_dim3A_338 = vector.shape_cast %reduce_min3A_337 : vector<512xf32> to vector<1x512xf32>
    %add3A_339 = arith.constant 2.560000e+02 : f32
    %add3A_340 = vector.broadcast %add3A_339 : f32 to vector<1x512xf32>
    %add3A_341 = arith.addf %broadcast_in_dim3A_338, %add3A_340 : vector<1x512xf32>
    %lt3A_342 = arith.cmpf olt, %broadcast_in_dim3A_328, %select_n3A_229 : vector<1x512xf32>
    %select_n3A_343 = arith.select %lt3A_342, %broadcast_in_dim3A_328, %select_n3A_229 : vector<1x512xi1>, vector<1x512xf32>
    %select_n3A_344 = arith.select %lt3A_342, %add3A_341, %select_n3A_230 : vector<1x512xi1>, vector<1x512xf32>
    %get3A_345 = arith.constant 384 : index
    %get3A_346 = arith.constant 0 : index
    %get3A_347 = vector.load %arg2[%get3A_345, %get3A_346] : memref<1024x32xf32, #tpu.memory_space<vmem>>, vector<128x32xf32>
    %mul3A_348 = arith.constant -2.000000e+00 : f32
    %mul3A_349 = vector.broadcast %mul3A_348 : f32 to vector<128x32xf32>
    %mul3A_350 = arith.mulf %get3A_347, %mul3A_349 : vector<128x32xf32>
    %mul3A_351 = arith.mulf %get3A_347, %get3A_347 : vector<128x32xf32>
    %reduce_sum3A_352 = arith.constant dense<0.000000e+00> : vector<128xf32>
    %reduce_sum3A_353 = vector.multi_reduction <add>, %mul3A_351, %reduce_sum3A_352 [1] : vector<128x32xf32> to vector<128xf32>
    %broadcast_in_dim3A_354 = vector.shape_cast %reduce_sum3A_353 : vector<128xf32> to vector<128x1xf32>
    %get3A_355 = arith.constant 0 : index
    %get3A_356 = arith.constant 0 : index
    %get3A_357 = vector.load %arg1[%get3A_355, %get3A_356] : memref<2048x32xf32, #tpu.memory_space<vmem>>, vector<512x32xf32>
    %dot_general3A_358 = arith.constant dense<0.000000e+00> : vector<128x512xf32>
    %dot_general3A_359 = tpu.matmul %mul3A_350, %get3A_357, %dot_general3A_358 {dimension_numbers = #tpu.dot_dimension_numbers<[1], [1], [0], [0], [0, 0, 1, 0], [], []>, transpose_lhs_hint = false} : vector<128x32xf32>, vector<512x32xf32>, vector<128x512xf32> -> vector<128x512xf32>
    %add3A_360 = vector.broadcast %broadcast_in_dim3A_354 : vector<128x1xf32> to vector<128x512xf32>
    %add3A_361 = arith.addf %add3A_360, %dot_general3A_359 : vector<128x512xf32>
    %reduce_min3A_362 = arith.constant dense<0x7F800000> : vector<512xf32>
    %reduce_min3A_363 = vector.multi_reduction <minimumf>, %add3A_361, %reduce_min3A_362 [0] : vector<128x512xf32> to vector<512xf32>
    %broadcast_in_dim3A_364 = vector.shape_cast %reduce_min3A_363 : vector<512xf32> to vector<1x512xf32>
    %iota3A_365 = tpu.iota {dimensions = array<i32: 0>} : vector<128x512xi32>
    %convert_element_type3A_366 = arith.sitofp %iota3A_365 : vector<128x512xi32> to vector<128x512xf32>
    %eq3A_367 = vector.broadcast %broadcast_in_dim3A_364 : vector<1x512xf32> to vector<128x512xf32>
    %eq3A_368 = arith.cmpf oeq, %add3A_361, %eq3A_367 : vector<128x512xf32>
    %jit3A_369 = arith.constant 1.280000e+02 : f32
    %broadcast_in_dim3A_370 = vector.broadcast %jit3A_369 : f32 to vector<128x512xf32>
    %select_n3A_371 = arith.select %eq3A_368, %convert_element_type3A_366, %broadcast_in_dim3A_370 : vector<128x512xi1>, vector<128x512xf32>
    %reduce_min3A_372 = arith.constant dense<0x7F800000> : vector<512xf32>
    %reduce_min3A_373 = vector.multi_reduction <minimumf>, %select_n3A_371, %reduce_min3A_372 [0] : vector<128x512xf32> to vector<512xf32>
    %broadcast_in_dim3A_374 = vector.shape_cast %reduce_min3A_373 : vector<512xf32> to vector<1x512xf32>
    %add3A_375 = arith.constant 3.840000e+02 : f32
    %add3A_376 = vector.broadcast %add3A_375 : f32 to vector<1x512xf32>
    %add3A_377 = arith.addf %broadcast_in_dim3A_374, %add3A_376 : vector<1x512xf32>
    %lt3A_378 = arith.cmpf olt, %broadcast_in_dim3A_364, %select_n3A_265 : vector<1x512xf32>
    %select_n3A_379 = arith.select %lt3A_378, %broadcast_in_dim3A_364, %select_n3A_265 : vector<1x512xi1>, vector<1x512xf32>
    %select_n3A_380 = arith.select %lt3A_378, %add3A_377, %select_n3A_266 : vector<1x512xi1>, vector<1x512xf32>
    %get3A_381 = arith.constant 512 : index
    %get3A_382 = arith.constant 0 : index
    %get3A_383 = vector.load %arg1[%get3A_381, %get3A_382] : memref<2048x32xf32, #tpu.memory_space<vmem>>, vector<512x32xf32>
    %dot_general3A_384 = arith.constant dense<0.000000e+00> : vector<128x512xf32>
    %dot_general3A_385 = tpu.matmul %mul3A_350, %get3A_383, %dot_general3A_384 {dimension_numbers = #tpu.dot_dimension_numbers<[1], [1], [0], [0], [0, 0, 1, 0], [], []>, transpose_lhs_hint = false} : vector<128x32xf32>, vector<512x32xf32>, vector<128x512xf32> -> vector<128x512xf32>
    %add3A_386 = vector.broadcast %broadcast_in_dim3A_354 : vector<128x1xf32> to vector<128x512xf32>
    %add3A_387 = arith.addf %add3A_386, %dot_general3A_385 : vector<128x512xf32>
    %reduce_min3A_388 = arith.constant dense<0x7F800000> : vector<512xf32>
    %reduce_min3A_389 = vector.multi_reduction <minimumf>, %add3A_387, %reduce_min3A_388 [0] : vector<128x512xf32> to vector<512xf32>
    %broadcast_in_dim3A_390 = vector.shape_cast %reduce_min3A_389 : vector<512xf32> to vector<1x512xf32>
    %iota3A_391 = tpu.iota {dimensions = array<i32: 0>} : vector<128x512xi32>
    %convert_element_type3A_392 = arith.sitofp %iota3A_391 : vector<128x512xi32> to vector<128x512xf32>
    %eq3A_393 = vector.broadcast %broadcast_in_dim3A_390 : vector<1x512xf32> to vector<128x512xf32>
    %eq3A_394 = arith.cmpf oeq, %add3A_387, %eq3A_393 : vector<128x512xf32>
    %jit3A_395 = arith.constant 1.280000e+02 : f32
    %broadcast_in_dim3A_396 = vector.broadcast %jit3A_395 : f32 to vector<128x512xf32>
    %select_n3A_397 = arith.select %eq3A_394, %convert_element_type3A_392, %broadcast_in_dim3A_396 : vector<128x512xi1>, vector<128x512xf32>
    %reduce_min3A_398 = arith.constant dense<0x7F800000> : vector<512xf32>
    %reduce_min3A_399 = vector.multi_reduction <minimumf>, %select_n3A_397, %reduce_min3A_398 [0] : vector<128x512xf32> to vector<512xf32>
    %broadcast_in_dim3A_400 = vector.shape_cast %reduce_min3A_399 : vector<512xf32> to vector<1x512xf32>
    %add3A_401 = arith.constant 3.840000e+02 : f32
    %add3A_402 = vector.broadcast %add3A_401 : f32 to vector<1x512xf32>
    %add3A_403 = arith.addf %broadcast_in_dim3A_400, %add3A_402 : vector<1x512xf32>
    %lt3A_404 = arith.cmpf olt, %broadcast_in_dim3A_390, %select_n3A_291 : vector<1x512xf32>
    %select_n3A_405 = arith.select %lt3A_404, %broadcast_in_dim3A_390, %select_n3A_291 : vector<1x512xi1>, vector<1x512xf32>
    %select_n3A_406 = arith.select %lt3A_404, %add3A_403, %select_n3A_292 : vector<1x512xi1>, vector<1x512xf32>
    %get3A_407 = arith.constant 1024 : index
    %get3A_408 = arith.constant 0 : index
    %get3A_409 = vector.load %arg1[%get3A_407, %get3A_408] : memref<2048x32xf32, #tpu.memory_space<vmem>>, vector<512x32xf32>
    %dot_general3A_410 = arith.constant dense<0.000000e+00> : vector<128x512xf32>
    %dot_general3A_411 = tpu.matmul %mul3A_350, %get3A_409, %dot_general3A_410 {dimension_numbers = #tpu.dot_dimension_numbers<[1], [1], [0], [0], [0, 0, 1, 0], [], []>, transpose_lhs_hint = false} : vector<128x32xf32>, vector<512x32xf32>, vector<128x512xf32> -> vector<128x512xf32>
    %add3A_412 = vector.broadcast %broadcast_in_dim3A_354 : vector<128x1xf32> to vector<128x512xf32>
    %add3A_413 = arith.addf %add3A_412, %dot_general3A_411 : vector<128x512xf32>
    %reduce_min3A_414 = arith.constant dense<0x7F800000> : vector<512xf32>
    %reduce_min3A_415 = vector.multi_reduction <minimumf>, %add3A_413, %reduce_min3A_414 [0] : vector<128x512xf32> to vector<512xf32>
    %broadcast_in_dim3A_416 = vector.shape_cast %reduce_min3A_415 : vector<512xf32> to vector<1x512xf32>
    %iota3A_417 = tpu.iota {dimensions = array<i32: 0>} : vector<128x512xi32>
    %convert_element_type3A_418 = arith.sitofp %iota3A_417 : vector<128x512xi32> to vector<128x512xf32>
    %eq3A_419 = vector.broadcast %broadcast_in_dim3A_416 : vector<1x512xf32> to vector<128x512xf32>
    %eq3A_420 = arith.cmpf oeq, %add3A_413, %eq3A_419 : vector<128x512xf32>
    %jit3A_421 = arith.constant 1.280000e+02 : f32
    %broadcast_in_dim3A_422 = vector.broadcast %jit3A_421 : f32 to vector<128x512xf32>
    %select_n3A_423 = arith.select %eq3A_420, %convert_element_type3A_418, %broadcast_in_dim3A_422 : vector<128x512xi1>, vector<128x512xf32>
    %reduce_min3A_424 = arith.constant dense<0x7F800000> : vector<512xf32>
    %reduce_min3A_425 = vector.multi_reduction <minimumf>, %select_n3A_423, %reduce_min3A_424 [0] : vector<128x512xf32> to vector<512xf32>
    %broadcast_in_dim3A_426 = vector.shape_cast %reduce_min3A_425 : vector<512xf32> to vector<1x512xf32>
    %add3A_427 = arith.constant 3.840000e+02 : f32
    %add3A_428 = vector.broadcast %add3A_427 : f32 to vector<1x512xf32>
    %add3A_429 = arith.addf %broadcast_in_dim3A_426, %add3A_428 : vector<1x512xf32>
    %lt3A_430 = arith.cmpf olt, %broadcast_in_dim3A_416, %select_n3A_317 : vector<1x512xf32>
    %select_n3A_431 = arith.select %lt3A_430, %broadcast_in_dim3A_416, %select_n3A_317 : vector<1x512xi1>, vector<1x512xf32>
    %select_n3A_432 = arith.select %lt3A_430, %add3A_429, %select_n3A_318 : vector<1x512xi1>, vector<1x512xf32>
    %get3A_433 = arith.constant 1536 : index
    %get3A_434 = arith.constant 0 : index
    %get3A_435 = vector.load %arg1[%get3A_433, %get3A_434] : memref<2048x32xf32, #tpu.memory_space<vmem>>, vector<512x32xf32>
    %dot_general3A_436 = arith.constant dense<0.000000e+00> : vector<128x512xf32>
    %dot_general3A_437 = tpu.matmul %mul3A_350, %get3A_435, %dot_general3A_436 {dimension_numbers = #tpu.dot_dimension_numbers<[1], [1], [0], [0], [0, 0, 1, 0], [], []>, transpose_lhs_hint = false} : vector<128x32xf32>, vector<512x32xf32>, vector<128x512xf32> -> vector<128x512xf32>
    %add3A_438 = vector.broadcast %broadcast_in_dim3A_354 : vector<128x1xf32> to vector<128x512xf32>
    %add3A_439 = arith.addf %add3A_438, %dot_general3A_437 : vector<128x512xf32>
    %reduce_min3A_440 = arith.constant dense<0x7F800000> : vector<512xf32>
    %reduce_min3A_441 = vector.multi_reduction <minimumf>, %add3A_439, %reduce_min3A_440 [0] : vector<128x512xf32> to vector<512xf32>
    %broadcast_in_dim3A_442 = vector.shape_cast %reduce_min3A_441 : vector<512xf32> to vector<1x512xf32>
    %iota3A_443 = tpu.iota {dimensions = array<i32: 0>} : vector<128x512xi32>
    %convert_element_type3A_444 = arith.sitofp %iota3A_443 : vector<128x512xi32> to vector<128x512xf32>
    %eq3A_445 = vector.broadcast %broadcast_in_dim3A_442 : vector<1x512xf32> to vector<128x512xf32>
    %eq3A_446 = arith.cmpf oeq, %add3A_439, %eq3A_445 : vector<128x512xf32>
    %jit3A_447 = arith.constant 1.280000e+02 : f32
    %broadcast_in_dim3A_448 = vector.broadcast %jit3A_447 : f32 to vector<128x512xf32>
    %select_n3A_449 = arith.select %eq3A_446, %convert_element_type3A_444, %broadcast_in_dim3A_448 : vector<128x512xi1>, vector<128x512xf32>
    %reduce_min3A_450 = arith.constant dense<0x7F800000> : vector<512xf32>
    %reduce_min3A_451 = vector.multi_reduction <minimumf>, %select_n3A_449, %reduce_min3A_450 [0] : vector<128x512xf32> to vector<512xf32>
    %broadcast_in_dim3A_452 = vector.shape_cast %reduce_min3A_451 : vector<512xf32> to vector<1x512xf32>
    %add3A_453 = arith.constant 3.840000e+02 : f32
    %add3A_454 = vector.broadcast %add3A_453 : f32 to vector<1x512xf32>
    %add3A_455 = arith.addf %broadcast_in_dim3A_452, %add3A_454 : vector<1x512xf32>
    %lt3A_456 = arith.cmpf olt, %broadcast_in_dim3A_442, %select_n3A_343 : vector<1x512xf32>
    %select_n3A_457 = arith.select %lt3A_456, %broadcast_in_dim3A_442, %select_n3A_343 : vector<1x512xi1>, vector<1x512xf32>
    %select_n3A_458 = arith.select %lt3A_456, %add3A_455, %select_n3A_344 : vector<1x512xi1>, vector<1x512xf32>
    %get3A_459 = arith.constant 512 : index
    %get3A_460 = arith.constant 0 : index
    %get3A_461 = vector.load %arg2[%get3A_459, %get3A_460] : memref<1024x32xf32, #tpu.memory_space<vmem>>, vector<128x32xf32>
    %mul3A_462 = arith.constant -2.000000e+00 : f32
    %mul3A_463 = vector.broadcast %mul3A_462 : f32 to vector<128x32xf32>
    %mul3A_464 = arith.mulf %get3A_461, %mul3A_463 : vector<128x32xf32>
    %mul3A_465 = arith.mulf %get3A_461, %get3A_461 : vector<128x32xf32>
    %reduce_sum3A_466 = arith.constant dense<0.000000e+00> : vector<128xf32>
    %reduce_sum3A_467 = vector.multi_reduction <add>, %mul3A_465, %reduce_sum3A_466 [1] : vector<128x32xf32> to vector<128xf32>
    %broadcast_in_dim3A_468 = vector.shape_cast %reduce_sum3A_467 : vector<128xf32> to vector<128x1xf32>
    %get3A_469 = arith.constant 0 : index
    %get3A_470 = arith.constant 0 : index
    %get3A_471 = vector.load %arg1[%get3A_469, %get3A_470] : memref<2048x32xf32, #tpu.memory_space<vmem>>, vector<512x32xf32>
    %dot_general3A_472 = arith.constant dense<0.000000e+00> : vector<128x512xf32>
    %dot_general3A_473 = tpu.matmul %mul3A_464, %get3A_471, %dot_general3A_472 {dimension_numbers = #tpu.dot_dimension_numbers<[1], [1], [0], [0], [0, 0, 1, 0], [], []>, transpose_lhs_hint = false} : vector<128x32xf32>, vector<512x32xf32>, vector<128x512xf32> -> vector<128x512xf32>
    %add3A_474 = vector.broadcast %broadcast_in_dim3A_468 : vector<128x1xf32> to vector<128x512xf32>
    %add3A_475 = arith.addf %add3A_474, %dot_general3A_473 : vector<128x512xf32>
    %reduce_min3A_476 = arith.constant dense<0x7F800000> : vector<512xf32>
    %reduce_min3A_477 = vector.multi_reduction <minimumf>, %add3A_475, %reduce_min3A_476 [0] : vector<128x512xf32> to vector<512xf32>
    %broadcast_in_dim3A_478 = vector.shape_cast %reduce_min3A_477 : vector<512xf32> to vector<1x512xf32>
    %iota3A_479 = tpu.iota {dimensions = array<i32: 0>} : vector<128x512xi32>
    %convert_element_type3A_480 = arith.sitofp %iota3A_479 : vector<128x512xi32> to vector<128x512xf32>
    %eq3A_481 = vector.broadcast %broadcast_in_dim3A_478 : vector<1x512xf32> to vector<128x512xf32>
    %eq3A_482 = arith.cmpf oeq, %add3A_475, %eq3A_481 : vector<128x512xf32>
    %jit3A_483 = arith.constant 1.280000e+02 : f32
    %broadcast_in_dim3A_484 = vector.broadcast %jit3A_483 : f32 to vector<128x512xf32>
    %select_n3A_485 = arith.select %eq3A_482, %convert_element_type3A_480, %broadcast_in_dim3A_484 : vector<128x512xi1>, vector<128x512xf32>
    %reduce_min3A_486 = arith.constant dense<0x7F800000> : vector<512xf32>
    %reduce_min3A_487 = vector.multi_reduction <minimumf>, %select_n3A_485, %reduce_min3A_486 [0] : vector<128x512xf32> to vector<512xf32>
    %broadcast_in_dim3A_488 = vector.shape_cast %reduce_min3A_487 : vector<512xf32> to vector<1x512xf32>
    %add3A_489 = arith.constant 5.120000e+02 : f32
    %add3A_490 = vector.broadcast %add3A_489 : f32 to vector<1x512xf32>
    %add3A_491 = arith.addf %broadcast_in_dim3A_488, %add3A_490 : vector<1x512xf32>
    %lt3A_492 = arith.cmpf olt, %broadcast_in_dim3A_478, %select_n3A_379 : vector<1x512xf32>
    %select_n3A_493 = arith.select %lt3A_492, %broadcast_in_dim3A_478, %select_n3A_379 : vector<1x512xi1>, vector<1x512xf32>
    %select_n3A_494 = arith.select %lt3A_492, %add3A_491, %select_n3A_380 : vector<1x512xi1>, vector<1x512xf32>
    %get3A_495 = arith.constant 512 : index
    %get3A_496 = arith.constant 0 : index
    %get3A_497 = vector.load %arg1[%get3A_495, %get3A_496] : memref<2048x32xf32, #tpu.memory_space<vmem>>, vector<512x32xf32>
    %dot_general3A_498 = arith.constant dense<0.000000e+00> : vector<128x512xf32>
    %dot_general3A_499 = tpu.matmul %mul3A_464, %get3A_497, %dot_general3A_498 {dimension_numbers = #tpu.dot_dimension_numbers<[1], [1], [0], [0], [0, 0, 1, 0], [], []>, transpose_lhs_hint = false} : vector<128x32xf32>, vector<512x32xf32>, vector<128x512xf32> -> vector<128x512xf32>
    %add3A_500 = vector.broadcast %broadcast_in_dim3A_468 : vector<128x1xf32> to vector<128x512xf32>
    %add3A_501 = arith.addf %add3A_500, %dot_general3A_499 : vector<128x512xf32>
    %reduce_min3A_502 = arith.constant dense<0x7F800000> : vector<512xf32>
    %reduce_min3A_503 = vector.multi_reduction <minimumf>, %add3A_501, %reduce_min3A_502 [0] : vector<128x512xf32> to vector<512xf32>
    %broadcast_in_dim3A_504 = vector.shape_cast %reduce_min3A_503 : vector<512xf32> to vector<1x512xf32>
    %iota3A_505 = tpu.iota {dimensions = array<i32: 0>} : vector<128x512xi32>
    %convert_element_type3A_506 = arith.sitofp %iota3A_505 : vector<128x512xi32> to vector<128x512xf32>
    %eq3A_507 = vector.broadcast %broadcast_in_dim3A_504 : vector<1x512xf32> to vector<128x512xf32>
    %eq3A_508 = arith.cmpf oeq, %add3A_501, %eq3A_507 : vector<128x512xf32>
    %jit3A_509 = arith.constant 1.280000e+02 : f32
    %broadcast_in_dim3A_510 = vector.broadcast %jit3A_509 : f32 to vector<128x512xf32>
    %select_n3A_511 = arith.select %eq3A_508, %convert_element_type3A_506, %broadcast_in_dim3A_510 : vector<128x512xi1>, vector<128x512xf32>
    %reduce_min3A_512 = arith.constant dense<0x7F800000> : vector<512xf32>
    %reduce_min3A_513 = vector.multi_reduction <minimumf>, %select_n3A_511, %reduce_min3A_512 [0] : vector<128x512xf32> to vector<512xf32>
    %broadcast_in_dim3A_514 = vector.shape_cast %reduce_min3A_513 : vector<512xf32> to vector<1x512xf32>
    %add3A_515 = arith.constant 5.120000e+02 : f32
    %add3A_516 = vector.broadcast %add3A_515 : f32 to vector<1x512xf32>
    %add3A_517 = arith.addf %broadcast_in_dim3A_514, %add3A_516 : vector<1x512xf32>
    %lt3A_518 = arith.cmpf olt, %broadcast_in_dim3A_504, %select_n3A_405 : vector<1x512xf32>
    %select_n3A_519 = arith.select %lt3A_518, %broadcast_in_dim3A_504, %select_n3A_405 : vector<1x512xi1>, vector<1x512xf32>
    %select_n3A_520 = arith.select %lt3A_518, %add3A_517, %select_n3A_406 : vector<1x512xi1>, vector<1x512xf32>
    %get3A_521 = arith.constant 1024 : index
    %get3A_522 = arith.constant 0 : index
    %get3A_523 = vector.load %arg1[%get3A_521, %get3A_522] : memref<2048x32xf32, #tpu.memory_space<vmem>>, vector<512x32xf32>
    %dot_general3A_524 = arith.constant dense<0.000000e+00> : vector<128x512xf32>
    %dot_general3A_525 = tpu.matmul %mul3A_464, %get3A_523, %dot_general3A_524 {dimension_numbers = #tpu.dot_dimension_numbers<[1], [1], [0], [0], [0, 0, 1, 0], [], []>, transpose_lhs_hint = false} : vector<128x32xf32>, vector<512x32xf32>, vector<128x512xf32> -> vector<128x512xf32>
    %add3A_526 = vector.broadcast %broadcast_in_dim3A_468 : vector<128x1xf32> to vector<128x512xf32>
    %add3A_527 = arith.addf %add3A_526, %dot_general3A_525 : vector<128x512xf32>
    %reduce_min3A_528 = arith.constant dense<0x7F800000> : vector<512xf32>
    %reduce_min3A_529 = vector.multi_reduction <minimumf>, %add3A_527, %reduce_min3A_528 [0] : vector<128x512xf32> to vector<512xf32>
    %broadcast_in_dim3A_530 = vector.shape_cast %reduce_min3A_529 : vector<512xf32> to vector<1x512xf32>
    %iota3A_531 = tpu.iota {dimensions = array<i32: 0>} : vector<128x512xi32>
    %convert_element_type3A_532 = arith.sitofp %iota3A_531 : vector<128x512xi32> to vector<128x512xf32>
    %eq3A_533 = vector.broadcast %broadcast_in_dim3A_530 : vector<1x512xf32> to vector<128x512xf32>
    %eq3A_534 = arith.cmpf oeq, %add3A_527, %eq3A_533 : vector<128x512xf32>
    %jit3A_535 = arith.constant 1.280000e+02 : f32
    %broadcast_in_dim3A_536 = vector.broadcast %jit3A_535 : f32 to vector<128x512xf32>
    %select_n3A_537 = arith.select %eq3A_534, %convert_element_type3A_532, %broadcast_in_dim3A_536 : vector<128x512xi1>, vector<128x512xf32>
    %reduce_min3A_538 = arith.constant dense<0x7F800000> : vector<512xf32>
    %reduce_min3A_539 = vector.multi_reduction <minimumf>, %select_n3A_537, %reduce_min3A_538 [0] : vector<128x512xf32> to vector<512xf32>
    %broadcast_in_dim3A_540 = vector.shape_cast %reduce_min3A_539 : vector<512xf32> to vector<1x512xf32>
    %add3A_541 = arith.constant 5.120000e+02 : f32
    %add3A_542 = vector.broadcast %add3A_541 : f32 to vector<1x512xf32>
    %add3A_543 = arith.addf %broadcast_in_dim3A_540, %add3A_542 : vector<1x512xf32>
    %lt3A_544 = arith.cmpf olt, %broadcast_in_dim3A_530, %select_n3A_431 : vector<1x512xf32>
    %select_n3A_545 = arith.select %lt3A_544, %broadcast_in_dim3A_530, %select_n3A_431 : vector<1x512xi1>, vector<1x512xf32>
    %select_n3A_546 = arith.select %lt3A_544, %add3A_543, %select_n3A_432 : vector<1x512xi1>, vector<1x512xf32>
    %get3A_547 = arith.constant 1536 : index
    %get3A_548 = arith.constant 0 : index
    %get3A_549 = vector.load %arg1[%get3A_547, %get3A_548] : memref<2048x32xf32, #tpu.memory_space<vmem>>, vector<512x32xf32>
    %dot_general3A_550 = arith.constant dense<0.000000e+00> : vector<128x512xf32>
    %dot_general3A_551 = tpu.matmul %mul3A_464, %get3A_549, %dot_general3A_550 {dimension_numbers = #tpu.dot_dimension_numbers<[1], [1], [0], [0], [0, 0, 1, 0], [], []>, transpose_lhs_hint = false} : vector<128x32xf32>, vector<512x32xf32>, vector<128x512xf32> -> vector<128x512xf32>
    %add3A_552 = vector.broadcast %broadcast_in_dim3A_468 : vector<128x1xf32> to vector<128x512xf32>
    %add3A_553 = arith.addf %add3A_552, %dot_general3A_551 : vector<128x512xf32>
    %reduce_min3A_554 = arith.constant dense<0x7F800000> : vector<512xf32>
    %reduce_min3A_555 = vector.multi_reduction <minimumf>, %add3A_553, %reduce_min3A_554 [0] : vector<128x512xf32> to vector<512xf32>
    %broadcast_in_dim3A_556 = vector.shape_cast %reduce_min3A_555 : vector<512xf32> to vector<1x512xf32>
    %iota3A_557 = tpu.iota {dimensions = array<i32: 0>} : vector<128x512xi32>
    %convert_element_type3A_558 = arith.sitofp %iota3A_557 : vector<128x512xi32> to vector<128x512xf32>
    %eq3A_559 = vector.broadcast %broadcast_in_dim3A_556 : vector<1x512xf32> to vector<128x512xf32>
    %eq3A_560 = arith.cmpf oeq, %add3A_553, %eq3A_559 : vector<128x512xf32>
    %jit3A_561 = arith.constant 1.280000e+02 : f32
    %broadcast_in_dim3A_562 = vector.broadcast %jit3A_561 : f32 to vector<128x512xf32>
    %select_n3A_563 = arith.select %eq3A_560, %convert_element_type3A_558, %broadcast_in_dim3A_562 : vector<128x512xi1>, vector<128x512xf32>
    %reduce_min3A_564 = arith.constant dense<0x7F800000> : vector<512xf32>
    %reduce_min3A_565 = vector.multi_reduction <minimumf>, %select_n3A_563, %reduce_min3A_564 [0] : vector<128x512xf32> to vector<512xf32>
    %broadcast_in_dim3A_566 = vector.shape_cast %reduce_min3A_565 : vector<512xf32> to vector<1x512xf32>
    %add3A_567 = arith.constant 5.120000e+02 : f32
    %add3A_568 = vector.broadcast %add3A_567 : f32 to vector<1x512xf32>
    %add3A_569 = arith.addf %broadcast_in_dim3A_566, %add3A_568 : vector<1x512xf32>
    %lt3A_570 = arith.cmpf olt, %broadcast_in_dim3A_556, %select_n3A_457 : vector<1x512xf32>
    %select_n3A_571 = arith.select %lt3A_570, %broadcast_in_dim3A_556, %select_n3A_457 : vector<1x512xi1>, vector<1x512xf32>
    %select_n3A_572 = arith.select %lt3A_570, %add3A_569, %select_n3A_458 : vector<1x512xi1>, vector<1x512xf32>
    %get3A_573 = arith.constant 640 : index
    %get3A_574 = arith.constant 0 : index
    %get3A_575 = vector.load %arg2[%get3A_573, %get3A_574] : memref<1024x32xf32, #tpu.memory_space<vmem>>, vector<128x32xf32>
    %mul3A_576 = arith.constant -2.000000e+00 : f32
    %mul3A_577 = vector.broadcast %mul3A_576 : f32 to vector<128x32xf32>
    %mul3A_578 = arith.mulf %get3A_575, %mul3A_577 : vector<128x32xf32>
    %mul3A_579 = arith.mulf %get3A_575, %get3A_575 : vector<128x32xf32>
    %reduce_sum3A_580 = arith.constant dense<0.000000e+00> : vector<128xf32>
    %reduce_sum3A_581 = vector.multi_reduction <add>, %mul3A_579, %reduce_sum3A_580 [1] : vector<128x32xf32> to vector<128xf32>
    %broadcast_in_dim3A_582 = vector.shape_cast %reduce_sum3A_581 : vector<128xf32> to vector<128x1xf32>
    %get3A_583 = arith.constant 0 : index
    %get3A_584 = arith.constant 0 : index
    %get3A_585 = vector.load %arg1[%get3A_583, %get3A_584] : memref<2048x32xf32, #tpu.memory_space<vmem>>, vector<512x32xf32>
    %dot_general3A_586 = arith.constant dense<0.000000e+00> : vector<128x512xf32>
    %dot_general3A_587 = tpu.matmul %mul3A_578, %get3A_585, %dot_general3A_586 {dimension_numbers = #tpu.dot_dimension_numbers<[1], [1], [0], [0], [0, 0, 1, 0], [], []>, transpose_lhs_hint = false} : vector<128x32xf32>, vector<512x32xf32>, vector<128x512xf32> -> vector<128x512xf32>
    %add3A_588 = vector.broadcast %broadcast_in_dim3A_582 : vector<128x1xf32> to vector<128x512xf32>
    %add3A_589 = arith.addf %add3A_588, %dot_general3A_587 : vector<128x512xf32>
    %reduce_min3A_590 = arith.constant dense<0x7F800000> : vector<512xf32>
    %reduce_min3A_591 = vector.multi_reduction <minimumf>, %add3A_589, %reduce_min3A_590 [0] : vector<128x512xf32> to vector<512xf32>
    %broadcast_in_dim3A_592 = vector.shape_cast %reduce_min3A_591 : vector<512xf32> to vector<1x512xf32>
    %iota3A_593 = tpu.iota {dimensions = array<i32: 0>} : vector<128x512xi32>
    %convert_element_type3A_594 = arith.sitofp %iota3A_593 : vector<128x512xi32> to vector<128x512xf32>
    %eq3A_595 = vector.broadcast %broadcast_in_dim3A_592 : vector<1x512xf32> to vector<128x512xf32>
    %eq3A_596 = arith.cmpf oeq, %add3A_589, %eq3A_595 : vector<128x512xf32>
    %jit3A_597 = arith.constant 1.280000e+02 : f32
    %broadcast_in_dim3A_598 = vector.broadcast %jit3A_597 : f32 to vector<128x512xf32>
    %select_n3A_599 = arith.select %eq3A_596, %convert_element_type3A_594, %broadcast_in_dim3A_598 : vector<128x512xi1>, vector<128x512xf32>
    %reduce_min3A_600 = arith.constant dense<0x7F800000> : vector<512xf32>
    %reduce_min3A_601 = vector.multi_reduction <minimumf>, %select_n3A_599, %reduce_min3A_600 [0] : vector<128x512xf32> to vector<512xf32>
    %broadcast_in_dim3A_602 = vector.shape_cast %reduce_min3A_601 : vector<512xf32> to vector<1x512xf32>
    %add3A_603 = arith.constant 6.400000e+02 : f32
    %add3A_604 = vector.broadcast %add3A_603 : f32 to vector<1x512xf32>
    %add3A_605 = arith.addf %broadcast_in_dim3A_602, %add3A_604 : vector<1x512xf32>
    %lt3A_606 = arith.cmpf olt, %broadcast_in_dim3A_592, %select_n3A_493 : vector<1x512xf32>
    %select_n3A_607 = arith.select %lt3A_606, %broadcast_in_dim3A_592, %select_n3A_493 : vector<1x512xi1>, vector<1x512xf32>
    %select_n3A_608 = arith.select %lt3A_606, %add3A_605, %select_n3A_494 : vector<1x512xi1>, vector<1x512xf32>
    %get3A_609 = arith.constant 512 : index
    %get3A_610 = arith.constant 0 : index
    %get3A_611 = vector.load %arg1[%get3A_609, %get3A_610] : memref<2048x32xf32, #tpu.memory_space<vmem>>, vector<512x32xf32>
    %dot_general3A_612 = arith.constant dense<0.000000e+00> : vector<128x512xf32>
    %dot_general3A_613 = tpu.matmul %mul3A_578, %get3A_611, %dot_general3A_612 {dimension_numbers = #tpu.dot_dimension_numbers<[1], [1], [0], [0], [0, 0, 1, 0], [], []>, transpose_lhs_hint = false} : vector<128x32xf32>, vector<512x32xf32>, vector<128x512xf32> -> vector<128x512xf32>
    %add3A_614 = vector.broadcast %broadcast_in_dim3A_582 : vector<128x1xf32> to vector<128x512xf32>
    %add3A_615 = arith.addf %add3A_614, %dot_general3A_613 : vector<128x512xf32>
    %reduce_min3A_616 = arith.constant dense<0x7F800000> : vector<512xf32>
    %reduce_min3A_617 = vector.multi_reduction <minimumf>, %add3A_615, %reduce_min3A_616 [0] : vector<128x512xf32> to vector<512xf32>
    %broadcast_in_dim3A_618 = vector.shape_cast %reduce_min3A_617 : vector<512xf32> to vector<1x512xf32>
    %iota3A_619 = tpu.iota {dimensions = array<i32: 0>} : vector<128x512xi32>
    %convert_element_type3A_620 = arith.sitofp %iota3A_619 : vector<128x512xi32> to vector<128x512xf32>
    %eq3A_621 = vector.broadcast %broadcast_in_dim3A_618 : vector<1x512xf32> to vector<128x512xf32>
    %eq3A_622 = arith.cmpf oeq, %add3A_615, %eq3A_621 : vector<128x512xf32>
    %jit3A_623 = arith.constant 1.280000e+02 : f32
    %broadcast_in_dim3A_624 = vector.broadcast %jit3A_623 : f32 to vector<128x512xf32>
    %select_n3A_625 = arith.select %eq3A_622, %convert_element_type3A_620, %broadcast_in_dim3A_624 : vector<128x512xi1>, vector<128x512xf32>
    %reduce_min3A_626 = arith.constant dense<0x7F800000> : vector<512xf32>
    %reduce_min3A_627 = vector.multi_reduction <minimumf>, %select_n3A_625, %reduce_min3A_626 [0] : vector<128x512xf32> to vector<512xf32>
    %broadcast_in_dim3A_628 = vector.shape_cast %reduce_min3A_627 : vector<512xf32> to vector<1x512xf32>
    %add3A_629 = arith.constant 6.400000e+02 : f32
    %add3A_630 = vector.broadcast %add3A_629 : f32 to vector<1x512xf32>
    %add3A_631 = arith.addf %broadcast_in_dim3A_628, %add3A_630 : vector<1x512xf32>
    %lt3A_632 = arith.cmpf olt, %broadcast_in_dim3A_618, %select_n3A_519 : vector<1x512xf32>
    %select_n3A_633 = arith.select %lt3A_632, %broadcast_in_dim3A_618, %select_n3A_519 : vector<1x512xi1>, vector<1x512xf32>
    %select_n3A_634 = arith.select %lt3A_632, %add3A_631, %select_n3A_520 : vector<1x512xi1>, vector<1x512xf32>
    %get3A_635 = arith.constant 1024 : index
    %get3A_636 = arith.constant 0 : index
    %get3A_637 = vector.load %arg1[%get3A_635, %get3A_636] : memref<2048x32xf32, #tpu.memory_space<vmem>>, vector<512x32xf32>
    %dot_general3A_638 = arith.constant dense<0.000000e+00> : vector<128x512xf32>
    %dot_general3A_639 = tpu.matmul %mul3A_578, %get3A_637, %dot_general3A_638 {dimension_numbers = #tpu.dot_dimension_numbers<[1], [1], [0], [0], [0, 0, 1, 0], [], []>, transpose_lhs_hint = false} : vector<128x32xf32>, vector<512x32xf32>, vector<128x512xf32> -> vector<128x512xf32>
    %add3A_640 = vector.broadcast %broadcast_in_dim3A_582 : vector<128x1xf32> to vector<128x512xf32>
    %add3A_641 = arith.addf %add3A_640, %dot_general3A_639 : vector<128x512xf32>
    %reduce_min3A_642 = arith.constant dense<0x7F800000> : vector<512xf32>
    %reduce_min3A_643 = vector.multi_reduction <minimumf>, %add3A_641, %reduce_min3A_642 [0] : vector<128x512xf32> to vector<512xf32>
    %broadcast_in_dim3A_644 = vector.shape_cast %reduce_min3A_643 : vector<512xf32> to vector<1x512xf32>
    %iota3A_645 = tpu.iota {dimensions = array<i32: 0>} : vector<128x512xi32>
    %convert_element_type3A_646 = arith.sitofp %iota3A_645 : vector<128x512xi32> to vector<128x512xf32>
    %eq3A_647 = vector.broadcast %broadcast_in_dim3A_644 : vector<1x512xf32> to vector<128x512xf32>
    %eq3A_648 = arith.cmpf oeq, %add3A_641, %eq3A_647 : vector<128x512xf32>
    %jit3A_649 = arith.constant 1.280000e+02 : f32
    %broadcast_in_dim3A_650 = vector.broadcast %jit3A_649 : f32 to vector<128x512xf32>
    %select_n3A_651 = arith.select %eq3A_648, %convert_element_type3A_646, %broadcast_in_dim3A_650 : vector<128x512xi1>, vector<128x512xf32>
    %reduce_min3A_652 = arith.constant dense<0x7F800000> : vector<512xf32>
    %reduce_min3A_653 = vector.multi_reduction <minimumf>, %select_n3A_651, %reduce_min3A_652 [0] : vector<128x512xf32> to vector<512xf32>
    %broadcast_in_dim3A_654 = vector.shape_cast %reduce_min3A_653 : vector<512xf32> to vector<1x512xf32>
    %add3A_655 = arith.constant 6.400000e+02 : f32
    %add3A_656 = vector.broadcast %add3A_655 : f32 to vector<1x512xf32>
    %add3A_657 = arith.addf %broadcast_in_dim3A_654, %add3A_656 : vector<1x512xf32>
    %lt3A_658 = arith.cmpf olt, %broadcast_in_dim3A_644, %select_n3A_545 : vector<1x512xf32>
    %select_n3A_659 = arith.select %lt3A_658, %broadcast_in_dim3A_644, %select_n3A_545 : vector<1x512xi1>, vector<1x512xf32>
    %select_n3A_660 = arith.select %lt3A_658, %add3A_657, %select_n3A_546 : vector<1x512xi1>, vector<1x512xf32>
    %get3A_661 = arith.constant 1536 : index
    %get3A_662 = arith.constant 0 : index
    %get3A_663 = vector.load %arg1[%get3A_661, %get3A_662] : memref<2048x32xf32, #tpu.memory_space<vmem>>, vector<512x32xf32>
    %dot_general3A_664 = arith.constant dense<0.000000e+00> : vector<128x512xf32>
    %dot_general3A_665 = tpu.matmul %mul3A_578, %get3A_663, %dot_general3A_664 {dimension_numbers = #tpu.dot_dimension_numbers<[1], [1], [0], [0], [0, 0, 1, 0], [], []>, transpose_lhs_hint = false} : vector<128x32xf32>, vector<512x32xf32>, vector<128x512xf32> -> vector<128x512xf32>
    %add3A_666 = vector.broadcast %broadcast_in_dim3A_582 : vector<128x1xf32> to vector<128x512xf32>
    %add3A_667 = arith.addf %add3A_666, %dot_general3A_665 : vector<128x512xf32>
    %reduce_min3A_668 = arith.constant dense<0x7F800000> : vector<512xf32>
    %reduce_min3A_669 = vector.multi_reduction <minimumf>, %add3A_667, %reduce_min3A_668 [0] : vector<128x512xf32> to vector<512xf32>
    %broadcast_in_dim3A_670 = vector.shape_cast %reduce_min3A_669 : vector<512xf32> to vector<1x512xf32>
    %iota3A_671 = tpu.iota {dimensions = array<i32: 0>} : vector<128x512xi32>
    %convert_element_type3A_672 = arith.sitofp %iota3A_671 : vector<128x512xi32> to vector<128x512xf32>
    %eq3A_673 = vector.broadcast %broadcast_in_dim3A_670 : vector<1x512xf32> to vector<128x512xf32>
    %eq3A_674 = arith.cmpf oeq, %add3A_667, %eq3A_673 : vector<128x512xf32>
    %jit3A_675 = arith.constant 1.280000e+02 : f32
    %broadcast_in_dim3A_676 = vector.broadcast %jit3A_675 : f32 to vector<128x512xf32>
    %select_n3A_677 = arith.select %eq3A_674, %convert_element_type3A_672, %broadcast_in_dim3A_676 : vector<128x512xi1>, vector<128x512xf32>
    %reduce_min3A_678 = arith.constant dense<0x7F800000> : vector<512xf32>
    %reduce_min3A_679 = vector.multi_reduction <minimumf>, %select_n3A_677, %reduce_min3A_678 [0] : vector<128x512xf32> to vector<512xf32>
    %broadcast_in_dim3A_680 = vector.shape_cast %reduce_min3A_679 : vector<512xf32> to vector<1x512xf32>
    %add3A_681 = arith.constant 6.400000e+02 : f32
    %add3A_682 = vector.broadcast %add3A_681 : f32 to vector<1x512xf32>
    %add3A_683 = arith.addf %broadcast_in_dim3A_680, %add3A_682 : vector<1x512xf32>
    %lt3A_684 = arith.cmpf olt, %broadcast_in_dim3A_670, %select_n3A_571 : vector<1x512xf32>
    %select_n3A_685 = arith.select %lt3A_684, %broadcast_in_dim3A_670, %select_n3A_571 : vector<1x512xi1>, vector<1x512xf32>
    %select_n3A_686 = arith.select %lt3A_684, %add3A_683, %select_n3A_572 : vector<1x512xi1>, vector<1x512xf32>
    %get3A_687 = arith.constant 768 : index
    %get3A_688 = arith.constant 0 : index
    %get3A_689 = vector.load %arg2[%get3A_687, %get3A_688] : memref<1024x32xf32, #tpu.memory_space<vmem>>, vector<128x32xf32>
    %mul3A_690 = arith.constant -2.000000e+00 : f32
    %mul3A_691 = vector.broadcast %mul3A_690 : f32 to vector<128x32xf32>
    %mul3A_692 = arith.mulf %get3A_689, %mul3A_691 : vector<128x32xf32>
    %mul3A_693 = arith.mulf %get3A_689, %get3A_689 : vector<128x32xf32>
    %reduce_sum3A_694 = arith.constant dense<0.000000e+00> : vector<128xf32>
    %reduce_sum3A_695 = vector.multi_reduction <add>, %mul3A_693, %reduce_sum3A_694 [1] : vector<128x32xf32> to vector<128xf32>
    %broadcast_in_dim3A_696 = vector.shape_cast %reduce_sum3A_695 : vector<128xf32> to vector<128x1xf32>
    %get3A_697 = arith.constant 0 : index
    %get3A_698 = arith.constant 0 : index
    %get3A_699 = vector.load %arg1[%get3A_697, %get3A_698] : memref<2048x32xf32, #tpu.memory_space<vmem>>, vector<512x32xf32>
    %dot_general3A_700 = arith.constant dense<0.000000e+00> : vector<128x512xf32>
    %dot_general3A_701 = tpu.matmul %mul3A_692, %get3A_699, %dot_general3A_700 {dimension_numbers = #tpu.dot_dimension_numbers<[1], [1], [0], [0], [0, 0, 1, 0], [], []>, transpose_lhs_hint = false} : vector<128x32xf32>, vector<512x32xf32>, vector<128x512xf32> -> vector<128x512xf32>
    %add3A_702 = vector.broadcast %broadcast_in_dim3A_696 : vector<128x1xf32> to vector<128x512xf32>
    %add3A_703 = arith.addf %add3A_702, %dot_general3A_701 : vector<128x512xf32>
    %reduce_min3A_704 = arith.constant dense<0x7F800000> : vector<512xf32>
    %reduce_min3A_705 = vector.multi_reduction <minimumf>, %add3A_703, %reduce_min3A_704 [0] : vector<128x512xf32> to vector<512xf32>
    %broadcast_in_dim3A_706 = vector.shape_cast %reduce_min3A_705 : vector<512xf32> to vector<1x512xf32>
    %iota3A_707 = tpu.iota {dimensions = array<i32: 0>} : vector<128x512xi32>
    %convert_element_type3A_708 = arith.sitofp %iota3A_707 : vector<128x512xi32> to vector<128x512xf32>
    %eq3A_709 = vector.broadcast %broadcast_in_dim3A_706 : vector<1x512xf32> to vector<128x512xf32>
    %eq3A_710 = arith.cmpf oeq, %add3A_703, %eq3A_709 : vector<128x512xf32>
    %jit3A_711 = arith.constant 1.280000e+02 : f32
    %broadcast_in_dim3A_712 = vector.broadcast %jit3A_711 : f32 to vector<128x512xf32>
    %select_n3A_713 = arith.select %eq3A_710, %convert_element_type3A_708, %broadcast_in_dim3A_712 : vector<128x512xi1>, vector<128x512xf32>
    %reduce_min3A_714 = arith.constant dense<0x7F800000> : vector<512xf32>
    %reduce_min3A_715 = vector.multi_reduction <minimumf>, %select_n3A_713, %reduce_min3A_714 [0] : vector<128x512xf32> to vector<512xf32>
    %broadcast_in_dim3A_716 = vector.shape_cast %reduce_min3A_715 : vector<512xf32> to vector<1x512xf32>
    %add3A_717 = arith.constant 7.680000e+02 : f32
    %add3A_718 = vector.broadcast %add3A_717 : f32 to vector<1x512xf32>
    %add3A_719 = arith.addf %broadcast_in_dim3A_716, %add3A_718 : vector<1x512xf32>
    %lt3A_720 = arith.cmpf olt, %broadcast_in_dim3A_706, %select_n3A_607 : vector<1x512xf32>
    %select_n3A_721 = arith.select %lt3A_720, %broadcast_in_dim3A_706, %select_n3A_607 : vector<1x512xi1>, vector<1x512xf32>
    %select_n3A_722 = arith.select %lt3A_720, %add3A_719, %select_n3A_608 : vector<1x512xi1>, vector<1x512xf32>
    %get3A_723 = arith.constant 512 : index
    %get3A_724 = arith.constant 0 : index
    %get3A_725 = vector.load %arg1[%get3A_723, %get3A_724] : memref<2048x32xf32, #tpu.memory_space<vmem>>, vector<512x32xf32>
    %dot_general3A_726 = arith.constant dense<0.000000e+00> : vector<128x512xf32>
    %dot_general3A_727 = tpu.matmul %mul3A_692, %get3A_725, %dot_general3A_726 {dimension_numbers = #tpu.dot_dimension_numbers<[1], [1], [0], [0], [0, 0, 1, 0], [], []>, transpose_lhs_hint = false} : vector<128x32xf32>, vector<512x32xf32>, vector<128x512xf32> -> vector<128x512xf32>
    %add3A_728 = vector.broadcast %broadcast_in_dim3A_696 : vector<128x1xf32> to vector<128x512xf32>
    %add3A_729 = arith.addf %add3A_728, %dot_general3A_727 : vector<128x512xf32>
    %reduce_min3A_730 = arith.constant dense<0x7F800000> : vector<512xf32>
    %reduce_min3A_731 = vector.multi_reduction <minimumf>, %add3A_729, %reduce_min3A_730 [0] : vector<128x512xf32> to vector<512xf32>
    %broadcast_in_dim3A_732 = vector.shape_cast %reduce_min3A_731 : vector<512xf32> to vector<1x512xf32>
    %iota3A_733 = tpu.iota {dimensions = array<i32: 0>} : vector<128x512xi32>
    %convert_element_type3A_734 = arith.sitofp %iota3A_733 : vector<128x512xi32> to vector<128x512xf32>
    %eq3A_735 = vector.broadcast %broadcast_in_dim3A_732 : vector<1x512xf32> to vector<128x512xf32>
    %eq3A_736 = arith.cmpf oeq, %add3A_729, %eq3A_735 : vector<128x512xf32>
    %jit3A_737 = arith.constant 1.280000e+02 : f32
    %broadcast_in_dim3A_738 = vector.broadcast %jit3A_737 : f32 to vector<128x512xf32>
    %select_n3A_739 = arith.select %eq3A_736, %convert_element_type3A_734, %broadcast_in_dim3A_738 : vector<128x512xi1>, vector<128x512xf32>
    %reduce_min3A_740 = arith.constant dense<0x7F800000> : vector<512xf32>
    %reduce_min3A_741 = vector.multi_reduction <minimumf>, %select_n3A_739, %reduce_min3A_740 [0] : vector<128x512xf32> to vector<512xf32>
    %broadcast_in_dim3A_742 = vector.shape_cast %reduce_min3A_741 : vector<512xf32> to vector<1x512xf32>
    %add3A_743 = arith.constant 7.680000e+02 : f32
    %add3A_744 = vector.broadcast %add3A_743 : f32 to vector<1x512xf32>
    %add3A_745 = arith.addf %broadcast_in_dim3A_742, %add3A_744 : vector<1x512xf32>
    %lt3A_746 = arith.cmpf olt, %broadcast_in_dim3A_732, %select_n3A_633 : vector<1x512xf32>
    %select_n3A_747 = arith.select %lt3A_746, %broadcast_in_dim3A_732, %select_n3A_633 : vector<1x512xi1>, vector<1x512xf32>
    %select_n3A_748 = arith.select %lt3A_746, %add3A_745, %select_n3A_634 : vector<1x512xi1>, vector<1x512xf32>
    %get3A_749 = arith.constant 1024 : index
    %get3A_750 = arith.constant 0 : index
    %get3A_751 = vector.load %arg1[%get3A_749, %get3A_750] : memref<2048x32xf32, #tpu.memory_space<vmem>>, vector<512x32xf32>
    %dot_general3A_752 = arith.constant dense<0.000000e+00> : vector<128x512xf32>
    %dot_general3A_753 = tpu.matmul %mul3A_692, %get3A_751, %dot_general3A_752 {dimension_numbers = #tpu.dot_dimension_numbers<[1], [1], [0], [0], [0, 0, 1, 0], [], []>, transpose_lhs_hint = false} : vector<128x32xf32>, vector<512x32xf32>, vector<128x512xf32> -> vector<128x512xf32>
    %add3A_754 = vector.broadcast %broadcast_in_dim3A_696 : vector<128x1xf32> to vector<128x512xf32>
    %add3A_755 = arith.addf %add3A_754, %dot_general3A_753 : vector<128x512xf32>
    %reduce_min3A_756 = arith.constant dense<0x7F800000> : vector<512xf32>
    %reduce_min3A_757 = vector.multi_reduction <minimumf>, %add3A_755, %reduce_min3A_756 [0] : vector<128x512xf32> to vector<512xf32>
    %broadcast_in_dim3A_758 = vector.shape_cast %reduce_min3A_757 : vector<512xf32> to vector<1x512xf32>
    %iota3A_759 = tpu.iota {dimensions = array<i32: 0>} : vector<128x512xi32>
    %convert_element_type3A_760 = arith.sitofp %iota3A_759 : vector<128x512xi32> to vector<128x512xf32>
    %eq3A_761 = vector.broadcast %broadcast_in_dim3A_758 : vector<1x512xf32> to vector<128x512xf32>
    %eq3A_762 = arith.cmpf oeq, %add3A_755, %eq3A_761 : vector<128x512xf32>
    %jit3A_763 = arith.constant 1.280000e+02 : f32
    %broadcast_in_dim3A_764 = vector.broadcast %jit3A_763 : f32 to vector<128x512xf32>
    %select_n3A_765 = arith.select %eq3A_762, %convert_element_type3A_760, %broadcast_in_dim3A_764 : vector<128x512xi1>, vector<128x512xf32>
    %reduce_min3A_766 = arith.constant dense<0x7F800000> : vector<512xf32>
    %reduce_min3A_767 = vector.multi_reduction <minimumf>, %select_n3A_765, %reduce_min3A_766 [0] : vector<128x512xf32> to vector<512xf32>
    %broadcast_in_dim3A_768 = vector.shape_cast %reduce_min3A_767 : vector<512xf32> to vector<1x512xf32>
    %add3A_769 = arith.constant 7.680000e+02 : f32
    %add3A_770 = vector.broadcast %add3A_769 : f32 to vector<1x512xf32>
    %add3A_771 = arith.addf %broadcast_in_dim3A_768, %add3A_770 : vector<1x512xf32>
    %lt3A_772 = arith.cmpf olt, %broadcast_in_dim3A_758, %select_n3A_659 : vector<1x512xf32>
    %select_n3A_773 = arith.select %lt3A_772, %broadcast_in_dim3A_758, %select_n3A_659 : vector<1x512xi1>, vector<1x512xf32>
    %select_n3A_774 = arith.select %lt3A_772, %add3A_771, %select_n3A_660 : vector<1x512xi1>, vector<1x512xf32>
    %get3A_775 = arith.constant 1536 : index
    %get3A_776 = arith.constant 0 : index
    %get3A_777 = vector.load %arg1[%get3A_775, %get3A_776] : memref<2048x32xf32, #tpu.memory_space<vmem>>, vector<512x32xf32>
    %dot_general3A_778 = arith.constant dense<0.000000e+00> : vector<128x512xf32>
    %dot_general3A_779 = tpu.matmul %mul3A_692, %get3A_777, %dot_general3A_778 {dimension_numbers = #tpu.dot_dimension_numbers<[1], [1], [0], [0], [0, 0, 1, 0], [], []>, transpose_lhs_hint = false} : vector<128x32xf32>, vector<512x32xf32>, vector<128x512xf32> -> vector<128x512xf32>
    %add3A_780 = vector.broadcast %broadcast_in_dim3A_696 : vector<128x1xf32> to vector<128x512xf32>
    %add3A_781 = arith.addf %add3A_780, %dot_general3A_779 : vector<128x512xf32>
    %reduce_min3A_782 = arith.constant dense<0x7F800000> : vector<512xf32>
    %reduce_min3A_783 = vector.multi_reduction <minimumf>, %add3A_781, %reduce_min3A_782 [0] : vector<128x512xf32> to vector<512xf32>
    %broadcast_in_dim3A_784 = vector.shape_cast %reduce_min3A_783 : vector<512xf32> to vector<1x512xf32>
    %iota3A_785 = tpu.iota {dimensions = array<i32: 0>} : vector<128x512xi32>
    %convert_element_type3A_786 = arith.sitofp %iota3A_785 : vector<128x512xi32> to vector<128x512xf32>
    %eq3A_787 = vector.broadcast %broadcast_in_dim3A_784 : vector<1x512xf32> to vector<128x512xf32>
    %eq3A_788 = arith.cmpf oeq, %add3A_781, %eq3A_787 : vector<128x512xf32>
    %jit3A_789 = arith.constant 1.280000e+02 : f32
    %broadcast_in_dim3A_790 = vector.broadcast %jit3A_789 : f32 to vector<128x512xf32>
    %select_n3A_791 = arith.select %eq3A_788, %convert_element_type3A_786, %broadcast_in_dim3A_790 : vector<128x512xi1>, vector<128x512xf32>
    %reduce_min3A_792 = arith.constant dense<0x7F800000> : vector<512xf32>
    %reduce_min3A_793 = vector.multi_reduction <minimumf>, %select_n3A_791, %reduce_min3A_792 [0] : vector<128x512xf32> to vector<512xf32>
    %broadcast_in_dim3A_794 = vector.shape_cast %reduce_min3A_793 : vector<512xf32> to vector<1x512xf32>
    %add3A_795 = arith.constant 7.680000e+02 : f32
    %add3A_796 = vector.broadcast %add3A_795 : f32 to vector<1x512xf32>
    %add3A_797 = arith.addf %broadcast_in_dim3A_794, %add3A_796 : vector<1x512xf32>
    %lt3A_798 = arith.cmpf olt, %broadcast_in_dim3A_784, %select_n3A_685 : vector<1x512xf32>
    %select_n3A_799 = arith.select %lt3A_798, %broadcast_in_dim3A_784, %select_n3A_685 : vector<1x512xi1>, vector<1x512xf32>
    %select_n3A_800 = arith.select %lt3A_798, %add3A_797, %select_n3A_686 : vector<1x512xi1>, vector<1x512xf32>
    %get3A_801 = arith.constant 896 : index
    %get3A_802 = arith.constant 0 : index
    %get3A_803 = vector.load %arg2[%get3A_801, %get3A_802] : memref<1024x32xf32, #tpu.memory_space<vmem>>, vector<128x32xf32>
    %mul3A_804 = arith.constant -2.000000e+00 : f32
    %mul3A_805 = vector.broadcast %mul3A_804 : f32 to vector<128x32xf32>
    %mul3A_806 = arith.mulf %get3A_803, %mul3A_805 : vector<128x32xf32>
    %mul3A_807 = arith.mulf %get3A_803, %get3A_803 : vector<128x32xf32>
    %reduce_sum3A_808 = arith.constant dense<0.000000e+00> : vector<128xf32>
    %reduce_sum3A_809 = vector.multi_reduction <add>, %mul3A_807, %reduce_sum3A_808 [1] : vector<128x32xf32> to vector<128xf32>
    %broadcast_in_dim3A_810 = vector.shape_cast %reduce_sum3A_809 : vector<128xf32> to vector<128x1xf32>
    %get3A_811 = arith.constant 0 : index
    %get3A_812 = arith.constant 0 : index
    %get3A_813 = vector.load %arg1[%get3A_811, %get3A_812] : memref<2048x32xf32, #tpu.memory_space<vmem>>, vector<512x32xf32>
    %dot_general3A_814 = arith.constant dense<0.000000e+00> : vector<128x512xf32>
    %dot_general3A_815 = tpu.matmul %mul3A_806, %get3A_813, %dot_general3A_814 {dimension_numbers = #tpu.dot_dimension_numbers<[1], [1], [0], [0], [0, 0, 1, 0], [], []>, transpose_lhs_hint = false} : vector<128x32xf32>, vector<512x32xf32>, vector<128x512xf32> -> vector<128x512xf32>
    %add3A_816 = vector.broadcast %broadcast_in_dim3A_810 : vector<128x1xf32> to vector<128x512xf32>
    %add3A_817 = arith.addf %add3A_816, %dot_general3A_815 : vector<128x512xf32>
    %reduce_min3A_818 = arith.constant dense<0x7F800000> : vector<512xf32>
    %reduce_min3A_819 = vector.multi_reduction <minimumf>, %add3A_817, %reduce_min3A_818 [0] : vector<128x512xf32> to vector<512xf32>
    %broadcast_in_dim3A_820 = vector.shape_cast %reduce_min3A_819 : vector<512xf32> to vector<1x512xf32>
    %iota3A_821 = tpu.iota {dimensions = array<i32: 0>} : vector<128x512xi32>
    %convert_element_type3A_822 = arith.sitofp %iota3A_821 : vector<128x512xi32> to vector<128x512xf32>
    %eq3A_823 = vector.broadcast %broadcast_in_dim3A_820 : vector<1x512xf32> to vector<128x512xf32>
    %eq3A_824 = arith.cmpf oeq, %add3A_817, %eq3A_823 : vector<128x512xf32>
    %jit3A_825 = arith.constant 1.280000e+02 : f32
    %broadcast_in_dim3A_826 = vector.broadcast %jit3A_825 : f32 to vector<128x512xf32>
    %select_n3A_827 = arith.select %eq3A_824, %convert_element_type3A_822, %broadcast_in_dim3A_826 : vector<128x512xi1>, vector<128x512xf32>
    %reduce_min3A_828 = arith.constant dense<0x7F800000> : vector<512xf32>
    %reduce_min3A_829 = vector.multi_reduction <minimumf>, %select_n3A_827, %reduce_min3A_828 [0] : vector<128x512xf32> to vector<512xf32>
    %broadcast_in_dim3A_830 = vector.shape_cast %reduce_min3A_829 : vector<512xf32> to vector<1x512xf32>
    %add3A_831 = arith.constant 8.960000e+02 : f32
    %add3A_832 = vector.broadcast %add3A_831 : f32 to vector<1x512xf32>
    %add3A_833 = arith.addf %broadcast_in_dim3A_830, %add3A_832 : vector<1x512xf32>
    %lt3A_834 = arith.cmpf olt, %broadcast_in_dim3A_820, %select_n3A_721 : vector<1x512xf32>
    %select_n3A_835 = arith.select %lt3A_834, %add3A_833, %select_n3A_722 : vector<1x512xi1>, vector<1x512xf32>
    %get3A_836 = arith.constant 512 : index
    %get3A_837 = arith.constant 0 : index
    %get3A_838 = vector.load %arg1[%get3A_836, %get3A_837] : memref<2048x32xf32, #tpu.memory_space<vmem>>, vector<512x32xf32>
    %dot_general3A_839 = arith.constant dense<0.000000e+00> : vector<128x512xf32>
    %dot_general3A_840 = tpu.matmul %mul3A_806, %get3A_838, %dot_general3A_839 {dimension_numbers = #tpu.dot_dimension_numbers<[1], [1], [0], [0], [0, 0, 1, 0], [], []>, transpose_lhs_hint = false} : vector<128x32xf32>, vector<512x32xf32>, vector<128x512xf32> -> vector<128x512xf32>
    %add3A_841 = vector.broadcast %broadcast_in_dim3A_810 : vector<128x1xf32> to vector<128x512xf32>
    %add3A_842 = arith.addf %add3A_841, %dot_general3A_840 : vector<128x512xf32>
    %reduce_min3A_843 = arith.constant dense<0x7F800000> : vector<512xf32>
    %reduce_min3A_844 = vector.multi_reduction <minimumf>, %add3A_842, %reduce_min3A_843 [0] : vector<128x512xf32> to vector<512xf32>
    %broadcast_in_dim3A_845 = vector.shape_cast %reduce_min3A_844 : vector<512xf32> to vector<1x512xf32>
    %iota3A_846 = tpu.iota {dimensions = array<i32: 0>} : vector<128x512xi32>
    %convert_element_type3A_847 = arith.sitofp %iota3A_846 : vector<128x512xi32> to vector<128x512xf32>
    %eq3A_848 = vector.broadcast %broadcast_in_dim3A_845 : vector<1x512xf32> to vector<128x512xf32>
    %eq3A_849 = arith.cmpf oeq, %add3A_842, %eq3A_848 : vector<128x512xf32>
    %jit3A_850 = arith.constant 1.280000e+02 : f32
    %broadcast_in_dim3A_851 = vector.broadcast %jit3A_850 : f32 to vector<128x512xf32>
    %select_n3A_852 = arith.select %eq3A_849, %convert_element_type3A_847, %broadcast_in_dim3A_851 : vector<128x512xi1>, vector<128x512xf32>
    %reduce_min3A_853 = arith.constant dense<0x7F800000> : vector<512xf32>
    %reduce_min3A_854 = vector.multi_reduction <minimumf>, %select_n3A_852, %reduce_min3A_853 [0] : vector<128x512xf32> to vector<512xf32>
    %broadcast_in_dim3A_855 = vector.shape_cast %reduce_min3A_854 : vector<512xf32> to vector<1x512xf32>
    %add3A_856 = arith.constant 8.960000e+02 : f32
    %add3A_857 = vector.broadcast %add3A_856 : f32 to vector<1x512xf32>
    %add3A_858 = arith.addf %broadcast_in_dim3A_855, %add3A_857 : vector<1x512xf32>
    %lt3A_859 = arith.cmpf olt, %broadcast_in_dim3A_845, %select_n3A_747 : vector<1x512xf32>
    %select_n3A_860 = arith.select %lt3A_859, %add3A_858, %select_n3A_748 : vector<1x512xi1>, vector<1x512xf32>
    %get3A_861 = arith.constant 1024 : index
    %get3A_862 = arith.constant 0 : index
    %get3A_863 = vector.load %arg1[%get3A_861, %get3A_862] : memref<2048x32xf32, #tpu.memory_space<vmem>>, vector<512x32xf32>
    %dot_general3A_864 = arith.constant dense<0.000000e+00> : vector<128x512xf32>
    %dot_general3A_865 = tpu.matmul %mul3A_806, %get3A_863, %dot_general3A_864 {dimension_numbers = #tpu.dot_dimension_numbers<[1], [1], [0], [0], [0, 0, 1, 0], [], []>, transpose_lhs_hint = false} : vector<128x32xf32>, vector<512x32xf32>, vector<128x512xf32> -> vector<128x512xf32>
    %add3A_866 = vector.broadcast %broadcast_in_dim3A_810 : vector<128x1xf32> to vector<128x512xf32>
    %add3A_867 = arith.addf %add3A_866, %dot_general3A_865 : vector<128x512xf32>
    %reduce_min3A_868 = arith.constant dense<0x7F800000> : vector<512xf32>
    %reduce_min3A_869 = vector.multi_reduction <minimumf>, %add3A_867, %reduce_min3A_868 [0] : vector<128x512xf32> to vector<512xf32>
    %broadcast_in_dim3A_870 = vector.shape_cast %reduce_min3A_869 : vector<512xf32> to vector<1x512xf32>
    %iota3A_871 = tpu.iota {dimensions = array<i32: 0>} : vector<128x512xi32>
    %convert_element_type3A_872 = arith.sitofp %iota3A_871 : vector<128x512xi32> to vector<128x512xf32>
    %eq3A_873 = vector.broadcast %broadcast_in_dim3A_870 : vector<1x512xf32> to vector<128x512xf32>
    %eq3A_874 = arith.cmpf oeq, %add3A_867, %eq3A_873 : vector<128x512xf32>
    %jit3A_875 = arith.constant 1.280000e+02 : f32
    %broadcast_in_dim3A_876 = vector.broadcast %jit3A_875 : f32 to vector<128x512xf32>
    %select_n3A_877 = arith.select %eq3A_874, %convert_element_type3A_872, %broadcast_in_dim3A_876 : vector<128x512xi1>, vector<128x512xf32>
    %reduce_min3A_878 = arith.constant dense<0x7F800000> : vector<512xf32>
    %reduce_min3A_879 = vector.multi_reduction <minimumf>, %select_n3A_877, %reduce_min3A_878 [0] : vector<128x512xf32> to vector<512xf32>
    %broadcast_in_dim3A_880 = vector.shape_cast %reduce_min3A_879 : vector<512xf32> to vector<1x512xf32>
    %add3A_881 = arith.constant 8.960000e+02 : f32
    %add3A_882 = vector.broadcast %add3A_881 : f32 to vector<1x512xf32>
    %add3A_883 = arith.addf %broadcast_in_dim3A_880, %add3A_882 : vector<1x512xf32>
    %lt3A_884 = arith.cmpf olt, %broadcast_in_dim3A_870, %select_n3A_773 : vector<1x512xf32>
    %select_n3A_885 = arith.select %lt3A_884, %add3A_883, %select_n3A_774 : vector<1x512xi1>, vector<1x512xf32>
    %get3A_886 = arith.constant 1536 : index
    %get3A_887 = arith.constant 0 : index
    %get3A_888 = vector.load %arg1[%get3A_886, %get3A_887] : memref<2048x32xf32, #tpu.memory_space<vmem>>, vector<512x32xf32>
    %dot_general3A_889 = arith.constant dense<0.000000e+00> : vector<128x512xf32>
    %dot_general3A_890 = tpu.matmul %mul3A_806, %get3A_888, %dot_general3A_889 {dimension_numbers = #tpu.dot_dimension_numbers<[1], [1], [0], [0], [0, 0, 1, 0], [], []>, transpose_lhs_hint = false} : vector<128x32xf32>, vector<512x32xf32>, vector<128x512xf32> -> vector<128x512xf32>
    %add3A_891 = vector.broadcast %broadcast_in_dim3A_810 : vector<128x1xf32> to vector<128x512xf32>
    %add3A_892 = arith.addf %add3A_891, %dot_general3A_890 : vector<128x512xf32>
    %reduce_min3A_893 = arith.constant dense<0x7F800000> : vector<512xf32>
    %reduce_min3A_894 = vector.multi_reduction <minimumf>, %add3A_892, %reduce_min3A_893 [0] : vector<128x512xf32> to vector<512xf32>
    %broadcast_in_dim3A_895 = vector.shape_cast %reduce_min3A_894 : vector<512xf32> to vector<1x512xf32>
    %iota3A_896 = tpu.iota {dimensions = array<i32: 0>} : vector<128x512xi32>
    %convert_element_type3A_897 = arith.sitofp %iota3A_896 : vector<128x512xi32> to vector<128x512xf32>
    %eq3A_898 = vector.broadcast %broadcast_in_dim3A_895 : vector<1x512xf32> to vector<128x512xf32>
    %eq3A_899 = arith.cmpf oeq, %add3A_892, %eq3A_898 : vector<128x512xf32>
    %jit3A_900 = arith.constant 1.280000e+02 : f32
    %broadcast_in_dim3A_901 = vector.broadcast %jit3A_900 : f32 to vector<128x512xf32>
    %select_n3A_902 = arith.select %eq3A_899, %convert_element_type3A_897, %broadcast_in_dim3A_901 : vector<128x512xi1>, vector<128x512xf32>
    %reduce_min3A_903 = arith.constant dense<0x7F800000> : vector<512xf32>
    %reduce_min3A_904 = vector.multi_reduction <minimumf>, %select_n3A_902, %reduce_min3A_903 [0] : vector<128x512xf32> to vector<512xf32>
    %broadcast_in_dim3A_905 = vector.shape_cast %reduce_min3A_904 : vector<512xf32> to vector<1x512xf32>
    %add3A_906 = arith.constant 8.960000e+02 : f32
    %add3A_907 = vector.broadcast %add3A_906 : f32 to vector<1x512xf32>
    %add3A_908 = arith.addf %broadcast_in_dim3A_905, %add3A_907 : vector<1x512xf32>
    %lt3A_909 = arith.cmpf olt, %broadcast_in_dim3A_895, %select_n3A_799 : vector<1x512xf32>
    %select_n3A_910 = arith.select %lt3A_909, %add3A_908, %select_n3A_800 : vector<1x512xi1>, vector<1x512xf32>
    %reshape3A = vector.shape_cast %select_n3A_835 : vector<1x512xf32> to vector<512xf32>
    %convert_element_type3A_911 = arith.fptosi %reshape3A : vector<512xf32> to vector<512xi32>
    %swap3A = arith.constant 0 : index
    %swap3A_912 = vector.load %arg3[%swap3A] : memref<2048xi32, #tpu.memory_space<vmem>>, vector<512xi32>
    tpu.vector_store %arg3[%swap3A], %convert_element_type3A_911 {strides = array<i32>} : memref<2048xi32, #tpu.memory_space<vmem>>, vector<512xi32>,
    %reshape3A_913 = vector.shape_cast %select_n3A_860 : vector<1x512xf32> to vector<512xf32>
    %convert_element_type3A_914 = arith.fptosi %reshape3A_913 : vector<512xf32> to vector<512xi32>
    %swap3A_915 = arith.constant 512 : index
    %swap3A_916 = vector.load %arg3[%swap3A_915] : memref<2048xi32, #tpu.memory_space<vmem>>, vector<512xi32>
    tpu.vector_store %arg3[%swap3A_915], %convert_element_type3A_914 {strides = array<i32>} : memref<2048xi32, #tpu.memory_space<vmem>>, vector<512xi32>,
    %reshape3A_917 = vector.shape_cast %select_n3A_885 : vector<1x512xf32> to vector<512xf32>
    %convert_element_type3A_918 = arith.fptosi %reshape3A_917 : vector<512xf32> to vector<512xi32>
    %swap3A_919 = arith.constant 1024 : index
    %swap3A_920 = vector.load %arg3[%swap3A_919] : memref<2048xi32, #tpu.memory_space<vmem>>, vector<512xi32>
    tpu.vector_store %arg3[%swap3A_919], %convert_element_type3A_918 {strides = array<i32>} : memref<2048xi32, #tpu.memory_space<vmem>>, vector<512xi32>,
    %reshape3A_921 = vector.shape_cast %select_n3A_910 : vector<1x512xf32> to vector<512xf32>
    %convert_element_type3A_922 = arith.fptosi %reshape3A_921 : vector<512xf32> to vector<512xi32>
    %swap3A_923 = arith.constant 1536 : index
    %swap3A_924 = vector.load %arg3[%swap3A_923] : memref<2048xi32, #tpu.memory_space<vmem>>, vector<512xi32>
    tpu.vector_store %arg3[%swap3A_923], %convert_element_type3A_922 {strides = array<i32>} : memref<2048xi32, #tpu.memory_space<vmem>>, vector<512xi32>,
    return
  }
  func.func @transform_0(%arg0: i32) -> (i32, i32) {
    %add3A = arith.constant 8 : i32
    %add3A_0 = arith.addi %arg0, %add3A : i32
    %c0_i32 = arith.constant 0 : i32
    %c0_i32_1 = arith.constant 0 : i32
    return %add3A_0, %c0_i32 : i32, i32
  }
  func.func @transform_1(%arg0: i32) -> (i32, i32) {
    %c0_i32 = arith.constant 0 : i32
    %c0_i32_0 = arith.constant 0 : i32
    %c0_i32_1 = arith.constant 0 : i32
    return %c0_i32, %c0_i32_0 : i32, i32
  }
  func.func @transform_2(%arg0: i32) -> i32 {
    %c0_i32 = arith.constant 0 : i32
    return %arg0 : i32
  }
}

</mosaic_0001>

<sc_bundles>
// kernel: kernel.10.cloned.1.call-start
scs
__scs_entry_jumppad:
0x0: {  	(pc) =	sbr.rel $0x88, $3  }
0x1: {  	(tag) =	ssettag $0x0;
	lr =	simm.s32 $0x1  }
0x2: {  	[smem:$0x3F9F] =	sst lr;
	_ =	strace $0xD0000000  }
0x3: {  	_ = 	snop  }
0x4: {  	_ = 	snop  }
0x5: {  	_ = 	snop  }
0x6: {  	_ = 	snop  }
0x7: {  	_ = 	snop  }
__scs_overlays_trampoline_lowered:
0x8: {  	[smem:$0x3FAE] =	sst s0  }
0x9: {  	[smem:$0x3FAF] =	sst s1  }
0xa: {  	[smem:$0x3FB0] =	sst s2  }
0xb: {  	[smem:$0x3FB1] =	sst s3  }
0xc: {  	[smem:$0x3FB2] =	sst s4  }
0xd: {  	[smem:$0x3FB3] =	sst s5  }
0xe: {  	[smem:$0x3FB4] =	sst s6  }
0xf: {  	[smem:$0x3FB5] =	sst s7  }
0x10: {  	[smem:$0x3FB6] =	sst s8  }
0x11: {  	[smem:$0x3FB7] =	sst s9;
	s0 =	simm.s32 @!p0 $0x0  }
0x12: {  	s1 =	sld [smem:$0x3F9D];
	s0 =	simm.s32 @p0 $0x1  }
0x13: {  	[smem:$0x3FB8] =	sst s0;
	s0 =	simm.s32 @!p1 $0x0  }
0x14: {  	s2 =	sld [smem:$0x3F9C];
	s0 =	simm.s32 @p1 $0x1  }
0x15: {  	[smem:$0x3FB9] =	sst s0;
	s0 =	simm.s32 @!p2 $0x0  }
0x16: {  	s3 =	sld [smem:$0x3FDB];
	s0 =	simm.s32 @p2 $0x1  }
0x17: {  	s4 =	simm.s32 $0x1BF5;
	[smem:$0x3FBB] =	sst s0  }
0x18: {  	s0 =	sld [smem:$0x3F9E];
	_ =	swait.ge [sflag:s4], $0x0  }
0x19: {  	s7 =	sld [smem:$0x3F9F]  }
0x1a: {  	s8 =	sadd.s32 $0xFFFFE003, lr  }
0x1b: {  	s9 =	sadd.s32 $0xFFFFFEF7, lr;
	s5 =	simm.s32 $0xFFFFFFFF;
	p2 =	slt.u32 s8, $0xFFFFF086  }
0x1c: {  	p1 =	slt.u32 s9, $0xF7A;
	s5 =	simm.s32 @!p2 $0x0  }
0x1d: {  	s5 =	simm.s32 @p1 $0x1;
	p0 =	seq.s32 s7, s2  }
0x1e: {  	s7 =	smul.u32 @!p0 $0xF7A, s2;
	p2 =	seq.s32 @!p0 s5, $0x0  }
0x1f: {  	s9 =	smul.u32 $0xF7A, s1;
	s8 =	simm.s32 @!p0 $0x1BF5;
	p2 =	por !p2, p0  }
0x20: {  	[sflag:s8] =	ssyncset.s32 @!p0 $0xFFFFF086;
	s6 =	sadd.s32 @!p0 s3, s7;
	s7 =	simm.s32 @!p0 $0x108  }
0x21: {  	s3 =	sadd.s32 s3, s9;
	s6 =	sadd.s32 @!p0 $0x88, s6;
	s7 =	simm.s32 @p2 $0x1082  }
0x22: {  	[simem:s7], [sflag:s8] =	dma.local @!p0 [hbm:s6], $0xF7A  }
0x23: {  	s9 =	sor.u32 $0xD0000000, s2;
	s6 =	simm.s32 $0x108;
	_ =	swait.ge @!p0 [sflag:s8], $0x0  }
0x24: {  	s3 =	sadd.s32 $0x88, s3;
	s6 =	simm.s32 @!p1 $0x1082;
	[sflag:s4] =	ssyncset.s32 $0xFFFFF086  }
0x25: {  	[simem:s6], [sflag:s4] =	dma.local [hbm:s3], $0xF7A  }
0x26: {  	[smem:$0x3F9F] =	sst s1;
	(tag) =	ssettag s2;
	_ =	strace s9  }
0x27: {  	s1 =	sld [smem:$0x3FAF]  }
0x28: {  	s2 =	sld [smem:$0x3FB0]  }
0x29: {  	s4 =	sld [smem:$0x3FB2]  }
0x2a: {  	p0 =	seq.s32 s5, $0x0;
	s5 =	sld [smem:$0x3FB3]  }
0x2b: {  	s6 =	sld [smem:$0x3FB4]  }
0x2c: {  	s7 =	sld [smem:$0x3FB5]  }
0x2d: {  	s3 =	simm.s32 $0x108;
	s8 =	sld [smem:$0x3FB6]  }
0x2e: {  	s3 =	simm.s32 @!p0 $0x1082;
	s9 =	sld [smem:$0x3FB7]  }
0x2f: {  	lr =	sadd.s32 s0, s3;
	s0 =	sld [smem:$0x3FAE]  }
0x30: {  	s3 =	sld [smem:$0x3FB1]  }
0x31: {  	[smem:$0x3FBA] =	sst s10  }
0x32: {  	s10 =	sld [smem:$0x3FB8];
	_ =	sdelay $0x3  }
0x33: {  	p0 =	seq.s32 s10, $0x1;
	s10 =	sld [smem:$0x3FBA];
	_ =	sdelay $0x3  }
0x34: {  	[smem:$0x3FBA] =	sst s10  }
0x35: {  	s10 =	sld [smem:$0x3FB9];
	_ =	sdelay $0x3  }
0x36: {  	p1 =	seq.s32 s10, $0x1;
	s10 =	sld [smem:$0x3FBA];
	_ =	sdelay $0x3  }
0x37: {  	[smem:$0x3FBA] =	sst s10  }
0x38: {  	s10 =	sld [smem:$0x3FBB]  }
0x39: {  	_ = 	snop;
	(pc) =	sbr.ind lr, $3  }
0x3a: {  	_ = 	snop  }
0x3b: {  	_ = 	snop  }
0x3c: {  	p2 =	seq.s32 s10, $0x1;
	s10 =	sld [smem:$0x3FBA]  }
0x3d: {  	_ =	shalt  }
0x3e: {  	_ =	shalt  }
0x3f: {  	_ =	shalt  }
0x40: {  	_ =	shalt  }
0x41: {  	_ =	shalt  }
0x42: {  	_ =	shalt  }
0x43: {  	_ =	shalt  }
0x44: {  	_ =	shalt  }
0x45: {  	_ =	shalt  }
0x46: {  	_ =	shalt  }
0x47: {  	_ =	shalt  }
0x48: {  	_ =	shalt  }
0x49: {  	_ =	shalt  }
0x4a: {  	_ =	shalt  }
0x4b: {  	_ =	shalt  }
0x4c: {  	_ =	shalt  }
0x4d: {  	_ =	shalt  }
0x4e: {  	_ =	shalt  }
0x4f: {  	_ =	shalt  }
0x50: {  	_ =	shalt  }
0x51: {  	_ =	shalt  }
0x52: {  	_ =	shalt  }
0x53: {  	_ =	shalt  }
0x54: {  	_ =	shalt  }
0x55: {  	_ =	shalt  }
0x56: {  	_ =	shalt  }
0x57: {  	_ =	shalt  }
0x58: {  	_ =	shalt  }
0x59: {  	_ =	shalt  }
0x5a: {  	_ =	shalt  }
0x5b: {  	_ =	shalt  }
0x5c: {  	_ =	shalt  }
0x5d: {  	_ =	shalt  }
0x5e: {  	_ =	shalt  }
0x5f: {  	_ =	shalt  }
0x60: {  	_ =	shalt  }
0x61: {  	_ =	shalt  }
0x62: {  	_ =	shalt  }
0x63: {  	_ =	shalt  }
0x64: {  	_ =	shalt  }
0x65: {  	_ =	shalt  }
0x66: {  	_ =	shalt  }
0x67: {  	_ =	shalt  }
0x68: {  	_ =	shalt  }
0x69: {  	_ =	shalt  }
0x6a: {  	_ =	shalt  }
0x6b: {  	_ =	shalt  }
0x6c: {  	_ =	shalt  }
0x6d: {  	_ =	shalt  }
0x6e: {  	_ =	shalt  }
0x6f: {  	_ =	shalt  }
0x70: {  	_ =	shalt  }
0x71: {  	_ =	shalt  }
0x72: {  	_ =	shalt  }
0x73: {  	_ =	shalt  }
0x74: {  	_ =	shalt  }
0x75: {  	_ =	shalt  }
0x76: {  	_ =	shalt  }
0x77: {  	_ =	shalt  }
0x78: {  	_ =	shalt  }
0x79: {  	_ =	shalt  }
0x7a: {  	_ =	shalt  }
0x7b: {  	_ =	shalt  }
0x7c: {  	_ =	shalt  }
0x7d: {  	_ =	shalt  }
0x7e: {  	_ =	shalt  }
0x7f: {  	_ =	shalt  }
0x80: {  	_ =	shalt  }
0x81: {  	_ =	shalt  }
0x82: {  	_ =	shalt  }
0x83: {  	_ =	shalt  }
0x84: {  	_ =	shalt  }
0x85: {  	_ =	shalt  }
0x86: {  	_ =	shalt  }
0x87: {  	_ =	shalt  }
.Lfunc_end0:
.L_simem_size_0:
called_computation_lowered:
.L_overlay_start_0:
0x88: {  	s2 =	sld [smem:$0x3FD9]  }
0x89: {  	s3 =	sld [smem:$0x3FFE];
	_ =	sdelay $0x1  }
0x8a: {  	s1 =	srdreg.scid  }
0x8b: {  	s0 =	sand.u32 $0x1, s1  }
0x8c: {  	s17 =	sshll.u32 s0, $0xA;
	s2 =	sadd.s32 s3, s2  }
0x8d: {  	s2 =	sadd.s32 s2, s17  }
0x8e: {  	[smem:$0x3FC6] =	sst s2  }
0x8f: {  	_ = 	snop  }
0x90: {  	(tm) =	ssettm $0x1  }
0x91: {  	s18 =	sld [smem:$0x3FFB];
	_ =	sdelay $0x3  }
0x92: {  	_ =	strace s18  }
0x93: {  	s2 =	sld [smem:$0x3FFC];
	_ =	sdelay $0x3  }
0x94: {  	_ =	strace s2  }
0x95: {  	s2 =	sld [smem:$0x3FFD];
	_ =	sdelay $0x3  }
0x96: {  	_ =	strace s2  }
0x97: {  	_ =	strace $0x8FFFFFFF  }
0x98: {  	s19 =	sld [smem:$0x3FDB];
	_ =	sdelay $0x1  }
0x99: {  	s20 =	simm.s32 $_scs_section_size  }
0x9a: {  	s4 =	simm.s32 $_size__tile_overlayer_lowered;
	s5 =	simm.s32 $_tile_overlayer_lowered  }
0x9b: {  	s6 =	simm.s32 $0x1BFF;
	s21 =	sshll.u32 s5, $0x1;
	s3 =	sadd.s32 s20, s19  }
0x9c: {  	s22 =	simm.s32 $0x0;
	s4 =	sshll.u32 s4, $0x1;
	s5 =	sadd.s32 s21, s3  }
0x9d: {  	[timem:s22], [sflag:s6] =	dma.local [hbm:s5], s4  }
0x9e: {  	_ =	swait.ge [sflag:s6], s4  }
0x9f: {  	s4 =	ssub.s32 $0x0, s4;
	[sflag:s6] =	ssyncset.done $0x0  }
0xa0: {  	[sflag:s6] =	ssyncadd.s32 s4;
	_ =	sdelay $0x1  }
0xa1: {  	s23 =	simm.s32 $0x1B8B  }
0xa2: {  	_ =	swait.ge [sflag:s23], $0x1  }
0xa3: {  	[sflag:s23] =	ssyncset.done $0x0  }
0xa4: {  	[sflag:s23] =	ssyncadd.s32 $0xFFFFFFFF  }
0xa5: {  	s4 =	sld [smem:$0x0]  }
0xa6: {  	s5 =	sand.u32 $0xFFFFFFFE, s1  }
0xa7: {  	p0 =	sne.s32 s1, s5  }
0xa8: {  	s5 =	sshll.u32 @p0 s5, $0xE  }
0xa9: {  	s5 =	sadd.s32 @p0 $0x11B8D, s5;
	s6 =	sshll.u32 @p0 s4, $0x11  }
0xaa: {  	s5 =	sor.u32 @p0 s6, s5  }
0xab: {  	[sflag:s5] =	ssyncadd.remote.s32 @p0 $0x1;
	_ =	sdelay $0x1  }
0xac: {  	s5 =	simm.s32 @p0 $0x1B8D  }
0xad: {  	_ =	swait.eq @p0 [sflag:s5], $0x1  }
0xae: {  	[sflag:s5] =	ssyncadd.s32 @p0 $0xFFFFFFFF  }
0xaf: {  	s6 =	sshll.u32 @!p0 s1, $0xE  }
0xb0: {  	s6 =	sor.u32 @!p0 $0x4000, s6;
	s5 =	simm.s32 @!p0 $0x1B8D  }
0xb1: {  	s4 =	sshll.u32 @!p0 s4, $0x11;
	s6 =	sadd.s32 @!p0 $0x11B8D, s6;
	_ =	swait.eq @!p0 [sflag:s5], $0x1  }
0xb2: {  	s4 =	sor.u32 @!p0 s4, s6;
	[sflag:s5] =	ssyncadd.s32 @!p0 $0xFFFFFFFF  }
0xb3: {  	s25 =	simm.s32 $0x1B8E;
	s24 =	sld [smem:$0x3FFE];
	[sflag:s4] =	ssyncadd.remote.s32 @!p0 $0x1  }
0xb4: {  	s26 =	simm.s32 $execute0_lowered;
	[smem:$0x3FD2] =	sst s25  }
0xb5: {  	s5 =	sshll.u32 s26, $0x1;
	_ =	strace $0x8000004C;
	[dreg:$0x1] =	wrdreg $0xFFFFFFFF  }
0xb6: {  	s28 =	simm.s32 $_size_execute0_lowered;
	s3 =	sadd.s32 s3, s5;
	[dreg:$0x0] =	wrdreg $0x0  }
0xb7: {  	s5 =	sshll.u32 s28, $0x1;
	[dreg:$0x2] =	wrdreg s3  }
0xb8: {  	[dreg:$0x3] =	wrdreg s5  }
0xb9: {  	[dreg:$0x4] =	wrdreg $0xC0  }
0xba: {  	_ =	task [dreg:s22], $0x5FFFF  }
0xbb: {  	[dreg:$0x1] =	wrdreg $0xFFFFFFFF  }
0xbc: {  	[dreg:$0x0] =	wrdreg $0x60  }
0xbd: {  	[dreg:$0x2] =	wrdreg s24  }
0xbe: {  	[dreg:$0x3] =	wrdreg $0x9  }
0xbf: {  	_ =	task.clear_ibuf [dreg:s22], $0x4FFFF;
	_ =	strace $0x9000004C  }
0xc0: {  	s29 =	simm.s32 $0x9;
	_ =	strace $0x8000004E  }
0xc1: {  	_ =	swait.ge [sflag:s29], $0x1  }
0xc2: {  	[sflag:s29] =	ssyncadd.s32 $0xFFFFFFFF  }
0xc3: {  	_ =	strace $0x9000004E  }
0xc4: {  	_ =	sfence  }
0xc5: {  	s30 =	sld [smem:$0x0];
	_ =	sdelay $0x2  }
0xc6: {  	s31 =	sshll.u32 s1, $0xD;
	s1 =	sshrl.u32 s1, $0x2  }
0xc7: {  	s4 =	sand.u32 $0x4000, s31;
	s1 =	sadd.s32 s1, s30  }
0xc8: {  	s0 =	sor.u32 s4, s0;
	s1 =	sshll.u32 s1, $0x11  }
0xc9: {  	s0 =	sor.u32 s1, s0  }
0xca: {  	s0 =	sadd.s32 $0x8F2B, s0  }
0xcb: {  	[sflag:s0] =	ssyncadd.remote.s32 $0x1  }
0xcc: {  	_ =	sfence.sel $0xFFFF  }
0xcd: {  	[dreg:$0x0] =	wrdreg $0xFFFFFFFF;
	(pc) =	sbr.abs _section_cstart, $3  }
0xce: {  	[dreg:$0x1] =	wrdreg $0xFFFFFFFF  }
0xcf: {  	_ =	task.clear_ibuf [dreg:s22], $0x2FFFF;
	_ =	strace $0x9FFFFFFF  }
0xd0: {  	(tm) =	ssettm $0x7FFFFFFF  }
0xd1: {  	_ =	shalt  }
tec
execute0_lowered:
.L_overlay_start_1:
0x0: {  	(tag) =	ssettag $0x1  }
0x1: {  	s1 =	srdreg.scid  }
0x2: {  	s0 =	stileid.u32;
	s6 =	sand.u32 $0x1, s1  }
0x3: {  	s8 =	rddreg [dreg:$0x0];
	s30 =	sshll.u32 s0, $0xA;
	s2 =	sshll.u32 s6, $0x9  }
0x4: {  	s7 =	simm.s32 $0x1;
	s1 =	rddreg [dreg:$0x1];
	s9 =	sor.u32 s2, s30  }
0x5: {  	s5 =	sadd.s32 $0x2000, s8;
	s2 =	simm.s32 $0x0;
	s3 =	sshrl.u32 s9, $0x3  }
0x6: {  	s10 =	ssub.s32 $0x2, s6;
	[smem:$0x7FF] =	sst s2;
	s3 =	sadd.s32 s3, s8  }
0x7: {  	_ =	strace $0x8000004D;
	s4 =	sadd.s32 $0x124000, s3;
	s3 =	simm.s32 $0x2  }
0x8: {  	[tilespmem:s2], [sflag:$0x2] =	stream.linear.gather [hbm4b:s4+s2], $0x200, $0x38;
	[tilespmem:$0x4200] =	vst v63  }
0x9: {  	s6 =	simm.s32 $0x200;
	s11 =	sshrl.u32 s10, $0x1;
	_ =	swait.ge [sflag:s3], $0x200  }
0xa: {  	s9 =	sshll.u32 s9, $0x2;
	s31 =	ssub.s32 s10, s11;
	[sflag:s3] =	ssyncset.done $0x0  }
0xb: {  	s8 =	sadd.s32 s9, s8;
	s9 =	smax.u32 s31, $0x1;
	[sflag:s3] =	ssyncadd.s32 $0xFFFFFE00  }
0xc: {  	[tilespmem:s6], [sflag:$0x1] =	stream.indirect.gather [hbm4b:s5+s6], $0x20, s2, s6, $0xb8;
	[tilespmem:$0x4200] =	vst v63  }
0xd: {  	p0 =	sne.s32 s9, $0x1;
	_ =	swait.ge [sflag:s7], $0x4000  }
.Ltmp0:
0xe: {  	[sflag:s7] =	ssyncset.done $0x0;
	(pc) =	sbr.rel @!p0 .LBB2_2-.Ltmp0, $4  }
0xf: {  	s8 =	sadd.s32 $0x124800, s8;
	[sflag:s7] =	ssyncadd.s32 $0xFFFFC000  }
0x10: {  	[hbm4b:s8+s2] =	stream.linear.scatter [tilespmem:s6], [sflag:$0x2], $0x4000, $0x38;
	[tilespmem:$0x4200] =	vst v63  }
0x11: {  	_ =	swait.ge [sflag:s3], $0x4000  }
0x12: {  	s9 =	sadd.s32 $0xFFFFFFFF, s9;
	[sflag:s3] =	ssyncset.done $0x0  }
.LBB2_1:
0x13: {  	p0 =	sne.s32 s9, $0x1;
	s9 =	sadd.s32 $0xFFFFFFFF, s9;
	[sflag:s3] =	ssyncadd.s32 $0xFFFFC000  }
0x14: {  	[tilespmem:s2], [sflag:$0x2] =	stream.linear.gather [hbm4b:s4+s2], $0x200, $0x38;
	[tilespmem:$0x4200] =	vst v63  }
0x15: {  	_ =	swait.ge [sflag:s3], $0x200  }
0x16: {  	[sflag:s3] =	ssyncset.done $0x0  }
0x17: {  	[sflag:s3] =	ssyncadd.s32 $0xFFFFFE00  }
0x18: {  	[tilespmem:s6], [sflag:$0x1] =	stream.indirect.gather [hbm4b:s5+s6], $0x20, s2, s6, $0xb8;
	[tilespmem:$0x4200] =	vst v63  }
0x19: {  	_ =	swait.ge [sflag:s7], $0x4000  }
.Ltmp1:
0x1a: {  	[sflag:s7] =	ssyncset.done $0x0;
	(pc) =	sbr.rel @p0 .LBB2_1-.Ltmp1, $4  }
0x1b: {  	[sflag:s7] =	ssyncadd.s32 $0xFFFFC000  }
0x1c: {  	[hbm4b:s8+s2] =	stream.linear.scatter [tilespmem:s6], [sflag:$0x2], $0x4000, $0x38;
	[tilespmem:$0x4200] =	vst v63  }
0x1d: {  	_ =	swait.ge [sflag:s3], $0x4000  }
0x1e: {  	[sflag:s3] =	ssyncset.done $0x0  }
.LBB2_2:
0x1f: {  	[sflag:s3] =	ssyncadd.s32 $0xFFFFC000  }
0x20: {  	_ =	sfence.sel $0x180000  }
0x21: {  	[bflag:$0x0] =	sbarrier.arrive $0xFFFF  }
0x22: {  	p0 =	sne.s32 s0, $0x0;
	_ =	strace $0x9000004D  }
0x23: {  	s0 =	sadd.s32 @!p0 $0x100000, s1;
	[bflag:$0x2] =	sbarrier.arrive $0xFFFF  }
0x24: {  	[sflag:s0] =	ssyncadd.tile.s32 @!p0 $0x1;
	_ =	shalt  }
.Lfunc_end2:
_tile_overlayer_lowered:
.L_overlay_start_2:
0x25: {  	(tag) =	ssettag $0x2  }
0x26: {  	s0 =	rddreg [dreg:$0x0];
	s2 =	stileid.u32  }
0x27: {  	s1 =	rddreg [dreg:$0x1];
	p0 =	sne.s32 s2, $0x0  }
0x28: {  	s3 =	rddreg [dreg:$0x2];
	[bflag:$0x3] =	sbarrier.arrive $0xFFFF;
	s2 =	simm.s32 @!p0 $0x1C02  }
0x29: {  	[timem:s3], [sflag:s2] =	dma.local @!p0 [hbm:s0], s1  }
0x2a: {  	s0 =	simm.s32 @!p0 $0x2  }
0x2b: {  	_ =	swait.ge @!p0 [sflag:s0], s1  }
0x2c: {  	s1 =	ssub.s32 @!p0 $0x0, s1;
	[sflag:s0] =	ssyncset.done @!p0 $0x0  }
0x2d: {  	[sflag:s0] =	ssyncadd.s32 @!p0 s1  }
0x2e: {  	[bflag:$0x3] =	sbarrier.arrive $0xFFFF  }
0x2f: {  	_ =	shalt  }

// kernel: kernel.13.cloned.1.call-start
scs
__scs_entry_jumppad:
0x0: {  	(pc) =	sbr.rel $0x88, $3  }
0x1: {  	(tag) =	ssettag $0x0;
	lr =	simm.s32 $0x1  }
0x2: {  	[smem:$0x3F9F] =	sst lr;
	_ =	strace $0xD0000000  }
0x3: {  	_ = 	snop  }
0x4: {  	_ = 	snop  }
0x5: {  	_ = 	snop  }
0x6: {  	_ = 	snop  }
0x7: {  	_ = 	snop  }
__scs_overlays_trampoline_lowered:
0x8: {  	[smem:$0x3FAE] =	sst s0  }
0x9: {  	[smem:$0x3FAF] =	sst s1  }
0xa: {  	[smem:$0x3FB0] =	sst s2  }
0xb: {  	[smem:$0x3FB1] =	sst s3  }
0xc: {  	[smem:$0x3FB2] =	sst s4  }
0xd: {  	[smem:$0x3FB3] =	sst s5  }
0xe: {  	[smem:$0x3FB4] =	sst s6  }
0xf: {  	[smem:$0x3FB5] =	sst s7  }
0x10: {  	[smem:$0x3FB6] =	sst s8  }
0x11: {  	[smem:$0x3FB7] =	sst s9;
	s0 =	simm.s32 @!p0 $0x0  }
0x12: {  	s1 =	sld [smem:$0x3F9D];
	s0 =	simm.s32 @p0 $0x1  }
0x13: {  	[smem:$0x3FB8] =	sst s0;
	s0 =	simm.s32 @!p1 $0x0  }
0x14: {  	s2 =	sld [smem:$0x3F9C];
	s0 =	simm.s32 @p1 $0x1  }
0x15: {  	[smem:$0x3FB9] =	sst s0;
	s0 =	simm.s32 @!p2 $0x0  }
0x16: {  	s3 =	sld [smem:$0x3FDB];
	s0 =	simm.s32 @p2 $0x1  }
0x17: {  	s4 =	simm.s32 $0x1BF5;
	[smem:$0x3FBB] =	sst s0  }
0x18: {  	s0 =	sld [smem:$0x3F9E];
	_ =	swait.ge [sflag:s4], $0x0  }
0x19: {  	s7 =	sld [smem:$0x3F9F]  }
0x1a: {  	s8 =	sadd.s32 $0xFFFFE003, lr  }
0x1b: {  	s9 =	sadd.s32 $0xFFFFFEF7, lr;
	s5 =	simm.s32 $0xFFFFFFFF;
	p2 =	slt.u32 s8, $0xFFFFF086  }
0x1c: {  	p1 =	slt.u32 s9, $0xF7A;
	s5 =	simm.s32 @!p2 $0x0  }
0x1d: {  	s5 =	simm.s32 @p1 $0x1;
	p0 =	seq.s32 s7, s2  }
0x1e: {  	s7 =	smul.u32 @!p0 $0xF7A, s2;
	p2 =	seq.s32 @!p0 s5, $0x0  }
0x1f: {  	s9 =	smul.u32 $0xF7A, s1;
	s8 =	simm.s32 @!p0 $0x1BF5;
	p2 =	por !p2, p0  }
0x20: {  	[sflag:s8] =	ssyncset.s32 @!p0 $0xFFFFF086;
	s6 =	sadd.s32 @!p0 s3, s7;
	s7 =	simm.s32 @!p0 $0x108  }
0x21: {  	s3 =	sadd.s32 s3, s9;
	s6 =	sadd.s32 @!p0 $0x88, s6;
	s7 =	simm.s32 @p2 $0x1082  }
0x22: {  	[simem:s7], [sflag:s8] =	dma.local @!p0 [hbm:s6], $0xF7A  }
0x23: {  	s9 =	sor.u32 $0xD0000000, s2;
	s6 =	simm.s32 $0x108;
	_ =	swait.ge @!p0 [sflag:s8], $0x0  }
0x24: {  	s3 =	sadd.s32 $0x88, s3;
	s6 =	simm.s32 @!p1 $0x1082;
	[sflag:s4] =	ssyncset.s32 $0xFFFFF086  }
0x25: {  	[simem:s6], [sflag:s4] =	dma.local [hbm:s3], $0xF7A  }
0x26: {  	[smem:$0x3F9F] =	sst s1;
	(tag) =	ssettag s2;
	_ =	strace s9  }
0x27: {  	s1 =	sld [smem:$0x3FAF]  }
0x28: {  	s2 =	sld [smem:$0x3FB0]  }
0x29: {  	s4 =	sld [smem:$0x3FB2]  }
0x2a: {  	p0 =	seq.s32 s5, $0x0;
	s5 =	sld [smem:$0x3FB3]  }
0x2b: {  	s6 =	sld [smem:$0x3FB4]  }
0x2c: {  	s7 =	sld [smem:$0x3FB5]  }
0x2d: {  	s3 =	simm.s32 $0x108;
	s8 =	sld [smem:$0x3FB6]  }
0x2e: {  	s3 =	simm.s32 @!p0 $0x1082;
	s9 =	sld [smem:$0x3FB7]  }
0x2f: {  	lr =	sadd.s32 s0, s3;
	s0 =	sld [smem:$0x3FAE]  }
0x30: {  	s3 =	sld [smem:$0x3FB1]  }
0x31: {  	[smem:$0x3FBA] =	sst s10  }
0x32: {  	s10 =	sld [smem:$0x3FB8];
	_ =	sdelay $0x3  }
0x33: {  	p0 =	seq.s32 s10, $0x1;
	s10 =	sld [smem:$0x3FBA];
	_ =	sdelay $0x3  }
0x34: {  	[smem:$0x3FBA] =	sst s10  }
0x35: {  	s10 =	sld [smem:$0x3FB9];
	_ =	sdelay $0x3  }
0x36: {  	p1 =	seq.s32 s10, $0x1;
	s10 =	sld [smem:$0x3FBA];
	_ =	sdelay $0x3  }
0x37: {  	[smem:$0x3FBA] =	sst s10  }
0x38: {  	s10 =	sld [smem:$0x3FBB]  }
0x39: {  	_ = 	snop;
	(pc) =	sbr.ind lr, $3  }
0x3a: {  	_ = 	snop  }
0x3b: {  	_ = 	snop  }
0x3c: {  	p2 =	seq.s32 s10, $0x1;
	s10 =	sld [smem:$0x3FBA]  }
0x3d: {  	_ =	shalt  }
0x3e: {  	_ =	shalt  }
0x3f: {  	_ =	shalt  }
0x40: {  	_ =	shalt  }
0x41: {  	_ =	shalt  }
0x42: {  	_ =	shalt  }
0x43: {  	_ =	shalt  }
0x44: {  	_ =	shalt  }
0x45: {  	_ =	shalt  }
0x46: {  	_ =	shalt  }
0x47: {  	_ =	shalt  }
0x48: {  	_ =	shalt  }
0x49: {  	_ =	shalt  }
0x4a: {  	_ =	shalt  }
0x4b: {  	_ =	shalt  }
0x4c: {  	_ =	shalt  }
0x4d: {  	_ =	shalt  }
0x4e: {  	_ =	shalt  }
0x4f: {  	_ =	shalt  }
0x50: {  	_ =	shalt  }
0x51: {  	_ =	shalt  }
0x52: {  	_ =	shalt  }
0x53: {  	_ =	shalt  }
0x54: {  	_ =	shalt  }
0x55: {  	_ =	shalt  }
0x56: {  	_ =	shalt  }
0x57: {  	_ =	shalt  }
0x58: {  	_ =	shalt  }
0x59: {  	_ =	shalt  }
0x5a: {  	_ =	shalt  }
0x5b: {  	_ =	shalt  }
0x5c: {  	_ =	shalt  }
0x5d: {  	_ =	shalt  }
0x5e: {  	_ =	shalt  }
0x5f: {  	_ =	shalt  }
0x60: {  	_ =	shalt  }
0x61: {  	_ =	shalt  }
0x62: {  	_ =	shalt  }
0x63: {  	_ =	shalt  }
0x64: {  	_ =	shalt  }
0x65: {  	_ =	shalt  }
0x66: {  	_ =	shalt  }
0x67: {  	_ =	shalt  }
0x68: {  	_ =	shalt  }
0x69: {  	_ =	shalt  }
0x6a: {  	_ =	shalt  }
0x6b: {  	_ =	shalt  }
0x6c: {  	_ =	shalt  }
0x6d: {  	_ =	shalt  }
0x6e: {  	_ =	shalt  }
0x6f: {  	_ =	shalt  }
0x70: {  	_ =	shalt  }
0x71: {  	_ =	shalt  }
0x72: {  	_ =	shalt  }
0x73: {  	_ =	shalt  }
0x74: {  	_ =	shalt  }
0x75: {  	_ =	shalt  }
0x76: {  	_ =	shalt  }
0x77: {  	_ =	shalt  }
0x78: {  	_ =	shalt  }
0x79: {  	_ =	shalt  }
0x7a: {  	_ =	shalt  }
0x7b: {  	_ =	shalt  }
0x7c: {  	_ =	shalt  }
0x7d: {  	_ =	shalt  }
0x7e: {  	_ =	shalt  }
0x7f: {  	_ =	shalt  }
0x80: {  	_ =	shalt  }
0x81: {  	_ =	shalt  }
0x82: {  	_ =	shalt  }
0x83: {  	_ =	shalt  }
0x84: {  	_ =	shalt  }
0x85: {  	_ =	shalt  }
0x86: {  	_ =	shalt  }
0x87: {  	_ =	shalt  }
.Lfunc_end0:
.L_simem_size_0:
called_computation.1_lowered:
.L_overlay_start_0:
0x88: {  	s2 =	sld [smem:$0x3FD9]  }
0x89: {  	s3 =	sld [smem:$0x3FFE];
	_ =	sdelay $0x1  }
0x8a: {  	s1 =	srdreg.scid  }
0x8b: {  	s0 =	sand.u32 $0x1, s1  }
0x8c: {  	s15 =	sshll.u32 s0, $0xA;
	s2 =	sadd.s32 s3, s2  }
0x8d: {  	s2 =	sadd.s32 s2, s15  }
0x8e: {  	[smem:$0x3FC6] =	sst s2  }
0x8f: {  	_ = 	snop  }
0x90: {  	s2 =	sld [smem:$0x3FD0];
	_ =	sdelay $0x2  }
0x91: {  	s16 =	simm.s32 $0xD;
	s4 =	simm.s32 $0x10  }
0x92: {  	[smem:s4], [sflag:s16] =	dma.local [hbm:s2], $0x1  }
0x93: {  	_ =	swait.eq [sflag:s16], $0x1  }
0x94: {  	[sflag:s16] =	ssyncset.done $0x0  }
0x95: {  	[sflag:s16] =	ssyncadd.s32 $0xFFFFFFFF  }
0x96: {  	s17 =	sld [smem:$0x10];
	(tm) =	ssettm $0x1  }
0x97: {  	s18 =	sld [smem:$0x3FFB];
	_ =	sdelay $0x3  }
0x98: {  	_ =	strace s18  }
0x99: {  	s2 =	sld [smem:$0x3FFC];
	_ =	sdelay $0x3  }
0x9a: {  	_ =	strace s2  }
0x9b: {  	s2 =	sld [smem:$0x3FFD];
	_ =	sdelay $0x3  }
0x9c: {  	_ =	strace s2  }
0x9d: {  	_ =	strace $0x8FFFFFFF  }
0x9e: {  	s19 =	sld [smem:$0x3FDB];
	_ =	sdelay $0x1  }
0x9f: {  	s20 =	simm.s32 $_scs_section_size  }
0xa0: {  	s5 =	simm.s32 $_size__tile_overlayer_lowered;
	s6 =	simm.s32 $_tile_overlayer_lowered  }
0xa1: {  	s7 =	simm.s32 $0x1BFF;
	s21 =	sshll.u32 s6, $0x1;
	s4 =	sadd.s32 s20, s19  }
0xa2: {  	s22 =	simm.s32 $0x0;
	s5 =	sshll.u32 s5, $0x1;
	s6 =	sadd.s32 s21, s4  }
0xa3: {  	[timem:s22], [sflag:s7] =	dma.local [hbm:s6], s5  }
0xa4: {  	_ =	swait.ge [sflag:s7], s5  }
0xa5: {  	s5 =	ssub.s32 $0x0, s5;
	[sflag:s7] =	ssyncset.done $0x0  }
0xa6: {  	[sflag:s7] =	ssyncadd.s32 s5;
	_ =	sdelay $0x1  }
0xa7: {  	s23 =	simm.s32 $0x1B8B  }
0xa8: {  	_ =	swait.ge [sflag:s23], $0x1  }
0xa9: {  	[sflag:s23] =	ssyncset.done $0x0  }
0xaa: {  	[sflag:s23] =	ssyncadd.s32 $0xFFFFFFFF  }
0xab: {  	s5 =	sld [smem:$0x0]  }
0xac: {  	s6 =	sand.u32 $0xFFFFFFFE, s1  }
0xad: {  	p0 =	sne.s32 s1, s6  }
0xae: {  	s6 =	sshll.u32 @p0 s6, $0xE  }
0xaf: {  	s6 =	sadd.s32 @p0 $0x11B8D, s6;
	s7 =	sshll.u32 @p0 s5, $0x11  }
0xb0: {  	s6 =	sor.u32 @p0 s7, s6  }
0xb1: {  	[sflag:s6] =	ssyncadd.remote.s32 @p0 $0x1;
	_ =	sdelay $0x1  }
0xb2: {  	s6 =	simm.s32 @p0 $0x1B8D  }
0xb3: {  	_ =	swait.eq @p0 [sflag:s6], $0x1  }
0xb4: {  	[sflag:s6] =	ssyncadd.s32 @p0 $0xFFFFFFFF  }
0xb5: {  	s7 =	sshll.u32 @!p0 s1, $0xE  }
0xb6: {  	s7 =	sor.u32 @!p0 $0x4000, s7;
	s6 =	simm.s32 @!p0 $0x1B8D  }
0xb7: {  	s5 =	sshll.u32 @!p0 s5, $0x11;
	s7 =	sadd.s32 @!p0 $0x11B8D, s7;
	_ =	swait.eq @!p0 [sflag:s6], $0x1  }
0xb8: {  	s5 =	sor.u32 @!p0 s5, s7;
	[sflag:s6] =	ssyncadd.s32 @!p0 $0xFFFFFFFF  }
0xb9: {  	s25 =	simm.s32 $0x1B8E;
	s24 =	sld [smem:$0x3FFE];
	[sflag:s5] =	ssyncadd.remote.s32 @!p0 $0x1  }
0xba: {  	s26 =	simm.s32 $execute0_lowered;
	[smem:$0x3FD2] =	sst s25  }
0xbb: {  	s6 =	sshll.u32 s26, $0x1;
	_ =	strace $0x8000004F;
	[dreg:$0x1] =	wrdreg $0xFFFFFFFF  }
0xbc: {  	s28 =	simm.s32 $_size_execute0_lowered;
	s4 =	sadd.s32 s4, s6;
	[dreg:$0x0] =	wrdreg $0x0  }
0xbd: {  	s6 =	sshll.u32 s28, $0x1;
	[dreg:$0x2] =	wrdreg s4  }
0xbe: {  	[dreg:$0x3] =	wrdreg s6  }
0xbf: {  	[dreg:$0x4] =	wrdreg $0xC0  }
0xc0: {  	_ =	task [dreg:s22], $0x5FFFF  }
0xc1: {  	[dreg:$0x1] =	wrdreg $0xFFFFFFFF  }
0xc2: {  	[dreg:$0x0] =	wrdreg $0x60  }
0xc3: {  	[dreg:$0x2] =	wrdreg s24  }
0xc4: {  	[dreg:$0x3] =	wrdreg s17  }
0xc5: {  	[dreg:$0x4] =	wrdreg $0xA  }
0xc6: {  	_ =	task.clear_ibuf [dreg:s22], $0x5FFFF;
	_ =	strace $0x9000004F  }
0xc7: {  	s29 =	simm.s32 $0xA;
	_ =	strace $0x80000051  }
0xc8: {  	_ =	swait.ge [sflag:s29], $0x1  }
0xc9: {  	[sflag:s29] =	ssyncadd.s32 $0xFFFFFFFF  }
0xca: {  	_ =	strace $0x90000051  }
0xcb: {  	_ =	sfence  }
0xcc: {  	s30 =	sld [smem:$0x0];
	_ =	sdelay $0x2  }
0xcd: {  	s31 =	sshll.u32 s1, $0xD;
	s1 =	sshrl.u32 s1, $0x2  }
0xce: {  	s4 =	sand.u32 $0x4000, s31;
	s1 =	sadd.s32 s1, s30  }
0xcf: {  	s0 =	sor.u32 s4, s0;
	s1 =	sshll.u32 s1, $0x11  }
0xd0: {  	s0 =	sor.u32 s1, s0  }
0xd1: {  	s0 =	sadd.s32 $0x8F2B, s0  }
0xd2: {  	[sflag:s0] =	ssyncadd.remote.s32 $0x1  }
0xd3: {  	_ =	sfence.sel $0xFFFF  }
0xd4: {  	[dreg:$0x0] =	wrdreg $0xFFFFFFFF;
	(pc) =	sbr.abs _section_cstart, $3  }
0xd5: {  	[dreg:$0x1] =	wrdreg $0xFFFFFFFF  }
0xd6: {  	_ =	task.clear_ibuf [dreg:s22], $0x2FFFF;
	_ =	strace $0x9FFFFFFF  }
0xd7: {  	(tm) =	ssettm $0x7FFFFFFF  }
tec
execute0_lowered:
.L_overlay_start_1:
0x0: {  	(tag) =	ssettag $0x1  }
0x1: {  	s1 =	srdreg.scid  }
0x2: {  	s0 =	stileid.u32;
	s6 =	sand.u32 $0x1, s1  }
0x3: {  	s5 =	rddreg [dreg:$0x0];
	s30 =	sshll.u32 s0, $0xA;
	s2 =	sshll.u32 s6, $0x9  }
0x4: {  	s8 =	rddreg [dreg:$0x1];
	s9 =	sor.u32 s2, s30  }
0x5: {  	s1 =	rddreg [dreg:$0x2];
	s2 =	simm.s32 $0x0;
	s3 =	sshrl.u32 s9, $0x3  }
0x6: {  	s10 =	ssub.s32 $0x2, s6;
	[smem:$0x7FF] =	sst s2;
	s3 =	sadd.s32 s3, s5  }
0x7: {  	_ =	strace $0x80000050;
	s4 =	sadd.s32 $0x3000, s3;
	s3 =	simm.s32 $0x2  }
0x8: {  	[tilespmem:s2], [sflag:$0x2] =	stream.linear.gather [hbm4b:s4+s2], $0x200, $0x38;
	[tilespmem:$0x4200] =	vst v63  }
0x9: {  	s7 =	simm.s32 $0x1;
	s11 =	sshrl.u32 s10, $0x1;
	_ =	swait.ge [sflag:s3], $0x200  }
0xa: {  	s6 =	simm.s32 $0x200;
	s10 =	ssub.s32 s10, s11;
	[sflag:s3] =	ssyncset.done $0x0  }
0xb: {  	s5 =	sadd.s32 $0x2000, s5;
	s31 =	smax.u32 s10, $0x1;
	[sflag:s3] =	ssyncadd.s32 $0xFFFFFE00  }
0xc: {  	[tilespmem:s6], [sflag:$0x1] =	stream.indirect.gather [hbm4b:s5+s6], $0x20, s2, s6, $0xb8;
	[tilespmem:$0x4200] =	vst v63  }
0xd: {  	p0 =	sne.s32 s31, $0x1;
	_ =	swait.ge [sflag:s7], $0x4000  }
.Ltmp0:
0xe: {  	s9 =	sshll.u32 s9, $0x2;
	[sflag:s7] =	ssyncset.done $0x0;
	(pc) =	sbr.rel @!p0 .LBB2_2-.Ltmp0, $4  }
0xf: {  	s8 =	sadd.s32 s8, s9;
	[sflag:s7] =	ssyncadd.s32 $0xFFFFC000  }
0x10: {  	[hbm4b:s8+s2] =	stream.linear.scatter [tilespmem:s6], [sflag:$0x2], $0x4000, $0x38;
	[tilespmem:$0x4200] =	vst v63  }
0x11: {  	_ =	swait.ge [sflag:s3], $0x4000  }
0x12: {  	s9 =	sadd.s32 $0xFFFFFFFF, s31;
	[sflag:s3] =	ssyncset.done $0x0  }
.LBB2_1:
0x13: {  	p0 =	sne.s32 s9, $0x1;
	s9 =	sadd.s32 $0xFFFFFFFF, s9;
	[sflag:s3] =	ssyncadd.s32 $0xFFFFC000  }
0x14: {  	[tilespmem:s2], [sflag:$0x2] =	stream.linear.gather [hbm4b:s4+s2], $0x200, $0x38;
	[tilespmem:$0x4200] =	vst v63  }
0x15: {  	_ =	swait.ge [sflag:s3], $0x200  }
0x16: {  	[sflag:s3] =	ssyncset.done $0x0  }
0x17: {  	[sflag:s3] =	ssyncadd.s32 $0xFFFFFE00  }
0x18: {  	[tilespmem:s6], [sflag:$0x1] =	stream.indirect.gather [hbm4b:s5+s6], $0x20, s2, s6, $0xb8;
	[tilespmem:$0x4200] =	vst v63  }
0x19: {  	_ =	swait.ge [sflag:s7], $0x4000  }
.Ltmp1:
0x1a: {  	[sflag:s7] =	ssyncset.done $0x0;
	(pc) =	sbr.rel @p0 .LBB2_1-.Ltmp1, $4  }
0x1b: {  	[sflag:s7] =	ssyncadd.s32 $0xFFFFC000  }
0x1c: {  	[hbm4b:s8+s2] =	stream.linear.scatter [tilespmem:s6], [sflag:$0x2], $0x4000, $0x38;
	[tilespmem:$0x4200] =	vst v63  }
0x1d: {  	_ =	swait.ge [sflag:s3], $0x4000  }
0x1e: {  	[sflag:s3] =	ssyncset.done $0x0  }
.LBB2_2:
0x1f: {  	[sflag:s3] =	ssyncadd.s32 $0xFFFFC000  }
0x20: {  	_ =	sfence.sel $0x180000  }
0x21: {  	[bflag:$0x0] =	sbarrier.arrive $0xFFFF  }
0x22: {  	p0 =	sne.s32 s0, $0x0;
	_ =	strace $0x90000050  }
0x23: {  	s0 =	sadd.s32 @!p0 $0x100000, s1;
	[bflag:$0x2] =	sbarrier.arrive $0xFFFF  }
0x24: {  	[sflag:s0] =	ssyncadd.tile.s32 @!p0 $0x1;
	_ =	shalt  }
.Lfunc_end2:
_tile_overlayer_lowered:
.L_overlay_start_2:
0x25: {  	(tag) =	ssettag $0x2  }
0x26: {  	s0 =	rddreg [dreg:$0x0];
	s2 =	stileid.u32  }
0x27: {  	s1 =	rddreg [dreg:$0x1];
	p0 =	sne.s32 s2, $0x0  }
0x28: {  	s3 =	rddreg [dreg:$0x2];
	[bflag:$0x3] =	sbarrier.arrive $0xFFFF;
	s2 =	simm.s32 @!p0 $0x1C02  }
0x29: {  	[timem:s3], [sflag:s2] =	dma.local @!p0 [hbm:s0], s1  }
0x2a: {  	s0 =	simm.s32 @!p0 $0x2  }
0x2b: {  	_ =	swait.ge @!p0 [sflag:s0], s1  }
0x2c: {  	s1 =	ssub.s32 @!p0 $0x0, s1;
	[sflag:s0] =	ssyncset.done @!p0 $0x0  }
0x2d: {  	[sflag:s0] =	ssyncadd.s32 @!p0 s1  }
0x2e: {  	[bflag:$0x3] =	sbarrier.arrive $0xFFFF  }
0x2f: {  	_ =	shalt  }

// kernel: kernel.16.cloned.1.call-start
scs
__scs_entry_jumppad:
0x0: {  	(pc) =	sbr.rel $0x88, $3  }
0x1: {  	(tag) =	ssettag $0x0;
	lr =	simm.s32 $0x1  }
0x2: {  	[smem:$0x3F9F] =	sst lr;
	_ =	strace $0xD0000000  }
0x3: {  	_ = 	snop  }
0x4: {  	_ = 	snop  }
0x5: {  	_ = 	snop  }
0x6: {  	_ = 	snop  }
0x7: {  	_ = 	snop  }
__scs_overlays_trampoline_lowered:
0x8: {  	[smem:$0x3FAE] =	sst s0  }
0x9: {  	[smem:$0x3FAF] =	sst s1  }
0xa: {  	[smem:$0x3FB0] =	sst s2  }
0xb: {  	[smem:$0x3FB1] =	sst s3  }
0xc: {  	[smem:$0x3FB2] =	sst s4  }
0xd: {  	[smem:$0x3FB3] =	sst s5  }
0xe: {  	[smem:$0x3FB4] =	sst s6  }
0xf: {  	[smem:$0x3FB5] =	sst s7  }
0x10: {  	[smem:$0x3FB6] =	sst s8  }
0x11: {  	[smem:$0x3FB7] =	sst s9;
	s0 =	simm.s32 @!p0 $0x0  }
0x12: {  	s1 =	sld [smem:$0x3F9D];
	s0 =	simm.s32 @p0 $0x1  }
0x13: {  	[smem:$0x3FB8] =	sst s0;
	s0 =	simm.s32 @!p1 $0x0  }
0x14: {  	s2 =	sld [smem:$0x3F9C];
	s0 =	simm.s32 @p1 $0x1  }
0x15: {  	[smem:$0x3FB9] =	sst s0;
	s0 =	simm.s32 @!p2 $0x0  }
0x16: {  	s3 =	sld [smem:$0x3FDB];
	s0 =	simm.s32 @p2 $0x1  }
0x17: {  	s4 =	simm.s32 $0x1BF5;
	[smem:$0x3FBB] =	sst s0  }
0x18: {  	s0 =	sld [smem:$0x3F9E];
	_ =	swait.ge [sflag:s4], $0x0  }
0x19: {  	s7 =	sld [smem:$0x3F9F]  }
0x1a: {  	s8 =	sadd.s32 $0xFFFFE003, lr  }
0x1b: {  	s9 =	sadd.s32 $0xFFFFFEF7, lr;
	s5 =	simm.s32 $0xFFFFFFFF;
	p2 =	slt.u32 s8, $0xFFFFF086  }
0x1c: {  	p1 =	slt.u32 s9, $0xF7A;
	s5 =	simm.s32 @!p2 $0x0  }
0x1d: {  	s5 =	simm.s32 @p1 $0x1;
	p0 =	seq.s32 s7, s2  }
0x1e: {  	s7 =	smul.u32 @!p0 $0xF7A, s2;
	p2 =	seq.s32 @!p0 s5, $0x0  }
0x1f: {  	s9 =	smul.u32 $0xF7A, s1;
	s8 =	simm.s32 @!p0 $0x1BF5;
	p2 =	por !p2, p0  }
0x20: {  	[sflag:s8] =	ssyncset.s32 @!p0 $0xFFFFF086;
	s6 =	sadd.s32 @!p0 s3, s7;
	s7 =	simm.s32 @!p0 $0x108  }
0x21: {  	s3 =	sadd.s32 s3, s9;
	s6 =	sadd.s32 @!p0 $0x88, s6;
	s7 =	simm.s32 @p2 $0x1082  }
0x22: {  	[simem:s7], [sflag:s8] =	dma.local @!p0 [hbm:s6], $0xF7A  }
0x23: {  	s9 =	sor.u32 $0xD0000000, s2;
	s6 =	simm.s32 $0x108;
	_ =	swait.ge @!p0 [sflag:s8], $0x0  }
0x24: {  	s3 =	sadd.s32 $0x88, s3;
	s6 =	simm.s32 @!p1 $0x1082;
	[sflag:s4] =	ssyncset.s32 $0xFFFFF086  }
0x25: {  	[simem:s6], [sflag:s4] =	dma.local [hbm:s3], $0xF7A  }
0x26: {  	[smem:$0x3F9F] =	sst s1;
	(tag) =	ssettag s2;
	_ =	strace s9  }
0x27: {  	s1 =	sld [smem:$0x3FAF]  }
0x28: {  	s2 =	sld [smem:$0x3FB0]  }
0x29: {  	s4 =	sld [smem:$0x3FB2]  }
0x2a: {  	p0 =	seq.s32 s5, $0x0;
	s5 =	sld [smem:$0x3FB3]  }
0x2b: {  	s6 =	sld [smem:$0x3FB4]  }
0x2c: {  	s7 =	sld [smem:$0x3FB5]  }
0x2d: {  	s3 =	simm.s32 $0x108;
	s8 =	sld [smem:$0x3FB6]  }
0x2e: {  	s3 =	simm.s32 @!p0 $0x1082;
	s9 =	sld [smem:$0x3FB7]  }
0x2f: {  	lr =	sadd.s32 s0, s3;
	s0 =	sld [smem:$0x3FAE]  }
0x30: {  	s3 =	sld [smem:$0x3FB1]  }
0x31: {  	[smem:$0x3FBA] =	sst s10  }
0x32: {  	s10 =	sld [smem:$0x3FB8];
	_ =	sdelay $0x3  }
0x33: {  	p0 =	seq.s32 s10, $0x1;
	s10 =	sld [smem:$0x3FBA];
	_ =	sdelay $0x3  }
0x34: {  	[smem:$0x3FBA] =	sst s10  }
0x35: {  	s10 =	sld [smem:$0x3FB9];
	_ =	sdelay $0x3  }
0x36: {  	p1 =	seq.s32 s10, $0x1;
	s10 =	sld [smem:$0x3FBA];
	_ =	sdelay $0x3  }
0x37: {  	[smem:$0x3FBA] =	sst s10  }
0x38: {  	s10 =	sld [smem:$0x3FBB]  }
0x39: {  	_ = 	snop;
	(pc) =	sbr.ind lr, $3  }
0x3a: {  	_ = 	snop  }
0x3b: {  	_ = 	snop  }
0x3c: {  	p2 =	seq.s32 s10, $0x1;
	s10 =	sld [smem:$0x3FBA]  }
0x3d: {  	_ =	shalt  }
0x3e: {  	_ =	shalt  }
0x3f: {  	_ =	shalt  }
0x40: {  	_ =	shalt  }
0x41: {  	_ =	shalt  }
0x42: {  	_ =	shalt  }
0x43: {  	_ =	shalt  }
0x44: {  	_ =	shalt  }
0x45: {  	_ =	shalt  }
0x46: {  	_ =	shalt  }
0x47: {  	_ =	shalt  }
0x48: {  	_ =	shalt  }
0x49: {  	_ =	shalt  }
0x4a: {  	_ =	shalt  }
0x4b: {  	_ =	shalt  }
0x4c: {  	_ =	shalt  }
0x4d: {  	_ =	shalt  }
0x4e: {  	_ =	shalt  }
0x4f: {  	_ =	shalt  }
0x50: {  	_ =	shalt  }
0x51: {  	_ =	shalt  }
0x52: {  	_ =	shalt  }
0x53: {  	_ =	shalt  }
0x54: {  	_ =	shalt  }
0x55: {  	_ =	shalt  }
0x56: {  	_ =	shalt  }
0x57: {  	_ =	shalt  }
0x58: {  	_ =	shalt  }
0x59: {  	_ =	shalt  }
0x5a: {  	_ =	shalt  }
0x5b: {  	_ =	shalt  }
0x5c: {  	_ =	shalt  }
0x5d: {  	_ =	shalt  }
0x5e: {  	_ =	shalt  }
0x5f: {  	_ =	shalt  }
0x60: {  	_ =	shalt  }
0x61: {  	_ =	shalt  }
0x62: {  	_ =	shalt  }
0x63: {  	_ =	shalt  }
0x64: {  	_ =	shalt  }
0x65: {  	_ =	shalt  }
0x66: {  	_ =	shalt  }
0x67: {  	_ =	shalt  }
0x68: {  	_ =	shalt  }
0x69: {  	_ =	shalt  }
0x6a: {  	_ =	shalt  }
0x6b: {  	_ =	shalt  }
0x6c: {  	_ =	shalt  }
0x6d: {  	_ =	shalt  }
0x6e: {  	_ =	shalt  }
0x6f: {  	_ =	shalt  }
0x70: {  	_ =	shalt  }
0x71: {  	_ =	shalt  }
0x72: {  	_ =	shalt  }
0x73: {  	_ =	shalt  }
0x74: {  	_ =	shalt  }
0x75: {  	_ =	shalt  }
0x76: {  	_ =	shalt  }
0x77: {  	_ =	shalt  }
0x78: {  	_ =	shalt  }
0x79: {  	_ =	shalt  }
0x7a: {  	_ =	shalt  }
0x7b: {  	_ =	shalt  }
0x7c: {  	_ =	shalt  }
0x7d: {  	_ =	shalt  }
0x7e: {  	_ =	shalt  }
0x7f: {  	_ =	shalt  }
0x80: {  	_ =	shalt  }
0x81: {  	_ =	shalt  }
0x82: {  	_ =	shalt  }
0x83: {  	_ =	shalt  }
0x84: {  	_ =	shalt  }
0x85: {  	_ =	shalt  }
0x86: {  	_ =	shalt  }
0x87: {  	_ =	shalt  }
.Lfunc_end0:
.L_simem_size_0:
called_computation.2_lowered:
.L_overlay_start_0:
0x88: {  	s2 =	sld [smem:$0x3FD9]  }
0x89: {  	s3 =	sld [smem:$0x3FFE];
	_ =	sdelay $0x1  }
0x8a: {  	s1 =	srdreg.scid  }
0x8b: {  	s0 =	sand.u32 $0x1, s1  }
0x8c: {  	s17 =	sshll.u32 s0, $0xA;
	s2 =	sadd.s32 s3, s2  }
0x8d: {  	s2 =	sadd.s32 s2, s17  }
0x8e: {  	[smem:$0x3FC6] =	sst s2  }
0x8f: {  	_ = 	snop  }
0x90: {  	(tm) =	ssettm $0x1  }
0x91: {  	s18 =	sld [smem:$0x3FFB];
	_ =	sdelay $0x3  }
0x92: {  	_ =	strace s18  }
0x93: {  	s2 =	sld [smem:$0x3FFC];
	_ =	sdelay $0x3  }
0x94: {  	_ =	strace s2  }
0x95: {  	s2 =	sld [smem:$0x3FFD];
	_ =	sdelay $0x3  }
0x96: {  	_ =	strace s2  }
0x97: {  	_ =	strace $0x8FFFFFFF  }
0x98: {  	s19 =	sld [smem:$0x3FDB];
	_ =	sdelay $0x1  }
0x99: {  	s20 =	simm.s32 $_scs_section_size  }
0x9a: {  	s4 =	simm.s32 $_size__tile_overlayer_lowered;
	s5 =	simm.s32 $_tile_overlayer_lowered  }
0x9b: {  	s6 =	simm.s32 $0x1BFF;
	s21 =	sshll.u32 s5, $0x1;
	s3 =	sadd.s32 s20, s19  }
0x9c: {  	s22 =	simm.s32 $0x0;
	s4 =	sshll.u32 s4, $0x1;
	s5 =	sadd.s32 s21, s3  }
0x9d: {  	[timem:s22], [sflag:s6] =	dma.local [hbm:s5], s4  }
0x9e: {  	_ =	swait.ge [sflag:s6], s4  }
0x9f: {  	s4 =	ssub.s32 $0x0, s4;
	[sflag:s6] =	ssyncset.done $0x0  }
0xa0: {  	[sflag:s6] =	ssyncadd.s32 s4;
	_ =	sdelay $0x1  }
0xa1: {  	s23 =	simm.s32 $0x1B8B  }
0xa2: {  	_ =	swait.ge [sflag:s23], $0x1  }
0xa3: {  	[sflag:s23] =	ssyncset.done $0x0  }
0xa4: {  	[sflag:s23] =	ssyncadd.s32 $0xFFFFFFFF  }
0xa5: {  	s4 =	sld [smem:$0x0]  }
0xa6: {  	s5 =	sand.u32 $0xFFFFFFFE, s1  }
0xa7: {  	p0 =	sne.s32 s1, s5  }
0xa8: {  	s5 =	sshll.u32 @p0 s5, $0xE  }
0xa9: {  	s5 =	sadd.s32 @p0 $0x11B8D, s5;
	s6 =	sshll.u32 @p0 s4, $0x11  }
0xaa: {  	s5 =	sor.u32 @p0 s6, s5  }
0xab: {  	[sflag:s5] =	ssyncadd.remote.s32 @p0 $0x1;
	_ =	sdelay $0x1  }
0xac: {  	s5 =	simm.s32 @p0 $0x1B8D  }
0xad: {  	_ =	swait.eq @p0 [sflag:s5], $0x1  }
0xae: {  	[sflag:s5] =	ssyncadd.s32 @p0 $0xFFFFFFFF  }
0xaf: {  	s6 =	sshll.u32 @!p0 s1, $0xE  }
0xb0: {  	s6 =	sor.u32 @!p0 $0x4000, s6;
	s5 =	simm.s32 @!p0 $0x1B8D  }
0xb1: {  	s4 =	sshll.u32 @!p0 s4, $0x11;
	s6 =	sadd.s32 @!p0 $0x11B8D, s6;
	_ =	swait.eq @!p0 [sflag:s5], $0x1  }
0xb2: {  	s4 =	sor.u32 @!p0 s4, s6;
	[sflag:s5] =	ssyncadd.s32 @!p0 $0xFFFFFFFF  }
0xb3: {  	s25 =	simm.s32 $0x1B8E;
	s24 =	sld [smem:$0x3FFE];
	[sflag:s4] =	ssyncadd.remote.s32 @!p0 $0x1  }
0xb4: {  	s26 =	simm.s32 $execute0_lowered;
	[smem:$0x3FD2] =	sst s25  }
0xb5: {  	s5 =	sshll.u32 s26, $0x1;
	_ =	strace $0x80000049;
	[dreg:$0x1] =	wrdreg $0xFFFFFFFF  }
0xb6: {  	s28 =	simm.s32 $_size_execute0_lowered;
	s3 =	sadd.s32 s3, s5;
	[dreg:$0x0] =	wrdreg $0x0  }
0xb7: {  	s5 =	sshll.u32 s28, $0x1;
	[dreg:$0x2] =	wrdreg s3  }
0xb8: {  	[dreg:$0x3] =	wrdreg s5  }
0xb9: {  	[dreg:$0x4] =	wrdreg $0xC0  }
0xba: {  	_ =	task [dreg:s22], $0x5FFFF  }
0xbb: {  	[dreg:$0x1] =	wrdreg $0xFFFFFFFF  }
0xbc: {  	[dreg:$0x0] =	wrdreg $0x60  }
0xbd: {  	[dreg:$0x2] =	wrdreg s24  }
0xbe: {  	[dreg:$0x3] =	wrdreg $0xB  }
0xbf: {  	_ =	task.clear_ibuf [dreg:s22], $0x4FFFF;
	_ =	strace $0x90000049  }
0xc0: {  	s29 =	simm.s32 $0xB;
	_ =	strace $0x8000004B  }
0xc1: {  	_ =	swait.ge [sflag:s29], $0x1  }
0xc2: {  	[sflag:s29] =	ssyncadd.s32 $0xFFFFFFFF  }
0xc3: {  	_ =	strace $0x9000004B  }
0xc4: {  	_ =	sfence  }
0xc5: {  	s30 =	sld [smem:$0x0];
	_ =	sdelay $0x2  }
0xc6: {  	s31 =	sshll.u32 s1, $0xD;
	s1 =	sshrl.u32 s1, $0x2  }
0xc7: {  	s4 =	sand.u32 $0x4000, s31;
	s1 =	sadd.s32 s1, s30  }
0xc8: {  	s0 =	sor.u32 s4, s0;
	s1 =	sshll.u32 s1, $0x11  }
0xc9: {  	s0 =	sor.u32 s1, s0  }
0xca: {  	s0 =	sadd.s32 $0x8F2B, s0  }
0xcb: {  	[sflag:s0] =	ssyncadd.remote.s32 $0x1  }
0xcc: {  	_ =	sfence.sel $0xFFFF  }
0xcd: {  	[dreg:$0x0] =	wrdreg $0xFFFFFFFF;
	(pc) =	sbr.abs _section_cstart, $3  }
0xce: {  	[dreg:$0x1] =	wrdreg $0xFFFFFFFF  }
0xcf: {  	_ =	task.clear_ibuf [dreg:s22], $0x2FFFF;
	_ =	strace $0x9FFFFFFF  }
0xd0: {  	(tm) =	ssettm $0x7FFFFFFF  }
0xd1: {  	_ =	shalt  }
tec
execute0_lowered:
.L_overlay_start_1:
0x0: {  	(tag) =	ssettag $0x1  }
0x1: {  	s1 =	srdreg.scid  }
0x2: {  	s0 =	stileid.u32;
	s6 =	sand.u32 $0x1, s1  }
0x3: {  	s8 =	rddreg [dreg:$0x0];
	s30 =	sshll.u32 s0, $0xA;
	s2 =	sshll.u32 s6, $0x9  }
0x4: {  	s7 =	simm.s32 $0x1;
	s1 =	rddreg [dreg:$0x1];
	s9 =	sor.u32 s2, s30  }
0x5: {  	s5 =	sadd.s32 $0x2000, s8;
	s2 =	simm.s32 $0x0;
	s3 =	sshrl.u32 s9, $0x3  }
0x6: {  	s10 =	ssub.s32 $0x2, s6;
	[smem:$0x7FF] =	sst s2;
	s3 =	sadd.s32 s3, s8  }
0x7: {  	_ =	strace $0x8000004A;
	s4 =	sadd.s32 $0x113800, s3;
	s3 =	simm.s32 $0x2  }
0x8: {  	[tilespmem:s2], [sflag:$0x2] =	stream.linear.gather [hbm4b:s4+s2], $0x200, $0x38;
	[tilespmem:$0x4200] =	vst v63  }
0x9: {  	s6 =	simm.s32 $0x200;
	s11 =	sshrl.u32 s10, $0x1;
	_ =	swait.ge [sflag:s3], $0x200  }
0xa: {  	s9 =	sshll.u32 s9, $0x2;
	s31 =	ssub.s32 s10, s11;
	[sflag:s3] =	ssyncset.done $0x0  }
0xb: {  	s8 =	sadd.s32 s9, s8;
	s9 =	smax.u32 s31, $0x1;
	[sflag:s3] =	ssyncadd.s32 $0xFFFFFE00  }
0xc: {  	[tilespmem:s6], [sflag:$0x1] =	stream.indirect.gather [hbm4b:s5+s6], $0x20, s2, s6, $0xb8;
	[tilespmem:$0x4200] =	vst v63  }
0xd: {  	p0 =	sne.s32 s9, $0x1;
	_ =	swait.ge [sflag:s7], $0x4000  }
.Ltmp0:
0xe: {  	[sflag:s7] =	ssyncset.done $0x0;
	(pc) =	sbr.rel @!p0 .LBB2_2-.Ltmp0, $4  }
0xf: {  	s8 =	sadd.s32 $0x114000, s8;
	[sflag:s7] =	ssyncadd.s32 $0xFFFFC000  }
0x10: {  	[hbm4b:s8+s2] =	stream.linear.scatter [tilespmem:s6], [sflag:$0x2], $0x4000, $0x38;
	[tilespmem:$0x4200] =	vst v63  }
0x11: {  	_ =	swait.ge [sflag:s3], $0x4000  }
0x12: {  	s9 =	sadd.s32 $0xFFFFFFFF, s9;
	[sflag:s3] =	ssyncset.done $0x0  }
.LBB2_1:
0x13: {  	p0 =	sne.s32 s9, $0x1;
	s9 =	sadd.s32 $0xFFFFFFFF, s9;
	[sflag:s3] =	ssyncadd.s32 $0xFFFFC000  }
0x14: {  	[tilespmem:s2], [sflag:$0x2] =	stream.linear.gather [hbm4b:s4+s2], $0x200, $0x38;
	[tilespmem:$0x4200] =	vst v63  }
0x15: {  	_ =	swait.ge [sflag:s3], $0x200  }
0x16: {  	[sflag:s3] =	ssyncset.done $0x0  }
0x17: {  	[sflag:s3] =	ssyncadd.s32 $0xFFFFFE00  }
0x18: {  	[tilespmem:s6], [sflag:$0x1] =	stream.indirect.gather [hbm4b:s5+s6], $0x20, s2, s6, $0xb8;
	[tilespmem:$0x4200] =	vst v63  }
0x19: {  	_ =	swait.ge [sflag:s7], $0x4000  }
.Ltmp1:
0x1a: {  	[sflag:s7] =	ssyncset.done $0x0;
	(pc) =	sbr.rel @p0 .LBB2_1-.Ltmp1, $4  }
0x1b: {  	[sflag:s7] =	ssyncadd.s32 $0xFFFFC000  }
0x1c: {  	[hbm4b:s8+s2] =	stream.linear.scatter [tilespmem:s6], [sflag:$0x2], $0x4000, $0x38;
	[tilespmem:$0x4200] =	vst v63  }
0x1d: {  	_ =	swait.ge [sflag:s3], $0x4000  }
0x1e: {  	[sflag:s3] =	ssyncset.done $0x0  }
.LBB2_2:
0x1f: {  	[sflag:s3] =	ssyncadd.s32 $0xFFFFC000  }
0x20: {  	_ =	sfence.sel $0x180000  }
0x21: {  	[bflag:$0x0] =	sbarrier.arrive $0xFFFF  }
0x22: {  	p0 =	sne.s32 s0, $0x0;
	_ =	strace $0x9000004A  }
0x23: {  	s0 =	sadd.s32 @!p0 $0x100000, s1;
	[bflag:$0x2] =	sbarrier.arrive $0xFFFF  }
0x24: {  	[sflag:s0] =	ssyncadd.tile.s32 @!p0 $0x1;
	_ =	shalt  }
.Lfunc_end2:
_tile_overlayer_lowered:
.L_overlay_start_2:
0x25: {  	(tag) =	ssettag $0x2  }
0x26: {  	s0 =	rddreg [dreg:$0x0];
	s2 =	stileid.u32  }
0x27: {  	s1 =	rddreg [dreg:$0x1];
	p0 =	sne.s32 s2, $0x0  }
0x28: {  	s3 =	rddreg [dreg:$0x2];
	[bflag:$0x3] =	sbarrier.arrive $0xFFFF;
	s2 =	simm.s32 @!p0 $0x1C02  }
0x29: {  	[timem:s3], [sflag:s2] =	dma.local @!p0 [hbm:s0], s1  }
0x2a: {  	s0 =	simm.s32 @!p0 $0x2  }
0x2b: {  	_ =	swait.ge @!p0 [sflag:s0], s1  }
0x2c: {  	s1 =	ssub.s32 @!p0 $0x0, s1;
	[sflag:s0] =	ssyncset.done @!p0 $0x0  }
0x2d: {  	[sflag:s0] =	ssyncadd.s32 @!p0 s1  }
0x2e: {  	[bflag:$0x3] =	sbarrier.arrive $0xFFFF  }
0x2f: {  	_ =	shalt  }

// kernel: kernel.19.cloned.1.call-start
scs
__scs_entry_jumppad:
0x0: {  	(pc) =	sbr.rel $0x88, $3  }
0x1: {  	(tag) =	ssettag $0x0;
	lr =	simm.s32 $0x1  }
0x2: {  	[smem:$0x3F9F] =	sst lr;
	_ =	strace $0xD0000000  }
0x3: {  	_ = 	snop  }
0x4: {  	_ = 	snop  }
0x5: {  	_ = 	snop  }
0x6: {  	_ = 	snop  }
0x7: {  	_ = 	snop  }
__scs_overlays_trampoline_lowered:
0x8: {  	[smem:$0x3FAE] =	sst s0  }
0x9: {  	[smem:$0x3FAF] =	sst s1  }
0xa: {  	[smem:$0x3FB0] =	sst s2  }
0xb: {  	[smem:$0x3FB1] =	sst s3  }
0xc: {  	[smem:$0x3FB2] =	sst s4  }
0xd: {  	[smem:$0x3FB3] =	sst s5  }
0xe: {  	[smem:$0x3FB4] =	sst s6  }
0xf: {  	[smem:$0x3FB5] =	sst s7  }
0x10: {  	[smem:$0x3FB6] =	sst s8  }
0x11: {  	[smem:$0x3FB7] =	sst s9;
	s0 =	simm.s32 @!p0 $0x0  }
0x12: {  	s1 =	sld [smem:$0x3F9D];
	s0 =	simm.s32 @p0 $0x1  }
0x13: {  	[smem:$0x3FB8] =	sst s0;
	s0 =	simm.s32 @!p1 $0x0  }
0x14: {  	s2 =	sld [smem:$0x3F9C];
	s0 =	simm.s32 @p1 $0x1  }
0x15: {  	[smem:$0x3FB9] =	sst s0;
	s0 =	simm.s32 @!p2 $0x0  }
0x16: {  	s3 =	sld [smem:$0x3FDB];
	s0 =	simm.s32 @p2 $0x1  }
0x17: {  	s4 =	simm.s32 $0x1BF5;
	[smem:$0x3FBB] =	sst s0  }
0x18: {  	s0 =	sld [smem:$0x3F9E];
	_ =	swait.ge [sflag:s4], $0x0  }
0x19: {  	s7 =	sld [smem:$0x3F9F]  }
0x1a: {  	s8 =	sadd.s32 $0xFFFFE003, lr  }
0x1b: {  	s9 =	sadd.s32 $0xFFFFFEF7, lr;
	s5 =	simm.s32 $0xFFFFFFFF;
	p2 =	slt.u32 s8, $0xFFFFF086  }
0x1c: {  	p1 =	slt.u32 s9, $0xF7A;
	s5 =	simm.s32 @!p2 $0x0  }
0x1d: {  	s5 =	simm.s32 @p1 $0x1;
	p0 =	seq.s32 s7, s2  }
0x1e: {  	s7 =	smul.u32 @!p0 $0xF7A, s2;
	p2 =	seq.s32 @!p0 s5, $0x0  }
0x1f: {  	s9 =	smul.u32 $0xF7A, s1;
	s8 =	simm.s32 @!p0 $0x1BF5;
	p2 =	por !p2, p0  }
0x20: {  	[sflag:s8] =	ssyncset.s32 @!p0 $0xFFFFF086;
	s6 =	sadd.s32 @!p0 s3, s7;
	s7 =	simm.s32 @!p0 $0x108  }
0x21: {  	s3 =	sadd.s32 s3, s9;
	s6 =	sadd.s32 @!p0 $0x88, s6;
	s7 =	simm.s32 @p2 $0x1082  }
0x22: {  	[simem:s7], [sflag:s8] =	dma.local @!p0 [hbm:s6], $0xF7A  }
0x23: {  	s9 =	sor.u32 $0xD0000000, s2;
	s6 =	simm.s32 $0x108;
	_ =	swait.ge @!p0 [sflag:s8], $0x0  }
0x24: {  	s3 =	sadd.s32 $0x88, s3;
	s6 =	simm.s32 @!p1 $0x1082;
	[sflag:s4] =	ssyncset.s32 $0xFFFFF086  }
0x25: {  	[simem:s6], [sflag:s4] =	dma.local [hbm:s3], $0xF7A  }
0x26: {  	[smem:$0x3F9F] =	sst s1;
	(tag) =	ssettag s2;
	_ =	strace s9  }
0x27: {  	s1 =	sld [smem:$0x3FAF]  }
0x28: {  	s2 =	sld [smem:$0x3FB0]  }
0x29: {  	s4 =	sld [smem:$0x3FB2]  }
0x2a: {  	p0 =	seq.s32 s5, $0x0;
	s5 =	sld [smem:$0x3FB3]  }
0x2b: {  	s6 =	sld [smem:$0x3FB4]  }
0x2c: {  	s7 =	sld [smem:$0x3FB5]  }
0x2d: {  	s3 =	simm.s32 $0x108;
	s8 =	sld [smem:$0x3FB6]  }
0x2e: {  	s3 =	simm.s32 @!p0 $0x1082;
	s9 =	sld [smem:$0x3FB7]  }
0x2f: {  	lr =	sadd.s32 s0, s3;
	s0 =	sld [smem:$0x3FAE]  }
0x30: {  	s3 =	sld [smem:$0x3FB1]  }
0x31: {  	[smem:$0x3FBA] =	sst s10  }
0x32: {  	s10 =	sld [smem:$0x3FB8];
	_ =	sdelay $0x3  }
0x33: {  	p0 =	seq.s32 s10, $0x1;
	s10 =	sld [smem:$0x3FBA];
	_ =	sdelay $0x3  }
0x34: {  	[smem:$0x3FBA] =	sst s10  }
0x35: {  	s10 =	sld [smem:$0x3FB9];
	_ =	sdelay $0x3  }
0x36: {  	p1 =	seq.s32 s10, $0x1;
	s10 =	sld [smem:$0x3FBA];
	_ =	sdelay $0x3  }
0x37: {  	[smem:$0x3FBA] =	sst s10  }
0x38: {  	s10 =	sld [smem:$0x3FBB]  }
0x39: {  	_ = 	snop;
	(pc) =	sbr.ind lr, $3  }
0x3a: {  	_ = 	snop  }
0x3b: {  	_ = 	snop  }
0x3c: {  	p2 =	seq.s32 s10, $0x1;
	s10 =	sld [smem:$0x3FBA]  }
0x3d: {  	_ =	shalt  }
0x3e: {  	_ =	shalt  }
0x3f: {  	_ =	shalt  }
0x40: {  	_ =	shalt  }
0x41: {  	_ =	shalt  }
0x42: {  	_ =	shalt  }
0x43: {  	_ =	shalt  }
0x44: {  	_ =	shalt  }
0x45: {  	_ =	shalt  }
0x46: {  	_ =	shalt  }
0x47: {  	_ =	shalt  }
0x48: {  	_ =	shalt  }
0x49: {  	_ =	shalt  }
0x4a: {  	_ =	shalt  }
0x4b: {  	_ =	shalt  }
0x4c: {  	_ =	shalt  }
0x4d: {  	_ =	shalt  }
0x4e: {  	_ =	shalt  }
0x4f: {  	_ =	shalt  }
0x50: {  	_ =	shalt  }
0x51: {  	_ =	shalt  }
0x52: {  	_ =	shalt  }
0x53: {  	_ =	shalt  }
0x54: {  	_ =	shalt  }
0x55: {  	_ =	shalt  }
0x56: {  	_ =	shalt  }
0x57: {  	_ =	shalt  }
0x58: {  	_ =	shalt  }
0x59: {  	_ =	shalt  }
0x5a: {  	_ =	shalt  }
0x5b: {  	_ =	shalt  }
0x5c: {  	_ =	shalt  }
0x5d: {  	_ =	shalt  }
0x5e: {  	_ =	shalt  }
0x5f: {  	_ =	shalt  }
0x60: {  	_ =	shalt  }
0x61: {  	_ =	shalt  }
0x62: {  	_ =	shalt  }
0x63: {  	_ =	shalt  }
0x64: {  	_ =	shalt  }
0x65: {  	_ =	shalt  }
0x66: {  	_ =	shalt  }
0x67: {  	_ =	shalt  }
0x68: {  	_ =	shalt  }
0x69: {  	_ =	shalt  }
0x6a: {  	_ =	shalt  }
0x6b: {  	_ =	shalt  }
0x6c: {  	_ =	shalt  }
0x6d: {  	_ =	shalt  }
0x6e: {  	_ =	shalt  }
0x6f: {  	_ =	shalt  }
0x70: {  	_ =	shalt  }
0x71: {  	_ =	shalt  }
0x72: {  	_ =	shalt  }
0x73: {  	_ =	shalt  }
0x74: {  	_ =	shalt  }
0x75: {  	_ =	shalt  }
0x76: {  	_ =	shalt  }
0x77: {  	_ =	shalt  }
0x78: {  	_ =	shalt  }
0x79: {  	_ =	shalt  }
0x7a: {  	_ =	shalt  }
0x7b: {  	_ =	shalt  }
0x7c: {  	_ =	shalt  }
0x7d: {  	_ =	shalt  }
0x7e: {  	_ =	shalt  }
0x7f: {  	_ =	shalt  }
0x80: {  	_ =	shalt  }
0x81: {  	_ =	shalt  }
0x82: {  	_ =	shalt  }
0x83: {  	_ =	shalt  }
0x84: {  	_ =	shalt  }
0x85: {  	_ =	shalt  }
0x86: {  	_ =	shalt  }
0x87: {  	_ =	shalt  }
.Lfunc_end0:
.L_simem_size_0:
called_computation.3_lowered:
.L_overlay_start_0:
0x88: {  	s2 =	sld [smem:$0x3FD9]  }
0x89: {  	s3 =	sld [smem:$0x3FFE];
	_ =	sdelay $0x1  }
0x8a: {  	s1 =	srdreg.scid  }
0x8b: {  	s0 =	sand.u32 $0x1, s1  }
0x8c: {  	s16 =	sshll.u32 s0, $0xA;
	s2 =	sadd.s32 s3, s2  }
0x8d: {  	s2 =	sadd.s32 s2, s16  }
0x8e: {  	[smem:$0x3FC6] =	sst s2  }
0x8f: {  	_ = 	snop  }
0x90: {  	(tm) =	ssettm $0x1  }
0x91: {  	s17 =	sld [smem:$0x3FFB];
	_ =	sdelay $0x3  }
0x92: {  	_ =	strace s17  }
0x93: {  	s2 =	sld [smem:$0x3FFC];
	_ =	sdelay $0x3  }
0x94: {  	_ =	strace s2  }
0x95: {  	s2 =	sld [smem:$0x3FFD];
	_ =	sdelay $0x3  }
0x96: {  	_ =	strace s2  }
0x97: {  	_ =	strace $0x8FFFFFFF  }
0x98: {  	s18 =	sld [smem:$0x3FDB];
	_ =	sdelay $0x1  }
0x99: {  	s19 =	simm.s32 $_scs_section_size  }
0x9a: {  	s4 =	simm.s32 $_size__tile_overlayer_lowered;
	s5 =	simm.s32 $_tile_overlayer_lowered  }
0x9b: {  	s22 =	simm.s32 $0x1BFF;
	s21 =	sshll.u32 s5, $0x1;
	s2 =	sadd.s32 s19, s18  }
0x9c: {  	s6 =	simm.s32 $0x0;
	s20 =	sshll.u32 s4, $0x1;
	s4 =	sadd.s32 s21, s2  }
0x9d: {  	[timem:s6], [sflag:s22] =	dma.local [hbm:s4], s20  }
0x9e: {  	_ =	swait.ge [sflag:s22], s20  }
0x9f: {  	s3 =	ssub.s32 $0x0, s20;
	[sflag:s22] =	ssyncset.done $0x0  }
0xa0: {  	[sflag:s22] =	ssyncadd.s32 s3;
	_ =	sdelay $0x1  }
0xa1: {  	s23 =	simm.s32 $0x1B8B  }
0xa2: {  	_ =	swait.ge [sflag:s23], $0x1  }
0xa3: {  	[sflag:s23] =	ssyncset.done $0x0  }
0xa4: {  	s25 =	simm.s32 $0x1B8E;
	s24 =	sld [smem:$0x3FFE];
	[sflag:s23] =	ssyncadd.s32 $0xFFFFFFFF  }
0xa5: {  	s26 =	simm.s32 $execute0_lowered;
	[smem:$0x3FD2] =	sst s25  }
0xa6: {  	s4 =	sshll.u32 s26, $0x1;
	_ =	strace $0x80000046;
	[dreg:$0x1] =	wrdreg $0xFFFFFFFF  }
0xa7: {  	s28 =	simm.s32 $_size_execute0_lowered;
	s2 =	sadd.s32 s2, s4;
	[dreg:$0x0] =	wrdreg $0x0  }
0xa8: {  	s4 =	sshll.u32 s28, $0x1;
	[dreg:$0x2] =	wrdreg s2  }
0xa9: {  	[dreg:$0x3] =	wrdreg s4  }
0xaa: {  	[dreg:$0x4] =	wrdreg $0xC0  }
0xab: {  	_ =	task [dreg:s6], $0x5FFFF  }
0xac: {  	[dreg:$0x1] =	wrdreg $0xFFFFFFFF  }
0xad: {  	[dreg:$0x0] =	wrdreg $0x60  }
0xae: {  	[dreg:$0x2] =	wrdreg s24  }
0xaf: {  	[dreg:$0x3] =	wrdreg $0xC  }
0xb0: {  	_ =	task.clear_ibuf [dreg:s6], $0x4FFFF;
	_ =	strace $0x90000046  }
0xb1: {  	s29 =	simm.s32 $0xC;
	_ =	strace $0x80000048  }
0xb2: {  	_ =	swait.ge [sflag:s29], $0x1  }
0xb3: {  	[sflag:s29] =	ssyncadd.s32 $0xFFFFFFFF  }
0xb4: {  	_ =	strace $0x90000048  }
0xb5: {  	_ =	sfence  }
0xb6: {  	s30 =	sld [smem:$0x0];
	_ =	sdelay $0x2  }
0xb7: {  	s31 =	sshll.u32 s1, $0xD;
	s1 =	sshrl.u32 s1, $0x2  }
0xb8: {  	s3 =	sand.u32 $0x4000, s31;
	s1 =	sadd.s32 s1, s30  }
0xb9: {  	s0 =	sor.u32 s3, s0;
	s1 =	sshll.u32 s1, $0x11  }
0xba: {  	s0 =	sor.u32 s1, s0  }
0xbb: {  	s0 =	sadd.s32 $0x8F2B, s0  }
0xbc: {  	[sflag:s0] =	ssyncadd.remote.s32 $0x1  }
0xbd: {  	_ =	sfence.sel $0xFFFF  }
0xbe: {  	[dreg:$0x0] =	wrdreg $0xFFFFFFFF;
	(pc) =	sbr.abs _section_cstart, $3  }
0xbf: {  	[dreg:$0x1] =	wrdreg $0xFFFFFFFF  }
0xc0: {  	_ =	task.clear_ibuf [dreg:s6], $0x2FFFF;
	_ =	strace $0x9FFFFFFF  }
0xc1: {  	(tm) =	ssettm $0x7FFFFFFF  }
tec
execute0_lowered:
.L_overlay_start_1:
0x0: {  	(tag) =	ssettag $0x1  }
0x1: {  	s1 =	srdreg.scid  }
0x2: {  	s0 =	stileid.u32;
	s6 =	sand.u32 $0x1, s1  }
0x3: {  	s8 =	rddreg [dreg:$0x0];
	s30 =	sshll.u32 s0, $0xA;
	s2 =	sshll.u32 s6, $0x9  }
0x4: {  	s7 =	simm.s32 $0x1;
	s1 =	rddreg [dreg:$0x1];
	s9 =	sor.u32 s2, s30  }
0x5: {  	s5 =	sadd.s32 $0x2000, s8;
	s2 =	simm.s32 $0x0;
	s3 =	sshrl.u32 s9, $0x3  }
0x6: {  	s10 =	ssub.s32 $0x2, s6;
	[smem:$0x7FF] =	sst s2;
	s3 =	sadd.s32 s3, s8  }
0x7: {  	_ =	strace $0x80000047;
	s4 =	sadd.s32 $0x103000, s3;
	s3 =	simm.s32 $0x2  }
0x8: {  	[tilespmem:s2], [sflag:$0x2] =	stream.linear.gather [hbm4b:s4+s2], $0x200, $0x38;
	[tilespmem:$0x4200] =	vst v63  }
0x9: {  	s6 =	simm.s32 $0x200;
	s11 =	sshrl.u32 s10, $0x1;
	_ =	swait.ge [sflag:s3], $0x200  }
0xa: {  	s9 =	sshll.u32 s9, $0x2;
	s31 =	ssub.s32 s10, s11;
	[sflag:s3] =	ssyncset.done $0x0  }
0xb: {  	s8 =	sadd.s32 s9, s8;
	s9 =	smax.u32 s31, $0x1;
	[sflag:s3] =	ssyncadd.s32 $0xFFFFFE00  }
0xc: {  	[tilespmem:s6], [sflag:$0x1] =	stream.indirect.gather [hbm4b:s5+s6], $0x20, s2, s6, $0xb8;
	[tilespmem:$0x4200] =	vst v63  }
0xd: {  	p0 =	sne.s32 s9, $0x1;
	_ =	swait.ge [sflag:s7], $0x4000  }
.Ltmp0:
0xe: {  	[sflag:s7] =	ssyncset.done $0x0;
	(pc) =	sbr.rel @!p0 .LBB2_2-.Ltmp0, $4  }
0xf: {  	s8 =	sadd.s32 $0x103800, s8;
	[sflag:s7] =	ssyncadd.s32 $0xFFFFC000  }
0x10: {  	[hbm4b:s8+s2] =	stream.linear.scatter [tilespmem:s6], [sflag:$0x2], $0x4000, $0x38;
	[tilespmem:$0x4200] =	vst v63  }
0x11: {  	_ =	swait.ge [sflag:s3], $0x4000  }
0x12: {  	s9 =	sadd.s32 $0xFFFFFFFF, s9;
	[sflag:s3] =	ssyncset.done $0x0  }
.LBB2_1:
0x13: {  	p0 =	sne.s32 s9, $0x1;
	s9 =	sadd.s32 $0xFFFFFFFF, s9;
	[sflag:s3] =	ssyncadd.s32 $0xFFFFC000  }
0x14: {  	[tilespmem:s2], [sflag:$0x2] =	stream.linear.gather [hbm4b:s4+s2], $0x200, $0x38;
	[tilespmem:$0x4200] =	vst v63  }
0x15: {  	_ =	swait.ge [sflag:s3], $0x200  }
0x16: {  	[sflag:s3] =	ssyncset.done $0x0  }
0x17: {  	[sflag:s3] =	ssyncadd.s32 $0xFFFFFE00  }
0x18: {  	[tilespmem:s6], [sflag:$0x1] =	stream.indirect.gather [hbm4b:s5+s6], $0x20, s2, s6, $0xb8;
	[tilespmem:$0x4200] =	vst v63  }
0x19: {  	_ =	swait.ge [sflag:s7], $0x4000  }
.Ltmp1:
0x1a: {  	[sflag:s7] =	ssyncset.done $0x0;
	(pc) =	sbr.rel @p0 .LBB2_1-.Ltmp1, $4  }
0x1b: {  	[sflag:s7] =	ssyncadd.s32 $0xFFFFC000  }
0x1c: {  	[hbm4b:s8+s2] =	stream.linear.scatter [tilespmem:s6], [sflag:$0x2], $0x4000, $0x38;
	[tilespmem:$0x4200] =	vst v63  }
0x1d: {  	_ =	swait.ge [sflag:s3], $0x4000  }
0x1e: {  	[sflag:s3] =	ssyncset.done $0x0  }
.LBB2_2:
0x1f: {  	[sflag:s3] =	ssyncadd.s32 $0xFFFFC000  }
0x20: {  	_ =	sfence.sel $0x180000  }
0x21: {  	[bflag:$0x0] =	sbarrier.arrive $0xFFFF  }
0x22: {  	p0 =	sne.s32 s0, $0x0;
	_ =	strace $0x90000047  }
0x23: {  	s0 =	sadd.s32 @!p0 $0x100000, s1;
	[bflag:$0x2] =	sbarrier.arrive $0xFFFF  }
0x24: {  	[sflag:s0] =	ssyncadd.tile.s32 @!p0 $0x1;
	_ =	shalt  }
.Lfunc_end2:
_tile_overlayer_lowered:
.L_overlay_start_2:
0x25: {  	(tag) =	ssettag $0x2  }
0x26: {  	s0 =	rddreg [dreg:$0x0];
	s2 =	stileid.u32  }
0x27: {  	s1 =	rddreg [dreg:$0x1];
	p0 =	sne.s32 s2, $0x0  }
0x28: {  	s3 =	rddreg [dreg:$0x2];
	[bflag:$0x3] =	sbarrier.arrive $0xFFFF;
	s2 =	simm.s32 @!p0 $0x1C02  }
0x29: {  	[timem:s3], [sflag:s2] =	dma.local @!p0 [hbm:s0], s1  }
0x2a: {  	s0 =	simm.s32 @!p0 $0x2  }
0x2b: {  	_ =	swait.ge @!p0 [sflag:s0], s1  }
0x2c: {  	s1 =	ssub.s32 @!p0 $0x0, s1;
	[sflag:s0] =	ssyncset.done @!p0 $0x0  }
0x2d: {  	[sflag:s0] =	ssyncadd.s32 @!p0 s1  }
0x2e: {  	[bflag:$0x3] =	sbarrier.arrive $0xFFFF  }
0x2f: {  	_ =	shalt  }

</sc_bundles>
